<compile_context>
chip_gen: v7x
topology: tpu7x:2x2x1
jax: 0.10.2.dev20260603
libtpu: 0.0.44.dev20260713+nightly
codegen_flags: <defaults>
</compile_context>

<pallas_src>
import functools

import jax
import jax.numpy as jnp
from jax import lax
from jax.experimental import pallas as pl
from jax.experimental.pallas import tpu as pltpu
from jax.experimental.pallas import tpu_sc as plsc

NC = 2
NS = 16
NW = NC * NS
CHUNK = 80




def _sc_mesh():
    return plsc.VectorSubcoreMesh(core_axis_name="c", subcore_axis_name="s",
                                  num_cores=NC, num_subcores=NS)


def _make_deg_kernel(A, n_chunks):

    @functools.partial(
        pl.kernel,
        out_type=jax.ShapeDtypeStruct((NC, A), jnp.float32),
        mesh=_sc_mesh(),
        scratch_types=[
            pltpu.VMEM((n_chunks, 2, CHUNK), jnp.int32),
            pltpu.VMEM((CHUNK,), jnp.float32),
            pltpu.VMEM((A // NS,), jnp.float32),
            pltpu.VMEM_SHARED((A,), jnp.float32),
            pltpu.SemaphoreType.DMA,
            pltpu.SemaphoreType.DMA,
        ],
    )
    def deg_kernel(idx_hbm, out_hbm, didx, ones, vbuf, dacc, sem0, sem1):
        c = lax.axis_index("c")
        s = lax.axis_index("s")
        w = c * NS + s
        per_tile = A // NS
        zeros16 = jnp.zeros((16,), jnp.float32)
        ones16 = jnp.ones((16,), jnp.float32)
        sems = (sem0, sem1)

        pltpu.sync_copy(idx_hbm.at[w], didx)
        n_tail = n_chunks % 2

        def zb(i, _):
            vbuf[pl.ds(i * 16, 16)] = zeros16
            return 0

        lax.fori_loop(0, per_tile // 16, zb, 0)
        for j in range(CHUNK // 16):
            ones[pl.ds(j * 16, 16)] = ones16
        pltpu.sync_copy(vbuf, dacc.at[pl.ds(s * per_tile, per_tile)])
        plsc.subcore_barrier()

        def pair(p, _):
            for b in range(2):
                i = 2 * p + b
                o = 1 - b
                pltpu.async_copy(ones, dacc.at[didx.at[i, 1]], sems[b],
                                 add=True)

                @pl.when(i > 0)
                def _():
                    pltpu.make_async_copy(
                        ones, dacc.at[didx.at[i - 1, 1]], sems[o]).wait()
            return 0

        lax.fori_loop(0, n_chunks // 2, pair, 0)
        if n_tail:
            i = n_chunks - 1
            pltpu.async_copy(ones, dacc.at[didx.at[i, 1]], sems[i % 2],
                             add=True)
            pltpu.make_async_copy(
                ones, dacc.at[didx.at[i - 1, 1]], sems[(i - 1) % 2]).wait()
        pltpu.make_async_copy(
            ones, dacc.at[didx.at[n_chunks - 1, 1]],
            sems[(n_chunks - 1) % 2]).wait()
        plsc.subcore_barrier()
        pltpu.sync_copy(dacc.at[pl.ds(s * per_tile, per_tile)], vbuf)
        pltpu.sync_copy(vbuf, out_hbm.at[c, pl.ds(s * per_tile, per_tile)])

    return deg_kernel


def _make_scatter_kernel(A, D, n_chunks):
    NBUF = 4

    @functools.partial(
        pl.kernel,
        out_type=jax.ShapeDtypeStruct((NC, A, D), jnp.float32),
        mesh=_sc_mesh(),
        scratch_types=(
            [pltpu.VMEM((2, CHUNK), jnp.int32) for _ in range(NBUF)]
            + [pltpu.VMEM((CHUNK, D), jnp.float32) for _ in range(NBUF)]
            + [pltpu.VMEM_SHARED((A, D), jnp.float32)]
            + [pltpu.SemaphoreType.DMA] * (3 * NBUF)
        ),
    )
    def scatter_kernel(h_hbm, idx_hbm, out_hbm, *bufs):
        idx = bufs[0:NBUF]
        rows = bufs[NBUF:2 * NBUF]
        acc = bufs[2 * NBUF]
        isem = bufs[2 * NBUF + 1:2 * NBUF + 1 + NBUF]
        gsem = bufs[2 * NBUF + 1 + NBUF:2 * NBUF + 1 + 2 * NBUF]
        ssem = bufs[2 * NBUF + 1 + 2 * NBUF:2 * NBUF + 1 + 3 * NBUF]
        c = lax.axis_index("c")
        s = lax.axis_index("s")
        w = c * NS + s
        per_tile = A // NS
        n_out = per_tile // CHUNK
        zeros16 = jnp.zeros((16,), jnp.float32)

        for b in range(NBUF - 1):
            pltpu.async_copy(idx_hbm.at[w, b], idx[b], isem[b])

        def zb(i, _):
            r = i // (D // 16)
            col = (i % (D // 16)) * 16
            rows[3][r, pl.ds(col, 16)] = zeros16
            return 0

        lax.fori_loop(0, CHUNK * (D // 16), zb, 0)
        for k in range(n_out):
            pltpu.async_copy(rows[3],
                             acc.at[pl.ds(s * per_tile + k * CHUNK, CHUNK)],
                             ssem[3])
        for b in range(2):
            pltpu.make_async_copy(idx_hbm.at[w, b], idx[b], isem[b]).wait()
            pltpu.async_copy(h_hbm.at[idx[b].at[0]], rows[b], gsem[b])
        for k in range(n_out):
            pltpu.make_async_copy(
                rows[3], acc.at[pl.ds(s * per_tile + k * CHUNK, CHUNK)],
                ssem[3]).wait()
        plsc.subcore_barrier()

        def body(i, b, skip_swait):
            nb = (b + NBUF - 1) % NBUF
            g2 = (b + 2) % NBUF
            pltpu.make_async_copy(h_hbm.at[idx[b].at[0]], rows[b],
                                  gsem[b]).wait()
            pltpu.async_copy(rows[b], acc.at[idx[b].at[1]], ssem[b],
                             add=True)

            def swait():
                pltpu.make_async_copy(rows[nb], acc.at[idx[nb].at[1]],
                                      ssem[nb]).wait()

            if skip_swait:
                pl.when(i > 0)(swait)
            else:
                swait()
            pc = jnp.minimum(i + 3, n_chunks - 1)
            pltpu.async_copy(idx_hbm.at[w, pc], idx[nb], isem[nb])
            pltpu.make_async_copy(idx_hbm.at[w, 0], idx[g2],
                                  isem[g2]).wait()
            pltpu.async_copy(h_hbm.at[idx[g2].at[0]], rows[g2], gsem[g2])

        def quad(p, _):
            for b in range(NBUF):
                body(NBUF * p + b, b, skip_swait=(b == 0))
            return 0

        nq, n_tail = divmod(n_chunks, NBUF)
        lax.fori_loop(0, nq, quad, 0)
        for t in range(n_tail):
            body(NBUF * nq + t, t, skip_swait=False)
        pltpu.make_async_copy(rows[(n_chunks - 1) % NBUF],
                              acc.at[idx[(n_chunks - 1) % NBUF].at[1]],
                              ssem[(n_chunks - 1) % NBUF]).wait()
        for j in (n_chunks, n_chunks + 1):
            pltpu.make_async_copy(h_hbm.at[idx[j % NBUF].at[0]],
                                  rows[j % NBUF], gsem[j % NBUF]).wait()
        pltpu.make_async_copy(idx_hbm.at[w, 0],
                              idx[(n_chunks + 2) % NBUF],
                              isem[(n_chunks + 2) % NBUF]).wait()
        plsc.subcore_barrier()

        def oslice(k):
            return pl.ds(s * per_tile + k * CHUNK, CHUNK)

        pltpu.async_copy(acc.at[oslice(0)], rows[0], gsem[0])
        for k in range(n_out):
            b = k % 2
            o = 1 - b
            pltpu.make_async_copy(acc.at[oslice(k)], rows[b], gsem[b]).wait()
            pltpu.async_copy(rows[b], out_hbm.at[c, oslice(k)], ssem[b])
            if k + 1 < n_out:
                if k >= 1:
                    pltpu.make_async_copy(rows[o], out_hbm.at[c, oslice(k - 1)],
                                          ssem[o]).wait()
                pltpu.async_copy(acc.at[oslice(k + 1)], rows[o], gsem[o])
        if n_out >= 2:
            pltpu.make_async_copy(rows[(n_out - 2) % 2],
                                  out_hbm.at[c, oslice(n_out - 2)],
                                  ssem[(n_out - 2) % 2]).wait()
        pltpu.make_async_copy(rows[(n_out - 1) % 2],
                              out_hbm.at[c, oslice(n_out - 1)],
                              ssem[(n_out - 1) % 2]).wait()

    return scatter_kernel




def _pre_body(x_ref, w1_ref, d0_ref, d1_ref, hs1_ref, dinv_ref):
    deg = d0_ref[...] + d1_ref[...] + 1.0
    dinv = lax.rsqrt(deg)
    h1 = jnp.dot(x_ref[...], w1_ref[...], preferred_element_type=jnp.float32)
    hs1_ref[...] = h1 * dinv
    dinv_ref[...] = dinv


def _layer_norm(u, g, b):
    m = jnp.mean(u, axis=-1, keepdims=True)
    v = jnp.mean((u - m) ** 2, axis=-1, keepdims=True)
    return (u - m) * lax.rsqrt(v + 1e-5) * g + b


def _mid_body(p0_ref, p1_ref, hs1_ref, x_ref, wsk_ref, bsk_ref, dinv_ref,
              b1_ref, g1_ref, be1_ref, w2_ref, hs2_ref):
    dinv = dinv_ref[...]
    agg = (p0_ref[...] + p1_ref[...] + hs1_ref[...]) * dinv + b1_ref[...]
    h = jax.nn.relu(_layer_norm(agg, g1_ref[...], be1_ref[...]))
    skip = (jnp.dot(x_ref[...], wsk_ref[...],
                    preferred_element_type=jnp.float32) + bsk_ref[...])
    u = skip + h
    hs2_ref[...] = (
        jnp.dot(u, w2_ref[...], preferred_element_type=jnp.float32) * dinv)


def _post_body(q0_ref, q1_ref, hs2_ref, dinv_ref, b2_ref, g2_ref, be2_ref,
               lo_r_ref, hi_r_ref, lo_c_ref, hi_c_ref,
               h2_ref, pool_ref, pool_acc, *, rows_per_blk, n_blk):
    agg = ((q0_ref[...] + q1_ref[...] + hs2_ref[...]) * dinv_ref[...]
           + b2_ref[...])
    y = jax.nn.relu(_layer_norm(agg, g2_ref[...], be2_ref[...]))
    h2_ref[...] = y
    i = pl.program_id(0)
    ridx = (lax.broadcasted_iota(jnp.int32, (rows_per_blk, 1), 0)
            + rows_per_blk * i).astype(jnp.float32)
    onehot = ((ridx >= lo_r_ref[...]) & (ridx < hi_r_ref[...])
              ).astype(jnp.float32)
    part = lax.dot_general(onehot, y, (((0,), (0,)), ((), ())),
                           preferred_element_type=jnp.float32)

    @pl.when(i == 0)
    def _():
        pool_acc[...] = jnp.zeros_like(pool_acc)

    pool_acc[...] += part

    @pl.when(i == n_blk - 1)
    def _():
        cnt = jnp.maximum(hi_c_ref[...] - lo_c_ref[...], 1.0)
        pool_ref[...] = pool_acc[...] / cnt




def kernel(x, edge_index, ptr, W1, b1, g1, be1, W2, b2, g2, be2, Wsk, bsk):
    N, D = x.shape
    E = edge_index.shape[1]
    NB = ptr.shape[0] - 1

    PAD_ROWS = 240
    A = N + PAD_ROWS
    assert A % (NS * CHUNK) == 0

    assert E % (NW * CHUNK) == 0
    n_chunks = E // (NW * CHUNK)
    eidx = edge_index.astype(jnp.int32).reshape(2, NW, n_chunks, CHUNK)
    idx_p = eidx.transpose(1, 2, 0, 3)

    degp = _make_deg_kernel(A, n_chunks)(idx_p)
    degp = degp[:, :, None]

    R = 2000
    n_blk = N // R
    row_blk = pl.BlockSpec((R, D), lambda i: (i, 0))
    col1_blk = pl.BlockSpec((R, 1), lambda i: (i, 0))
    w_blk = pl.BlockSpec((D, D), lambda i: (0, 0))
    vec_blk = pl.BlockSpec((1, D), lambda i: (0, 0))
    part0_blk = pl.BlockSpec((1, R, D), lambda i: (0, i, 0))
    part1_blk = pl.BlockSpec((1, R, D), lambda i: (1, i, 0))
    deg0_blk = pl.BlockSpec((1, R, 1), lambda i: (0, i, 0))
    deg1_blk = pl.BlockSpec((1, R, 1), lambda i: (1, i, 0))

    def _pre_wrap(x_ref, w1_ref, d0_ref, d1_ref, hs1_ref, dinv_ref):
        _pre_body(x_ref, w1_ref, d0_ref.at[0], d1_ref.at[0],
                  hs1_ref, dinv_ref)

    hs1, dinv = pl.pallas_call(
        _pre_wrap,
        grid=(n_blk,),
        in_specs=[row_blk, w_blk, deg0_blk, deg1_blk],
        out_specs=[row_blk, col1_blk],
        out_shape=[
            jax.ShapeDtypeStruct((N, D), jnp.float32),
            jax.ShapeDtypeStruct((N, 1), jnp.float32),
        ],
    )(x, W1, degp, degp)

    scatter = _make_scatter_kernel(A, D, n_chunks)
    s1 = scatter(hs1, idx_p)

    def _mid_wrap(p0_ref, p1_ref, hs1_ref, x_ref, wsk_ref, bsk_ref,
                  dinv_ref, b1_ref, g1_ref, be1_ref, w2_ref, hs2_ref):
        _mid_body(p0_ref.at[0], p1_ref.at[0], hs1_ref, x_ref, wsk_ref,
                  bsk_ref, dinv_ref, b1_ref, g1_ref, be1_ref, w2_ref,
                  hs2_ref)

    hs2 = pl.pallas_call(
        _mid_wrap,
        grid=(n_blk,),
        in_specs=[part0_blk, part1_blk, row_blk, row_blk, w_blk, vec_blk,
                  col1_blk, vec_blk, vec_blk, vec_blk, w_blk],
        out_specs=row_blk,
        out_shape=jax.ShapeDtypeStruct((N, D), jnp.float32),
    )(s1, s1, hs1, x, Wsk, bsk[None, :], dinv,
      b1[None, :], g1[None, :], be1[None, :], W2)

    s2 = scatter(hs2, idx_p)

    ptr_f = ptr.astype(jnp.float32)
    lo_r = ptr_f[:-1][None, :]
    hi_r = ptr_f[1:][None, :]
    lo_c = ptr_f[:-1][:, None]
    hi_c = ptr_f[1:][:, None]

    def _post_wrap(q0_ref, q1_ref, *rest):
        _post_body(q0_ref.at[0], q1_ref.at[0], *rest,
                   rows_per_blk=R, n_blk=n_blk)

    h2, pooled = pl.pallas_call(
        _post_wrap,
        grid=(n_blk,),
        in_specs=[part0_blk, part1_blk, row_blk, col1_blk,
                  vec_blk, vec_blk, vec_blk,
                  pl.BlockSpec((1, NB), lambda i: (0, 0)),
                  pl.BlockSpec((1, NB), lambda i: (0, 0)),
                  pl.BlockSpec((NB, 1), lambda i: (0, 0)),
                  pl.BlockSpec((NB, 1), lambda i: (0, 0))],
        out_specs=[row_blk, pl.BlockSpec((NB, D), lambda i: (0, 0))],
        out_shape=[
            jax.ShapeDtypeStruct((N, D), jnp.float32),
            jax.ShapeDtypeStruct((NB, D), jnp.float32),
        ],
        scratch_shapes=[pltpu.VMEM((NB, D), jnp.float32)],
    )(s2, s2, hs2, dinv,
      b2[None, :], g2[None, :], be2[None, :], lo_r, hi_r, lo_c, hi_c)

    return (h2, pooled)

# --- scband reference (transcript-rebuilt; emitter-appended) ---
"""Pipeline reference for scband-graph-encoder-55061480735258 (READ-ONLY COPY).

The authoritative reference and input builder live on the scoring server;
editing this copy changes nothing except your own understanding.
"""

import jax, jax.numpy as jnp
import numpy as np

N = 10000
E = 320000
D = 128
B = 32


def gcn_conv(x, src, dst, W, b):
    n = x.shape[0]
    loop = jnp.arange(n, dtype=src.dtype)
    s = jnp.concatenate([src, loop])
    d = jnp.concatenate([dst, loop])
    deg = jnp.zeros((n,), x.dtype).at[d].add(1.0)
    dinv = 1.0 / jnp.sqrt(jnp.maximum(deg, 1.0))
    norm = dinv[s] * dinv[d]
    h = x @ W
    out = jnp.zeros((n, W.shape[1]), x.dtype).at[d].add(h[s] * norm[:, None])
    return out + b


def layer_norm(u, g, b, eps=1e-5):
    m = jnp.mean(u, axis=-1, keepdims=True)
    v = jnp.mean((u - m) ** 2, axis=-1, keepdims=True)
    return (u - m) / jnp.sqrt(v + eps) * g + b


def avg_pool(h, ptr):
    n = h.shape[0]
    nb = ptr.shape[0] - 1
    seg = jnp.searchsorted(ptr, jnp.arange(n, dtype=ptr.dtype), side='right') - 1
    seg = jnp.clip(seg, 0, nb - 1)
    sums = jax.ops.segment_sum(h, seg, num_segments=nb)
    cnt = jax.ops.segment_sum(jnp.ones((n,), h.dtype), seg, num_segments=nb)
    return sums / jnp.maximum(cnt, 1.0)[:, None]


def setup_inputs(seed: int = 0) -> dict:
    key = jax.random.key(seed)
    ks = jax.random.split(key, 12)
    x = jax.random.normal(ks[0], (N, D), dtype=jnp.float32)
    edge_index = jax.random.randint(ks[1], (2, E), 0, N, dtype=jnp.int64)
    interior = jnp.sort(jax.random.randint(ks[2], (B - 1,), 1, N, dtype=jnp.int64))
    ptr = jnp.concatenate([jnp.array([0], dtype=jnp.int64), interior, jnp.array([N], dtype=jnp.int64)])
    s = 1.0 / np.sqrt(D)
    W1 = jax.random.normal(ks[3], (D, D), dtype=jnp.float32) * s
    b1 = jnp.zeros((D,), jnp.float32)
    g1 = jnp.ones((D,), jnp.float32)
    be1 = jnp.zeros((D,), jnp.float32)
    W2 = jax.random.normal(ks[4], (D, D), dtype=jnp.float32) * s
    b2 = jnp.zeros((D,), jnp.float32)
    g2 = jnp.ones((D,), jnp.float32)
    be2 = jnp.zeros((D,), jnp.float32)
    Wsk = jax.random.normal(ks[5], (D, D), dtype=jnp.float32) * s
    bsk = jnp.zeros((D,), jnp.float32)
    return {"x": x, "edge_index": edge_index, "ptr": ptr,
            "W1": W1, "b1": b1, "g1": g1, "be1": be1,
            "W2": W2, "b2": b2, "g2": g2, "be2": be2,
            "Wsk": Wsk, "bsk": bsk}


def reference(x, edge_index, ptr, W1, b1, g1, be1, W2, b2, g2, be2, Wsk, bsk):
    src = edge_index[0]
    dst = edge_index[1]
    # layer 0: conv -> LN -> relu (dropout p=0 is identity)
    h = jax.nn.relu(layer_norm(gcn_conv(x, src, dst, W1, b1), g1, be1))
    # skip branch
    skip = x @ Wsk + bsk
    u = skip + h
    # layer 1
    h2 = jax.nn.relu(layer_norm(gcn_conv(u, src, dst, W2, b2), g2, be2))
    return (h2, avg_pool(h2, ptr))


if False:  # reference __main__ guard neutralized (emitter)
    out = reference(**setup_inputs())
    print(out[0].shape, out[1].shape)

if __name__ == "__main__":
    import jax
    _d = setup_inputs()
    print(jax.jit(kernel)(*tuple(_d.values())))

</pallas_src>

<mosaic_0001>
#map = affine_map<(d0, d1) -> (0, 0, 0, 0)>
#map1 = affine_map<(d0, d1) -> (0, 0)>
module attributes {stable_mosaic.version = 14 : i64} {
  func.func @deg_kernel(%arg0: i32, %arg1: i32, %arg2: memref<32x125x2x80xi32, #tpu.memory_space<hbm>>, %arg3: memref<2x10240xf32, #tpu.memory_space<hbm>>, %arg4: memref<125x2x80xi32, #tpu.memory_space<vmem>>, %arg5: memref<80xf32, #tpu.memory_space<vmem>>, %arg6: memref<640xf32, #tpu.memory_space<vmem>>, %arg7: memref<10240xf32, #tpu.memory_space<vmem_shared>>, %arg8: memref<!tpu.dma_semaphore, #tpu.memory_space<semaphore_mem>>, %arg9: memref<!tpu.dma_semaphore, #tpu.memory_space<semaphore_mem>>) attributes {dimension_semantics = [#tpu.dimension_semantics<core_parallel>, #tpu.dimension_semantics<subcore_parallel>], iteration_bounds = array<i64: 2, 16>, scalar_prefetch = 0 : i64, scratch_operands = 6 : i64, tpu.core_type = #tpu.core_type<sc_vector_subcore>, window_params = [{transform_indices = #map}, {transform_indices = #map1}]} {
    %mul3A = arith.constant 16 : i32
    %mul3A_0 = arith.muli %arg0, %mul3A : i32
    %add3A = arith.addi %mul3A_0, %arg1 : i32
    %broadcast_in_dim3A = arith.constant 0.000000e+00 : f32
    %broadcast_in_dim3A_1 = vector.broadcast %broadcast_in_dim3A : f32 to vector<16xf32>
    %broadcast_in_dim3A_2 = arith.constant 1.000000e+00 : f32
    %broadcast_in_dim3A_3 = vector.broadcast %broadcast_in_dim3A_2 : f32 to vector<16xf32>
    "tpu.region"() ({
      %run_scoped3A = tpu.sem_alloc : memref<!tpu.dma_semaphore, #tpu.memory_space<semaphore_mem>>
      %dma_start3A_62 = arith.constant 0 : i32
      %dma_start3A_63 = arith.constant 0 : i32
      %dma_start3A_64 = arith.constant 0 : i32
      %dma_start3A_65 = tpu.memref_slice %arg2[%add3A, %dma_start3A_62, %dma_start3A_63, %dma_start3A_64] : memref<32x125x2x80xi32, #tpu.memory_space<hbm>> -> memref<1x125x2x80xi32, #tpu.memory_space<hbm>>
      %dma_start3A_66 = tpu.memref_squeeze %dma_start3A_65 : memref<1x125x2x80xi32, #tpu.memory_space<hbm>> -> memref<125x2x80xi32, #tpu.memory_space<hbm>>
      %dma_start3A_67 = arith.constant 0 : i32
      %dma_start3A_68 = arith.constant 0 : i32
      %dma_start3A_69 = arith.constant 0 : i32
      %dma_start3A_70 = tpu.memref_slice %arg2[%add3A, %dma_start3A_67, %dma_start3A_68, %dma_start3A_69] : memref<32x125x2x80xi32, #tpu.memory_space<hbm>> -> memref<1x125x2x80xi32, #tpu.memory_space<hbm>>
      %dma_start3A_71 = tpu.memref_squeeze %dma_start3A_70 : memref<1x125x2x80xi32, #tpu.memory_space<hbm>> -> memref<125x2x80xi32, #tpu.memory_space<hbm>>
      tpu.enqueue_dma source(%dma_start3A_71 : memref<125x2x80xi32, #tpu.memory_space<hbm>>) target(%arg4 : memref<125x2x80xi32, #tpu.memory_space<vmem>>) target_semaphore(%run_scoped3A : memref<!tpu.dma_semaphore, #tpu.memory_space<semaphore_mem>>)
      %dma_wait3A_72 = arith.constant 0 : i32
      %dma_wait3A_73 = arith.constant 0 : i32
      %dma_wait3A_74 = arith.constant 0 : i32
      %dma_wait3A_75 = tpu.memref_slice %arg2[%add3A, %dma_wait3A_72, %dma_wait3A_73, %dma_wait3A_74] : memref<32x125x2x80xi32, #tpu.memory_space<hbm>> -> memref<1x125x2x80xi32, #tpu.memory_space<hbm>>
      %dma_wait3A_76 = tpu.memref_squeeze %dma_wait3A_75 : memref<1x125x2x80xi32, #tpu.memory_space<hbm>> -> memref<125x2x80xi32, #tpu.memory_space<hbm>>
      %dma_wait3A_77 = arith.constant 0 : i32
      %dma_wait3A_78 = arith.constant 0 : i32
      %dma_wait3A_79 = arith.constant 0 : i32
      %dma_wait3A_80 = tpu.memref_slice %arg2[%add3A, %dma_wait3A_77, %dma_wait3A_78, %dma_wait3A_79] : memref<32x125x2x80xi32, #tpu.memory_space<hbm>> -> memref<1x125x2x80xi32, #tpu.memory_space<hbm>>
      %dma_wait3A_81 = tpu.memref_squeeze %dma_wait3A_80 : memref<1x125x2x80xi32, #tpu.memory_space<hbm>> -> memref<125x2x80xi32, #tpu.memory_space<hbm>>
      tpu.wait_dma2 semaphore(%run_scoped3A : memref<!tpu.dma_semaphore, #tpu.memory_space<semaphore_mem>>) src(%dma_wait3A_81 : memref<125x2x80xi32, #tpu.memory_space<hbm>>) dst(%arg4 : memref<125x2x80xi32, #tpu.memory_space<vmem>>)
      tpu.yield
    }) : () -> ()
    %scan3A = arith.constant 0 : i32
    %scan3A_4 = arith.constant 0 : i32
    %scan3A_5 = arith.constant 40 : i32
    %scan3A_6 = arith.addi %scan3A_4, %scan3A_5 : i32
    %scan3A_7 = arith.constant 1 : i32
    %scan3A_8 = scf.for %scan3A_62 = %scan3A_4 to %scan3A_6 step %scan3A_7 iter_args(%scan3A_63 = %scan3A) -> (i32)  : i32 {
      %mul3A_64 = arith.constant 16 : i32
      %mul3A_65 = arith.muli %scan3A_62, %mul3A_64 : i32
      %swap3A_66 = arith.index_cast %mul3A_65 : i32 to index
      %swap3A_67 = tpu.vector_load %arg6[%swap3A_66] {strides = array<i32>} : memref<640xf32, #tpu.memory_space<vmem>>, vector<16xf32>,
      %swap3A_68 = vector.shape_cast %swap3A_67 : vector<16xf32> to vector<16xf32>
      %swap3A_69 = vector.shape_cast %broadcast_in_dim3A_1 : vector<16xf32> to vector<16xf32>
      tpu.vector_store %arg6[%swap3A_66], %swap3A_69 {strides = array<i32>} : memref<640xf32, #tpu.memory_space<vmem>>, vector<16xf32>,
      %scan3A_70 = arith.constant 0 : i32
      scf.yield %scan3A_70 : i32
    }
    %scan3A_9 = arith.constant 40 : i32
    %swap3A = arith.constant 0 : index
    %swap3A_10 = tpu.vector_load %arg5[%swap3A] {strides = array<i32>} : memref<80xf32, #tpu.memory_space<vmem>>, vector<16xf32>,
    %swap3A_11 = vector.shape_cast %swap3A_10 : vector<16xf32> to vector<16xf32>
    %swap3A_12 = vector.shape_cast %broadcast_in_dim3A_3 : vector<16xf32> to vector<16xf32>
    tpu.vector_store %arg5[%swap3A], %swap3A_12 {strides = array<i32>} : memref<80xf32, #tpu.memory_space<vmem>>, vector<16xf32>,
    %swap3A_13 = arith.constant 16 : index
    %swap3A_14 = tpu.vector_load %arg5[%swap3A_13] {strides = array<i32>} : memref<80xf32, #tpu.memory_space<vmem>>, vector<16xf32>,
    %swap3A_15 = vector.shape_cast %swap3A_14 : vector<16xf32> to vector<16xf32>
    %swap3A_16 = vector.shape_cast %broadcast_in_dim3A_3 : vector<16xf32> to vector<16xf32>
    tpu.vector_store %arg5[%swap3A_13], %swap3A_16 {strides = array<i32>} : memref<80xf32, #tpu.memory_space<vmem>>, vector<16xf32>,
    %swap3A_17 = arith.constant 32 : index
    %swap3A_18 = tpu.vector_load %arg5[%swap3A_17] {strides = array<i32>} : memref<80xf32, #tpu.memory_space<vmem>>, vector<16xf32>,
    %swap3A_19 = vector.shape_cast %swap3A_18 : vector<16xf32> to vector<16xf32>
    %swap3A_20 = vector.shape_cast %broadcast_in_dim3A_3 : vector<16xf32> to vector<16xf32>
    tpu.vector_store %arg5[%swap3A_17], %swap3A_20 {strides = array<i32>} : memref<80xf32, #tpu.memory_space<vmem>>, vector<16xf32>,
    %swap3A_21 = arith.constant 48 : index
    %swap3A_22 = tpu.vector_load %arg5[%swap3A_21] {strides = array<i32>} : memref<80xf32, #tpu.memory_space<vmem>>, vector<16xf32>,
    %swap3A_23 = vector.shape_cast %swap3A_22 : vector<16xf32> to vector<16xf32>
    %swap3A_24 = vector.shape_cast %broadcast_in_dim3A_3 : vector<16xf32> to vector<16xf32>
    tpu.vector_store %arg5[%swap3A_21], %swap3A_24 {strides = array<i32>} : memref<80xf32, #tpu.memory_space<vmem>>, vector<16xf32>,
    %swap3A_25 = arith.constant 64 : index
    %swap3A_26 = tpu.vector_load %arg5[%swap3A_25] {strides = array<i32>} : memref<80xf32, #tpu.memory_space<vmem>>, vector<16xf32>,
    %swap3A_27 = vector.shape_cast %swap3A_26 : vector<16xf32> to vector<16xf32>
    %swap3A_28 = vector.shape_cast %broadcast_in_dim3A_3 : vector<16xf32> to vector<16xf32>
    tpu.vector_store %arg5[%swap3A_25], %swap3A_28 {strides = array<i32>} : memref<80xf32, #tpu.memory_space<vmem>>, vector<16xf32>,
    %mul3A_29 = arith.constant 640 : i32
    %mul3A_30 = arith.muli %arg1, %mul3A_29 : i32
    "tpu.region"() ({
      %run_scoped3A = tpu.sem_alloc : memref<!tpu.dma_semaphore, #tpu.memory_space<semaphore_mem>>
      %dma_start3A_62 = tpu.memref_slice %arg7[%mul3A_30] : memref<10240xf32, #tpu.memory_space<vmem_shared>> -> memref<640xf32, #tpu.memory_space<vmem_shared>>
      %dma_start3A_63 = tpu.memref_slice %arg7[%mul3A_30] : memref<10240xf32, #tpu.memory_space<vmem_shared>> -> memref<640xf32, #tpu.memory_space<vmem_shared>>
      tpu.enqueue_dma source(%arg6 : memref<640xf32, #tpu.memory_space<vmem>>) target(%dma_start3A_63 : memref<640xf32, #tpu.memory_space<vmem_shared>>) target_semaphore(%run_scoped3A : memref<!tpu.dma_semaphore, #tpu.memory_space<semaphore_mem>>)
      %dma_wait3A_64 = tpu.memref_slice %arg7[%mul3A_30] : memref<10240xf32, #tpu.memory_space<vmem_shared>> -> memref<640xf32, #tpu.memory_space<vmem_shared>>
      %dma_wait3A_65 = tpu.memref_slice %arg7[%mul3A_30] : memref<10240xf32, #tpu.memory_space<vmem_shared>> -> memref<640xf32, #tpu.memory_space<vmem_shared>>
      tpu.wait_dma2 semaphore(%run_scoped3A : memref<!tpu.dma_semaphore, #tpu.memory_space<semaphore_mem>>) src(%arg6 : memref<640xf32, #tpu.memory_space<vmem>>) dst(%dma_wait3A_65 : memref<640xf32, #tpu.memory_space<vmem_shared>>)
      tpu.yield
    }) : () -> ()
    %barrier3A = arith.constant 0 : index
    tpu.barrier barrier_id(%barrier3A)
    %scan3A_31 = arith.constant 0 : i32
    %scan3A_32 = arith.constant 0 : i32
    %scan3A_33 = arith.constant 62 : i32
    %scan3A_34 = arith.addi %scan3A_32, %scan3A_33 : i32
    %scan3A_35 = arith.constant 1 : i32
    %scan3A_36 = scf.for %scan3A_62 = %scan3A_32 to %scan3A_34 step %scan3A_35 iter_args(%scan3A_63 = %scan3A_31) -> (i32)  : i32 {
      %mul3A_64 = arith.constant 2 : i32
      %mul3A_65 = arith.muli %mul3A_64, %scan3A_62 : i32
      %add3A_66 = arith.constant 0 : i32
      %add3A_67 = arith.addi %mul3A_65, %add3A_66 : i32
      %dma_start3A_68 = arith.constant 1 : i32
      %dma_start3A_69 = arith.constant 0 : i32
      %dma_start3A_70 = tpu.memref_slice %arg4[%add3A_67, %dma_start3A_68, %dma_start3A_69] : memref<125x2x80xi32, #tpu.memory_space<vmem>> -> memref<1x1x80xi32, #tpu.memory_space<vmem>>
      %dma_start3A_71 = tpu.memref_squeeze %dma_start3A_70 : memref<1x1x80xi32, #tpu.memory_space<vmem>> -> memref<80xi32, #tpu.memory_space<vmem>>
      %dma_start3A_72 = arith.constant 0 : i32
      %dma_start3A_73 = tpu.memref_slice %arg7[%dma_start3A_72] : memref<10240xf32, #tpu.memory_space<vmem_shared>> -> memref<10240xf32, #tpu.memory_space<vmem_shared>>
      tpu.enqueue_indirect_dma source(%arg5 : memref<80xf32, #tpu.memory_space<vmem>>) target(%dma_start3A_73 : memref<10240xf32, #tpu.memory_space<vmem_shared>>) offsets(%dma_start3A_71 : memref<80xi32, #tpu.memory_space<vmem>>) semaphore(%arg8 : memref<!tpu.dma_semaphore, #tpu.memory_space<semaphore_mem>>) {add = true}
      %gt3A = arith.constant 0 : i32
      %gt3A_74 = arith.cmpi sgt, %add3A_67, %gt3A : i32
      %convert_element_type3A = arith.extui %gt3A_74 : i1 to i32
      %cond3A = arith.constant 0 : i32
      %cond3A_75 = arith.cmpi ne, %convert_element_type3A, %cond3A : i32
      scf.if %cond3A_75 {
        %sub3A = arith.constant 1 : i32
        %sub3A_92 = arith.subi %add3A_67, %sub3A : i32
        %dma_wait3A_93 = arith.constant 1 : i32
        %dma_wait3A_94 = arith.constant 0 : i32
        %dma_wait3A_95 = tpu.memref_slice %arg4[%sub3A_92, %dma_wait3A_93, %dma_wait3A_94] : memref<125x2x80xi32, #tpu.memory_space<vmem>> -> memref<1x1x80xi32, #tpu.memory_space<vmem>>
        %dma_wait3A_96 = tpu.memref_squeeze %dma_wait3A_95 : memref<1x1x80xi32, #tpu.memory_space<vmem>> -> memref<80xi32, #tpu.memory_space<vmem>>
        %dma_wait3A_97 = arith.constant 0 : i32
        %dma_wait3A_98 = tpu.memref_slice %arg7[%dma_wait3A_97] : memref<10240xf32, #tpu.memory_space<vmem_shared>> -> memref<10240xf32, #tpu.memory_space<vmem_shared>>
        tpu.wait_indirect_dma semaphore(%arg9 : memref<!tpu.dma_semaphore, #tpu.memory_space<semaphore_mem>>) src(%arg5 : memref<80xf32, #tpu.memory_space<vmem>>) dst(%dma_wait3A_98 : memref<10240xf32, #tpu.memory_space<vmem_shared>>)
      } else {
      }
      %mul3A_76 = arith.constant 2 : i32
      %mul3A_77 = arith.muli %mul3A_76, %scan3A_62 : i32
      %add3A_78 = arith.constant 1 : i32
      %add3A_79 = arith.addi %mul3A_77, %add3A_78 : i32
      %dma_start3A_80 = arith.constant 1 : i32
      %dma_start3A_81 = arith.constant 0 : i32
      %dma_start3A_82 = tpu.memref_slice %arg4[%add3A_79, %dma_start3A_80, %dma_start3A_81] : memref<125x2x80xi32, #tpu.memory_space<vmem>> -> memref<1x1x80xi32, #tpu.memory_space<vmem>>
      %dma_start3A_83 = tpu.memref_squeeze %dma_start3A_82 : memref<1x1x80xi32, #tpu.memory_space<vmem>> -> memref<80xi32, #tpu.memory_space<vmem>>
      %dma_start3A_84 = arith.constant 0 : i32
      %dma_start3A_85 = tpu.memref_slice %arg7[%dma_start3A_84] : memref<10240xf32, #tpu.memory_space<vmem_shared>> -> memref<10240xf32, #tpu.memory_space<vmem_shared>>
      tpu.enqueue_indirect_dma source(%arg5 : memref<80xf32, #tpu.memory_space<vmem>>) target(%dma_start3A_85 : memref<10240xf32, #tpu.memory_space<vmem_shared>>) offsets(%dma_start3A_83 : memref<80xi32, #tpu.memory_space<vmem>>) semaphore(%arg9 : memref<!tpu.dma_semaphore, #tpu.memory_space<semaphore_mem>>) {add = true}
      %gt3A_86 = arith.constant 0 : i32
      %gt3A_87 = arith.cmpi sgt, %add3A_79, %gt3A_86 : i32
      %convert_element_type3A_88 = arith.extui %gt3A_87 : i1 to i32
      %cond3A_89 = arith.constant 0 : i32
      %cond3A_90 = arith.cmpi ne, %convert_element_type3A_88, %cond3A_89 : i32
      scf.if %cond3A_90 {
        %sub3A = arith.constant 1 : i32
        %sub3A_92 = arith.subi %add3A_79, %sub3A : i32
        %dma_wait3A_93 = arith.constant 1 : i32
        %dma_wait3A_94 = arith.constant 0 : i32
        %dma_wait3A_95 = tpu.memref_slice %arg4[%sub3A_92, %dma_wait3A_93, %dma_wait3A_94] : memref<125x2x80xi32, #tpu.memory_space<vmem>> -> memref<1x1x80xi32, #tpu.memory_space<vmem>>
        %dma_wait3A_96 = tpu.memref_squeeze %dma_wait3A_95 : memref<1x1x80xi32, #tpu.memory_space<vmem>> -> memref<80xi32, #tpu.memory_space<vmem>>
        %dma_wait3A_97 = arith.constant 0 : i32
        %dma_wait3A_98 = tpu.memref_slice %arg7[%dma_wait3A_97] : memref<10240xf32, #tpu.memory_space<vmem_shared>> -> memref<10240xf32, #tpu.memory_space<vmem_shared>>
        tpu.wait_indirect_dma semaphore(%arg8 : memref<!tpu.dma_semaphore, #tpu.memory_space<semaphore_mem>>) src(%arg5 : memref<80xf32, #tpu.memory_space<vmem>>) dst(%dma_wait3A_98 : memref<10240xf32, #tpu.memory_space<vmem_shared>>)
      } else {
      }
      %scan3A_91 = arith.constant 0 : i32
      scf.yield %scan3A_91 : i32
    }
    %scan3A_37 = arith.constant 62 : i32
    %dma_start3A = arith.constant 124 : i32
    %dma_start3A_38 = arith.constant 1 : i32
    %dma_start3A_39 = arith.constant 0 : i32
    %dma_start3A_40 = tpu.memref_slice %arg4[%dma_start3A, %dma_start3A_38, %dma_start3A_39] : memref<125x2x80xi32, #tpu.memory_space<vmem>> -> memref<1x1x80xi32, #tpu.memory_space<vmem>>
    %dma_start3A_41 = tpu.memref_squeeze %dma_start3A_40 : memref<1x1x80xi32, #tpu.memory_space<vmem>> -> memref<80xi32, #tpu.memory_space<vmem>>
    %dma_start3A_42 = arith.constant 0 : i32
    %dma_start3A_43 = tpu.memref_slice %arg7[%dma_start3A_42] : memref<10240xf32, #tpu.memory_space<vmem_shared>> -> memref<10240xf32, #tpu.memory_space<vmem_shared>>
    tpu.enqueue_indirect_dma source(%arg5 : memref<80xf32, #tpu.memory_space<vmem>>) target(%dma_start3A_43 : memref<10240xf32, #tpu.memory_space<vmem_shared>>) offsets(%dma_start3A_41 : memref<80xi32, #tpu.memory_space<vmem>>) semaphore(%arg8 : memref<!tpu.dma_semaphore, #tpu.memory_space<semaphore_mem>>) {add = true}
    %dma_wait3A = arith.constant 123 : i32
    %dma_wait3A_44 = arith.constant 1 : i32
    %dma_wait3A_45 = arith.constant 0 : i32
    %dma_wait3A_46 = tpu.memref_slice %arg4[%dma_wait3A, %dma_wait3A_44, %dma_wait3A_45] : memref<125x2x80xi32, #tpu.memory_space<vmem>> -> memref<1x1x80xi32, #tpu.memory_space<vmem>>
    %dma_wait3A_47 = tpu.memref_squeeze %dma_wait3A_46 : memref<1x1x80xi32, #tpu.memory_space<vmem>> -> memref<80xi32, #tpu.memory_space<vmem>>
    %dma_wait3A_48 = arith.constant 0 : i32
    %dma_wait3A_49 = tpu.memref_slice %arg7[%dma_wait3A_48] : memref<10240xf32, #tpu.memory_space<vmem_shared>> -> memref<10240xf32, #tpu.memory_space<vmem_shared>>
    tpu.wait_indirect_dma semaphore(%arg9 : memref<!tpu.dma_semaphore, #tpu.memory_space<semaphore_mem>>) src(%arg5 : memref<80xf32, #tpu.memory_space<vmem>>) dst(%dma_wait3A_49 : memref<10240xf32, #tpu.memory_space<vmem_shared>>)
    %dma_wait3A_50 = arith.constant 124 : i32
    %dma_wait3A_51 = arith.constant 1 : i32
    %dma_wait3A_52 = arith.constant 0 : i32
    %dma_wait3A_53 = tpu.memref_slice %arg4[%dma_wait3A_50, %dma_wait3A_51, %dma_wait3A_52] : memref<125x2x80xi32, #tpu.memory_space<vmem>> -> memref<1x1x80xi32, #tpu.memory_space<vmem>>
    %dma_wait3A_54 = tpu.memref_squeeze %dma_wait3A_53 : memref<1x1x80xi32, #tpu.memory_space<vmem>> -> memref<80xi32, #tpu.memory_space<vmem>>
    %dma_wait3A_55 = arith.constant 0 : i32
    %dma_wait3A_56 = tpu.memref_slice %arg7[%dma_wait3A_55] : memref<10240xf32, #tpu.memory_space<vmem_shared>> -> memref<10240xf32, #tpu.memory_space<vmem_shared>>
    tpu.wait_indirect_dma semaphore(%arg8 : memref<!tpu.dma_semaphore, #tpu.memory_space<semaphore_mem>>) src(%arg5 : memref<80xf32, #tpu.memory_space<vmem>>) dst(%dma_wait3A_56 : memref<10240xf32, #tpu.memory_space<vmem_shared>>)
    %barrier3A_57 = arith.constant 0 : index
    tpu.barrier barrier_id(%barrier3A_57)
    %mul3A_58 = arith.constant 640 : i32
    %mul3A_59 = arith.muli %arg1, %mul3A_58 : i32
    "tpu.region"() ({
      %run_scoped3A = tpu.sem_alloc : memref<!tpu.dma_semaphore, #tpu.memory_space<semaphore_mem>>
      %dma_start3A_62 = tpu.memref_slice %arg7[%mul3A_59] : memref<10240xf32, #tpu.memory_space<vmem_shared>> -> memref<640xf32, #tpu.memory_space<vmem_shared>>
      %dma_start3A_63 = tpu.memref_slice %arg7[%mul3A_59] : memref<10240xf32, #tpu.memory_space<vmem_shared>> -> memref<640xf32, #tpu.memory_space<vmem_shared>>
      tpu.enqueue_dma source(%dma_start3A_63 : memref<640xf32, #tpu.memory_space<vmem_shared>>) target(%arg6 : memref<640xf32, #tpu.memory_space<vmem>>) target_semaphore(%run_scoped3A : memref<!tpu.dma_semaphore, #tpu.memory_space<semaphore_mem>>)
      %dma_wait3A_64 = tpu.memref_slice %arg7[%mul3A_59] : memref<10240xf32, #tpu.memory_space<vmem_shared>> -> memref<640xf32, #tpu.memory_space<vmem_shared>>
      %dma_wait3A_65 = tpu.memref_slice %arg7[%mul3A_59] : memref<10240xf32, #tpu.memory_space<vmem_shared>> -> memref<640xf32, #tpu.memory_space<vmem_shared>>
      tpu.wait_dma2 semaphore(%run_scoped3A : memref<!tpu.dma_semaphore, #tpu.memory_space<semaphore_mem>>) src(%dma_wait3A_65 : memref<640xf32, #tpu.memory_space<vmem_shared>>) dst(%arg6 : memref<640xf32, #tpu.memory_space<vmem>>)
      tpu.yield
    }) : () -> ()
    %mul3A_60 = arith.constant 640 : i32
    %mul3A_61 = arith.muli %arg1, %mul3A_60 : i32
    "tpu.region"() ({
      %run_scoped3A = tpu.sem_alloc : memref<!tpu.dma_semaphore, #tpu.memory_space<semaphore_mem>>
      %dma_start3A_62 = tpu.memref_slice %arg3[%arg0, %mul3A_61] : memref<2x10240xf32, #tpu.memory_space<hbm>> -> memref<1x640xf32, #tpu.memory_space<hbm>>
      %dma_start3A_63 = tpu.memref_squeeze %dma_start3A_62 : memref<1x640xf32, #tpu.memory_space<hbm>> -> memref<640xf32, #tpu.memory_space<hbm>>
      %dma_start3A_64 = tpu.memref_slice %arg3[%arg0, %mul3A_61] : memref<2x10240xf32, #tpu.memory_space<hbm>> -> memref<1x640xf32, #tpu.memory_space<hbm>>
      %dma_start3A_65 = tpu.memref_squeeze %dma_start3A_64 : memref<1x640xf32, #tpu.memory_space<hbm>> -> memref<640xf32, #tpu.memory_space<hbm>>
      tpu.enqueue_dma source(%arg6 : memref<640xf32, #tpu.memory_space<vmem>>) target(%dma_start3A_65 : memref<640xf32, #tpu.memory_space<hbm>>) target_semaphore(%run_scoped3A : memref<!tpu.dma_semaphore, #tpu.memory_space<semaphore_mem>>)
      %dma_wait3A_66 = tpu.memref_slice %arg3[%arg0, %mul3A_61] : memref<2x10240xf32, #tpu.memory_space<hbm>> -> memref<1x640xf32, #tpu.memory_space<hbm>>
      %dma_wait3A_67 = tpu.memref_squeeze %dma_wait3A_66 : memref<1x640xf32, #tpu.memory_space<hbm>> -> memref<640xf32, #tpu.memory_space<hbm>>
      %dma_wait3A_68 = tpu.memref_slice %arg3[%arg0, %mul3A_61] : memref<2x10240xf32, #tpu.memory_space<hbm>> -> memref<1x640xf32, #tpu.memory_space<hbm>>
      %dma_wait3A_69 = tpu.memref_squeeze %dma_wait3A_68 : memref<1x640xf32, #tpu.memory_space<hbm>> -> memref<640xf32, #tpu.memory_space<hbm>>
      tpu.wait_dma2 semaphore(%run_scoped3A : memref<!tpu.dma_semaphore, #tpu.memory_space<semaphore_mem>>) src(%arg6 : memref<640xf32, #tpu.memory_space<vmem>>) dst(%dma_wait3A_69 : memref<640xf32, #tpu.memory_space<hbm>>)
      tpu.yield
    }) : () -> ()
    return
  }
}

#map = affine_map<(d0, d1) -> (0, 0)>
#map1 = affine_map<(d0, d1) -> (0, 0, 0, 0)>
#map2 = affine_map<(d0, d1) -> (0, 0, 0)>
module attributes {stable_mosaic.version = 14 : i64} {
  func.func @scatter_kernel(%arg0: i32, %arg1: i32, %arg2: memref<10000x128xf32, #tpu.memory_space<hbm>>, %arg3: memref<32x125x2x80xi32, #tpu.memory_space<hbm>>, %arg4: memref<2x10240x128xf32, #tpu.memory_space<hbm>>, %arg5: memref<2x80xi32, #tpu.memory_space<vmem>>, %arg6: memref<2x80xi32, #tpu.memory_space<vmem>>, %arg7: memref<2x80xi32, #tpu.memory_space<vmem>>, %arg8: memref<2x80xi32, #tpu.memory_space<vmem>>, %arg9: memref<80x128xf32, #tpu.memory_space<vmem>>, %arg10: memref<80x128xf32, #tpu.memory_space<vmem>>, %arg11: memref<80x128xf32, #tpu.memory_space<vmem>>, %arg12: memref<80x128xf32, #tpu.memory_space<vmem>>, %arg13: memref<10240x128xf32, #tpu.memory_space<vmem_shared>>, %arg14: memref<!tpu.dma_semaphore, #tpu.memory_space<semaphore_mem>>, %arg15: memref<!tpu.dma_semaphore, #tpu.memory_space<semaphore_mem>>, %arg16: memref<!tpu.dma_semaphore, #tpu.memory_space<semaphore_mem>>, %arg17: memref<!tpu.dma_semaphore, #tpu.memory_space<semaphore_mem>>, %arg18: memref<!tpu.dma_semaphore, #tpu.memory_space<semaphore_mem>>, %arg19: memref<!tpu.dma_semaphore, #tpu.memory_space<semaphore_mem>>, %arg20: memref<!tpu.dma_semaphore, #tpu.memory_space<semaphore_mem>>, %arg21: memref<!tpu.dma_semaphore, #tpu.memory_space<semaphore_mem>>, %arg22: memref<!tpu.dma_semaphore, #tpu.memory_space<semaphore_mem>>, %arg23: memref<!tpu.dma_semaphore, #tpu.memory_space<semaphore_mem>>, %arg24: memref<!tpu.dma_semaphore, #tpu.memory_space<semaphore_mem>>, %arg25: memref<!tpu.dma_semaphore, #tpu.memory_space<semaphore_mem>>) attributes {dimension_semantics = [#tpu.dimension_semantics<core_parallel>, #tpu.dimension_semantics<subcore_parallel>], iteration_bounds = array<i64: 2, 16>, scalar_prefetch = 0 : i64, scratch_operands = 21 : i64, tpu.core_type = #tpu.core_type<sc_vector_subcore>, window_params = [{transform_indices = #map}, {transform_indices = #map1}, {transform_indices = #map2}]} {
    %mul3A = arith.constant 16 : i32
    %mul3A_0 = arith.muli %arg0, %mul3A : i32
    %add3A = arith.addi %mul3A_0, %arg1 : i32
    %broadcast_in_dim3A = arith.constant 0.000000e+00 : f32
    %broadcast_in_dim3A_1 = vector.broadcast %broadcast_in_dim3A : f32 to vector<16xf32>
    %dma_start3A = arith.constant 0 : i32
    %dma_start3A_2 = arith.constant 0 : i32
    %dma_start3A_3 = arith.constant 0 : i32
    %dma_start3A_4 = tpu.memref_slice %arg3[%add3A, %dma_start3A, %dma_start3A_2, %dma_start3A_3] : memref<32x125x2x80xi32, #tpu.memory_space<hbm>> -> memref<1x1x2x80xi32, #tpu.memory_space<hbm>>
    %dma_start3A_5 = tpu.memref_squeeze %dma_start3A_4 : memref<1x1x2x80xi32, #tpu.memory_space<hbm>> -> memref<2x80xi32, #tpu.memory_space<hbm>>
    %dma_start3A_6 = arith.constant 0 : i32
    %dma_start3A_7 = arith.constant 0 : i32
    %dma_start3A_8 = tpu.memref_slice %arg3[%add3A, %dma_start3A, %dma_start3A_6, %dma_start3A_7] : memref<32x125x2x80xi32, #tpu.memory_space<hbm>> -> memref<1x1x2x80xi32, #tpu.memory_space<hbm>>
    %dma_start3A_9 = tpu.memref_squeeze %dma_start3A_8 : memref<1x1x2x80xi32, #tpu.memory_space<hbm>> -> memref<2x80xi32, #tpu.memory_space<hbm>>
    tpu.enqueue_dma source(%dma_start3A_9 : memref<2x80xi32, #tpu.memory_space<hbm>>) target(%arg5 : memref<2x80xi32, #tpu.memory_space<vmem>>) target_semaphore(%arg14 : memref<!tpu.dma_semaphore, #tpu.memory_space<semaphore_mem>>)
    %dma_start3A_10 = arith.constant 1 : i32
    %dma_start3A_11 = arith.constant 0 : i32
    %dma_start3A_12 = arith.constant 0 : i32
    %dma_start3A_13 = tpu.memref_slice %arg3[%add3A, %dma_start3A_10, %dma_start3A_11, %dma_start3A_12] : memref<32x125x2x80xi32, #tpu.memory_space<hbm>> -> memref<1x1x2x80xi32, #tpu.memory_space<hbm>>
    %dma_start3A_14 = tpu.memref_squeeze %dma_start3A_13 : memref<1x1x2x80xi32, #tpu.memory_space<hbm>> -> memref<2x80xi32, #tpu.memory_space<hbm>>
    %dma_start3A_15 = arith.constant 0 : i32
    %dma_start3A_16 = arith.constant 0 : i32
    %dma_start3A_17 = tpu.memref_slice %arg3[%add3A, %dma_start3A_10, %dma_start3A_15, %dma_start3A_16] : memref<32x125x2x80xi32, #tpu.memory_space<hbm>> -> memref<1x1x2x80xi32, #tpu.memory_space<hbm>>
    %dma_start3A_18 = tpu.memref_squeeze %dma_start3A_17 : memref<1x1x2x80xi32, #tpu.memory_space<hbm>> -> memref<2x80xi32, #tpu.memory_space<hbm>>
    tpu.enqueue_dma source(%dma_start3A_18 : memref<2x80xi32, #tpu.memory_space<hbm>>) target(%arg6 : memref<2x80xi32, #tpu.memory_space<vmem>>) target_semaphore(%arg15 : memref<!tpu.dma_semaphore, #tpu.memory_space<semaphore_mem>>)
    %dma_start3A_19 = arith.constant 2 : i32
    %dma_start3A_20 = arith.constant 0 : i32
    %dma_start3A_21 = arith.constant 0 : i32
    %dma_start3A_22 = tpu.memref_slice %arg3[%add3A, %dma_start3A_19, %dma_start3A_20, %dma_start3A_21] : memref<32x125x2x80xi32, #tpu.memory_space<hbm>> -> memref<1x1x2x80xi32, #tpu.memory_space<hbm>>
    %dma_start3A_23 = tpu.memref_squeeze %dma_start3A_22 : memref<1x1x2x80xi32, #tpu.memory_space<hbm>> -> memref<2x80xi32, #tpu.memory_space<hbm>>
    %dma_start3A_24 = arith.constant 0 : i32
    %dma_start3A_25 = arith.constant 0 : i32
    %dma_start3A_26 = tpu.memref_slice %arg3[%add3A, %dma_start3A_19, %dma_start3A_24, %dma_start3A_25] : memref<32x125x2x80xi32, #tpu.memory_space<hbm>> -> memref<1x1x2x80xi32, #tpu.memory_space<hbm>>
    %dma_start3A_27 = tpu.memref_squeeze %dma_start3A_26 : memref<1x1x2x80xi32, #tpu.memory_space<hbm>> -> memref<2x80xi32, #tpu.memory_space<hbm>>
    tpu.enqueue_dma source(%dma_start3A_27 : memref<2x80xi32, #tpu.memory_space<hbm>>) target(%arg7 : memref<2x80xi32, #tpu.memory_space<vmem>>) target_semaphore(%arg16 : memref<!tpu.dma_semaphore, #tpu.memory_space<semaphore_mem>>)
    %scan3A = arith.constant 0 : i32
    %scan3A_28 = arith.constant 0 : i32
    %scan3A_29 = arith.constant 640 : i32
    %scan3A_30 = arith.addi %scan3A_28, %scan3A_29 : i32
    %scan3A_31 = arith.constant 1 : i32
    %scan3A_32 = scf.for %scan3A_566 = %scan3A_28 to %scan3A_30 step %scan3A_31 iter_args(%scan3A_567 = %scan3A) -> (i32)  : i32 {
      %jit3A = arith.constant 8 : i32
      %div3A = arith.divsi %scan3A_566, %jit3A : i32
      %sign3A = arith.constant 0 : i32
      %sign3A_568 = arith.cmpi sgt, %scan3A_566, %sign3A : i32
      %sign3A_569 = arith.extui %sign3A_568 : i1 to i32
      %sign3A_570 = arith.constant 0 : i32
      %sign3A_571 = arith.cmpi slt, %scan3A_566, %sign3A_570 : i32
      %sign3A_572 = arith.extui %sign3A_571 : i1 to i32
      %sign3A_573 = arith.subi %sign3A_569, %sign3A_572 : i32
      %sign3A_574 = arith.constant 0 : i32
      %sign3A_575 = arith.cmpi sgt, %jit3A, %sign3A_574 : i32
      %sign3A_576 = arith.extui %sign3A_575 : i1 to i32
      %sign3A_577 = arith.constant 0 : i32
      %sign3A_578 = arith.cmpi slt, %jit3A, %sign3A_577 : i32
      %sign3A_579 = arith.extui %sign3A_578 : i1 to i32
      %sign3A_580 = arith.subi %sign3A_576, %sign3A_579 : i32
      %ne3A = arith.cmpi ne, %sign3A_573, %sign3A_580 : i32
      %rem3A = arith.remsi %scan3A_566, %jit3A : i32
      %ne3A_581 = arith.constant 0 : i32
      %ne3A_582 = arith.cmpi ne, %rem3A, %ne3A_581 : i32
      %and3A = arith.andi %ne3A, %ne3A_582 : i1
      %sub3A = arith.constant 1 : i32
      %sub3A_583 = arith.subi %div3A, %sub3A : i32
      %select_n3A = arith.select %and3A, %sub3A_583, %div3A : i32
      %jit3A_584 = arith.constant 8 : i32
      %eq3A = arith.constant 0 : i32
      %eq3A_585 = arith.cmpi eq, %jit3A_584, %eq3A : i32
      %jit3A_586 = arith.constant 1 : i32
      %select_n3A_587 = arith.select %eq3A_585, %jit3A_586, %jit3A_584 : i32
      %rem3A_588 = arith.remsi %scan3A_566, %select_n3A_587 : i32
      %ne3A_589 = arith.constant 0 : i32
      %ne3A_590 = arith.cmpi ne, %rem3A_588, %ne3A_589 : i32
      %lt3A = arith.constant 0 : i32
      %lt3A_591 = arith.cmpi slt, %rem3A_588, %lt3A : i32
      %lt3A_592 = arith.constant 0 : i32
      %lt3A_593 = arith.cmpi slt, %select_n3A_587, %lt3A_592 : i32
      %ne3A_594 = arith.xori %lt3A_591, %lt3A_593 : i1
      %and3A_595 = arith.andi %ne3A_594, %ne3A_590 : i1
      %add3A_596 = arith.addi %rem3A_588, %select_n3A_587 : i32
      %select_n3A_597 = arith.select %and3A_595, %add3A_596, %rem3A_588 : i32
      %mul3A_598 = arith.constant 16 : i32
      %mul3A_599 = arith.muli %select_n3A_597, %mul3A_598 : i32
      %swap3A = arith.index_cast %select_n3A : i32 to index
      %swap3A_600 = arith.index_cast %mul3A_599 : i32 to index
      %swap3A_601 = tpu.vector_load %arg12[%swap3A, %swap3A_600] {strides = array<i32>} : memref<80x128xf32, #tpu.memory_space<vmem>>, vector<1x16xf32>,
      %swap3A_602 = vector.shape_cast %swap3A_601 : vector<1x16xf32> to vector<16xf32>
      %swap3A_603 = vector.shape_cast %broadcast_in_dim3A_1 : vector<16xf32> to vector<1x16xf32>
      tpu.vector_store %arg12[%swap3A, %swap3A_600], %swap3A_603 {strides = array<i32>} : memref<80x128xf32, #tpu.memory_space<vmem>>, vector<1x16xf32>,
      %scan3A_604 = arith.constant 0 : i32
      scf.yield %scan3A_604 : i32
    }
    %scan3A_33 = arith.constant 640 : i32
    %mul3A_34 = arith.constant 640 : i32
    %mul3A_35 = arith.muli %arg1, %mul3A_34 : i32
    %add3A_36 = arith.constant 0 : i32
    %add3A_37 = arith.addi %mul3A_35, %add3A_36 : i32
    %dma_start3A_38 = arith.constant 0 : i32
    %dma_start3A_39 = tpu.memref_slice %arg13[%add3A_37, %dma_start3A_38] : memref<10240x128xf32, #tpu.memory_space<vmem_shared>> -> memref<80x128xf32, #tpu.memory_space<vmem_shared>>
    %dma_start3A_40 = arith.constant 0 : i32
    %dma_start3A_41 = tpu.memref_slice %arg13[%add3A_37, %dma_start3A_40] : memref<10240x128xf32, #tpu.memory_space<vmem_shared>> -> memref<80x128xf32, #tpu.memory_space<vmem_shared>>
    tpu.enqueue_dma source(%arg12 : memref<80x128xf32, #tpu.memory_space<vmem>>) target(%dma_start3A_41 : memref<80x128xf32, #tpu.memory_space<vmem_shared>>) target_semaphore(%arg25 : memref<!tpu.dma_semaphore, #tpu.memory_space<semaphore_mem>>)
    %mul3A_42 = arith.constant 640 : i32
    %mul3A_43 = arith.muli %arg1, %mul3A_42 : i32
    %add3A_44 = arith.constant 80 : i32
    %add3A_45 = arith.addi %mul3A_43, %add3A_44 : i32
    %dma_start3A_46 = arith.constant 0 : i32
    %dma_start3A_47 = tpu.memref_slice %arg13[%add3A_45, %dma_start3A_46] : memref<10240x128xf32, #tpu.memory_space<vmem_shared>> -> memref<80x128xf32, #tpu.memory_space<vmem_shared>>
    %dma_start3A_48 = arith.constant 0 : i32
    %dma_start3A_49 = tpu.memref_slice %arg13[%add3A_45, %dma_start3A_48] : memref<10240x128xf32, #tpu.memory_space<vmem_shared>> -> memref<80x128xf32, #tpu.memory_space<vmem_shared>>
    tpu.enqueue_dma source(%arg12 : memref<80x128xf32, #tpu.memory_space<vmem>>) target(%dma_start3A_49 : memref<80x128xf32, #tpu.memory_space<vmem_shared>>) target_semaphore(%arg25 : memref<!tpu.dma_semaphore, #tpu.memory_space<semaphore_mem>>)
    %mul3A_50 = arith.constant 640 : i32
    %mul3A_51 = arith.muli %arg1, %mul3A_50 : i32
    %add3A_52 = arith.constant 160 : i32
    %add3A_53 = arith.addi %mul3A_51, %add3A_52 : i32
    %dma_start3A_54 = arith.constant 0 : i32
    %dma_start3A_55 = tpu.memref_slice %arg13[%add3A_53, %dma_start3A_54] : memref<10240x128xf32, #tpu.memory_space<vmem_shared>> -> memref<80x128xf32, #tpu.memory_space<vmem_shared>>
    %dma_start3A_56 = arith.constant 0 : i32
    %dma_start3A_57 = tpu.memref_slice %arg13[%add3A_53, %dma_start3A_56] : memref<10240x128xf32, #tpu.memory_space<vmem_shared>> -> memref<80x128xf32, #tpu.memory_space<vmem_shared>>
    tpu.enqueue_dma source(%arg12 : memref<80x128xf32, #tpu.memory_space<vmem>>) target(%dma_start3A_57 : memref<80x128xf32, #tpu.memory_space<vmem_shared>>) target_semaphore(%arg25 : memref<!tpu.dma_semaphore, #tpu.memory_space<semaphore_mem>>)
    %mul3A_58 = arith.constant 640 : i32
    %mul3A_59 = arith.muli %arg1, %mul3A_58 : i32
    %add3A_60 = arith.constant 240 : i32
    %add3A_61 = arith.addi %mul3A_59, %add3A_60 : i32
    %dma_start3A_62 = arith.constant 0 : i32
    %dma_start3A_63 = tpu.memref_slice %arg13[%add3A_61, %dma_start3A_62] : memref<10240x128xf32, #tpu.memory_space<vmem_shared>> -> memref<80x128xf32, #tpu.memory_space<vmem_shared>>
    %dma_start3A_64 = arith.constant 0 : i32
    %dma_start3A_65 = tpu.memref_slice %arg13[%add3A_61, %dma_start3A_64] : memref<10240x128xf32, #tpu.memory_space<vmem_shared>> -> memref<80x128xf32, #tpu.memory_space<vmem_shared>>
    tpu.enqueue_dma source(%arg12 : memref<80x128xf32, #tpu.memory_space<vmem>>) target(%dma_start3A_65 : memref<80x128xf32, #tpu.memory_space<vmem_shared>>) target_semaphore(%arg25 : memref<!tpu.dma_semaphore, #tpu.memory_space<semaphore_mem>>)
    %mul3A_66 = arith.constant 640 : i32
    %mul3A_67 = arith.muli %arg1, %mul3A_66 : i32
    %add3A_68 = arith.constant 320 : i32
    %add3A_69 = arith.addi %mul3A_67, %add3A_68 : i32
    %dma_start3A_70 = arith.constant 0 : i32
    %dma_start3A_71 = tpu.memref_slice %arg13[%add3A_69, %dma_start3A_70] : memref<10240x128xf32, #tpu.memory_space<vmem_shared>> -> memref<80x128xf32, #tpu.memory_space<vmem_shared>>
    %dma_start3A_72 = arith.constant 0 : i32
    %dma_start3A_73 = tpu.memref_slice %arg13[%add3A_69, %dma_start3A_72] : memref<10240x128xf32, #tpu.memory_space<vmem_shared>> -> memref<80x128xf32, #tpu.memory_space<vmem_shared>>
    tpu.enqueue_dma source(%arg12 : memref<80x128xf32, #tpu.memory_space<vmem>>) target(%dma_start3A_73 : memref<80x128xf32, #tpu.memory_space<vmem_shared>>) target_semaphore(%arg25 : memref<!tpu.dma_semaphore, #tpu.memory_space<semaphore_mem>>)
    %mul3A_74 = arith.constant 640 : i32
    %mul3A_75 = arith.muli %arg1, %mul3A_74 : i32
    %add3A_76 = arith.constant 400 : i32
    %add3A_77 = arith.addi %mul3A_75, %add3A_76 : i32
    %dma_start3A_78 = arith.constant 0 : i32
    %dma_start3A_79 = tpu.memref_slice %arg13[%add3A_77, %dma_start3A_78] : memref<10240x128xf32, #tpu.memory_space<vmem_shared>> -> memref<80x128xf32, #tpu.memory_space<vmem_shared>>
    %dma_start3A_80 = arith.constant 0 : i32
    %dma_start3A_81 = tpu.memref_slice %arg13[%add3A_77, %dma_start3A_80] : memref<10240x128xf32, #tpu.memory_space<vmem_shared>> -> memref<80x128xf32, #tpu.memory_space<vmem_shared>>
    tpu.enqueue_dma source(%arg12 : memref<80x128xf32, #tpu.memory_space<vmem>>) target(%dma_start3A_81 : memref<80x128xf32, #tpu.memory_space<vmem_shared>>) target_semaphore(%arg25 : memref<!tpu.dma_semaphore, #tpu.memory_space<semaphore_mem>>)
    %mul3A_82 = arith.constant 640 : i32
    %mul3A_83 = arith.muli %arg1, %mul3A_82 : i32
    %add3A_84 = arith.constant 480 : i32
    %add3A_85 = arith.addi %mul3A_83, %add3A_84 : i32
    %dma_start3A_86 = arith.constant 0 : i32
    %dma_start3A_87 = tpu.memref_slice %arg13[%add3A_85, %dma_start3A_86] : memref<10240x128xf32, #tpu.memory_space<vmem_shared>> -> memref<80x128xf32, #tpu.memory_space<vmem_shared>>
    %dma_start3A_88 = arith.constant 0 : i32
    %dma_start3A_89 = tpu.memref_slice %arg13[%add3A_85, %dma_start3A_88] : memref<10240x128xf32, #tpu.memory_space<vmem_shared>> -> memref<80x128xf32, #tpu.memory_space<vmem_shared>>
    tpu.enqueue_dma source(%arg12 : memref<80x128xf32, #tpu.memory_space<vmem>>) target(%dma_start3A_89 : memref<80x128xf32, #tpu.memory_space<vmem_shared>>) target_semaphore(%arg25 : memref<!tpu.dma_semaphore, #tpu.memory_space<semaphore_mem>>)
    %mul3A_90 = arith.constant 640 : i32
    %mul3A_91 = arith.muli %arg1, %mul3A_90 : i32
    %add3A_92 = arith.constant 560 : i32
    %add3A_93 = arith.addi %mul3A_91, %add3A_92 : i32
    %dma_start3A_94 = arith.constant 0 : i32
    %dma_start3A_95 = tpu.memref_slice %arg13[%add3A_93, %dma_start3A_94] : memref<10240x128xf32, #tpu.memory_space<vmem_shared>> -> memref<80x128xf32, #tpu.memory_space<vmem_shared>>
    %dma_start3A_96 = arith.constant 0 : i32
    %dma_start3A_97 = tpu.memref_slice %arg13[%add3A_93, %dma_start3A_96] : memref<10240x128xf32, #tpu.memory_space<vmem_shared>> -> memref<80x128xf32, #tpu.memory_space<vmem_shared>>
    tpu.enqueue_dma source(%arg12 : memref<80x128xf32, #tpu.memory_space<vmem>>) target(%dma_start3A_97 : memref<80x128xf32, #tpu.memory_space<vmem_shared>>) target_semaphore(%arg25 : memref<!tpu.dma_semaphore, #tpu.memory_space<semaphore_mem>>)
    %dma_wait3A = arith.constant 0 : i32
    %dma_wait3A_98 = arith.constant 0 : i32
    %dma_wait3A_99 = arith.constant 0 : i32
    %dma_wait3A_100 = tpu.memref_slice %arg3[%add3A, %dma_wait3A, %dma_wait3A_98, %dma_wait3A_99] : memref<32x125x2x80xi32, #tpu.memory_space<hbm>> -> memref<1x1x2x80xi32, #tpu.memory_space<hbm>>
    %dma_wait3A_101 = tpu.memref_squeeze %dma_wait3A_100 : memref<1x1x2x80xi32, #tpu.memory_space<hbm>> -> memref<2x80xi32, #tpu.memory_space<hbm>>
    %dma_wait3A_102 = arith.constant 0 : i32
    %dma_wait3A_103 = arith.constant 0 : i32
    %dma_wait3A_104 = tpu.memref_slice %arg3[%add3A, %dma_wait3A, %dma_wait3A_102, %dma_wait3A_103] : memref<32x125x2x80xi32, #tpu.memory_space<hbm>> -> memref<1x1x2x80xi32, #tpu.memory_space<hbm>>
    %dma_wait3A_105 = tpu.memref_squeeze %dma_wait3A_104 : memref<1x1x2x80xi32, #tpu.memory_space<hbm>> -> memref<2x80xi32, #tpu.memory_space<hbm>>
    tpu.wait_dma2 semaphore(%arg14 : memref<!tpu.dma_semaphore, #tpu.memory_space<semaphore_mem>>) src(%dma_wait3A_105 : memref<2x80xi32, #tpu.memory_space<hbm>>) dst(%arg5 : memref<2x80xi32, #tpu.memory_space<vmem>>)
    %dma_start3A_106 = arith.constant 0 : i32
    %dma_start3A_107 = arith.constant 0 : i32
    %dma_start3A_108 = tpu.memref_slice %arg5[%dma_start3A_106, %dma_start3A_107] : memref<2x80xi32, #tpu.memory_space<vmem>> -> memref<1x80xi32, #tpu.memory_space<vmem>>
    %dma_start3A_109 = tpu.memref_squeeze %dma_start3A_108 : memref<1x80xi32, #tpu.memory_space<vmem>> -> memref<80xi32, #tpu.memory_space<vmem>>
    %dma_start3A_110 = arith.constant 0 : i32
    %dma_start3A_111 = arith.constant 0 : i32
    %dma_start3A_112 = tpu.memref_slice %arg2[%dma_start3A_110, %dma_start3A_111] : memref<10000x128xf32, #tpu.memory_space<hbm>> -> memref<10000x128xf32, #tpu.memory_space<hbm>>
    tpu.enqueue_indirect_dma source(%dma_start3A_112 : memref<10000x128xf32, #tpu.memory_space<hbm>>) target(%arg9 : memref<80x128xf32, #tpu.memory_space<vmem>>) offsets(%dma_start3A_109 : memref<80xi32, #tpu.memory_space<vmem>>) semaphore(%arg18 : memref<!tpu.dma_semaphore, #tpu.memory_space<semaphore_mem>>)
    %dma_wait3A_113 = arith.constant 1 : i32
    %dma_wait3A_114 = arith.constant 0 : i32
    %dma_wait3A_115 = arith.constant 0 : i32
    %dma_wait3A_116 = tpu.memref_slice %arg3[%add3A, %dma_wait3A_113, %dma_wait3A_114, %dma_wait3A_115] : memref<32x125x2x80xi32, #tpu.memory_space<hbm>> -> memref<1x1x2x80xi32, #tpu.memory_space<hbm>>
    %dma_wait3A_117 = tpu.memref_squeeze %dma_wait3A_116 : memref<1x1x2x80xi32, #tpu.memory_space<hbm>> -> memref<2x80xi32, #tpu.memory_space<hbm>>
    %dma_wait3A_118 = arith.constant 0 : i32
    %dma_wait3A_119 = arith.constant 0 : i32
    %dma_wait3A_120 = tpu.memref_slice %arg3[%add3A, %dma_wait3A_113, %dma_wait3A_118, %dma_wait3A_119] : memref<32x125x2x80xi32, #tpu.memory_space<hbm>> -> memref<1x1x2x80xi32, #tpu.memory_space<hbm>>
    %dma_wait3A_121 = tpu.memref_squeeze %dma_wait3A_120 : memref<1x1x2x80xi32, #tpu.memory_space<hbm>> -> memref<2x80xi32, #tpu.memory_space<hbm>>
    tpu.wait_dma2 semaphore(%arg15 : memref<!tpu.dma_semaphore, #tpu.memory_space<semaphore_mem>>) src(%dma_wait3A_121 : memref<2x80xi32, #tpu.memory_space<hbm>>) dst(%arg6 : memref<2x80xi32, #tpu.memory_space<vmem>>)
    %dma_start3A_122 = arith.constant 0 : i32
    %dma_start3A_123 = arith.constant 0 : i32
    %dma_start3A_124 = tpu.memref_slice %arg6[%dma_start3A_122, %dma_start3A_123] : memref<2x80xi32, #tpu.memory_space<vmem>> -> memref<1x80xi32, #tpu.memory_space<vmem>>
    %dma_start3A_125 = tpu.memref_squeeze %dma_start3A_124 : memref<1x80xi32, #tpu.memory_space<vmem>> -> memref<80xi32, #tpu.memory_space<vmem>>
    %dma_start3A_126 = arith.constant 0 : i32
    %dma_start3A_127 = arith.constant 0 : i32
    %dma_start3A_128 = tpu.memref_slice %arg2[%dma_start3A_126, %dma_start3A_127] : memref<10000x128xf32, #tpu.memory_space<hbm>> -> memref<10000x128xf32, #tpu.memory_space<hbm>>
    tpu.enqueue_indirect_dma source(%dma_start3A_128 : memref<10000x128xf32, #tpu.memory_space<hbm>>) target(%arg10 : memref<80x128xf32, #tpu.memory_space<vmem>>) offsets(%dma_start3A_125 : memref<80xi32, #tpu.memory_space<vmem>>) semaphore(%arg19 : memref<!tpu.dma_semaphore, #tpu.memory_space<semaphore_mem>>)
    %mul3A_129 = arith.constant 640 : i32
    %mul3A_130 = arith.muli %arg1, %mul3A_129 : i32
    %add3A_131 = arith.constant 0 : i32
    %add3A_132 = arith.addi %mul3A_130, %add3A_131 : i32
    %dma_wait3A_133 = arith.constant 0 : i32
    %dma_wait3A_134 = tpu.memref_slice %arg13[%add3A_132, %dma_wait3A_133] : memref<10240x128xf32, #tpu.memory_space<vmem_shared>> -> memref<80x128xf32, #tpu.memory_space<vmem_shared>>
    %dma_wait3A_135 = arith.constant 0 : i32
    %dma_wait3A_136 = tpu.memref_slice %arg13[%add3A_132, %dma_wait3A_135] : memref<10240x128xf32, #tpu.memory_space<vmem_shared>> -> memref<80x128xf32, #tpu.memory_space<vmem_shared>>
    tpu.wait_dma2 semaphore(%arg25 : memref<!tpu.dma_semaphore, #tpu.memory_space<semaphore_mem>>) src(%arg12 : memref<80x128xf32, #tpu.memory_space<vmem>>) dst(%dma_wait3A_136 : memref<80x128xf32, #tpu.memory_space<vmem_shared>>)
    %mul3A_137 = arith.constant 640 : i32
    %mul3A_138 = arith.muli %arg1, %mul3A_137 : i32
    %add3A_139 = arith.constant 80 : i32
    %add3A_140 = arith.addi %mul3A_138, %add3A_139 : i32
    %dma_wait3A_141 = arith.constant 0 : i32
    %dma_wait3A_142 = tpu.memref_slice %arg13[%add3A_140, %dma_wait3A_141] : memref<10240x128xf32, #tpu.memory_space<vmem_shared>> -> memref<80x128xf32, #tpu.memory_space<vmem_shared>>
    %dma_wait3A_143 = arith.constant 0 : i32
    %dma_wait3A_144 = tpu.memref_slice %arg13[%add3A_140, %dma_wait3A_143] : memref<10240x128xf32, #tpu.memory_space<vmem_shared>> -> memref<80x128xf32, #tpu.memory_space<vmem_shared>>
    tpu.wait_dma2 semaphore(%arg25 : memref<!tpu.dma_semaphore, #tpu.memory_space<semaphore_mem>>) src(%arg12 : memref<80x128xf32, #tpu.memory_space<vmem>>) dst(%dma_wait3A_144 : memref<80x128xf32, #tpu.memory_space<vmem_shared>>)
    %mul3A_145 = arith.constant 640 : i32
    %mul3A_146 = arith.muli %arg1, %mul3A_145 : i32
    %add3A_147 = arith.constant 160 : i32
    %add3A_148 = arith.addi %mul3A_146, %add3A_147 : i32
    %dma_wait3A_149 = arith.constant 0 : i32
    %dma_wait3A_150 = tpu.memref_slice %arg13[%add3A_148, %dma_wait3A_149] : memref<10240x128xf32, #tpu.memory_space<vmem_shared>> -> memref<80x128xf32, #tpu.memory_space<vmem_shared>>
    %dma_wait3A_151 = arith.constant 0 : i32
    %dma_wait3A_152 = tpu.memref_slice %arg13[%add3A_148, %dma_wait3A_151] : memref<10240x128xf32, #tpu.memory_space<vmem_shared>> -> memref<80x128xf32, #tpu.memory_space<vmem_shared>>
    tpu.wait_dma2 semaphore(%arg25 : memref<!tpu.dma_semaphore, #tpu.memory_space<semaphore_mem>>) src(%arg12 : memref<80x128xf32, #tpu.memory_space<vmem>>) dst(%dma_wait3A_152 : memref<80x128xf32, #tpu.memory_space<vmem_shared>>)
    %mul3A_153 = arith.constant 640 : i32
    %mul3A_154 = arith.muli %arg1, %mul3A_153 : i32
    %add3A_155 = arith.constant 240 : i32
    %add3A_156 = arith.addi %mul3A_154, %add3A_155 : i32
    %dma_wait3A_157 = arith.constant 0 : i32
    %dma_wait3A_158 = tpu.memref_slice %arg13[%add3A_156, %dma_wait3A_157] : memref<10240x128xf32, #tpu.memory_space<vmem_shared>> -> memref<80x128xf32, #tpu.memory_space<vmem_shared>>
    %dma_wait3A_159 = arith.constant 0 : i32
    %dma_wait3A_160 = tpu.memref_slice %arg13[%add3A_156, %dma_wait3A_159] : memref<10240x128xf32, #tpu.memory_space<vmem_shared>> -> memref<80x128xf32, #tpu.memory_space<vmem_shared>>
    tpu.wait_dma2 semaphore(%arg25 : memref<!tpu.dma_semaphore, #tpu.memory_space<semaphore_mem>>) src(%arg12 : memref<80x128xf32, #tpu.memory_space<vmem>>) dst(%dma_wait3A_160 : memref<80x128xf32, #tpu.memory_space<vmem_shared>>)
    %mul3A_161 = arith.constant 640 : i32
    %mul3A_162 = arith.muli %arg1, %mul3A_161 : i32
    %add3A_163 = arith.constant 320 : i32
    %add3A_164 = arith.addi %mul3A_162, %add3A_163 : i32
    %dma_wait3A_165 = arith.constant 0 : i32
    %dma_wait3A_166 = tpu.memref_slice %arg13[%add3A_164, %dma_wait3A_165] : memref<10240x128xf32, #tpu.memory_space<vmem_shared>> -> memref<80x128xf32, #tpu.memory_space<vmem_shared>>
    %dma_wait3A_167 = arith.constant 0 : i32
    %dma_wait3A_168 = tpu.memref_slice %arg13[%add3A_164, %dma_wait3A_167] : memref<10240x128xf32, #tpu.memory_space<vmem_shared>> -> memref<80x128xf32, #tpu.memory_space<vmem_shared>>
    tpu.wait_dma2 semaphore(%arg25 : memref<!tpu.dma_semaphore, #tpu.memory_space<semaphore_mem>>) src(%arg12 : memref<80x128xf32, #tpu.memory_space<vmem>>) dst(%dma_wait3A_168 : memref<80x128xf32, #tpu.memory_space<vmem_shared>>)
    %mul3A_169 = arith.constant 640 : i32
    %mul3A_170 = arith.muli %arg1, %mul3A_169 : i32
    %add3A_171 = arith.constant 400 : i32
    %add3A_172 = arith.addi %mul3A_170, %add3A_171 : i32
    %dma_wait3A_173 = arith.constant 0 : i32
    %dma_wait3A_174 = tpu.memref_slice %arg13[%add3A_172, %dma_wait3A_173] : memref<10240x128xf32, #tpu.memory_space<vmem_shared>> -> memref<80x128xf32, #tpu.memory_space<vmem_shared>>
    %dma_wait3A_175 = arith.constant 0 : i32
    %dma_wait3A_176 = tpu.memref_slice %arg13[%add3A_172, %dma_wait3A_175] : memref<10240x128xf32, #tpu.memory_space<vmem_shared>> -> memref<80x128xf32, #tpu.memory_space<vmem_shared>>
    tpu.wait_dma2 semaphore(%arg25 : memref<!tpu.dma_semaphore, #tpu.memory_space<semaphore_mem>>) src(%arg12 : memref<80x128xf32, #tpu.memory_space<vmem>>) dst(%dma_wait3A_176 : memref<80x128xf32, #tpu.memory_space<vmem_shared>>)
    %mul3A_177 = arith.constant 640 : i32
    %mul3A_178 = arith.muli %arg1, %mul3A_177 : i32
    %add3A_179 = arith.constant 480 : i32
    %add3A_180 = arith.addi %mul3A_178, %add3A_179 : i32
    %dma_wait3A_181 = arith.constant 0 : i32
    %dma_wait3A_182 = tpu.memref_slice %arg13[%add3A_180, %dma_wait3A_181] : memref<10240x128xf32, #tpu.memory_space<vmem_shared>> -> memref<80x128xf32, #tpu.memory_space<vmem_shared>>
    %dma_wait3A_183 = arith.constant 0 : i32
    %dma_wait3A_184 = tpu.memref_slice %arg13[%add3A_180, %dma_wait3A_183] : memref<10240x128xf32, #tpu.memory_space<vmem_shared>> -> memref<80x128xf32, #tpu.memory_space<vmem_shared>>
    tpu.wait_dma2 semaphore(%arg25 : memref<!tpu.dma_semaphore, #tpu.memory_space<semaphore_mem>>) src(%arg12 : memref<80x128xf32, #tpu.memory_space<vmem>>) dst(%dma_wait3A_184 : memref<80x128xf32, #tpu.memory_space<vmem_shared>>)
    %mul3A_185 = arith.constant 640 : i32
    %mul3A_186 = arith.muli %arg1, %mul3A_185 : i32
    %add3A_187 = arith.constant 560 : i32
    %add3A_188 = arith.addi %mul3A_186, %add3A_187 : i32
    %dma_wait3A_189 = arith.constant 0 : i32
    %dma_wait3A_190 = tpu.memref_slice %arg13[%add3A_188, %dma_wait3A_189] : memref<10240x128xf32, #tpu.memory_space<vmem_shared>> -> memref<80x128xf32, #tpu.memory_space<vmem_shared>>
    %dma_wait3A_191 = arith.constant 0 : i32
    %dma_wait3A_192 = tpu.memref_slice %arg13[%add3A_188, %dma_wait3A_191] : memref<10240x128xf32, #tpu.memory_space<vmem_shared>> -> memref<80x128xf32, #tpu.memory_space<vmem_shared>>
    tpu.wait_dma2 semaphore(%arg25 : memref<!tpu.dma_semaphore, #tpu.memory_space<semaphore_mem>>) src(%arg12 : memref<80x128xf32, #tpu.memory_space<vmem>>) dst(%dma_wait3A_192 : memref<80x128xf32, #tpu.memory_space<vmem_shared>>)
    %barrier3A = arith.constant 0 : index
    tpu.barrier barrier_id(%barrier3A)
    %scan3A_193 = arith.constant 0 : i32
    %scan3A_194 = arith.constant 0 : i32
    %scan3A_195 = arith.constant 31 : i32
    %scan3A_196 = arith.addi %scan3A_194, %scan3A_195 : i32
    %scan3A_197 = arith.constant 1 : i32
    %scan3A_198 = scf.for %scan3A_566 = %scan3A_194 to %scan3A_196 step %scan3A_197 iter_args(%scan3A_567 = %scan3A_193) -> (i32)  : i32 {
      %mul3A_568 = arith.constant 4 : i32
      %mul3A_569 = arith.muli %mul3A_568, %scan3A_566 : i32
      %add3A_570 = arith.constant 0 : i32
      %add3A_571 = arith.addi %mul3A_569, %add3A_570 : i32
      %dma_wait3A_572 = arith.constant 0 : i32
      %dma_wait3A_573 = arith.constant 0 : i32
      %dma_wait3A_574 = tpu.memref_slice %arg5[%dma_wait3A_572, %dma_wait3A_573] : memref<2x80xi32, #tpu.memory_space<vmem>> -> memref<1x80xi32, #tpu.memory_space<vmem>>
      %dma_wait3A_575 = tpu.memref_squeeze %dma_wait3A_574 : memref<1x80xi32, #tpu.memory_space<vmem>> -> memref<80xi32, #tpu.memory_space<vmem>>
      %dma_wait3A_576 = arith.constant 0 : i32
      %dma_wait3A_577 = arith.constant 0 : i32
      %dma_wait3A_578 = tpu.memref_slice %arg2[%dma_wait3A_576, %dma_wait3A_577] : memref<10000x128xf32, #tpu.memory_space<hbm>> -> memref<10000x128xf32, #tpu.memory_space<hbm>>
      tpu.wait_indirect_dma semaphore(%arg18 : memref<!tpu.dma_semaphore, #tpu.memory_space<semaphore_mem>>) src(%dma_wait3A_578 : memref<10000x128xf32, #tpu.memory_space<hbm>>) dst(%arg9 : memref<80x128xf32, #tpu.memory_space<vmem>>)
      %dma_start3A_579 = arith.constant 1 : i32
      %dma_start3A_580 = arith.constant 0 : i32
      %dma_start3A_581 = tpu.memref_slice %arg5[%dma_start3A_579, %dma_start3A_580] : memref<2x80xi32, #tpu.memory_space<vmem>> -> memref<1x80xi32, #tpu.memory_space<vmem>>
      %dma_start3A_582 = tpu.memref_squeeze %dma_start3A_581 : memref<1x80xi32, #tpu.memory_space<vmem>> -> memref<80xi32, #tpu.memory_space<vmem>>
      %dma_start3A_583 = arith.constant 0 : i32
      %dma_start3A_584 = arith.constant 0 : i32
      %dma_start3A_585 = tpu.memref_slice %arg13[%dma_start3A_583, %dma_start3A_584] : memref<10240x128xf32, #tpu.memory_space<vmem_shared>> -> memref<10240x128xf32, #tpu.memory_space<vmem_shared>>
      tpu.enqueue_indirect_dma source(%arg9 : memref<80x128xf32, #tpu.memory_space<vmem>>) target(%dma_start3A_585 : memref<10240x128xf32, #tpu.memory_space<vmem_shared>>) offsets(%dma_start3A_582 : memref<80xi32, #tpu.memory_space<vmem>>) semaphore(%arg22 : memref<!tpu.dma_semaphore, #tpu.memory_space<semaphore_mem>>) {add = true}
      %gt3A = arith.constant 0 : i32
      %gt3A_586 = arith.cmpi sgt, %add3A_571, %gt3A : i32
      %convert_element_type3A = arith.extui %gt3A_586 : i1 to i32
      %cond3A = arith.constant 0 : i32
      %cond3A_587 = arith.cmpi ne, %convert_element_type3A, %cond3A : i32
      scf.if %cond3A_587 {
        %dma_wait3A_776 = arith.constant 1 : i32
        %dma_wait3A_777 = arith.constant 0 : i32
        %dma_wait3A_778 = tpu.memref_slice %arg8[%dma_wait3A_776, %dma_wait3A_777] : memref<2x80xi32, #tpu.memory_space<vmem>> -> memref<1x80xi32, #tpu.memory_space<vmem>>
        %dma_wait3A_779 = tpu.memref_squeeze %dma_wait3A_778 : memref<1x80xi32, #tpu.memory_space<vmem>> -> memref<80xi32, #tpu.memory_space<vmem>>
        %dma_wait3A_780 = arith.constant 0 : i32
        %dma_wait3A_781 = arith.constant 0 : i32
        %dma_wait3A_782 = tpu.memref_slice %arg13[%dma_wait3A_780, %dma_wait3A_781] : memref<10240x128xf32, #tpu.memory_space<vmem_shared>> -> memref<10240x128xf32, #tpu.memory_space<vmem_shared>>
        tpu.wait_indirect_dma semaphore(%arg25 : memref<!tpu.dma_semaphore, #tpu.memory_space<semaphore_mem>>) src(%arg12 : memref<80x128xf32, #tpu.memory_space<vmem>>) dst(%dma_wait3A_782 : memref<10240x128xf32, #tpu.memory_space<vmem_shared>>)
      } else {
      }
      %add3A_588 = arith.constant 3 : i32
      %add3A_589 = arith.addi %add3A_571, %add3A_588 : i32
      %min3A_590 = arith.constant 124 : i32
      %min3A_591 = arith.minsi %add3A_589, %min3A_590 : i32
      %dma_start3A_592 = arith.constant 0 : i32
      %dma_start3A_593 = arith.constant 0 : i32
      %dma_start3A_594 = tpu.memref_slice %arg3[%add3A, %min3A_591, %dma_start3A_592, %dma_start3A_593] : memref<32x125x2x80xi32, #tpu.memory_space<hbm>> -> memref<1x1x2x80xi32, #tpu.memory_space<hbm>>
      %dma_start3A_595 = tpu.memref_squeeze %dma_start3A_594 : memref<1x1x2x80xi32, #tpu.memory_space<hbm>> -> memref<2x80xi32, #tpu.memory_space<hbm>>
      %dma_start3A_596 = arith.constant 0 : i32
      %dma_start3A_597 = arith.constant 0 : i32
      %dma_start3A_598 = tpu.memref_slice %arg3[%add3A, %min3A_591, %dma_start3A_596, %dma_start3A_597] : memref<32x125x2x80xi32, #tpu.memory_space<hbm>> -> memref<1x1x2x80xi32, #tpu.memory_space<hbm>>
      %dma_start3A_599 = tpu.memref_squeeze %dma_start3A_598 : memref<1x1x2x80xi32, #tpu.memory_space<hbm>> -> memref<2x80xi32, #tpu.memory_space<hbm>>
      tpu.enqueue_dma source(%dma_start3A_599 : memref<2x80xi32, #tpu.memory_space<hbm>>) target(%arg8 : memref<2x80xi32, #tpu.memory_space<vmem>>) target_semaphore(%arg17 : memref<!tpu.dma_semaphore, #tpu.memory_space<semaphore_mem>>)
      %dma_wait3A_600 = arith.constant 0 : i32
      %dma_wait3A_601 = arith.constant 0 : i32
      %dma_wait3A_602 = arith.constant 0 : i32
      %dma_wait3A_603 = tpu.memref_slice %arg3[%add3A, %dma_wait3A_600, %dma_wait3A_601, %dma_wait3A_602] : memref<32x125x2x80xi32, #tpu.memory_space<hbm>> -> memref<1x1x2x80xi32, #tpu.memory_space<hbm>>
      %dma_wait3A_604 = tpu.memref_squeeze %dma_wait3A_603 : memref<1x1x2x80xi32, #tpu.memory_space<hbm>> -> memref<2x80xi32, #tpu.memory_space<hbm>>
      %dma_wait3A_605 = arith.constant 0 : i32
      %dma_wait3A_606 = arith.constant 0 : i32
      %dma_wait3A_607 = tpu.memref_slice %arg3[%add3A, %dma_wait3A_600, %dma_wait3A_605, %dma_wait3A_606] : memref<32x125x2x80xi32, #tpu.memory_space<hbm>> -> memref<1x1x2x80xi32, #tpu.memory_space<hbm>>
      %dma_wait3A_608 = tpu.memref_squeeze %dma_wait3A_607 : memref<1x1x2x80xi32, #tpu.memory_space<hbm>> -> memref<2x80xi32, #tpu.memory_space<hbm>>
      tpu.wait_dma2 semaphore(%arg16 : memref<!tpu.dma_semaphore, #tpu.memory_space<semaphore_mem>>) src(%dma_wait3A_608 : memref<2x80xi32, #tpu.memory_space<hbm>>) dst(%arg7 : memref<2x80xi32, #tpu.memory_space<vmem>>)
      %dma_start3A_609 = arith.constant 0 : i32
      %dma_start3A_610 = arith.constant 0 : i32
      %dma_start3A_611 = tpu.memref_slice %arg7[%dma_start3A_609, %dma_start3A_610] : memref<2x80xi32, #tpu.memory_space<vmem>> -> memref<1x80xi32, #tpu.memory_space<vmem>>
      %dma_start3A_612 = tpu.memref_squeeze %dma_start3A_611 : memref<1x80xi32, #tpu.memory_space<vmem>> -> memref<80xi32, #tpu.memory_space<vmem>>
      %dma_start3A_613 = arith.constant 0 : i32
      %dma_start3A_614 = arith.constant 0 : i32
      %dma_start3A_615 = tpu.memref_slice %arg2[%dma_start3A_613, %dma_start3A_614] : memref<10000x128xf32, #tpu.memory_space<hbm>> -> memref<10000x128xf32, #tpu.memory_space<hbm>>
      tpu.enqueue_indirect_dma source(%dma_start3A_615 : memref<10000x128xf32, #tpu.memory_space<hbm>>) target(%arg11 : memref<80x128xf32, #tpu.memory_space<vmem>>) offsets(%dma_start3A_612 : memref<80xi32, #tpu.memory_space<vmem>>) semaphore(%arg20 : memref<!tpu.dma_semaphore, #tpu.memory_space<semaphore_mem>>)
      %mul3A_616 = arith.constant 4 : i32
      %mul3A_617 = arith.muli %mul3A_616, %scan3A_566 : i32
      %add3A_618 = arith.constant 1 : i32
      %add3A_619 = arith.addi %mul3A_617, %add3A_618 : i32
      %dma_wait3A_620 = arith.constant 0 : i32
      %dma_wait3A_621 = arith.constant 0 : i32
      %dma_wait3A_622 = tpu.memref_slice %arg6[%dma_wait3A_620, %dma_wait3A_621] : memref<2x80xi32, #tpu.memory_space<vmem>> -> memref<1x80xi32, #tpu.memory_space<vmem>>
      %dma_wait3A_623 = tpu.memref_squeeze %dma_wait3A_622 : memref<1x80xi32, #tpu.memory_space<vmem>> -> memref<80xi32, #tpu.memory_space<vmem>>
      %dma_wait3A_624 = arith.constant 0 : i32
      %dma_wait3A_625 = arith.constant 0 : i32
      %dma_wait3A_626 = tpu.memref_slice %arg2[%dma_wait3A_624, %dma_wait3A_625] : memref<10000x128xf32, #tpu.memory_space<hbm>> -> memref<10000x128xf32, #tpu.memory_space<hbm>>
      tpu.wait_indirect_dma semaphore(%arg19 : memref<!tpu.dma_semaphore, #tpu.memory_space<semaphore_mem>>) src(%dma_wait3A_626 : memref<10000x128xf32, #tpu.memory_space<hbm>>) dst(%arg10 : memref<80x128xf32, #tpu.memory_space<vmem>>)
      %dma_start3A_627 = arith.constant 1 : i32
      %dma_start3A_628 = arith.constant 0 : i32
      %dma_start3A_629 = tpu.memref_slice %arg6[%dma_start3A_627, %dma_start3A_628] : memref<2x80xi32, #tpu.memory_space<vmem>> -> memref<1x80xi32, #tpu.memory_space<vmem>>
      %dma_start3A_630 = tpu.memref_squeeze %dma_start3A_629 : memref<1x80xi32, #tpu.memory_space<vmem>> -> memref<80xi32, #tpu.memory_space<vmem>>
      %dma_start3A_631 = arith.constant 0 : i32
      %dma_start3A_632 = arith.constant 0 : i32
      %dma_start3A_633 = tpu.memref_slice %arg13[%dma_start3A_631, %dma_start3A_632] : memref<10240x128xf32, #tpu.memory_space<vmem_shared>> -> memref<10240x128xf32, #tpu.memory_space<vmem_shared>>
      tpu.enqueue_indirect_dma source(%arg10 : memref<80x128xf32, #tpu.memory_space<vmem>>) target(%dma_start3A_633 : memref<10240x128xf32, #tpu.memory_space<vmem_shared>>) offsets(%dma_start3A_630 : memref<80xi32, #tpu.memory_space<vmem>>) semaphore(%arg23 : memref<!tpu.dma_semaphore, #tpu.memory_space<semaphore_mem>>) {add = true}
      %dma_wait3A_634 = arith.constant 1 : i32
      %dma_wait3A_635 = arith.constant 0 : i32
      %dma_wait3A_636 = tpu.memref_slice %arg5[%dma_wait3A_634, %dma_wait3A_635] : memref<2x80xi32, #tpu.memory_space<vmem>> -> memref<1x80xi32, #tpu.memory_space<vmem>>
      %dma_wait3A_637 = tpu.memref_squeeze %dma_wait3A_636 : memref<1x80xi32, #tpu.memory_space<vmem>> -> memref<80xi32, #tpu.memory_space<vmem>>
      %dma_wait3A_638 = arith.constant 0 : i32
      %dma_wait3A_639 = arith.constant 0 : i32
      %dma_wait3A_640 = tpu.memref_slice %arg13[%dma_wait3A_638, %dma_wait3A_639] : memref<10240x128xf32, #tpu.memory_space<vmem_shared>> -> memref<10240x128xf32, #tpu.memory_space<vmem_shared>>
      tpu.wait_indirect_dma semaphore(%arg22 : memref<!tpu.dma_semaphore, #tpu.memory_space<semaphore_mem>>) src(%arg9 : memref<80x128xf32, #tpu.memory_space<vmem>>) dst(%dma_wait3A_640 : memref<10240x128xf32, #tpu.memory_space<vmem_shared>>)
      %add3A_641 = arith.constant 3 : i32
      %add3A_642 = arith.addi %add3A_619, %add3A_641 : i32
      %min3A_643 = arith.constant 124 : i32
      %min3A_644 = arith.minsi %add3A_642, %min3A_643 : i32
      %dma_start3A_645 = arith.constant 0 : i32
      %dma_start3A_646 = arith.constant 0 : i32
      %dma_start3A_647 = tpu.memref_slice %arg3[%add3A, %min3A_644, %dma_start3A_645, %dma_start3A_646] : memref<32x125x2x80xi32, #tpu.memory_space<hbm>> -> memref<1x1x2x80xi32, #tpu.memory_space<hbm>>
      %dma_start3A_648 = tpu.memref_squeeze %dma_start3A_647 : memref<1x1x2x80xi32, #tpu.memory_space<hbm>> -> memref<2x80xi32, #tpu.memory_space<hbm>>
      %dma_start3A_649 = arith.constant 0 : i32
      %dma_start3A_650 = arith.constant 0 : i32
      %dma_start3A_651 = tpu.memref_slice %arg3[%add3A, %min3A_644, %dma_start3A_649, %dma_start3A_650] : memref<32x125x2x80xi32, #tpu.memory_space<hbm>> -> memref<1x1x2x80xi32, #tpu.memory_space<hbm>>
      %dma_start3A_652 = tpu.memref_squeeze %dma_start3A_651 : memref<1x1x2x80xi32, #tpu.memory_space<hbm>> -> memref<2x80xi32, #tpu.memory_space<hbm>>
      tpu.enqueue_dma source(%dma_start3A_652 : memref<2x80xi32, #tpu.memory_space<hbm>>) target(%arg5 : memref<2x80xi32, #tpu.memory_space<vmem>>) target_semaphore(%arg14 : memref<!tpu.dma_semaphore, #tpu.memory_space<semaphore_mem>>)
      %dma_wait3A_653 = arith.constant 0 : i32
      %dma_wait3A_654 = arith.constant 0 : i32
      %dma_wait3A_655 = arith.constant 0 : i32
      %dma_wait3A_656 = tpu.memref_slice %arg3[%add3A, %dma_wait3A_653, %dma_wait3A_654, %dma_wait3A_655] : memref<32x125x2x80xi32, #tpu.memory_space<hbm>> -> memref<1x1x2x80xi32, #tpu.memory_space<hbm>>
      %dma_wait3A_657 = tpu.memref_squeeze %dma_wait3A_656 : memref<1x1x2x80xi32, #tpu.memory_space<hbm>> -> memref<2x80xi32, #tpu.memory_space<hbm>>
      %dma_wait3A_658 = arith.constant 0 : i32
      %dma_wait3A_659 = arith.constant 0 : i32
      %dma_wait3A_660 = tpu.memref_slice %arg3[%add3A, %dma_wait3A_653, %dma_wait3A_658, %dma_wait3A_659] : memref<32x125x2x80xi32, #tpu.memory_space<hbm>> -> memref<1x1x2x80xi32, #tpu.memory_space<hbm>>
      %dma_wait3A_661 = tpu.memref_squeeze %dma_wait3A_660 : memref<1x1x2x80xi32, #tpu.memory_space<hbm>> -> memref<2x80xi32, #tpu.memory_space<hbm>>
      tpu.wait_dma2 semaphore(%arg17 : memref<!tpu.dma_semaphore, #tpu.memory_space<semaphore_mem>>) src(%dma_wait3A_661 : memref<2x80xi32, #tpu.memory_space<hbm>>) dst(%arg8 : memref<2x80xi32, #tpu.memory_space<vmem>>)
      %dma_start3A_662 = arith.constant 0 : i32
      %dma_start3A_663 = arith.constant 0 : i32
      %dma_start3A_664 = tpu.memref_slice %arg8[%dma_start3A_662, %dma_start3A_663] : memref<2x80xi32, #tpu.memory_space<vmem>> -> memref<1x80xi32, #tpu.memory_space<vmem>>
      %dma_start3A_665 = tpu.memref_squeeze %dma_start3A_664 : memref<1x80xi32, #tpu.memory_space<vmem>> -> memref<80xi32, #tpu.memory_space<vmem>>
      %dma_start3A_666 = arith.constant 0 : i32
      %dma_start3A_667 = arith.constant 0 : i32
      %dma_start3A_668 = tpu.memref_slice %arg2[%dma_start3A_666, %dma_start3A_667] : memref<10000x128xf32, #tpu.memory_space<hbm>> -> memref<10000x128xf32, #tpu.memory_space<hbm>>
      tpu.enqueue_indirect_dma source(%dma_start3A_668 : memref<10000x128xf32, #tpu.memory_space<hbm>>) target(%arg12 : memref<80x128xf32, #tpu.memory_space<vmem>>) offsets(%dma_start3A_665 : memref<80xi32, #tpu.memory_space<vmem>>) semaphore(%arg21 : memref<!tpu.dma_semaphore, #tpu.memory_space<semaphore_mem>>)
      %mul3A_669 = arith.constant 4 : i32
      %mul3A_670 = arith.muli %mul3A_669, %scan3A_566 : i32
      %add3A_671 = arith.constant 2 : i32
      %add3A_672 = arith.addi %mul3A_670, %add3A_671 : i32
      %dma_wait3A_673 = arith.constant 0 : i32
      %dma_wait3A_674 = arith.constant 0 : i32
      %dma_wait3A_675 = tpu.memref_slice %arg7[%dma_wait3A_673, %dma_wait3A_674] : memref<2x80xi32, #tpu.memory_space<vmem>> -> memref<1x80xi32, #tpu.memory_space<vmem>>
      %dma_wait3A_676 = tpu.memref_squeeze %dma_wait3A_675 : memref<1x80xi32, #tpu.memory_space<vmem>> -> memref<80xi32, #tpu.memory_space<vmem>>
      %dma_wait3A_677 = arith.constant 0 : i32
      %dma_wait3A_678 = arith.constant 0 : i32
      %dma_wait3A_679 = tpu.memref_slice %arg2[%dma_wait3A_677, %dma_wait3A_678] : memref<10000x128xf32, #tpu.memory_space<hbm>> -> memref<10000x128xf32, #tpu.memory_space<hbm>>
      tpu.wait_indirect_dma semaphore(%arg20 : memref<!tpu.dma_semaphore, #tpu.memory_space<semaphore_mem>>) src(%dma_wait3A_679 : memref<10000x128xf32, #tpu.memory_space<hbm>>) dst(%arg11 : memref<80x128xf32, #tpu.memory_space<vmem>>)
      %dma_start3A_680 = arith.constant 1 : i32
      %dma_start3A_681 = arith.constant 0 : i32
      %dma_start3A_682 = tpu.memref_slice %arg7[%dma_start3A_680, %dma_start3A_681] : memref<2x80xi32, #tpu.memory_space<vmem>> -> memref<1x80xi32, #tpu.memory_space<vmem>>
      %dma_start3A_683 = tpu.memref_squeeze %dma_start3A_682 : memref<1x80xi32, #tpu.memory_space<vmem>> -> memref<80xi32, #tpu.memory_space<vmem>>
      %dma_start3A_684 = arith.constant 0 : i32
      %dma_start3A_685 = arith.constant 0 : i32
      %dma_start3A_686 = tpu.memref_slice %arg13[%dma_start3A_684, %dma_start3A_685] : memref<10240x128xf32, #tpu.memory_space<vmem_shared>> -> memref<10240x128xf32, #tpu.memory_space<vmem_shared>>
      tpu.enqueue_indirect_dma source(%arg11 : memref<80x128xf32, #tpu.memory_space<vmem>>) target(%dma_start3A_686 : memref<10240x128xf32, #tpu.memory_space<vmem_shared>>) offsets(%dma_start3A_683 : memref<80xi32, #tpu.memory_space<vmem>>) semaphore(%arg24 : memref<!tpu.dma_semaphore, #tpu.memory_space<semaphore_mem>>) {add = true}
      %dma_wait3A_687 = arith.constant 1 : i32
      %dma_wait3A_688 = arith.constant 0 : i32
      %dma_wait3A_689 = tpu.memref_slice %arg6[%dma_wait3A_687, %dma_wait3A_688] : memref<2x80xi32, #tpu.memory_space<vmem>> -> memref<1x80xi32, #tpu.memory_space<vmem>>
      %dma_wait3A_690 = tpu.memref_squeeze %dma_wait3A_689 : memref<1x80xi32, #tpu.memory_space<vmem>> -> memref<80xi32, #tpu.memory_space<vmem>>
      %dma_wait3A_691 = arith.constant 0 : i32
      %dma_wait3A_692 = arith.constant 0 : i32
      %dma_wait3A_693 = tpu.memref_slice %arg13[%dma_wait3A_691, %dma_wait3A_692] : memref<10240x128xf32, #tpu.memory_space<vmem_shared>> -> memref<10240x128xf32, #tpu.memory_space<vmem_shared>>
      tpu.wait_indirect_dma semaphore(%arg23 : memref<!tpu.dma_semaphore, #tpu.memory_space<semaphore_mem>>) src(%arg10 : memref<80x128xf32, #tpu.memory_space<vmem>>) dst(%dma_wait3A_693 : memref<10240x128xf32, #tpu.memory_space<vmem_shared>>)
      %add3A_694 = arith.constant 3 : i32
      %add3A_695 = arith.addi %add3A_672, %add3A_694 : i32
      %min3A_696 = arith.constant 124 : i32
      %min3A_697 = arith.minsi %add3A_695, %min3A_696 : i32
      %dma_start3A_698 = arith.constant 0 : i32
      %dma_start3A_699 = arith.constant 0 : i32
      %dma_start3A_700 = tpu.memref_slice %arg3[%add3A, %min3A_697, %dma_start3A_698, %dma_start3A_699] : memref<32x125x2x80xi32, #tpu.memory_space<hbm>> -> memref<1x1x2x80xi32, #tpu.memory_space<hbm>>
      %dma_start3A_701 = tpu.memref_squeeze %dma_start3A_700 : memref<1x1x2x80xi32, #tpu.memory_space<hbm>> -> memref<2x80xi32, #tpu.memory_space<hbm>>
      %dma_start3A_702 = arith.constant 0 : i32
      %dma_start3A_703 = arith.constant 0 : i32
      %dma_start3A_704 = tpu.memref_slice %arg3[%add3A, %min3A_697, %dma_start3A_702, %dma_start3A_703] : memref<32x125x2x80xi32, #tpu.memory_space<hbm>> -> memref<1x1x2x80xi32, #tpu.memory_space<hbm>>
      %dma_start3A_705 = tpu.memref_squeeze %dma_start3A_704 : memref<1x1x2x80xi32, #tpu.memory_space<hbm>> -> memref<2x80xi32, #tpu.memory_space<hbm>>
      tpu.enqueue_dma source(%dma_start3A_705 : memref<2x80xi32, #tpu.memory_space<hbm>>) target(%arg6 : memref<2x80xi32, #tpu.memory_space<vmem>>) target_semaphore(%arg15 : memref<!tpu.dma_semaphore, #tpu.memory_space<semaphore_mem>>)
      %dma_wait3A_706 = arith.constant 0 : i32
      %dma_wait3A_707 = arith.constant 0 : i32
      %dma_wait3A_708 = arith.constant 0 : i32
      %dma_wait3A_709 = tpu.memref_slice %arg3[%add3A, %dma_wait3A_706, %dma_wait3A_707, %dma_wait3A_708] : memref<32x125x2x80xi32, #tpu.memory_space<hbm>> -> memref<1x1x2x80xi32, #tpu.memory_space<hbm>>
      %dma_wait3A_710 = tpu.memref_squeeze %dma_wait3A_709 : memref<1x1x2x80xi32, #tpu.memory_space<hbm>> -> memref<2x80xi32, #tpu.memory_space<hbm>>
      %dma_wait3A_711 = arith.constant 0 : i32
      %dma_wait3A_712 = arith.constant 0 : i32
      %dma_wait3A_713 = tpu.memref_slice %arg3[%add3A, %dma_wait3A_706, %dma_wait3A_711, %dma_wait3A_712] : memref<32x125x2x80xi32, #tpu.memory_space<hbm>> -> memref<1x1x2x80xi32, #tpu.memory_space<hbm>>
      %dma_wait3A_714 = tpu.memref_squeeze %dma_wait3A_713 : memref<1x1x2x80xi32, #tpu.memory_space<hbm>> -> memref<2x80xi32, #tpu.memory_space<hbm>>
      tpu.wait_dma2 semaphore(%arg14 : memref<!tpu.dma_semaphore, #tpu.memory_space<semaphore_mem>>) src(%dma_wait3A_714 : memref<2x80xi32, #tpu.memory_space<hbm>>) dst(%arg5 : memref<2x80xi32, #tpu.memory_space<vmem>>)
      %dma_start3A_715 = arith.constant 0 : i32
      %dma_start3A_716 = arith.constant 0 : i32
      %dma_start3A_717 = tpu.memref_slice %arg5[%dma_start3A_715, %dma_start3A_716] : memref<2x80xi32, #tpu.memory_space<vmem>> -> memref<1x80xi32, #tpu.memory_space<vmem>>
      %dma_start3A_718 = tpu.memref_squeeze %dma_start3A_717 : memref<1x80xi32, #tpu.memory_space<vmem>> -> memref<80xi32, #tpu.memory_space<vmem>>
      %dma_start3A_719 = arith.constant 0 : i32
      %dma_start3A_720 = arith.constant 0 : i32
      %dma_start3A_721 = tpu.memref_slice %arg2[%dma_start3A_719, %dma_start3A_720] : memref<10000x128xf32, #tpu.memory_space<hbm>> -> memref<10000x128xf32, #tpu.memory_space<hbm>>
      tpu.enqueue_indirect_dma source(%dma_start3A_721 : memref<10000x128xf32, #tpu.memory_space<hbm>>) target(%arg9 : memref<80x128xf32, #tpu.memory_space<vmem>>) offsets(%dma_start3A_718 : memref<80xi32, #tpu.memory_space<vmem>>) semaphore(%arg18 : memref<!tpu.dma_semaphore, #tpu.memory_space<semaphore_mem>>)
      %mul3A_722 = arith.constant 4 : i32
      %mul3A_723 = arith.muli %mul3A_722, %scan3A_566 : i32
      %add3A_724 = arith.constant 3 : i32
      %add3A_725 = arith.addi %mul3A_723, %add3A_724 : i32
      %dma_wait3A_726 = arith.constant 0 : i32
      %dma_wait3A_727 = arith.constant 0 : i32
      %dma_wait3A_728 = tpu.memref_slice %arg8[%dma_wait3A_726, %dma_wait3A_727] : memref<2x80xi32, #tpu.memory_space<vmem>> -> memref<1x80xi32, #tpu.memory_space<vmem>>
      %dma_wait3A_729 = tpu.memref_squeeze %dma_wait3A_728 : memref<1x80xi32, #tpu.memory_space<vmem>> -> memref<80xi32, #tpu.memory_space<vmem>>
      %dma_wait3A_730 = arith.constant 0 : i32
      %dma_wait3A_731 = arith.constant 0 : i32
      %dma_wait3A_732 = tpu.memref_slice %arg2[%dma_wait3A_730, %dma_wait3A_731] : memref<10000x128xf32, #tpu.memory_space<hbm>> -> memref<10000x128xf32, #tpu.memory_space<hbm>>
      tpu.wait_indirect_dma semaphore(%arg21 : memref<!tpu.dma_semaphore, #tpu.memory_space<semaphore_mem>>) src(%dma_wait3A_732 : memref<10000x128xf32, #tpu.memory_space<hbm>>) dst(%arg12 : memref<80x128xf32, #tpu.memory_space<vmem>>)
      %dma_start3A_733 = arith.constant 1 : i32
      %dma_start3A_734 = arith.constant 0 : i32
      %dma_start3A_735 = tpu.memref_slice %arg8[%dma_start3A_733, %dma_start3A_734] : memref<2x80xi32, #tpu.memory_space<vmem>> -> memref<1x80xi32, #tpu.memory_space<vmem>>
      %dma_start3A_736 = tpu.memref_squeeze %dma_start3A_735 : memref<1x80xi32, #tpu.memory_space<vmem>> -> memref<80xi32, #tpu.memory_space<vmem>>
      %dma_start3A_737 = arith.constant 0 : i32
      %dma_start3A_738 = arith.constant 0 : i32
      %dma_start3A_739 = tpu.memref_slice %arg13[%dma_start3A_737, %dma_start3A_738] : memref<10240x128xf32, #tpu.memory_space<vmem_shared>> -> memref<10240x128xf32, #tpu.memory_space<vmem_shared>>
      tpu.enqueue_indirect_dma source(%arg12 : memref<80x128xf32, #tpu.memory_space<vmem>>) target(%dma_start3A_739 : memref<10240x128xf32, #tpu.memory_space<vmem_shared>>) offsets(%dma_start3A_736 : memref<80xi32, #tpu.memory_space<vmem>>) semaphore(%arg25 : memref<!tpu.dma_semaphore, #tpu.memory_space<semaphore_mem>>) {add = true}
      %dma_wait3A_740 = arith.constant 1 : i32
      %dma_wait3A_741 = arith.constant 0 : i32
      %dma_wait3A_742 = tpu.memref_slice %arg7[%dma_wait3A_740, %dma_wait3A_741] : memref<2x80xi32, #tpu.memory_space<vmem>> -> memref<1x80xi32, #tpu.memory_space<vmem>>
      %dma_wait3A_743 = tpu.memref_squeeze %dma_wait3A_742 : memref<1x80xi32, #tpu.memory_space<vmem>> -> memref<80xi32, #tpu.memory_space<vmem>>
      %dma_wait3A_744 = arith.constant 0 : i32
      %dma_wait3A_745 = arith.constant 0 : i32
      %dma_wait3A_746 = tpu.memref_slice %arg13[%dma_wait3A_744, %dma_wait3A_745] : memref<10240x128xf32, #tpu.memory_space<vmem_shared>> -> memref<10240x128xf32, #tpu.memory_space<vmem_shared>>
      tpu.wait_indirect_dma semaphore(%arg24 : memref<!tpu.dma_semaphore, #tpu.memory_space<semaphore_mem>>) src(%arg11 : memref<80x128xf32, #tpu.memory_space<vmem>>) dst(%dma_wait3A_746 : memref<10240x128xf32, #tpu.memory_space<vmem_shared>>)
      %add3A_747 = arith.constant 3 : i32
      %add3A_748 = arith.addi %add3A_725, %add3A_747 : i32
      %min3A_749 = arith.constant 124 : i32
      %min3A_750 = arith.minsi %add3A_748, %min3A_749 : i32
      %dma_start3A_751 = arith.constant 0 : i32
      %dma_start3A_752 = arith.constant 0 : i32
      %dma_start3A_753 = tpu.memref_slice %arg3[%add3A, %min3A_750, %dma_start3A_751, %dma_start3A_752] : memref<32x125x2x80xi32, #tpu.memory_space<hbm>> -> memref<1x1x2x80xi32, #tpu.memory_space<hbm>>
      %dma_start3A_754 = tpu.memref_squeeze %dma_start3A_753 : memref<1x1x2x80xi32, #tpu.memory_space<hbm>> -> memref<2x80xi32, #tpu.memory_space<hbm>>
      %dma_start3A_755 = arith.constant 0 : i32
      %dma_start3A_756 = arith.constant 0 : i32
      %dma_start3A_757 = tpu.memref_slice %arg3[%add3A, %min3A_750, %dma_start3A_755, %dma_start3A_756] : memref<32x125x2x80xi32, #tpu.memory_space<hbm>> -> memref<1x1x2x80xi32, #tpu.memory_space<hbm>>
      %dma_start3A_758 = tpu.memref_squeeze %dma_start3A_757 : memref<1x1x2x80xi32, #tpu.memory_space<hbm>> -> memref<2x80xi32, #tpu.memory_space<hbm>>
      tpu.enqueue_dma source(%dma_start3A_758 : memref<2x80xi32, #tpu.memory_space<hbm>>) target(%arg7 : memref<2x80xi32, #tpu.memory_space<vmem>>) target_semaphore(%arg16 : memref<!tpu.dma_semaphore, #tpu.memory_space<semaphore_mem>>)
      %dma_wait3A_759 = arith.constant 0 : i32
      %dma_wait3A_760 = arith.constant 0 : i32
      %dma_wait3A_761 = arith.constant 0 : i32
      %dma_wait3A_762 = tpu.memref_slice %arg3[%add3A, %dma_wait3A_759, %dma_wait3A_760, %dma_wait3A_761] : memref<32x125x2x80xi32, #tpu.memory_space<hbm>> -> memref<1x1x2x80xi32, #tpu.memory_space<hbm>>
      %dma_wait3A_763 = tpu.memref_squeeze %dma_wait3A_762 : memref<1x1x2x80xi32, #tpu.memory_space<hbm>> -> memref<2x80xi32, #tpu.memory_space<hbm>>
      %dma_wait3A_764 = arith.constant 0 : i32
      %dma_wait3A_765 = arith.constant 0 : i32
      %dma_wait3A_766 = tpu.memref_slice %arg3[%add3A, %dma_wait3A_759, %dma_wait3A_764, %dma_wait3A_765] : memref<32x125x2x80xi32, #tpu.memory_space<hbm>> -> memref<1x1x2x80xi32, #tpu.memory_space<hbm>>
      %dma_wait3A_767 = tpu.memref_squeeze %dma_wait3A_766 : memref<1x1x2x80xi32, #tpu.memory_space<hbm>> -> memref<2x80xi32, #tpu.memory_space<hbm>>
      tpu.wait_dma2 semaphore(%arg15 : memref<!tpu.dma_semaphore, #tpu.memory_space<semaphore_mem>>) src(%dma_wait3A_767 : memref<2x80xi32, #tpu.memory_space<hbm>>) dst(%arg6 : memref<2x80xi32, #tpu.memory_space<vmem>>)
      %dma_start3A_768 = arith.constant 0 : i32
      %dma_start3A_769 = arith.constant 0 : i32
      %dma_start3A_770 = tpu.memref_slice %arg6[%dma_start3A_768, %dma_start3A_769] : memref<2x80xi32, #tpu.memory_space<vmem>> -> memref<1x80xi32, #tpu.memory_space<vmem>>
      %dma_start3A_771 = tpu.memref_squeeze %dma_start3A_770 : memref<1x80xi32, #tpu.memory_space<vmem>> -> memref<80xi32, #tpu.memory_space<vmem>>
      %dma_start3A_772 = arith.constant 0 : i32
      %dma_start3A_773 = arith.constant 0 : i32
      %dma_start3A_774 = tpu.memref_slice %arg2[%dma_start3A_772, %dma_start3A_773] : memref<10000x128xf32, #tpu.memory_space<hbm>> -> memref<10000x128xf32, #tpu.memory_space<hbm>>
      tpu.enqueue_indirect_dma source(%dma_start3A_774 : memref<10000x128xf32, #tpu.memory_space<hbm>>) target(%arg10 : memref<80x128xf32, #tpu.memory_space<vmem>>) offsets(%dma_start3A_771 : memref<80xi32, #tpu.memory_space<vmem>>) semaphore(%arg19 : memref<!tpu.dma_semaphore, #tpu.memory_space<semaphore_mem>>)
      %scan3A_775 = arith.constant 0 : i32
      scf.yield %scan3A_775 : i32
    }
    %scan3A_199 = arith.constant 31 : i32
    %dma_wait3A_200 = arith.constant 0 : i32
    %dma_wait3A_201 = arith.constant 0 : i32
    %dma_wait3A_202 = tpu.memref_slice %arg5[%dma_wait3A_200, %dma_wait3A_201] : memref<2x80xi32, #tpu.memory_space<vmem>> -> memref<1x80xi32, #tpu.memory_space<vmem>>
    %dma_wait3A_203 = tpu.memref_squeeze %dma_wait3A_202 : memref<1x80xi32, #tpu.memory_space<vmem>> -> memref<80xi32, #tpu.memory_space<vmem>>
    %dma_wait3A_204 = arith.constant 0 : i32
    %dma_wait3A_205 = arith.constant 0 : i32
    %dma_wait3A_206 = tpu.memref_slice %arg2[%dma_wait3A_204, %dma_wait3A_205] : memref<10000x128xf32, #tpu.memory_space<hbm>> -> memref<10000x128xf32, #tpu.memory_space<hbm>>
    tpu.wait_indirect_dma semaphore(%arg18 : memref<!tpu.dma_semaphore, #tpu.memory_space<semaphore_mem>>) src(%dma_wait3A_206 : memref<10000x128xf32, #tpu.memory_space<hbm>>) dst(%arg9 : memref<80x128xf32, #tpu.memory_space<vmem>>)
    %dma_start3A_207 = arith.constant 1 : i32
    %dma_start3A_208 = arith.constant 0 : i32
    %dma_start3A_209 = tpu.memref_slice %arg5[%dma_start3A_207, %dma_start3A_208] : memref<2x80xi32, #tpu.memory_space<vmem>> -> memref<1x80xi32, #tpu.memory_space<vmem>>
    %dma_start3A_210 = tpu.memref_squeeze %dma_start3A_209 : memref<1x80xi32, #tpu.memory_space<vmem>> -> memref<80xi32, #tpu.memory_space<vmem>>
    %dma_start3A_211 = arith.constant 0 : i32
    %dma_start3A_212 = arith.constant 0 : i32
    %dma_start3A_213 = tpu.memref_slice %arg13[%dma_start3A_211, %dma_start3A_212] : memref<10240x128xf32, #tpu.memory_space<vmem_shared>> -> memref<10240x128xf32, #tpu.memory_space<vmem_shared>>
    tpu.enqueue_indirect_dma source(%arg9 : memref<80x128xf32, #tpu.memory_space<vmem>>) target(%dma_start3A_213 : memref<10240x128xf32, #tpu.memory_space<vmem_shared>>) offsets(%dma_start3A_210 : memref<80xi32, #tpu.memory_space<vmem>>) semaphore(%arg22 : memref<!tpu.dma_semaphore, #tpu.memory_space<semaphore_mem>>) {add = true}
    %dma_wait3A_214 = arith.constant 1 : i32
    %dma_wait3A_215 = arith.constant 0 : i32
    %dma_wait3A_216 = tpu.memref_slice %arg8[%dma_wait3A_214, %dma_wait3A_215] : memref<2x80xi32, #tpu.memory_space<vmem>> -> memref<1x80xi32, #tpu.memory_space<vmem>>
    %dma_wait3A_217 = tpu.memref_squeeze %dma_wait3A_216 : memref<1x80xi32, #tpu.memory_space<vmem>> -> memref<80xi32, #tpu.memory_space<vmem>>
    %dma_wait3A_218 = arith.constant 0 : i32
    %dma_wait3A_219 = arith.constant 0 : i32
    %dma_wait3A_220 = tpu.memref_slice %arg13[%dma_wait3A_218, %dma_wait3A_219] : memref<10240x128xf32, #tpu.memory_space<vmem_shared>> -> memref<10240x128xf32, #tpu.memory_space<vmem_shared>>
    tpu.wait_indirect_dma semaphore(%arg25 : memref<!tpu.dma_semaphore, #tpu.memory_space<semaphore_mem>>) src(%arg12 : memref<80x128xf32, #tpu.memory_space<vmem>>) dst(%dma_wait3A_220 : memref<10240x128xf32, #tpu.memory_space<vmem_shared>>)
    %min3A = arith.constant 127 : i32
    %min3A_221 = arith.constant 124 : i32
    %min3A_222 = arith.minsi %min3A, %min3A_221 : i32
    %dma_start3A_223 = arith.constant 0 : i32
    %dma_start3A_224 = arith.constant 0 : i32
    %dma_start3A_225 = tpu.memref_slice %arg3[%add3A, %min3A_222, %dma_start3A_223, %dma_start3A_224] : memref<32x125x2x80xi32, #tpu.memory_space<hbm>> -> memref<1x1x2x80xi32, #tpu.memory_space<hbm>>
    %dma_start3A_226 = tpu.memref_squeeze %dma_start3A_225 : memref<1x1x2x80xi32, #tpu.memory_space<hbm>> -> memref<2x80xi32, #tpu.memory_space<hbm>>
    %dma_start3A_227 = arith.constant 0 : i32
    %dma_start3A_228 = arith.constant 0 : i32
    %dma_start3A_229 = tpu.memref_slice %arg3[%add3A, %min3A_222, %dma_start3A_227, %dma_start3A_228] : memref<32x125x2x80xi32, #tpu.memory_space<hbm>> -> memref<1x1x2x80xi32, #tpu.memory_space<hbm>>
    %dma_start3A_230 = tpu.memref_squeeze %dma_start3A_229 : memref<1x1x2x80xi32, #tpu.memory_space<hbm>> -> memref<2x80xi32, #tpu.memory_space<hbm>>
    tpu.enqueue_dma source(%dma_start3A_230 : memref<2x80xi32, #tpu.memory_space<hbm>>) target(%arg8 : memref<2x80xi32, #tpu.memory_space<vmem>>) target_semaphore(%arg17 : memref<!tpu.dma_semaphore, #tpu.memory_space<semaphore_mem>>)
    %dma_wait3A_231 = arith.constant 0 : i32
    %dma_wait3A_232 = arith.constant 0 : i32
    %dma_wait3A_233 = arith.constant 0 : i32
    %dma_wait3A_234 = tpu.memref_slice %arg3[%add3A, %dma_wait3A_231, %dma_wait3A_232, %dma_wait3A_233] : memref<32x125x2x80xi32, #tpu.memory_space<hbm>> -> memref<1x1x2x80xi32, #tpu.memory_space<hbm>>
    %dma_wait3A_235 = tpu.memref_squeeze %dma_wait3A_234 : memref<1x1x2x80xi32, #tpu.memory_space<hbm>> -> memref<2x80xi32, #tpu.memory_space<hbm>>
    %dma_wait3A_236 = arith.constant 0 : i32
    %dma_wait3A_237 = arith.constant 0 : i32
    %dma_wait3A_238 = tpu.memref_slice %arg3[%add3A, %dma_wait3A_231, %dma_wait3A_236, %dma_wait3A_237] : memref<32x125x2x80xi32, #tpu.memory_space<hbm>> -> memref<1x1x2x80xi32, #tpu.memory_space<hbm>>
    %dma_wait3A_239 = tpu.memref_squeeze %dma_wait3A_238 : memref<1x1x2x80xi32, #tpu.memory_space<hbm>> -> memref<2x80xi32, #tpu.memory_space<hbm>>
    tpu.wait_dma2 semaphore(%arg16 : memref<!tpu.dma_semaphore, #tpu.memory_space<semaphore_mem>>) src(%dma_wait3A_239 : memref<2x80xi32, #tpu.memory_space<hbm>>) dst(%arg7 : memref<2x80xi32, #tpu.memory_space<vmem>>)
    %dma_start3A_240 = arith.constant 0 : i32
    %dma_start3A_241 = arith.constant 0 : i32
    %dma_start3A_242 = tpu.memref_slice %arg7[%dma_start3A_240, %dma_start3A_241] : memref<2x80xi32, #tpu.memory_space<vmem>> -> memref<1x80xi32, #tpu.memory_space<vmem>>
    %dma_start3A_243 = tpu.memref_squeeze %dma_start3A_242 : memref<1x80xi32, #tpu.memory_space<vmem>> -> memref<80xi32, #tpu.memory_space<vmem>>
    %dma_start3A_244 = arith.constant 0 : i32
    %dma_start3A_245 = arith.constant 0 : i32
    %dma_start3A_246 = tpu.memref_slice %arg2[%dma_start3A_244, %dma_start3A_245] : memref<10000x128xf32, #tpu.memory_space<hbm>> -> memref<10000x128xf32, #tpu.memory_space<hbm>>
    tpu.enqueue_indirect_dma source(%dma_start3A_246 : memref<10000x128xf32, #tpu.memory_space<hbm>>) target(%arg11 : memref<80x128xf32, #tpu.memory_space<vmem>>) offsets(%dma_start3A_243 : memref<80xi32, #tpu.memory_space<vmem>>) semaphore(%arg20 : memref<!tpu.dma_semaphore, #tpu.memory_space<semaphore_mem>>)
    %dma_wait3A_247 = arith.constant 1 : i32
    %dma_wait3A_248 = arith.constant 0 : i32
    %dma_wait3A_249 = tpu.memref_slice %arg5[%dma_wait3A_247, %dma_wait3A_248] : memref<2x80xi32, #tpu.memory_space<vmem>> -> memref<1x80xi32, #tpu.memory_space<vmem>>
    %dma_wait3A_250 = tpu.memref_squeeze %dma_wait3A_249 : memref<1x80xi32, #tpu.memory_space<vmem>> -> memref<80xi32, #tpu.memory_space<vmem>>
    %dma_wait3A_251 = arith.constant 0 : i32
    %dma_wait3A_252 = arith.constant 0 : i32
    %dma_wait3A_253 = tpu.memref_slice %arg13[%dma_wait3A_251, %dma_wait3A_252] : memref<10240x128xf32, #tpu.memory_space<vmem_shared>> -> memref<10240x128xf32, #tpu.memory_space<vmem_shared>>
    tpu.wait_indirect_dma semaphore(%arg22 : memref<!tpu.dma_semaphore, #tpu.memory_space<semaphore_mem>>) src(%arg9 : memref<80x128xf32, #tpu.memory_space<vmem>>) dst(%dma_wait3A_253 : memref<10240x128xf32, #tpu.memory_space<vmem_shared>>)
    %dma_wait3A_254 = arith.constant 0 : i32
    %dma_wait3A_255 = arith.constant 0 : i32
    %dma_wait3A_256 = tpu.memref_slice %arg6[%dma_wait3A_254, %dma_wait3A_255] : memref<2x80xi32, #tpu.memory_space<vmem>> -> memref<1x80xi32, #tpu.memory_space<vmem>>
    %dma_wait3A_257 = tpu.memref_squeeze %dma_wait3A_256 : memref<1x80xi32, #tpu.memory_space<vmem>> -> memref<80xi32, #tpu.memory_space<vmem>>
    %dma_wait3A_258 = arith.constant 0 : i32
    %dma_wait3A_259 = arith.constant 0 : i32
    %dma_wait3A_260 = tpu.memref_slice %arg2[%dma_wait3A_258, %dma_wait3A_259] : memref<10000x128xf32, #tpu.memory_space<hbm>> -> memref<10000x128xf32, #tpu.memory_space<hbm>>
    tpu.wait_indirect_dma semaphore(%arg19 : memref<!tpu.dma_semaphore, #tpu.memory_space<semaphore_mem>>) src(%dma_wait3A_260 : memref<10000x128xf32, #tpu.memory_space<hbm>>) dst(%arg10 : memref<80x128xf32, #tpu.memory_space<vmem>>)
    %dma_wait3A_261 = arith.constant 0 : i32
    %dma_wait3A_262 = arith.constant 0 : i32
    %dma_wait3A_263 = tpu.memref_slice %arg7[%dma_wait3A_261, %dma_wait3A_262] : memref<2x80xi32, #tpu.memory_space<vmem>> -> memref<1x80xi32, #tpu.memory_space<vmem>>
    %dma_wait3A_264 = tpu.memref_squeeze %dma_wait3A_263 : memref<1x80xi32, #tpu.memory_space<vmem>> -> memref<80xi32, #tpu.memory_space<vmem>>
    %dma_wait3A_265 = arith.constant 0 : i32
    %dma_wait3A_266 = arith.constant 0 : i32
    %dma_wait3A_267 = tpu.memref_slice %arg2[%dma_wait3A_265, %dma_wait3A_266] : memref<10000x128xf32, #tpu.memory_space<hbm>> -> memref<10000x128xf32, #tpu.memory_space<hbm>>
    tpu.wait_indirect_dma semaphore(%arg20 : memref<!tpu.dma_semaphore, #tpu.memory_space<semaphore_mem>>) src(%dma_wait3A_267 : memref<10000x128xf32, #tpu.memory_space<hbm>>) dst(%arg11 : memref<80x128xf32, #tpu.memory_space<vmem>>)
    %dma_wait3A_268 = arith.constant 0 : i32
    %dma_wait3A_269 = arith.constant 0 : i32
    %dma_wait3A_270 = arith.constant 0 : i32
    %dma_wait3A_271 = tpu.memref_slice %arg3[%add3A, %dma_wait3A_268, %dma_wait3A_269, %dma_wait3A_270] : memref<32x125x2x80xi32, #tpu.memory_space<hbm>> -> memref<1x1x2x80xi32, #tpu.memory_space<hbm>>
    %dma_wait3A_272 = tpu.memref_squeeze %dma_wait3A_271 : memref<1x1x2x80xi32, #tpu.memory_space<hbm>> -> memref<2x80xi32, #tpu.memory_space<hbm>>
    %dma_wait3A_273 = arith.constant 0 : i32
    %dma_wait3A_274 = arith.constant 0 : i32
    %dma_wait3A_275 = tpu.memref_slice %arg3[%add3A, %dma_wait3A_268, %dma_wait3A_273, %dma_wait3A_274] : memref<32x125x2x80xi32, #tpu.memory_space<hbm>> -> memref<1x1x2x80xi32, #tpu.memory_space<hbm>>
    %dma_wait3A_276 = tpu.memref_squeeze %dma_wait3A_275 : memref<1x1x2x80xi32, #tpu.memory_space<hbm>> -> memref<2x80xi32, #tpu.memory_space<hbm>>
    tpu.wait_dma2 semaphore(%arg17 : memref<!tpu.dma_semaphore, #tpu.memory_space<semaphore_mem>>) src(%dma_wait3A_276 : memref<2x80xi32, #tpu.memory_space<hbm>>) dst(%arg8 : memref<2x80xi32, #tpu.memory_space<vmem>>)
    %barrier3A_277 = arith.constant 0 : index
    tpu.barrier barrier_id(%barrier3A_277)
    %mul3A_278 = arith.constant 640 : i32
    %mul3A_279 = arith.muli %arg1, %mul3A_278 : i32
    %add3A_280 = arith.constant 0 : i32
    %add3A_281 = arith.addi %mul3A_279, %add3A_280 : i32
    %dma_start3A_282 = arith.constant 0 : i32
    %dma_start3A_283 = tpu.memref_slice %arg13[%add3A_281, %dma_start3A_282] : memref<10240x128xf32, #tpu.memory_space<vmem_shared>> -> memref<80x128xf32, #tpu.memory_space<vmem_shared>>
    %dma_start3A_284 = arith.constant 0 : i32
    %dma_start3A_285 = tpu.memref_slice %arg13[%add3A_281, %dma_start3A_284] : memref<10240x128xf32, #tpu.memory_space<vmem_shared>> -> memref<80x128xf32, #tpu.memory_space<vmem_shared>>
    tpu.enqueue_dma source(%dma_start3A_285 : memref<80x128xf32, #tpu.memory_space<vmem_shared>>) target(%arg9 : memref<80x128xf32, #tpu.memory_space<vmem>>) target_semaphore(%arg18 : memref<!tpu.dma_semaphore, #tpu.memory_space<semaphore_mem>>)
    %mul3A_286 = arith.constant 640 : i32
    %mul3A_287 = arith.muli %arg1, %mul3A_286 : i32
    %add3A_288 = arith.constant 0 : i32
    %add3A_289 = arith.addi %mul3A_287, %add3A_288 : i32
    %dma_wait3A_290 = arith.constant 0 : i32
    %dma_wait3A_291 = tpu.memref_slice %arg13[%add3A_289, %dma_wait3A_290] : memref<10240x128xf32, #tpu.memory_space<vmem_shared>> -> memref<80x128xf32, #tpu.memory_space<vmem_shared>>
    %dma_wait3A_292 = arith.constant 0 : i32
    %dma_wait3A_293 = tpu.memref_slice %arg13[%add3A_289, %dma_wait3A_292] : memref<10240x128xf32, #tpu.memory_space<vmem_shared>> -> memref<80x128xf32, #tpu.memory_space<vmem_shared>>
    tpu.wait_dma2 semaphore(%arg18 : memref<!tpu.dma_semaphore, #tpu.memory_space<semaphore_mem>>) src(%dma_wait3A_293 : memref<80x128xf32, #tpu.memory_space<vmem_shared>>) dst(%arg9 : memref<80x128xf32, #tpu.memory_space<vmem>>)
    %mul3A_294 = arith.constant 640 : i32
    %mul3A_295 = arith.muli %arg1, %mul3A_294 : i32
    %add3A_296 = arith.constant 0 : i32
    %add3A_297 = arith.addi %mul3A_295, %add3A_296 : i32
    %dma_start3A_298 = arith.constant 0 : i32
    %dma_start3A_299 = tpu.memref_slice %arg4[%arg0, %add3A_297, %dma_start3A_298] : memref<2x10240x128xf32, #tpu.memory_space<hbm>> -> memref<1x80x128xf32, #tpu.memory_space<hbm>>
    %dma_start3A_300 = tpu.memref_squeeze %dma_start3A_299 : memref<1x80x128xf32, #tpu.memory_space<hbm>> -> memref<80x128xf32, #tpu.memory_space<hbm>>
    %dma_start3A_301 = arith.constant 0 : i32
    %dma_start3A_302 = tpu.memref_slice %arg4[%arg0, %add3A_297, %dma_start3A_301] : memref<2x10240x128xf32, #tpu.memory_space<hbm>> -> memref<1x80x128xf32, #tpu.memory_space<hbm>>
    %dma_start3A_303 = tpu.memref_squeeze %dma_start3A_302 : memref<1x80x128xf32, #tpu.memory_space<hbm>> -> memref<80x128xf32, #tpu.memory_space<hbm>>
    tpu.enqueue_dma source(%arg9 : memref<80x128xf32, #tpu.memory_space<vmem>>) target(%dma_start3A_303 : memref<80x128xf32, #tpu.memory_space<hbm>>) target_semaphore(%arg22 : memref<!tpu.dma_semaphore, #tpu.memory_space<semaphore_mem>>)
    %mul3A_304 = arith.constant 640 : i32
    %mul3A_305 = arith.muli %arg1, %mul3A_304 : i32
    %add3A_306 = arith.constant 80 : i32
    %add3A_307 = arith.addi %mul3A_305, %add3A_306 : i32
    %dma_start3A_308 = arith.constant 0 : i32
    %dma_start3A_309 = tpu.memref_slice %arg13[%add3A_307, %dma_start3A_308] : memref<10240x128xf32, #tpu.memory_space<vmem_shared>> -> memref<80x128xf32, #tpu.memory_space<vmem_shared>>
    %dma_start3A_310 = arith.constant 0 : i32
    %dma_start3A_311 = tpu.memref_slice %arg13[%add3A_307, %dma_start3A_310] : memref<10240x128xf32, #tpu.memory_space<vmem_shared>> -> memref<80x128xf32, #tpu.memory_space<vmem_shared>>
    tpu.enqueue_dma source(%dma_start3A_311 : memref<80x128xf32, #tpu.memory_space<vmem_shared>>) target(%arg10 : memref<80x128xf32, #tpu.memory_space<vmem>>) target_semaphore(%arg19 : memref<!tpu.dma_semaphore, #tpu.memory_space<semaphore_mem>>)
    %mul3A_312 = arith.constant 640 : i32
    %mul3A_313 = arith.muli %arg1, %mul3A_312 : i32
    %add3A_314 = arith.constant 80 : i32
    %add3A_315 = arith.addi %mul3A_313, %add3A_314 : i32
    %dma_wait3A_316 = arith.constant 0 : i32
    %dma_wait3A_317 = tpu.memref_slice %arg13[%add3A_315, %dma_wait3A_316] : memref<10240x128xf32, #tpu.memory_space<vmem_shared>> -> memref<80x128xf32, #tpu.memory_space<vmem_shared>>
    %dma_wait3A_318 = arith.constant 0 : i32
    %dma_wait3A_319 = tpu.memref_slice %arg13[%add3A_315, %dma_wait3A_318] : memref<10240x128xf32, #tpu.memory_space<vmem_shared>> -> memref<80x128xf32, #tpu.memory_space<vmem_shared>>
    tpu.wait_dma2 semaphore(%arg19 : memref<!tpu.dma_semaphore, #tpu.memory_space<semaphore_mem>>) src(%dma_wait3A_319 : memref<80x128xf32, #tpu.memory_space<vmem_shared>>) dst(%arg10 : memref<80x128xf32, #tpu.memory_space<vmem>>)
    %mul3A_320 = arith.constant 640 : i32
    %mul3A_321 = arith.muli %arg1, %mul3A_320 : i32
    %add3A_322 = arith.constant 80 : i32
    %add3A_323 = arith.addi %mul3A_321, %add3A_322 : i32
    %dma_start3A_324 = arith.constant 0 : i32
    %dma_start3A_325 = tpu.memref_slice %arg4[%arg0, %add3A_323, %dma_start3A_324] : memref<2x10240x128xf32, #tpu.memory_space<hbm>> -> memref<1x80x128xf32, #tpu.memory_space<hbm>>
    %dma_start3A_326 = tpu.memref_squeeze %dma_start3A_325 : memref<1x80x128xf32, #tpu.memory_space<hbm>> -> memref<80x128xf32, #tpu.memory_space<hbm>>
    %dma_start3A_327 = arith.constant 0 : i32
    %dma_start3A_328 = tpu.memref_slice %arg4[%arg0, %add3A_323, %dma_start3A_327] : memref<2x10240x128xf32, #tpu.memory_space<hbm>> -> memref<1x80x128xf32, #tpu.memory_space<hbm>>
    %dma_start3A_329 = tpu.memref_squeeze %dma_start3A_328 : memref<1x80x128xf32, #tpu.memory_space<hbm>> -> memref<80x128xf32, #tpu.memory_space<hbm>>
    tpu.enqueue_dma source(%arg10 : memref<80x128xf32, #tpu.memory_space<vmem>>) target(%dma_start3A_329 : memref<80x128xf32, #tpu.memory_space<hbm>>) target_semaphore(%arg23 : memref<!tpu.dma_semaphore, #tpu.memory_space<semaphore_mem>>)
    %mul3A_330 = arith.constant 640 : i32
    %mul3A_331 = arith.muli %arg1, %mul3A_330 : i32
    %add3A_332 = arith.constant 0 : i32
    %add3A_333 = arith.addi %mul3A_331, %add3A_332 : i32
    %dma_wait3A_334 = arith.constant 0 : i32
    %dma_wait3A_335 = tpu.memref_slice %arg4[%arg0, %add3A_333, %dma_wait3A_334] : memref<2x10240x128xf32, #tpu.memory_space<hbm>> -> memref<1x80x128xf32, #tpu.memory_space<hbm>>
    %dma_wait3A_336 = tpu.memref_squeeze %dma_wait3A_335 : memref<1x80x128xf32, #tpu.memory_space<hbm>> -> memref<80x128xf32, #tpu.memory_space<hbm>>
    %dma_wait3A_337 = arith.constant 0 : i32
    %dma_wait3A_338 = tpu.memref_slice %arg4[%arg0, %add3A_333, %dma_wait3A_337] : memref<2x10240x128xf32, #tpu.memory_space<hbm>> -> memref<1x80x128xf32, #tpu.memory_space<hbm>>
    %dma_wait3A_339 = tpu.memref_squeeze %dma_wait3A_338 : memref<1x80x128xf32, #tpu.memory_space<hbm>> -> memref<80x128xf32, #tpu.memory_space<hbm>>
    tpu.wait_dma2 semaphore(%arg22 : memref<!tpu.dma_semaphore, #tpu.memory_space<semaphore_mem>>) src(%arg9 : memref<80x128xf32, #tpu.memory_space<vmem>>) dst(%dma_wait3A_339 : memref<80x128xf32, #tpu.memory_space<hbm>>)
    %mul3A_340 = arith.constant 640 : i32
    %mul3A_341 = arith.muli %arg1, %mul3A_340 : i32
    %add3A_342 = arith.constant 160 : i32
    %add3A_343 = arith.addi %mul3A_341, %add3A_342 : i32
    %dma_start3A_344 = arith.constant 0 : i32
    %dma_start3A_345 = tpu.memref_slice %arg13[%add3A_343, %dma_start3A_344] : memref<10240x128xf32, #tpu.memory_space<vmem_shared>> -> memref<80x128xf32, #tpu.memory_space<vmem_shared>>
    %dma_start3A_346 = arith.constant 0 : i32
    %dma_start3A_347 = tpu.memref_slice %arg13[%add3A_343, %dma_start3A_346] : memref<10240x128xf32, #tpu.memory_space<vmem_shared>> -> memref<80x128xf32, #tpu.memory_space<vmem_shared>>
    tpu.enqueue_dma source(%dma_start3A_347 : memref<80x128xf32, #tpu.memory_space<vmem_shared>>) target(%arg9 : memref<80x128xf32, #tpu.memory_space<vmem>>) target_semaphore(%arg18 : memref<!tpu.dma_semaphore, #tpu.memory_space<semaphore_mem>>)
    %mul3A_348 = arith.constant 640 : i32
    %mul3A_349 = arith.muli %arg1, %mul3A_348 : i32
    %add3A_350 = arith.constant 160 : i32
    %add3A_351 = arith.addi %mul3A_349, %add3A_350 : i32
    %dma_wait3A_352 = arith.constant 0 : i32
    %dma_wait3A_353 = tpu.memref_slice %arg13[%add3A_351, %dma_wait3A_352] : memref<10240x128xf32, #tpu.memory_space<vmem_shared>> -> memref<80x128xf32, #tpu.memory_space<vmem_shared>>
    %dma_wait3A_354 = arith.constant 0 : i32
    %dma_wait3A_355 = tpu.memref_slice %arg13[%add3A_351, %dma_wait3A_354] : memref<10240x128xf32, #tpu.memory_space<vmem_shared>> -> memref<80x128xf32, #tpu.memory_space<vmem_shared>>
    tpu.wait_dma2 semaphore(%arg18 : memref<!tpu.dma_semaphore, #tpu.memory_space<semaphore_mem>>) src(%dma_wait3A_355 : memref<80x128xf32, #tpu.memory_space<vmem_shared>>) dst(%arg9 : memref<80x128xf32, #tpu.memory_space<vmem>>)
    %mul3A_356 = arith.constant 640 : i32
    %mul3A_357 = arith.muli %arg1, %mul3A_356 : i32
    %add3A_358 = arith.constant 160 : i32
    %add3A_359 = arith.addi %mul3A_357, %add3A_358 : i32
    %dma_start3A_360 = arith.constant 0 : i32
    %dma_start3A_361 = tpu.memref_slice %arg4[%arg0, %add3A_359, %dma_start3A_360] : memref<2x10240x128xf32, #tpu.memory_space<hbm>> -> memref<1x80x128xf32, #tpu.memory_space<hbm>>
    %dma_start3A_362 = tpu.memref_squeeze %dma_start3A_361 : memref<1x80x128xf32, #tpu.memory_space<hbm>> -> memref<80x128xf32, #tpu.memory_space<hbm>>
    %dma_start3A_363 = arith.constant 0 : i32
    %dma_start3A_364 = tpu.memref_slice %arg4[%arg0, %add3A_359, %dma_start3A_363] : memref<2x10240x128xf32, #tpu.memory_space<hbm>> -> memref<1x80x128xf32, #tpu.memory_space<hbm>>
    %dma_start3A_365 = tpu.memref_squeeze %dma_start3A_364 : memref<1x80x128xf32, #tpu.memory_space<hbm>> -> memref<80x128xf32, #tpu.memory_space<hbm>>
    tpu.enqueue_dma source(%arg9 : memref<80x128xf32, #tpu.memory_space<vmem>>) target(%dma_start3A_365 : memref<80x128xf32, #tpu.memory_space<hbm>>) target_semaphore(%arg22 : memref<!tpu.dma_semaphore, #tpu.memory_space<semaphore_mem>>)
    %mul3A_366 = arith.constant 640 : i32
    %mul3A_367 = arith.muli %arg1, %mul3A_366 : i32
    %add3A_368 = arith.constant 80 : i32
    %add3A_369 = arith.addi %mul3A_367, %add3A_368 : i32
    %dma_wait3A_370 = arith.constant 0 : i32
    %dma_wait3A_371 = tpu.memref_slice %arg4[%arg0, %add3A_369, %dma_wait3A_370] : memref<2x10240x128xf32, #tpu.memory_space<hbm>> -> memref<1x80x128xf32, #tpu.memory_space<hbm>>
    %dma_wait3A_372 = tpu.memref_squeeze %dma_wait3A_371 : memref<1x80x128xf32, #tpu.memory_space<hbm>> -> memref<80x128xf32, #tpu.memory_space<hbm>>
    %dma_wait3A_373 = arith.constant 0 : i32
    %dma_wait3A_374 = tpu.memref_slice %arg4[%arg0, %add3A_369, %dma_wait3A_373] : memref<2x10240x128xf32, #tpu.memory_space<hbm>> -> memref<1x80x128xf32, #tpu.memory_space<hbm>>
    %dma_wait3A_375 = tpu.memref_squeeze %dma_wait3A_374 : memref<1x80x128xf32, #tpu.memory_space<hbm>> -> memref<80x128xf32, #tpu.memory_space<hbm>>
    tpu.wait_dma2 semaphore(%arg23 : memref<!tpu.dma_semaphore, #tpu.memory_space<semaphore_mem>>) src(%arg10 : memref<80x128xf32, #tpu.memory_space<vmem>>) dst(%dma_wait3A_375 : memref<80x128xf32, #tpu.memory_space<hbm>>)
    %mul3A_376 = arith.constant 640 : i32
    %mul3A_377 = arith.muli %arg1, %mul3A_376 : i32
    %add3A_378 = arith.constant 240 : i32
    %add3A_379 = arith.addi %mul3A_377, %add3A_378 : i32
    %dma_start3A_380 = arith.constant 0 : i32
    %dma_start3A_381 = tpu.memref_slice %arg13[%add3A_379, %dma_start3A_380] : memref<10240x128xf32, #tpu.memory_space<vmem_shared>> -> memref<80x128xf32, #tpu.memory_space<vmem_shared>>
    %dma_start3A_382 = arith.constant 0 : i32
    %dma_start3A_383 = tpu.memref_slice %arg13[%add3A_379, %dma_start3A_382] : memref<10240x128xf32, #tpu.memory_space<vmem_shared>> -> memref<80x128xf32, #tpu.memory_space<vmem_shared>>
    tpu.enqueue_dma source(%dma_start3A_383 : memref<80x128xf32, #tpu.memory_space<vmem_shared>>) target(%arg10 : memref<80x128xf32, #tpu.memory_space<vmem>>) target_semaphore(%arg19 : memref<!tpu.dma_semaphore, #tpu.memory_space<semaphore_mem>>)
    %mul3A_384 = arith.constant 640 : i32
    %mul3A_385 = arith.muli %arg1, %mul3A_384 : i32
    %add3A_386 = arith.constant 240 : i32
    %add3A_387 = arith.addi %mul3A_385, %add3A_386 : i32
    %dma_wait3A_388 = arith.constant 0 : i32
    %dma_wait3A_389 = tpu.memref_slice %arg13[%add3A_387, %dma_wait3A_388] : memref<10240x128xf32, #tpu.memory_space<vmem_shared>> -> memref<80x128xf32, #tpu.memory_space<vmem_shared>>
    %dma_wait3A_390 = arith.constant 0 : i32
    %dma_wait3A_391 = tpu.memref_slice %arg13[%add3A_387, %dma_wait3A_390] : memref<10240x128xf32, #tpu.memory_space<vmem_shared>> -> memref<80x128xf32, #tpu.memory_space<vmem_shared>>
    tpu.wait_dma2 semaphore(%arg19 : memref<!tpu.dma_semaphore, #tpu.memory_space<semaphore_mem>>) src(%dma_wait3A_391 : memref<80x128xf32, #tpu.memory_space<vmem_shared>>) dst(%arg10 : memref<80x128xf32, #tpu.memory_space<vmem>>)
    %mul3A_392 = arith.constant 640 : i32
    %mul3A_393 = arith.muli %arg1, %mul3A_392 : i32
    %add3A_394 = arith.constant 240 : i32
    %add3A_395 = arith.addi %mul3A_393, %add3A_394 : i32
    %dma_start3A_396 = arith.constant 0 : i32
    %dma_start3A_397 = tpu.memref_slice %arg4[%arg0, %add3A_395, %dma_start3A_396] : memref<2x10240x128xf32, #tpu.memory_space<hbm>> -> memref<1x80x128xf32, #tpu.memory_space<hbm>>
    %dma_start3A_398 = tpu.memref_squeeze %dma_start3A_397 : memref<1x80x128xf32, #tpu.memory_space<hbm>> -> memref<80x128xf32, #tpu.memory_space<hbm>>
    %dma_start3A_399 = arith.constant 0 : i32
    %dma_start3A_400 = tpu.memref_slice %arg4[%arg0, %add3A_395, %dma_start3A_399] : memref<2x10240x128xf32, #tpu.memory_space<hbm>> -> memref<1x80x128xf32, #tpu.memory_space<hbm>>
    %dma_start3A_401 = tpu.memref_squeeze %dma_start3A_400 : memref<1x80x128xf32, #tpu.memory_space<hbm>> -> memref<80x128xf32, #tpu.memory_space<hbm>>
    tpu.enqueue_dma source(%arg10 : memref<80x128xf32, #tpu.memory_space<vmem>>) target(%dma_start3A_401 : memref<80x128xf32, #tpu.memory_space<hbm>>) target_semaphore(%arg23 : memref<!tpu.dma_semaphore, #tpu.memory_space<semaphore_mem>>)
    %mul3A_402 = arith.constant 640 : i32
    %mul3A_403 = arith.muli %arg1, %mul3A_402 : i32
    %add3A_404 = arith.constant 160 : i32
    %add3A_405 = arith.addi %mul3A_403, %add3A_404 : i32
    %dma_wait3A_406 = arith.constant 0 : i32
    %dma_wait3A_407 = tpu.memref_slice %arg4[%arg0, %add3A_405, %dma_wait3A_406] : memref<2x10240x128xf32, #tpu.memory_space<hbm>> -> memref<1x80x128xf32, #tpu.memory_space<hbm>>
    %dma_wait3A_408 = tpu.memref_squeeze %dma_wait3A_407 : memref<1x80x128xf32, #tpu.memory_space<hbm>> -> memref<80x128xf32, #tpu.memory_space<hbm>>
    %dma_wait3A_409 = arith.constant 0 : i32
    %dma_wait3A_410 = tpu.memref_slice %arg4[%arg0, %add3A_405, %dma_wait3A_409] : memref<2x10240x128xf32, #tpu.memory_space<hbm>> -> memref<1x80x128xf32, #tpu.memory_space<hbm>>
    %dma_wait3A_411 = tpu.memref_squeeze %dma_wait3A_410 : memref<1x80x128xf32, #tpu.memory_space<hbm>> -> memref<80x128xf32, #tpu.memory_space<hbm>>
    tpu.wait_dma2 semaphore(%arg22 : memref<!tpu.dma_semaphore, #tpu.memory_space<semaphore_mem>>) src(%arg9 : memref<80x128xf32, #tpu.memory_space<vmem>>) dst(%dma_wait3A_411 : memref<80x128xf32, #tpu.memory_space<hbm>>)
    %mul3A_412 = arith.constant 640 : i32
    %mul3A_413 = arith.muli %arg1, %mul3A_412 : i32
    %add3A_414 = arith.constant 320 : i32
    %add3A_415 = arith.addi %mul3A_413, %add3A_414 : i32
    %dma_start3A_416 = arith.constant 0 : i32
    %dma_start3A_417 = tpu.memref_slice %arg13[%add3A_415, %dma_start3A_416] : memref<10240x128xf32, #tpu.memory_space<vmem_shared>> -> memref<80x128xf32, #tpu.memory_space<vmem_shared>>
    %dma_start3A_418 = arith.constant 0 : i32
    %dma_start3A_419 = tpu.memref_slice %arg13[%add3A_415, %dma_start3A_418] : memref<10240x128xf32, #tpu.memory_space<vmem_shared>> -> memref<80x128xf32, #tpu.memory_space<vmem_shared>>
    tpu.enqueue_dma source(%dma_start3A_419 : memref<80x128xf32, #tpu.memory_space<vmem_shared>>) target(%arg9 : memref<80x128xf32, #tpu.memory_space<vmem>>) target_semaphore(%arg18 : memref<!tpu.dma_semaphore, #tpu.memory_space<semaphore_mem>>)
    %mul3A_420 = arith.constant 640 : i32
    %mul3A_421 = arith.muli %arg1, %mul3A_420 : i32
    %add3A_422 = arith.constant 320 : i32
    %add3A_423 = arith.addi %mul3A_421, %add3A_422 : i32
    %dma_wait3A_424 = arith.constant 0 : i32
    %dma_wait3A_425 = tpu.memref_slice %arg13[%add3A_423, %dma_wait3A_424] : memref<10240x128xf32, #tpu.memory_space<vmem_shared>> -> memref<80x128xf32, #tpu.memory_space<vmem_shared>>
    %dma_wait3A_426 = arith.constant 0 : i32
    %dma_wait3A_427 = tpu.memref_slice %arg13[%add3A_423, %dma_wait3A_426] : memref<10240x128xf32, #tpu.memory_space<vmem_shared>> -> memref<80x128xf32, #tpu.memory_space<vmem_shared>>
    tpu.wait_dma2 semaphore(%arg18 : memref<!tpu.dma_semaphore, #tpu.memory_space<semaphore_mem>>) src(%dma_wait3A_427 : memref<80x128xf32, #tpu.memory_space<vmem_shared>>) dst(%arg9 : memref<80x128xf32, #tpu.memory_space<vmem>>)
    %mul3A_428 = arith.constant 640 : i32
    %mul3A_429 = arith.muli %arg1, %mul3A_428 : i32
    %add3A_430 = arith.constant 320 : i32
    %add3A_431 = arith.addi %mul3A_429, %add3A_430 : i32
    %dma_start3A_432 = arith.constant 0 : i32
    %dma_start3A_433 = tpu.memref_slice %arg4[%arg0, %add3A_431, %dma_start3A_432] : memref<2x10240x128xf32, #tpu.memory_space<hbm>> -> memref<1x80x128xf32, #tpu.memory_space<hbm>>
    %dma_start3A_434 = tpu.memref_squeeze %dma_start3A_433 : memref<1x80x128xf32, #tpu.memory_space<hbm>> -> memref<80x128xf32, #tpu.memory_space<hbm>>
    %dma_start3A_435 = arith.constant 0 : i32
    %dma_start3A_436 = tpu.memref_slice %arg4[%arg0, %add3A_431, %dma_start3A_435] : memref<2x10240x128xf32, #tpu.memory_space<hbm>> -> memref<1x80x128xf32, #tpu.memory_space<hbm>>
    %dma_start3A_437 = tpu.memref_squeeze %dma_start3A_436 : memref<1x80x128xf32, #tpu.memory_space<hbm>> -> memref<80x128xf32, #tpu.memory_space<hbm>>
    tpu.enqueue_dma source(%arg9 : memref<80x128xf32, #tpu.memory_space<vmem>>) target(%dma_start3A_437 : memref<80x128xf32, #tpu.memory_space<hbm>>) target_semaphore(%arg22 : memref<!tpu.dma_semaphore, #tpu.memory_space<semaphore_mem>>)
    %mul3A_438 = arith.constant 640 : i32
    %mul3A_439 = arith.muli %arg1, %mul3A_438 : i32
    %add3A_440 = arith.constant 240 : i32
    %add3A_441 = arith.addi %mul3A_439, %add3A_440 : i32
    %dma_wait3A_442 = arith.constant 0 : i32
    %dma_wait3A_443 = tpu.memref_slice %arg4[%arg0, %add3A_441, %dma_wait3A_442] : memref<2x10240x128xf32, #tpu.memory_space<hbm>> -> memref<1x80x128xf32, #tpu.memory_space<hbm>>
    %dma_wait3A_444 = tpu.memref_squeeze %dma_wait3A_443 : memref<1x80x128xf32, #tpu.memory_space<hbm>> -> memref<80x128xf32, #tpu.memory_space<hbm>>
    %dma_wait3A_445 = arith.constant 0 : i32
    %dma_wait3A_446 = tpu.memref_slice %arg4[%arg0, %add3A_441, %dma_wait3A_445] : memref<2x10240x128xf32, #tpu.memory_space<hbm>> -> memref<1x80x128xf32, #tpu.memory_space<hbm>>
    %dma_wait3A_447 = tpu.memref_squeeze %dma_wait3A_446 : memref<1x80x128xf32, #tpu.memory_space<hbm>> -> memref<80x128xf32, #tpu.memory_space<hbm>>
    tpu.wait_dma2 semaphore(%arg23 : memref<!tpu.dma_semaphore, #tpu.memory_space<semaphore_mem>>) src(%arg10 : memref<80x128xf32, #tpu.memory_space<vmem>>) dst(%dma_wait3A_447 : memref<80x128xf32, #tpu.memory_space<hbm>>)
    %mul3A_448 = arith.constant 640 : i32
    %mul3A_449 = arith.muli %arg1, %mul3A_448 : i32
    %add3A_450 = arith.constant 400 : i32
    %add3A_451 = arith.addi %mul3A_449, %add3A_450 : i32
    %dma_start3A_452 = arith.constant 0 : i32
    %dma_start3A_453 = tpu.memref_slice %arg13[%add3A_451, %dma_start3A_452] : memref<10240x128xf32, #tpu.memory_space<vmem_shared>> -> memref<80x128xf32, #tpu.memory_space<vmem_shared>>
    %dma_start3A_454 = arith.constant 0 : i32
    %dma_start3A_455 = tpu.memref_slice %arg13[%add3A_451, %dma_start3A_454] : memref<10240x128xf32, #tpu.memory_space<vmem_shared>> -> memref<80x128xf32, #tpu.memory_space<vmem_shared>>
    tpu.enqueue_dma source(%dma_start3A_455 : memref<80x128xf32, #tpu.memory_space<vmem_shared>>) target(%arg10 : memref<80x128xf32, #tpu.memory_space<vmem>>) target_semaphore(%arg19 : memref<!tpu.dma_semaphore, #tpu.memory_space<semaphore_mem>>)
    %mul3A_456 = arith.constant 640 : i32
    %mul3A_457 = arith.muli %arg1, %mul3A_456 : i32
    %add3A_458 = arith.constant 400 : i32
    %add3A_459 = arith.addi %mul3A_457, %add3A_458 : i32
    %dma_wait3A_460 = arith.constant 0 : i32
    %dma_wait3A_461 = tpu.memref_slice %arg13[%add3A_459, %dma_wait3A_460] : memref<10240x128xf32, #tpu.memory_space<vmem_shared>> -> memref<80x128xf32, #tpu.memory_space<vmem_shared>>
    %dma_wait3A_462 = arith.constant 0 : i32
    %dma_wait3A_463 = tpu.memref_slice %arg13[%add3A_459, %dma_wait3A_462] : memref<10240x128xf32, #tpu.memory_space<vmem_shared>> -> memref<80x128xf32, #tpu.memory_space<vmem_shared>>
    tpu.wait_dma2 semaphore(%arg19 : memref<!tpu.dma_semaphore, #tpu.memory_space<semaphore_mem>>) src(%dma_wait3A_463 : memref<80x128xf32, #tpu.memory_space<vmem_shared>>) dst(%arg10 : memref<80x128xf32, #tpu.memory_space<vmem>>)
    %mul3A_464 = arith.constant 640 : i32
    %mul3A_465 = arith.muli %arg1, %mul3A_464 : i32
    %add3A_466 = arith.constant 400 : i32
    %add3A_467 = arith.addi %mul3A_465, %add3A_466 : i32
    %dma_start3A_468 = arith.constant 0 : i32
    %dma_start3A_469 = tpu.memref_slice %arg4[%arg0, %add3A_467, %dma_start3A_468] : memref<2x10240x128xf32, #tpu.memory_space<hbm>> -> memref<1x80x128xf32, #tpu.memory_space<hbm>>
    %dma_start3A_470 = tpu.memref_squeeze %dma_start3A_469 : memref<1x80x128xf32, #tpu.memory_space<hbm>> -> memref<80x128xf32, #tpu.memory_space<hbm>>
    %dma_start3A_471 = arith.constant 0 : i32
    %dma_start3A_472 = tpu.memref_slice %arg4[%arg0, %add3A_467, %dma_start3A_471] : memref<2x10240x128xf32, #tpu.memory_space<hbm>> -> memref<1x80x128xf32, #tpu.memory_space<hbm>>
    %dma_start3A_473 = tpu.memref_squeeze %dma_start3A_472 : memref<1x80x128xf32, #tpu.memory_space<hbm>> -> memref<80x128xf32, #tpu.memory_space<hbm>>
    tpu.enqueue_dma source(%arg10 : memref<80x128xf32, #tpu.memory_space<vmem>>) target(%dma_start3A_473 : memref<80x128xf32, #tpu.memory_space<hbm>>) target_semaphore(%arg23 : memref<!tpu.dma_semaphore, #tpu.memory_space<semaphore_mem>>)
    %mul3A_474 = arith.constant 640 : i32
    %mul3A_475 = arith.muli %arg1, %mul3A_474 : i32
    %add3A_476 = arith.constant 320 : i32
    %add3A_477 = arith.addi %mul3A_475, %add3A_476 : i32
    %dma_wait3A_478 = arith.constant 0 : i32
    %dma_wait3A_479 = tpu.memref_slice %arg4[%arg0, %add3A_477, %dma_wait3A_478] : memref<2x10240x128xf32, #tpu.memory_space<hbm>> -> memref<1x80x128xf32, #tpu.memory_space<hbm>>
    %dma_wait3A_480 = tpu.memref_squeeze %dma_wait3A_479 : memref<1x80x128xf32, #tpu.memory_space<hbm>> -> memref<80x128xf32, #tpu.memory_space<hbm>>
    %dma_wait3A_481 = arith.constant 0 : i32
    %dma_wait3A_482 = tpu.memref_slice %arg4[%arg0, %add3A_477, %dma_wait3A_481] : memref<2x10240x128xf32, #tpu.memory_space<hbm>> -> memref<1x80x128xf32, #tpu.memory_space<hbm>>
    %dma_wait3A_483 = tpu.memref_squeeze %dma_wait3A_482 : memref<1x80x128xf32, #tpu.memory_space<hbm>> -> memref<80x128xf32, #tpu.memory_space<hbm>>
    tpu.wait_dma2 semaphore(%arg22 : memref<!tpu.dma_semaphore, #tpu.memory_space<semaphore_mem>>) src(%arg9 : memref<80x128xf32, #tpu.memory_space<vmem>>) dst(%dma_wait3A_483 : memref<80x128xf32, #tpu.memory_space<hbm>>)
    %mul3A_484 = arith.constant 640 : i32
    %mul3A_485 = arith.muli %arg1, %mul3A_484 : i32
    %add3A_486 = arith.constant 480 : i32
    %add3A_487 = arith.addi %mul3A_485, %add3A_486 : i32
    %dma_start3A_488 = arith.constant 0 : i32
    %dma_start3A_489 = tpu.memref_slice %arg13[%add3A_487, %dma_start3A_488] : memref<10240x128xf32, #tpu.memory_space<vmem_shared>> -> memref<80x128xf32, #tpu.memory_space<vmem_shared>>
    %dma_start3A_490 = arith.constant 0 : i32
    %dma_start3A_491 = tpu.memref_slice %arg13[%add3A_487, %dma_start3A_490] : memref<10240x128xf32, #tpu.memory_space<vmem_shared>> -> memref<80x128xf32, #tpu.memory_space<vmem_shared>>
    tpu.enqueue_dma source(%dma_start3A_491 : memref<80x128xf32, #tpu.memory_space<vmem_shared>>) target(%arg9 : memref<80x128xf32, #tpu.memory_space<vmem>>) target_semaphore(%arg18 : memref<!tpu.dma_semaphore, #tpu.memory_space<semaphore_mem>>)
    %mul3A_492 = arith.constant 640 : i32
    %mul3A_493 = arith.muli %arg1, %mul3A_492 : i32
    %add3A_494 = arith.constant 480 : i32
    %add3A_495 = arith.addi %mul3A_493, %add3A_494 : i32
    %dma_wait3A_496 = arith.constant 0 : i32
    %dma_wait3A_497 = tpu.memref_slice %arg13[%add3A_495, %dma_wait3A_496] : memref<10240x128xf32, #tpu.memory_space<vmem_shared>> -> memref<80x128xf32, #tpu.memory_space<vmem_shared>>
    %dma_wait3A_498 = arith.constant 0 : i32
    %dma_wait3A_499 = tpu.memref_slice %arg13[%add3A_495, %dma_wait3A_498] : memref<10240x128xf32, #tpu.memory_space<vmem_shared>> -> memref<80x128xf32, #tpu.memory_space<vmem_shared>>
    tpu.wait_dma2 semaphore(%arg18 : memref<!tpu.dma_semaphore, #tpu.memory_space<semaphore_mem>>) src(%dma_wait3A_499 : memref<80x128xf32, #tpu.memory_space<vmem_shared>>) dst(%arg9 : memref<80x128xf32, #tpu.memory_space<vmem>>)
    %mul3A_500 = arith.constant 640 : i32
    %mul3A_501 = arith.muli %arg1, %mul3A_500 : i32
    %add3A_502 = arith.constant 480 : i32
    %add3A_503 = arith.addi %mul3A_501, %add3A_502 : i32
    %dma_start3A_504 = arith.constant 0 : i32
    %dma_start3A_505 = tpu.memref_slice %arg4[%arg0, %add3A_503, %dma_start3A_504] : memref<2x10240x128xf32, #tpu.memory_space<hbm>> -> memref<1x80x128xf32, #tpu.memory_space<hbm>>
    %dma_start3A_506 = tpu.memref_squeeze %dma_start3A_505 : memref<1x80x128xf32, #tpu.memory_space<hbm>> -> memref<80x128xf32, #tpu.memory_space<hbm>>
    %dma_start3A_507 = arith.constant 0 : i32
    %dma_start3A_508 = tpu.memref_slice %arg4[%arg0, %add3A_503, %dma_start3A_507] : memref<2x10240x128xf32, #tpu.memory_space<hbm>> -> memref<1x80x128xf32, #tpu.memory_space<hbm>>
    %dma_start3A_509 = tpu.memref_squeeze %dma_start3A_508 : memref<1x80x128xf32, #tpu.memory_space<hbm>> -> memref<80x128xf32, #tpu.memory_space<hbm>>
    tpu.enqueue_dma source(%arg9 : memref<80x128xf32, #tpu.memory_space<vmem>>) target(%dma_start3A_509 : memref<80x128xf32, #tpu.memory_space<hbm>>) target_semaphore(%arg22 : memref<!tpu.dma_semaphore, #tpu.memory_space<semaphore_mem>>)
    %mul3A_510 = arith.constant 640 : i32
    %mul3A_511 = arith.muli %arg1, %mul3A_510 : i32
    %add3A_512 = arith.constant 400 : i32
    %add3A_513 = arith.addi %mul3A_511, %add3A_512 : i32
    %dma_wait3A_514 = arith.constant 0 : i32
    %dma_wait3A_515 = tpu.memref_slice %arg4[%arg0, %add3A_513, %dma_wait3A_514] : memref<2x10240x128xf32, #tpu.memory_space<hbm>> -> memref<1x80x128xf32, #tpu.memory_space<hbm>>
    %dma_wait3A_516 = tpu.memref_squeeze %dma_wait3A_515 : memref<1x80x128xf32, #tpu.memory_space<hbm>> -> memref<80x128xf32, #tpu.memory_space<hbm>>
    %dma_wait3A_517 = arith.constant 0 : i32
    %dma_wait3A_518 = tpu.memref_slice %arg4[%arg0, %add3A_513, %dma_wait3A_517] : memref<2x10240x128xf32, #tpu.memory_space<hbm>> -> memref<1x80x128xf32, #tpu.memory_space<hbm>>
    %dma_wait3A_519 = tpu.memref_squeeze %dma_wait3A_518 : memref<1x80x128xf32, #tpu.memory_space<hbm>> -> memref<80x128xf32, #tpu.memory_space<hbm>>
    tpu.wait_dma2 semaphore(%arg23 : memref<!tpu.dma_semaphore, #tpu.memory_space<semaphore_mem>>) src(%arg10 : memref<80x128xf32, #tpu.memory_space<vmem>>) dst(%dma_wait3A_519 : memref<80x128xf32, #tpu.memory_space<hbm>>)
    %mul3A_520 = arith.constant 640 : i32
    %mul3A_521 = arith.muli %arg1, %mul3A_520 : i32
    %add3A_522 = arith.constant 560 : i32
    %add3A_523 = arith.addi %mul3A_521, %add3A_522 : i32
    %dma_start3A_524 = arith.constant 0 : i32
    %dma_start3A_525 = tpu.memref_slice %arg13[%add3A_523, %dma_start3A_524] : memref<10240x128xf32, #tpu.memory_space<vmem_shared>> -> memref<80x128xf32, #tpu.memory_space<vmem_shared>>
    %dma_start3A_526 = arith.constant 0 : i32
    %dma_start3A_527 = tpu.memref_slice %arg13[%add3A_523, %dma_start3A_526] : memref<10240x128xf32, #tpu.memory_space<vmem_shared>> -> memref<80x128xf32, #tpu.memory_space<vmem_shared>>
    tpu.enqueue_dma source(%dma_start3A_527 : memref<80x128xf32, #tpu.memory_space<vmem_shared>>) target(%arg10 : memref<80x128xf32, #tpu.memory_space<vmem>>) target_semaphore(%arg19 : memref<!tpu.dma_semaphore, #tpu.memory_space<semaphore_mem>>)
    %mul3A_528 = arith.constant 640 : i32
    %mul3A_529 = arith.muli %arg1, %mul3A_528 : i32
    %add3A_530 = arith.constant 560 : i32
    %add3A_531 = arith.addi %mul3A_529, %add3A_530 : i32
    %dma_wait3A_532 = arith.constant 0 : i32
    %dma_wait3A_533 = tpu.memref_slice %arg13[%add3A_531, %dma_wait3A_532] : memref<10240x128xf32, #tpu.memory_space<vmem_shared>> -> memref<80x128xf32, #tpu.memory_space<vmem_shared>>
    %dma_wait3A_534 = arith.constant 0 : i32
    %dma_wait3A_535 = tpu.memref_slice %arg13[%add3A_531, %dma_wait3A_534] : memref<10240x128xf32, #tpu.memory_space<vmem_shared>> -> memref<80x128xf32, #tpu.memory_space<vmem_shared>>
    tpu.wait_dma2 semaphore(%arg19 : memref<!tpu.dma_semaphore, #tpu.memory_space<semaphore_mem>>) src(%dma_wait3A_535 : memref<80x128xf32, #tpu.memory_space<vmem_shared>>) dst(%arg10 : memref<80x128xf32, #tpu.memory_space<vmem>>)
    %mul3A_536 = arith.constant 640 : i32
    %mul3A_537 = arith.muli %arg1, %mul3A_536 : i32
    %add3A_538 = arith.constant 560 : i32
    %add3A_539 = arith.addi %mul3A_537, %add3A_538 : i32
    %dma_start3A_540 = arith.constant 0 : i32
    %dma_start3A_541 = tpu.memref_slice %arg4[%arg0, %add3A_539, %dma_start3A_540] : memref<2x10240x128xf32, #tpu.memory_space<hbm>> -> memref<1x80x128xf32, #tpu.memory_space<hbm>>
    %dma_start3A_542 = tpu.memref_squeeze %dma_start3A_541 : memref<1x80x128xf32, #tpu.memory_space<hbm>> -> memref<80x128xf32, #tpu.memory_space<hbm>>
    %dma_start3A_543 = arith.constant 0 : i32
    %dma_start3A_544 = tpu.memref_slice %arg4[%arg0, %add3A_539, %dma_start3A_543] : memref<2x10240x128xf32, #tpu.memory_space<hbm>> -> memref<1x80x128xf32, #tpu.memory_space<hbm>>
    %dma_start3A_545 = tpu.memref_squeeze %dma_start3A_544 : memref<1x80x128xf32, #tpu.memory_space<hbm>> -> memref<80x128xf32, #tpu.memory_space<hbm>>
    tpu.enqueue_dma source(%arg10 : memref<80x128xf32, #tpu.memory_space<vmem>>) target(%dma_start3A_545 : memref<80x128xf32, #tpu.memory_space<hbm>>) target_semaphore(%arg23 : memref<!tpu.dma_semaphore, #tpu.memory_space<semaphore_mem>>)
    %mul3A_546 = arith.constant 640 : i32
    %mul3A_547 = arith.muli %arg1, %mul3A_546 : i32
    %add3A_548 = arith.constant 480 : i32
    %add3A_549 = arith.addi %mul3A_547, %add3A_548 : i32
    %dma_wait3A_550 = arith.constant 0 : i32
    %dma_wait3A_551 = tpu.memref_slice %arg4[%arg0, %add3A_549, %dma_wait3A_550] : memref<2x10240x128xf32, #tpu.memory_space<hbm>> -> memref<1x80x128xf32, #tpu.memory_space<hbm>>
    %dma_wait3A_552 = tpu.memref_squeeze %dma_wait3A_551 : memref<1x80x128xf32, #tpu.memory_space<hbm>> -> memref<80x128xf32, #tpu.memory_space<hbm>>
    %dma_wait3A_553 = arith.constant 0 : i32
    %dma_wait3A_554 = tpu.memref_slice %arg4[%arg0, %add3A_549, %dma_wait3A_553] : memref<2x10240x128xf32, #tpu.memory_space<hbm>> -> memref<1x80x128xf32, #tpu.memory_space<hbm>>
    %dma_wait3A_555 = tpu.memref_squeeze %dma_wait3A_554 : memref<1x80x128xf32, #tpu.memory_space<hbm>> -> memref<80x128xf32, #tpu.memory_space<hbm>>
    tpu.wait_dma2 semaphore(%arg22 : memref<!tpu.dma_semaphore, #tpu.memory_space<semaphore_mem>>) src(%arg9 : memref<80x128xf32, #tpu.memory_space<vmem>>) dst(%dma_wait3A_555 : memref<80x128xf32, #tpu.memory_space<hbm>>)
    %mul3A_556 = arith.constant 640 : i32
    %mul3A_557 = arith.muli %arg1, %mul3A_556 : i32
    %add3A_558 = arith.constant 560 : i32
    %add3A_559 = arith.addi %mul3A_557, %add3A_558 : i32
    %dma_wait3A_560 = arith.constant 0 : i32
    %dma_wait3A_561 = tpu.memref_slice %arg4[%arg0, %add3A_559, %dma_wait3A_560] : memref<2x10240x128xf32, #tpu.memory_space<hbm>> -> memref<1x80x128xf32, #tpu.memory_space<hbm>>
    %dma_wait3A_562 = tpu.memref_squeeze %dma_wait3A_561 : memref<1x80x128xf32, #tpu.memory_space<hbm>> -> memref<80x128xf32, #tpu.memory_space<hbm>>
    %dma_wait3A_563 = arith.constant 0 : i32
    %dma_wait3A_564 = tpu.memref_slice %arg4[%arg0, %add3A_559, %dma_wait3A_563] : memref<2x10240x128xf32, #tpu.memory_space<hbm>> -> memref<1x80x128xf32, #tpu.memory_space<hbm>>
    %dma_wait3A_565 = tpu.memref_squeeze %dma_wait3A_564 : memref<1x80x128xf32, #tpu.memory_space<hbm>> -> memref<80x128xf32, #tpu.memory_space<hbm>>
    tpu.wait_dma2 semaphore(%arg23 : memref<!tpu.dma_semaphore, #tpu.memory_space<semaphore_mem>>) src(%arg10 : memref<80x128xf32, #tpu.memory_space<vmem>>) dst(%dma_wait3A_565 : memref<80x128xf32, #tpu.memory_space<hbm>>)
    return
  }
}

#map = affine_map<(d0, d1) -> (0, 0)>
#map1 = affine_map<(d0, d1) -> (0, 0, 0, 0)>
#map2 = affine_map<(d0, d1) -> (0, 0, 0)>
module attributes {stable_mosaic.version = 14 : i64} {
  func.func @scatter_kernel(%arg0: i32, %arg1: i32, %arg2: memref<10000x128xf32, #tpu.memory_space<hbm>>, %arg3: memref<32x125x2x80xi32, #tpu.memory_space<hbm>>, %arg4: memref<2x10240x128xf32, #tpu.memory_space<hbm>>, %arg5: memref<2x80xi32, #tpu.memory_space<vmem>>, %arg6: memref<2x80xi32, #tpu.memory_space<vmem>>, %arg7: memref<2x80xi32, #tpu.memory_space<vmem>>, %arg8: memref<2x80xi32, #tpu.memory_space<vmem>>, %arg9: memref<80x128xf32, #tpu.memory_space<vmem>>, %arg10: memref<80x128xf32, #tpu.memory_space<vmem>>, %arg11: memref<80x128xf32, #tpu.memory_space<vmem>>, %arg12: memref<80x128xf32, #tpu.memory_space<vmem>>, %arg13: memref<10240x128xf32, #tpu.memory_space<vmem_shared>>, %arg14: memref<!tpu.dma_semaphore, #tpu.memory_space<semaphore_mem>>, %arg15: memref<!tpu.dma_semaphore, #tpu.memory_space<semaphore_mem>>, %arg16: memref<!tpu.dma_semaphore, #tpu.memory_space<semaphore_mem>>, %arg17: memref<!tpu.dma_semaphore, #tpu.memory_space<semaphore_mem>>, %arg18: memref<!tpu.dma_semaphore, #tpu.memory_space<semaphore_mem>>, %arg19: memref<!tpu.dma_semaphore, #tpu.memory_space<semaphore_mem>>, %arg20: memref<!tpu.dma_semaphore, #tpu.memory_space<semaphore_mem>>, %arg21: memref<!tpu.dma_semaphore, #tpu.memory_space<semaphore_mem>>, %arg22: memref<!tpu.dma_semaphore, #tpu.memory_space<semaphore_mem>>, %arg23: memref<!tpu.dma_semaphore, #tpu.memory_space<semaphore_mem>>, %arg24: memref<!tpu.dma_semaphore, #tpu.memory_space<semaphore_mem>>, %arg25: memref<!tpu.dma_semaphore, #tpu.memory_space<semaphore_mem>>) attributes {dimension_semantics = [#tpu.dimension_semantics<core_parallel>, #tpu.dimension_semantics<subcore_parallel>], iteration_bounds = array<i64: 2, 16>, scalar_prefetch = 0 : i64, scratch_operands = 21 : i64, tpu.core_type = #tpu.core_type<sc_vector_subcore>, window_params = [{transform_indices = #map}, {transform_indices = #map1}, {transform_indices = #map2}]} {
    %mul3A = arith.constant 16 : i32
    %mul3A_0 = arith.muli %arg0, %mul3A : i32
    %add3A = arith.addi %mul3A_0, %arg1 : i32
    %broadcast_in_dim3A = arith.constant 0.000000e+00 : f32
    %broadcast_in_dim3A_1 = vector.broadcast %broadcast_in_dim3A : f32 to vector<16xf32>
    %dma_start3A = arith.constant 0 : i32
    %dma_start3A_2 = arith.constant 0 : i32
    %dma_start3A_3 = arith.constant 0 : i32
    %dma_start3A_4 = tpu.memref_slice %arg3[%add3A, %dma_start3A, %dma_start3A_2, %dma_start3A_3] : memref<32x125x2x80xi32, #tpu.memory_space<hbm>> -> memref<1x1x2x80xi32, #tpu.memory_space<hbm>>
    %dma_start3A_5 = tpu.memref_squeeze %dma_start3A_4 : memref<1x1x2x80xi32, #tpu.memory_space<hbm>> -> memref<2x80xi32, #tpu.memory_space<hbm>>
    %dma_start3A_6 = arith.constant 0 : i32
    %dma_start3A_7 = arith.constant 0 : i32
    %dma_start3A_8 = tpu.memref_slice %arg3[%add3A, %dma_start3A, %dma_start3A_6, %dma_start3A_7] : memref<32x125x2x80xi32, #tpu.memory_space<hbm>> -> memref<1x1x2x80xi32, #tpu.memory_space<hbm>>
    %dma_start3A_9 = tpu.memref_squeeze %dma_start3A_8 : memref<1x1x2x80xi32, #tpu.memory_space<hbm>> -> memref<2x80xi32, #tpu.memory_space<hbm>>
    tpu.enqueue_dma source(%dma_start3A_9 : memref<2x80xi32, #tpu.memory_space<hbm>>) target(%arg5 : memref<2x80xi32, #tpu.memory_space<vmem>>) target_semaphore(%arg14 : memref<!tpu.dma_semaphore, #tpu.memory_space<semaphore_mem>>)
    %dma_start3A_10 = arith.constant 1 : i32
    %dma_start3A_11 = arith.constant 0 : i32
    %dma_start3A_12 = arith.constant 0 : i32
    %dma_start3A_13 = tpu.memref_slice %arg3[%add3A, %dma_start3A_10, %dma_start3A_11, %dma_start3A_12] : memref<32x125x2x80xi32, #tpu.memory_space<hbm>> -> memref<1x1x2x80xi32, #tpu.memory_space<hbm>>
    %dma_start3A_14 = tpu.memref_squeeze %dma_start3A_13 : memref<1x1x2x80xi32, #tpu.memory_space<hbm>> -> memref<2x80xi32, #tpu.memory_space<hbm>>
    %dma_start3A_15 = arith.constant 0 : i32
    %dma_start3A_16 = arith.constant 0 : i32
    %dma_start3A_17 = tpu.memref_slice %arg3[%add3A, %dma_start3A_10, %dma_start3A_15, %dma_start3A_16] : memref<32x125x2x80xi32, #tpu.memory_space<hbm>> -> memref<1x1x2x80xi32, #tpu.memory_space<hbm>>
    %dma_start3A_18 = tpu.memref_squeeze %dma_start3A_17 : memref<1x1x2x80xi32, #tpu.memory_space<hbm>> -> memref<2x80xi32, #tpu.memory_space<hbm>>
    tpu.enqueue_dma source(%dma_start3A_18 : memref<2x80xi32, #tpu.memory_space<hbm>>) target(%arg6 : memref<2x80xi32, #tpu.memory_space<vmem>>) target_semaphore(%arg15 : memref<!tpu.dma_semaphore, #tpu.memory_space<semaphore_mem>>)
    %dma_start3A_19 = arith.constant 2 : i32
    %dma_start3A_20 = arith.constant 0 : i32
    %dma_start3A_21 = arith.constant 0 : i32
    %dma_start3A_22 = tpu.memref_slice %arg3[%add3A, %dma_start3A_19, %dma_start3A_20, %dma_start3A_21] : memref<32x125x2x80xi32, #tpu.memory_space<hbm>> -> memref<1x1x2x80xi32, #tpu.memory_space<hbm>>
    %dma_start3A_23 = tpu.memref_squeeze %dma_start3A_22 : memref<1x1x2x80xi32, #tpu.memory_space<hbm>> -> memref<2x80xi32, #tpu.memory_space<hbm>>
    %dma_start3A_24 = arith.constant 0 : i32
    %dma_start3A_25 = arith.constant 0 : i32
    %dma_start3A_26 = tpu.memref_slice %arg3[%add3A, %dma_start3A_19, %dma_start3A_24, %dma_start3A_25] : memref<32x125x2x80xi32, #tpu.memory_space<hbm>> -> memref<1x1x2x80xi32, #tpu.memory_space<hbm>>
    %dma_start3A_27 = tpu.memref_squeeze %dma_start3A_26 : memref<1x1x2x80xi32, #tpu.memory_space<hbm>> -> memref<2x80xi32, #tpu.memory_space<hbm>>
    tpu.enqueue_dma source(%dma_start3A_27 : memref<2x80xi32, #tpu.memory_space<hbm>>) target(%arg7 : memref<2x80xi32, #tpu.memory_space<vmem>>) target_semaphore(%arg16 : memref<!tpu.dma_semaphore, #tpu.memory_space<semaphore_mem>>)
    %scan3A = arith.constant 0 : i32
    %scan3A_28 = arith.constant 0 : i32
    %scan3A_29 = arith.constant 640 : i32
    %scan3A_30 = arith.addi %scan3A_28, %scan3A_29 : i32
    %scan3A_31 = arith.constant 1 : i32
    %scan3A_32 = scf.for %scan3A_566 = %scan3A_28 to %scan3A_30 step %scan3A_31 iter_args(%scan3A_567 = %scan3A) -> (i32)  : i32 {
      %jit3A = arith.constant 8 : i32
      %div3A = arith.divsi %scan3A_566, %jit3A : i32
      %sign3A = arith.constant 0 : i32
      %sign3A_568 = arith.cmpi sgt, %scan3A_566, %sign3A : i32
      %sign3A_569 = arith.extui %sign3A_568 : i1 to i32
      %sign3A_570 = arith.constant 0 : i32
      %sign3A_571 = arith.cmpi slt, %scan3A_566, %sign3A_570 : i32
      %sign3A_572 = arith.extui %sign3A_571 : i1 to i32
      %sign3A_573 = arith.subi %sign3A_569, %sign3A_572 : i32
      %sign3A_574 = arith.constant 0 : i32
      %sign3A_575 = arith.cmpi sgt, %jit3A, %sign3A_574 : i32
      %sign3A_576 = arith.extui %sign3A_575 : i1 to i32
      %sign3A_577 = arith.constant 0 : i32
      %sign3A_578 = arith.cmpi slt, %jit3A, %sign3A_577 : i32
      %sign3A_579 = arith.extui %sign3A_578 : i1 to i32
      %sign3A_580 = arith.subi %sign3A_576, %sign3A_579 : i32
      %ne3A = arith.cmpi ne, %sign3A_573, %sign3A_580 : i32
      %rem3A = arith.remsi %scan3A_566, %jit3A : i32
      %ne3A_581 = arith.constant 0 : i32
      %ne3A_582 = arith.cmpi ne, %rem3A, %ne3A_581 : i32
      %and3A = arith.andi %ne3A, %ne3A_582 : i1
      %sub3A = arith.constant 1 : i32
      %sub3A_583 = arith.subi %div3A, %sub3A : i32
      %select_n3A = arith.select %and3A, %sub3A_583, %div3A : i32
      %jit3A_584 = arith.constant 8 : i32
      %eq3A = arith.constant 0 : i32
      %eq3A_585 = arith.cmpi eq, %jit3A_584, %eq3A : i32
      %jit3A_586 = arith.constant 1 : i32
      %select_n3A_587 = arith.select %eq3A_585, %jit3A_586, %jit3A_584 : i32
      %rem3A_588 = arith.remsi %scan3A_566, %select_n3A_587 : i32
      %ne3A_589 = arith.constant 0 : i32
      %ne3A_590 = arith.cmpi ne, %rem3A_588, %ne3A_589 : i32
      %lt3A = arith.constant 0 : i32
      %lt3A_591 = arith.cmpi slt, %rem3A_588, %lt3A : i32
      %lt3A_592 = arith.constant 0 : i32
      %lt3A_593 = arith.cmpi slt, %select_n3A_587, %lt3A_592 : i32
      %ne3A_594 = arith.xori %lt3A_591, %lt3A_593 : i1
      %and3A_595 = arith.andi %ne3A_594, %ne3A_590 : i1
      %add3A_596 = arith.addi %rem3A_588, %select_n3A_587 : i32
      %select_n3A_597 = arith.select %and3A_595, %add3A_596, %rem3A_588 : i32
      %mul3A_598 = arith.constant 16 : i32
      %mul3A_599 = arith.muli %select_n3A_597, %mul3A_598 : i32
      %swap3A = arith.index_cast %select_n3A : i32 to index
      %swap3A_600 = arith.index_cast %mul3A_599 : i32 to index
      %swap3A_601 = tpu.vector_load %arg12[%swap3A, %swap3A_600] {strides = array<i32>} : memref<80x128xf32, #tpu.memory_space<vmem>>, vector<1x16xf32>,
      %swap3A_602 = vector.shape_cast %swap3A_601 : vector<1x16xf32> to vector<16xf32>
      %swap3A_603 = vector.shape_cast %broadcast_in_dim3A_1 : vector<16xf32> to vector<1x16xf32>
      tpu.vector_store %arg12[%swap3A, %swap3A_600], %swap3A_603 {strides = array<i32>} : memref<80x128xf32, #tpu.memory_space<vmem>>, vector<1x16xf32>,
      %scan3A_604 = arith.constant 0 : i32
      scf.yield %scan3A_604 : i32
    }
    %scan3A_33 = arith.constant 640 : i32
    %mul3A_34 = arith.constant 640 : i32
    %mul3A_35 = arith.muli %arg1, %mul3A_34 : i32
    %add3A_36 = arith.constant 0 : i32
    %add3A_37 = arith.addi %mul3A_35, %add3A_36 : i32
    %dma_start3A_38 = arith.constant 0 : i32
    %dma_start3A_39 = tpu.memref_slice %arg13[%add3A_37, %dma_start3A_38] : memref<10240x128xf32, #tpu.memory_space<vmem_shared>> -> memref<80x128xf32, #tpu.memory_space<vmem_shared>>
    %dma_start3A_40 = arith.constant 0 : i32
    %dma_start3A_41 = tpu.memref_slice %arg13[%add3A_37, %dma_start3A_40] : memref<10240x128xf32, #tpu.memory_space<vmem_shared>> -> memref<80x128xf32, #tpu.memory_space<vmem_shared>>
    tpu.enqueue_dma source(%arg12 : memref<80x128xf32, #tpu.memory_space<vmem>>) target(%dma_start3A_41 : memref<80x128xf32, #tpu.memory_space<vmem_shared>>) target_semaphore(%arg25 : memref<!tpu.dma_semaphore, #tpu.memory_space<semaphore_mem>>)
    %mul3A_42 = arith.constant 640 : i32
    %mul3A_43 = arith.muli %arg1, %mul3A_42 : i32
    %add3A_44 = arith.constant 80 : i32
    %add3A_45 = arith.addi %mul3A_43, %add3A_44 : i32
    %dma_start3A_46 = arith.constant 0 : i32
    %dma_start3A_47 = tpu.memref_slice %arg13[%add3A_45, %dma_start3A_46] : memref<10240x128xf32, #tpu.memory_space<vmem_shared>> -> memref<80x128xf32, #tpu.memory_space<vmem_shared>>
    %dma_start3A_48 = arith.constant 0 : i32
    %dma_start3A_49 = tpu.memref_slice %arg13[%add3A_45, %dma_start3A_48] : memref<10240x128xf32, #tpu.memory_space<vmem_shared>> -> memref<80x128xf32, #tpu.memory_space<vmem_shared>>
    tpu.enqueue_dma source(%arg12 : memref<80x128xf32, #tpu.memory_space<vmem>>) target(%dma_start3A_49 : memref<80x128xf32, #tpu.memory_space<vmem_shared>>) target_semaphore(%arg25 : memref<!tpu.dma_semaphore, #tpu.memory_space<semaphore_mem>>)
    %mul3A_50 = arith.constant 640 : i32
    %mul3A_51 = arith.muli %arg1, %mul3A_50 : i32
    %add3A_52 = arith.constant 160 : i32
    %add3A_53 = arith.addi %mul3A_51, %add3A_52 : i32
    %dma_start3A_54 = arith.constant 0 : i32
    %dma_start3A_55 = tpu.memref_slice %arg13[%add3A_53, %dma_start3A_54] : memref<10240x128xf32, #tpu.memory_space<vmem_shared>> -> memref<80x128xf32, #tpu.memory_space<vmem_shared>>
    %dma_start3A_56 = arith.constant 0 : i32
    %dma_start3A_57 = tpu.memref_slice %arg13[%add3A_53, %dma_start3A_56] : memref<10240x128xf32, #tpu.memory_space<vmem_shared>> -> memref<80x128xf32, #tpu.memory_space<vmem_shared>>
    tpu.enqueue_dma source(%arg12 : memref<80x128xf32, #tpu.memory_space<vmem>>) target(%dma_start3A_57 : memref<80x128xf32, #tpu.memory_space<vmem_shared>>) target_semaphore(%arg25 : memref<!tpu.dma_semaphore, #tpu.memory_space<semaphore_mem>>)
    %mul3A_58 = arith.constant 640 : i32
    %mul3A_59 = arith.muli %arg1, %mul3A_58 : i32
    %add3A_60 = arith.constant 240 : i32
    %add3A_61 = arith.addi %mul3A_59, %add3A_60 : i32
    %dma_start3A_62 = arith.constant 0 : i32
    %dma_start3A_63 = tpu.memref_slice %arg13[%add3A_61, %dma_start3A_62] : memref<10240x128xf32, #tpu.memory_space<vmem_shared>> -> memref<80x128xf32, #tpu.memory_space<vmem_shared>>
    %dma_start3A_64 = arith.constant 0 : i32
    %dma_start3A_65 = tpu.memref_slice %arg13[%add3A_61, %dma_start3A_64] : memref<10240x128xf32, #tpu.memory_space<vmem_shared>> -> memref<80x128xf32, #tpu.memory_space<vmem_shared>>
    tpu.enqueue_dma source(%arg12 : memref<80x128xf32, #tpu.memory_space<vmem>>) target(%dma_start3A_65 : memref<80x128xf32, #tpu.memory_space<vmem_shared>>) target_semaphore(%arg25 : memref<!tpu.dma_semaphore, #tpu.memory_space<semaphore_mem>>)
    %mul3A_66 = arith.constant 640 : i32
    %mul3A_67 = arith.muli %arg1, %mul3A_66 : i32
    %add3A_68 = arith.constant 320 : i32
    %add3A_69 = arith.addi %mul3A_67, %add3A_68 : i32
    %dma_start3A_70 = arith.constant 0 : i32
    %dma_start3A_71 = tpu.memref_slice %arg13[%add3A_69, %dma_start3A_70] : memref<10240x128xf32, #tpu.memory_space<vmem_shared>> -> memref<80x128xf32, #tpu.memory_space<vmem_shared>>
    %dma_start3A_72 = arith.constant 0 : i32
    %dma_start3A_73 = tpu.memref_slice %arg13[%add3A_69, %dma_start3A_72] : memref<10240x128xf32, #tpu.memory_space<vmem_shared>> -> memref<80x128xf32, #tpu.memory_space<vmem_shared>>
    tpu.enqueue_dma source(%arg12 : memref<80x128xf32, #tpu.memory_space<vmem>>) target(%dma_start3A_73 : memref<80x128xf32, #tpu.memory_space<vmem_shared>>) target_semaphore(%arg25 : memref<!tpu.dma_semaphore, #tpu.memory_space<semaphore_mem>>)
    %mul3A_74 = arith.constant 640 : i32
    %mul3A_75 = arith.muli %arg1, %mul3A_74 : i32
    %add3A_76 = arith.constant 400 : i32
    %add3A_77 = arith.addi %mul3A_75, %add3A_76 : i32
    %dma_start3A_78 = arith.constant 0 : i32
    %dma_start3A_79 = tpu.memref_slice %arg13[%add3A_77, %dma_start3A_78] : memref<10240x128xf32, #tpu.memory_space<vmem_shared>> -> memref<80x128xf32, #tpu.memory_space<vmem_shared>>
    %dma_start3A_80 = arith.constant 0 : i32
    %dma_start3A_81 = tpu.memref_slice %arg13[%add3A_77, %dma_start3A_80] : memref<10240x128xf32, #tpu.memory_space<vmem_shared>> -> memref<80x128xf32, #tpu.memory_space<vmem_shared>>
    tpu.enqueue_dma source(%arg12 : memref<80x128xf32, #tpu.memory_space<vmem>>) target(%dma_start3A_81 : memref<80x128xf32, #tpu.memory_space<vmem_shared>>) target_semaphore(%arg25 : memref<!tpu.dma_semaphore, #tpu.memory_space<semaphore_mem>>)
    %mul3A_82 = arith.constant 640 : i32
    %mul3A_83 = arith.muli %arg1, %mul3A_82 : i32
    %add3A_84 = arith.constant 480 : i32
    %add3A_85 = arith.addi %mul3A_83, %add3A_84 : i32
    %dma_start3A_86 = arith.constant 0 : i32
    %dma_start3A_87 = tpu.memref_slice %arg13[%add3A_85, %dma_start3A_86] : memref<10240x128xf32, #tpu.memory_space<vmem_shared>> -> memref<80x128xf32, #tpu.memory_space<vmem_shared>>
    %dma_start3A_88 = arith.constant 0 : i32
    %dma_start3A_89 = tpu.memref_slice %arg13[%add3A_85, %dma_start3A_88] : memref<10240x128xf32, #tpu.memory_space<vmem_shared>> -> memref<80x128xf32, #tpu.memory_space<vmem_shared>>
    tpu.enqueue_dma source(%arg12 : memref<80x128xf32, #tpu.memory_space<vmem>>) target(%dma_start3A_89 : memref<80x128xf32, #tpu.memory_space<vmem_shared>>) target_semaphore(%arg25 : memref<!tpu.dma_semaphore, #tpu.memory_space<semaphore_mem>>)
    %mul3A_90 = arith.constant 640 : i32
    %mul3A_91 = arith.muli %arg1, %mul3A_90 : i32
    %add3A_92 = arith.constant 560 : i32
    %add3A_93 = arith.addi %mul3A_91, %add3A_92 : i32
    %dma_start3A_94 = arith.constant 0 : i32
    %dma_start3A_95 = tpu.memref_slice %arg13[%add3A_93, %dma_start3A_94] : memref<10240x128xf32, #tpu.memory_space<vmem_shared>> -> memref<80x128xf32, #tpu.memory_space<vmem_shared>>
    %dma_start3A_96 = arith.constant 0 : i32
    %dma_start3A_97 = tpu.memref_slice %arg13[%add3A_93, %dma_start3A_96] : memref<10240x128xf32, #tpu.memory_space<vmem_shared>> -> memref<80x128xf32, #tpu.memory_space<vmem_shared>>
    tpu.enqueue_dma source(%arg12 : memref<80x128xf32, #tpu.memory_space<vmem>>) target(%dma_start3A_97 : memref<80x128xf32, #tpu.memory_space<vmem_shared>>) target_semaphore(%arg25 : memref<!tpu.dma_semaphore, #tpu.memory_space<semaphore_mem>>)
    %dma_wait3A = arith.constant 0 : i32
    %dma_wait3A_98 = arith.constant 0 : i32
    %dma_wait3A_99 = arith.constant 0 : i32
    %dma_wait3A_100 = tpu.memref_slice %arg3[%add3A, %dma_wait3A, %dma_wait3A_98, %dma_wait3A_99] : memref<32x125x2x80xi32, #tpu.memory_space<hbm>> -> memref<1x1x2x80xi32, #tpu.memory_space<hbm>>
    %dma_wait3A_101 = tpu.memref_squeeze %dma_wait3A_100 : memref<1x1x2x80xi32, #tpu.memory_space<hbm>> -> memref<2x80xi32, #tpu.memory_space<hbm>>
    %dma_wait3A_102 = arith.constant 0 : i32
    %dma_wait3A_103 = arith.constant 0 : i32
    %dma_wait3A_104 = tpu.memref_slice %arg3[%add3A, %dma_wait3A, %dma_wait3A_102, %dma_wait3A_103] : memref<32x125x2x80xi32, #tpu.memory_space<hbm>> -> memref<1x1x2x80xi32, #tpu.memory_space<hbm>>
    %dma_wait3A_105 = tpu.memref_squeeze %dma_wait3A_104 : memref<1x1x2x80xi32, #tpu.memory_space<hbm>> -> memref<2x80xi32, #tpu.memory_space<hbm>>
    tpu.wait_dma2 semaphore(%arg14 : memref<!tpu.dma_semaphore, #tpu.memory_space<semaphore_mem>>) src(%dma_wait3A_105 : memref<2x80xi32, #tpu.memory_space<hbm>>) dst(%arg5 : memref<2x80xi32, #tpu.memory_space<vmem>>)
    %dma_start3A_106 = arith.constant 0 : i32
    %dma_start3A_107 = arith.constant 0 : i32
    %dma_start3A_108 = tpu.memref_slice %arg5[%dma_start3A_106, %dma_start3A_107] : memref<2x80xi32, #tpu.memory_space<vmem>> -> memref<1x80xi32, #tpu.memory_space<vmem>>
    %dma_start3A_109 = tpu.memref_squeeze %dma_start3A_108 : memref<1x80xi32, #tpu.memory_space<vmem>> -> memref<80xi32, #tpu.memory_space<vmem>>
    %dma_start3A_110 = arith.constant 0 : i32
    %dma_start3A_111 = arith.constant 0 : i32
    %dma_start3A_112 = tpu.memref_slice %arg2[%dma_start3A_110, %dma_start3A_111] : memref<10000x128xf32, #tpu.memory_space<hbm>> -> memref<10000x128xf32, #tpu.memory_space<hbm>>
    tpu.enqueue_indirect_dma source(%dma_start3A_112 : memref<10000x128xf32, #tpu.memory_space<hbm>>) target(%arg9 : memref<80x128xf32, #tpu.memory_space<vmem>>) offsets(%dma_start3A_109 : memref<80xi32, #tpu.memory_space<vmem>>) semaphore(%arg18 : memref<!tpu.dma_semaphore, #tpu.memory_space<semaphore_mem>>)
    %dma_wait3A_113 = arith.constant 1 : i32
    %dma_wait3A_114 = arith.constant 0 : i32
    %dma_wait3A_115 = arith.constant 0 : i32
    %dma_wait3A_116 = tpu.memref_slice %arg3[%add3A, %dma_wait3A_113, %dma_wait3A_114, %dma_wait3A_115] : memref<32x125x2x80xi32, #tpu.memory_space<hbm>> -> memref<1x1x2x80xi32, #tpu.memory_space<hbm>>
    %dma_wait3A_117 = tpu.memref_squeeze %dma_wait3A_116 : memref<1x1x2x80xi32, #tpu.memory_space<hbm>> -> memref<2x80xi32, #tpu.memory_space<hbm>>
    %dma_wait3A_118 = arith.constant 0 : i32
    %dma_wait3A_119 = arith.constant 0 : i32
    %dma_wait3A_120 = tpu.memref_slice %arg3[%add3A, %dma_wait3A_113, %dma_wait3A_118, %dma_wait3A_119] : memref<32x125x2x80xi32, #tpu.memory_space<hbm>> -> memref<1x1x2x80xi32, #tpu.memory_space<hbm>>
    %dma_wait3A_121 = tpu.memref_squeeze %dma_wait3A_120 : memref<1x1x2x80xi32, #tpu.memory_space<hbm>> -> memref<2x80xi32, #tpu.memory_space<hbm>>
    tpu.wait_dma2 semaphore(%arg15 : memref<!tpu.dma_semaphore, #tpu.memory_space<semaphore_mem>>) src(%dma_wait3A_121 : memref<2x80xi32, #tpu.memory_space<hbm>>) dst(%arg6 : memref<2x80xi32, #tpu.memory_space<vmem>>)
    %dma_start3A_122 = arith.constant 0 : i32
    %dma_start3A_123 = arith.constant 0 : i32
    %dma_start3A_124 = tpu.memref_slice %arg6[%dma_start3A_122, %dma_start3A_123] : memref<2x80xi32, #tpu.memory_space<vmem>> -> memref<1x80xi32, #tpu.memory_space<vmem>>
    %dma_start3A_125 = tpu.memref_squeeze %dma_start3A_124 : memref<1x80xi32, #tpu.memory_space<vmem>> -> memref<80xi32, #tpu.memory_space<vmem>>
    %dma_start3A_126 = arith.constant 0 : i32
    %dma_start3A_127 = arith.constant 0 : i32
    %dma_start3A_128 = tpu.memref_slice %arg2[%dma_start3A_126, %dma_start3A_127] : memref<10000x128xf32, #tpu.memory_space<hbm>> -> memref<10000x128xf32, #tpu.memory_space<hbm>>
    tpu.enqueue_indirect_dma source(%dma_start3A_128 : memref<10000x128xf32, #tpu.memory_space<hbm>>) target(%arg10 : memref<80x128xf32, #tpu.memory_space<vmem>>) offsets(%dma_start3A_125 : memref<80xi32, #tpu.memory_space<vmem>>) semaphore(%arg19 : memref<!tpu.dma_semaphore, #tpu.memory_space<semaphore_mem>>)
    %mul3A_129 = arith.constant 640 : i32
    %mul3A_130 = arith.muli %arg1, %mul3A_129 : i32
    %add3A_131 = arith.constant 0 : i32
    %add3A_132 = arith.addi %mul3A_130, %add3A_131 : i32
    %dma_wait3A_133 = arith.constant 0 : i32
    %dma_wait3A_134 = tpu.memref_slice %arg13[%add3A_132, %dma_wait3A_133] : memref<10240x128xf32, #tpu.memory_space<vmem_shared>> -> memref<80x128xf32, #tpu.memory_space<vmem_shared>>
    %dma_wait3A_135 = arith.constant 0 : i32
    %dma_wait3A_136 = tpu.memref_slice %arg13[%add3A_132, %dma_wait3A_135] : memref<10240x128xf32, #tpu.memory_space<vmem_shared>> -> memref<80x128xf32, #tpu.memory_space<vmem_shared>>
    tpu.wait_dma2 semaphore(%arg25 : memref<!tpu.dma_semaphore, #tpu.memory_space<semaphore_mem>>) src(%arg12 : memref<80x128xf32, #tpu.memory_space<vmem>>) dst(%dma_wait3A_136 : memref<80x128xf32, #tpu.memory_space<vmem_shared>>)
    %mul3A_137 = arith.constant 640 : i32
    %mul3A_138 = arith.muli %arg1, %mul3A_137 : i32
    %add3A_139 = arith.constant 80 : i32
    %add3A_140 = arith.addi %mul3A_138, %add3A_139 : i32
    %dma_wait3A_141 = arith.constant 0 : i32
    %dma_wait3A_142 = tpu.memref_slice %arg13[%add3A_140, %dma_wait3A_141] : memref<10240x128xf32, #tpu.memory_space<vmem_shared>> -> memref<80x128xf32, #tpu.memory_space<vmem_shared>>
    %dma_wait3A_143 = arith.constant 0 : i32
    %dma_wait3A_144 = tpu.memref_slice %arg13[%add3A_140, %dma_wait3A_143] : memref<10240x128xf32, #tpu.memory_space<vmem_shared>> -> memref<80x128xf32, #tpu.memory_space<vmem_shared>>
    tpu.wait_dma2 semaphore(%arg25 : memref<!tpu.dma_semaphore, #tpu.memory_space<semaphore_mem>>) src(%arg12 : memref<80x128xf32, #tpu.memory_space<vmem>>) dst(%dma_wait3A_144 : memref<80x128xf32, #tpu.memory_space<vmem_shared>>)
    %mul3A_145 = arith.constant 640 : i32
    %mul3A_146 = arith.muli %arg1, %mul3A_145 : i32
    %add3A_147 = arith.constant 160 : i32
    %add3A_148 = arith.addi %mul3A_146, %add3A_147 : i32
    %dma_wait3A_149 = arith.constant 0 : i32
    %dma_wait3A_150 = tpu.memref_slice %arg13[%add3A_148, %dma_wait3A_149] : memref<10240x128xf32, #tpu.memory_space<vmem_shared>> -> memref<80x128xf32, #tpu.memory_space<vmem_shared>>
    %dma_wait3A_151 = arith.constant 0 : i32
    %dma_wait3A_152 = tpu.memref_slice %arg13[%add3A_148, %dma_wait3A_151] : memref<10240x128xf32, #tpu.memory_space<vmem_shared>> -> memref<80x128xf32, #tpu.memory_space<vmem_shared>>
    tpu.wait_dma2 semaphore(%arg25 : memref<!tpu.dma_semaphore, #tpu.memory_space<semaphore_mem>>) src(%arg12 : memref<80x128xf32, #tpu.memory_space<vmem>>) dst(%dma_wait3A_152 : memref<80x128xf32, #tpu.memory_space<vmem_shared>>)
    %mul3A_153 = arith.constant 640 : i32
    %mul3A_154 = arith.muli %arg1, %mul3A_153 : i32
    %add3A_155 = arith.constant 240 : i32
    %add3A_156 = arith.addi %mul3A_154, %add3A_155 : i32
    %dma_wait3A_157 = arith.constant 0 : i32
    %dma_wait3A_158 = tpu.memref_slice %arg13[%add3A_156, %dma_wait3A_157] : memref<10240x128xf32, #tpu.memory_space<vmem_shared>> -> memref<80x128xf32, #tpu.memory_space<vmem_shared>>
    %dma_wait3A_159 = arith.constant 0 : i32
    %dma_wait3A_160 = tpu.memref_slice %arg13[%add3A_156, %dma_wait3A_159] : memref<10240x128xf32, #tpu.memory_space<vmem_shared>> -> memref<80x128xf32, #tpu.memory_space<vmem_shared>>
    tpu.wait_dma2 semaphore(%arg25 : memref<!tpu.dma_semaphore, #tpu.memory_space<semaphore_mem>>) src(%arg12 : memref<80x128xf32, #tpu.memory_space<vmem>>) dst(%dma_wait3A_160 : memref<80x128xf32, #tpu.memory_space<vmem_shared>>)
    %mul3A_161 = arith.constant 640 : i32
    %mul3A_162 = arith.muli %arg1, %mul3A_161 : i32
    %add3A_163 = arith.constant 320 : i32
    %add3A_164 = arith.addi %mul3A_162, %add3A_163 : i32
    %dma_wait3A_165 = arith.constant 0 : i32
    %dma_wait3A_166 = tpu.memref_slice %arg13[%add3A_164, %dma_wait3A_165] : memref<10240x128xf32, #tpu.memory_space<vmem_shared>> -> memref<80x128xf32, #tpu.memory_space<vmem_shared>>
    %dma_wait3A_167 = arith.constant 0 : i32
    %dma_wait3A_168 = tpu.memref_slice %arg13[%add3A_164, %dma_wait3A_167] : memref<10240x128xf32, #tpu.memory_space<vmem_shared>> -> memref<80x128xf32, #tpu.memory_space<vmem_shared>>
    tpu.wait_dma2 semaphore(%arg25 : memref<!tpu.dma_semaphore, #tpu.memory_space<semaphore_mem>>) src(%arg12 : memref<80x128xf32, #tpu.memory_space<vmem>>) dst(%dma_wait3A_168 : memref<80x128xf32, #tpu.memory_space<vmem_shared>>)
    %mul3A_169 = arith.constant 640 : i32
    %mul3A_170 = arith.muli %arg1, %mul3A_169 : i32
    %add3A_171 = arith.constant 400 : i32
    %add3A_172 = arith.addi %mul3A_170, %add3A_171 : i32
    %dma_wait3A_173 = arith.constant 0 : i32
    %dma_wait3A_174 = tpu.memref_slice %arg13[%add3A_172, %dma_wait3A_173] : memref<10240x128xf32, #tpu.memory_space<vmem_shared>> -> memref<80x128xf32, #tpu.memory_space<vmem_shared>>
    %dma_wait3A_175 = arith.constant 0 : i32
    %dma_wait3A_176 = tpu.memref_slice %arg13[%add3A_172, %dma_wait3A_175] : memref<10240x128xf32, #tpu.memory_space<vmem_shared>> -> memref<80x128xf32, #tpu.memory_space<vmem_shared>>
    tpu.wait_dma2 semaphore(%arg25 : memref<!tpu.dma_semaphore, #tpu.memory_space<semaphore_mem>>) src(%arg12 : memref<80x128xf32, #tpu.memory_space<vmem>>) dst(%dma_wait3A_176 : memref<80x128xf32, #tpu.memory_space<vmem_shared>>)
    %mul3A_177 = arith.constant 640 : i32
    %mul3A_178 = arith.muli %arg1, %mul3A_177 : i32
    %add3A_179 = arith.constant 480 : i32
    %add3A_180 = arith.addi %mul3A_178, %add3A_179 : i32
    %dma_wait3A_181 = arith.constant 0 : i32
    %dma_wait3A_182 = tpu.memref_slice %arg13[%add3A_180, %dma_wait3A_181] : memref<10240x128xf32, #tpu.memory_space<vmem_shared>> -> memref<80x128xf32, #tpu.memory_space<vmem_shared>>
    %dma_wait3A_183 = arith.constant 0 : i32
    %dma_wait3A_184 = tpu.memref_slice %arg13[%add3A_180, %dma_wait3A_183] : memref<10240x128xf32, #tpu.memory_space<vmem_shared>> -> memref<80x128xf32, #tpu.memory_space<vmem_shared>>
    tpu.wait_dma2 semaphore(%arg25 : memref<!tpu.dma_semaphore, #tpu.memory_space<semaphore_mem>>) src(%arg12 : memref<80x128xf32, #tpu.memory_space<vmem>>) dst(%dma_wait3A_184 : memref<80x128xf32, #tpu.memory_space<vmem_shared>>)
    %mul3A_185 = arith.constant 640 : i32
    %mul3A_186 = arith.muli %arg1, %mul3A_185 : i32
    %add3A_187 = arith.constant 560 : i32
    %add3A_188 = arith.addi %mul3A_186, %add3A_187 : i32
    %dma_wait3A_189 = arith.constant 0 : i32
    %dma_wait3A_190 = tpu.memref_slice %arg13[%add3A_188, %dma_wait3A_189] : memref<10240x128xf32, #tpu.memory_space<vmem_shared>> -> memref<80x128xf32, #tpu.memory_space<vmem_shared>>
    %dma_wait3A_191 = arith.constant 0 : i32
    %dma_wait3A_192 = tpu.memref_slice %arg13[%add3A_188, %dma_wait3A_191] : memref<10240x128xf32, #tpu.memory_space<vmem_shared>> -> memref<80x128xf32, #tpu.memory_space<vmem_shared>>
    tpu.wait_dma2 semaphore(%arg25 : memref<!tpu.dma_semaphore, #tpu.memory_space<semaphore_mem>>) src(%arg12 : memref<80x128xf32, #tpu.memory_space<vmem>>) dst(%dma_wait3A_192 : memref<80x128xf32, #tpu.memory_space<vmem_shared>>)
    %barrier3A = arith.constant 0 : index
    tpu.barrier barrier_id(%barrier3A)
    %scan3A_193 = arith.constant 0 : i32
    %scan3A_194 = arith.constant 0 : i32
    %scan3A_195 = arith.constant 31 : i32
    %scan3A_196 = arith.addi %scan3A_194, %scan3A_195 : i32
    %scan3A_197 = arith.constant 1 : i32
    %scan3A_198 = scf.for %scan3A_566 = %scan3A_194 to %scan3A_196 step %scan3A_197 iter_args(%scan3A_567 = %scan3A_193) -> (i32)  : i32 {
      %mul3A_568 = arith.constant 4 : i32
      %mul3A_569 = arith.muli %mul3A_568, %scan3A_566 : i32
      %add3A_570 = arith.constant 0 : i32
      %add3A_571 = arith.addi %mul3A_569, %add3A_570 : i32
      %dma_wait3A_572 = arith.constant 0 : i32
      %dma_wait3A_573 = arith.constant 0 : i32
      %dma_wait3A_574 = tpu.memref_slice %arg5[%dma_wait3A_572, %dma_wait3A_573] : memref<2x80xi32, #tpu.memory_space<vmem>> -> memref<1x80xi32, #tpu.memory_space<vmem>>
      %dma_wait3A_575 = tpu.memref_squeeze %dma_wait3A_574 : memref<1x80xi32, #tpu.memory_space<vmem>> -> memref<80xi32, #tpu.memory_space<vmem>>
      %dma_wait3A_576 = arith.constant 0 : i32
      %dma_wait3A_577 = arith.constant 0 : i32
      %dma_wait3A_578 = tpu.memref_slice %arg2[%dma_wait3A_576, %dma_wait3A_577] : memref<10000x128xf32, #tpu.memory_space<hbm>> -> memref<10000x128xf32, #tpu.memory_space<hbm>>
      tpu.wait_indirect_dma semaphore(%arg18 : memref<!tpu.dma_semaphore, #tpu.memory_space<semaphore_mem>>) src(%dma_wait3A_578 : memref<10000x128xf32, #tpu.memory_space<hbm>>) dst(%arg9 : memref<80x128xf32, #tpu.memory_space<vmem>>)
      %dma_start3A_579 = arith.constant 1 : i32
      %dma_start3A_580 = arith.constant 0 : i32
      %dma_start3A_581 = tpu.memref_slice %arg5[%dma_start3A_579, %dma_start3A_580] : memref<2x80xi32, #tpu.memory_space<vmem>> -> memref<1x80xi32, #tpu.memory_space<vmem>>
      %dma_start3A_582 = tpu.memref_squeeze %dma_start3A_581 : memref<1x80xi32, #tpu.memory_space<vmem>> -> memref<80xi32, #tpu.memory_space<vmem>>
      %dma_start3A_583 = arith.constant 0 : i32
      %dma_start3A_584 = arith.constant 0 : i32
      %dma_start3A_585 = tpu.memref_slice %arg13[%dma_start3A_583, %dma_start3A_584] : memref<10240x128xf32, #tpu.memory_space<vmem_shared>> -> memref<10240x128xf32, #tpu.memory_space<vmem_shared>>
      tpu.enqueue_indirect_dma source(%arg9 : memref<80x128xf32, #tpu.memory_space<vmem>>) target(%dma_start3A_585 : memref<10240x128xf32, #tpu.memory_space<vmem_shared>>) offsets(%dma_start3A_582 : memref<80xi32, #tpu.memory_space<vmem>>) semaphore(%arg22 : memref<!tpu.dma_semaphore, #tpu.memory_space<semaphore_mem>>) {add = true}
      %gt3A = arith.constant 0 : i32
      %gt3A_586 = arith.cmpi sgt, %add3A_571, %gt3A : i32
      %convert_element_type3A = arith.extui %gt3A_586 : i1 to i32
      %cond3A = arith.constant 0 : i32
      %cond3A_587 = arith.cmpi ne, %convert_element_type3A, %cond3A : i32
      scf.if %cond3A_587 {
        %dma_wait3A_776 = arith.constant 1 : i32
        %dma_wait3A_777 = arith.constant 0 : i32
        %dma_wait3A_778 = tpu.memref_slice %arg8[%dma_wait3A_776, %dma_wait3A_777] : memref<2x80xi32, #tpu.memory_space<vmem>> -> memref<1x80xi32, #tpu.memory_space<vmem>>
        %dma_wait3A_779 = tpu.memref_squeeze %dma_wait3A_778 : memref<1x80xi32, #tpu.memory_space<vmem>> -> memref<80xi32, #tpu.memory_space<vmem>>
        %dma_wait3A_780 = arith.constant 0 : i32
        %dma_wait3A_781 = arith.constant 0 : i32
        %dma_wait3A_782 = tpu.memref_slice %arg13[%dma_wait3A_780, %dma_wait3A_781] : memref<10240x128xf32, #tpu.memory_space<vmem_shared>> -> memref<10240x128xf32, #tpu.memory_space<vmem_shared>>
        tpu.wait_indirect_dma semaphore(%arg25 : memref<!tpu.dma_semaphore, #tpu.memory_space<semaphore_mem>>) src(%arg12 : memref<80x128xf32, #tpu.memory_space<vmem>>) dst(%dma_wait3A_782 : memref<10240x128xf32, #tpu.memory_space<vmem_shared>>)
      } else {
      }
      %add3A_588 = arith.constant 3 : i32
      %add3A_589 = arith.addi %add3A_571, %add3A_588 : i32
      %min3A_590 = arith.constant 124 : i32
      %min3A_591 = arith.minsi %add3A_589, %min3A_590 : i32
      %dma_start3A_592 = arith.constant 0 : i32
      %dma_start3A_593 = arith.constant 0 : i32
      %dma_start3A_594 = tpu.memref_slice %arg3[%add3A, %min3A_591, %dma_start3A_592, %dma_start3A_593] : memref<32x125x2x80xi32, #tpu.memory_space<hbm>> -> memref<1x1x2x80xi32, #tpu.memory_space<hbm>>
      %dma_start3A_595 = tpu.memref_squeeze %dma_start3A_594 : memref<1x1x2x80xi32, #tpu.memory_space<hbm>> -> memref<2x80xi32, #tpu.memory_space<hbm>>
      %dma_start3A_596 = arith.constant 0 : i32
      %dma_start3A_597 = arith.constant 0 : i32
      %dma_start3A_598 = tpu.memref_slice %arg3[%add3A, %min3A_591, %dma_start3A_596, %dma_start3A_597] : memref<32x125x2x80xi32, #tpu.memory_space<hbm>> -> memref<1x1x2x80xi32, #tpu.memory_space<hbm>>
      %dma_start3A_599 = tpu.memref_squeeze %dma_start3A_598 : memref<1x1x2x80xi32, #tpu.memory_space<hbm>> -> memref<2x80xi32, #tpu.memory_space<hbm>>
      tpu.enqueue_dma source(%dma_start3A_599 : memref<2x80xi32, #tpu.memory_space<hbm>>) target(%arg8 : memref<2x80xi32, #tpu.memory_space<vmem>>) target_semaphore(%arg17 : memref<!tpu.dma_semaphore, #tpu.memory_space<semaphore_mem>>)
      %dma_wait3A_600 = arith.constant 0 : i32
      %dma_wait3A_601 = arith.constant 0 : i32
      %dma_wait3A_602 = arith.constant 0 : i32
      %dma_wait3A_603 = tpu.memref_slice %arg3[%add3A, %dma_wait3A_600, %dma_wait3A_601, %dma_wait3A_602] : memref<32x125x2x80xi32, #tpu.memory_space<hbm>> -> memref<1x1x2x80xi32, #tpu.memory_space<hbm>>
      %dma_wait3A_604 = tpu.memref_squeeze %dma_wait3A_603 : memref<1x1x2x80xi32, #tpu.memory_space<hbm>> -> memref<2x80xi32, #tpu.memory_space<hbm>>
      %dma_wait3A_605 = arith.constant 0 : i32
      %dma_wait3A_606 = arith.constant 0 : i32
      %dma_wait3A_607 = tpu.memref_slice %arg3[%add3A, %dma_wait3A_600, %dma_wait3A_605, %dma_wait3A_606] : memref<32x125x2x80xi32, #tpu.memory_space<hbm>> -> memref<1x1x2x80xi32, #tpu.memory_space<hbm>>
      %dma_wait3A_608 = tpu.memref_squeeze %dma_wait3A_607 : memref<1x1x2x80xi32, #tpu.memory_space<hbm>> -> memref<2x80xi32, #tpu.memory_space<hbm>>
      tpu.wait_dma2 semaphore(%arg16 : memref<!tpu.dma_semaphore, #tpu.memory_space<semaphore_mem>>) src(%dma_wait3A_608 : memref<2x80xi32, #tpu.memory_space<hbm>>) dst(%arg7 : memref<2x80xi32, #tpu.memory_space<vmem>>)
      %dma_start3A_609 = arith.constant 0 : i32
      %dma_start3A_610 = arith.constant 0 : i32
      %dma_start3A_611 = tpu.memref_slice %arg7[%dma_start3A_609, %dma_start3A_610] : memref<2x80xi32, #tpu.memory_space<vmem>> -> memref<1x80xi32, #tpu.memory_space<vmem>>
      %dma_start3A_612 = tpu.memref_squeeze %dma_start3A_611 : memref<1x80xi32, #tpu.memory_space<vmem>> -> memref<80xi32, #tpu.memory_space<vmem>>
      %dma_start3A_613 = arith.constant 0 : i32
      %dma_start3A_614 = arith.constant 0 : i32
      %dma_start3A_615 = tpu.memref_slice %arg2[%dma_start3A_613, %dma_start3A_614] : memref<10000x128xf32, #tpu.memory_space<hbm>> -> memref<10000x128xf32, #tpu.memory_space<hbm>>
      tpu.enqueue_indirect_dma source(%dma_start3A_615 : memref<10000x128xf32, #tpu.memory_space<hbm>>) target(%arg11 : memref<80x128xf32, #tpu.memory_space<vmem>>) offsets(%dma_start3A_612 : memref<80xi32, #tpu.memory_space<vmem>>) semaphore(%arg20 : memref<!tpu.dma_semaphore, #tpu.memory_space<semaphore_mem>>)
      %mul3A_616 = arith.constant 4 : i32
      %mul3A_617 = arith.muli %mul3A_616, %scan3A_566 : i32
      %add3A_618 = arith.constant 1 : i32
      %add3A_619 = arith.addi %mul3A_617, %add3A_618 : i32
      %dma_wait3A_620 = arith.constant 0 : i32
      %dma_wait3A_621 = arith.constant 0 : i32
      %dma_wait3A_622 = tpu.memref_slice %arg6[%dma_wait3A_620, %dma_wait3A_621] : memref<2x80xi32, #tpu.memory_space<vmem>> -> memref<1x80xi32, #tpu.memory_space<vmem>>
      %dma_wait3A_623 = tpu.memref_squeeze %dma_wait3A_622 : memref<1x80xi32, #tpu.memory_space<vmem>> -> memref<80xi32, #tpu.memory_space<vmem>>
      %dma_wait3A_624 = arith.constant 0 : i32
      %dma_wait3A_625 = arith.constant 0 : i32
      %dma_wait3A_626 = tpu.memref_slice %arg2[%dma_wait3A_624, %dma_wait3A_625] : memref<10000x128xf32, #tpu.memory_space<hbm>> -> memref<10000x128xf32, #tpu.memory_space<hbm>>
      tpu.wait_indirect_dma semaphore(%arg19 : memref<!tpu.dma_semaphore, #tpu.memory_space<semaphore_mem>>) src(%dma_wait3A_626 : memref<10000x128xf32, #tpu.memory_space<hbm>>) dst(%arg10 : memref<80x128xf32, #tpu.memory_space<vmem>>)
      %dma_start3A_627 = arith.constant 1 : i32
      %dma_start3A_628 = arith.constant 0 : i32
      %dma_start3A_629 = tpu.memref_slice %arg6[%dma_start3A_627, %dma_start3A_628] : memref<2x80xi32, #tpu.memory_space<vmem>> -> memref<1x80xi32, #tpu.memory_space<vmem>>
      %dma_start3A_630 = tpu.memref_squeeze %dma_start3A_629 : memref<1x80xi32, #tpu.memory_space<vmem>> -> memref<80xi32, #tpu.memory_space<vmem>>
      %dma_start3A_631 = arith.constant 0 : i32
      %dma_start3A_632 = arith.constant 0 : i32
      %dma_start3A_633 = tpu.memref_slice %arg13[%dma_start3A_631, %dma_start3A_632] : memref<10240x128xf32, #tpu.memory_space<vmem_shared>> -> memref<10240x128xf32, #tpu.memory_space<vmem_shared>>
      tpu.enqueue_indirect_dma source(%arg10 : memref<80x128xf32, #tpu.memory_space<vmem>>) target(%dma_start3A_633 : memref<10240x128xf32, #tpu.memory_space<vmem_shared>>) offsets(%dma_start3A_630 : memref<80xi32, #tpu.memory_space<vmem>>) semaphore(%arg23 : memref<!tpu.dma_semaphore, #tpu.memory_space<semaphore_mem>>) {add = true}
      %dma_wait3A_634 = arith.constant 1 : i32
      %dma_wait3A_635 = arith.constant 0 : i32
      %dma_wait3A_636 = tpu.memref_slice %arg5[%dma_wait3A_634, %dma_wait3A_635] : memref<2x80xi32, #tpu.memory_space<vmem>> -> memref<1x80xi32, #tpu.memory_space<vmem>>
      %dma_wait3A_637 = tpu.memref_squeeze %dma_wait3A_636 : memref<1x80xi32, #tpu.memory_space<vmem>> -> memref<80xi32, #tpu.memory_space<vmem>>
      %dma_wait3A_638 = arith.constant 0 : i32
      %dma_wait3A_639 = arith.constant 0 : i32
      %dma_wait3A_640 = tpu.memref_slice %arg13[%dma_wait3A_638, %dma_wait3A_639] : memref<10240x128xf32, #tpu.memory_space<vmem_shared>> -> memref<10240x128xf32, #tpu.memory_space<vmem_shared>>
      tpu.wait_indirect_dma semaphore(%arg22 : memref<!tpu.dma_semaphore, #tpu.memory_space<semaphore_mem>>) src(%arg9 : memref<80x128xf32, #tpu.memory_space<vmem>>) dst(%dma_wait3A_640 : memref<10240x128xf32, #tpu.memory_space<vmem_shared>>)
      %add3A_641 = arith.constant 3 : i32
      %add3A_642 = arith.addi %add3A_619, %add3A_641 : i32
      %min3A_643 = arith.constant 124 : i32
      %min3A_644 = arith.minsi %add3A_642, %min3A_643 : i32
      %dma_start3A_645 = arith.constant 0 : i32
      %dma_start3A_646 = arith.constant 0 : i32
      %dma_start3A_647 = tpu.memref_slice %arg3[%add3A, %min3A_644, %dma_start3A_645, %dma_start3A_646] : memref<32x125x2x80xi32, #tpu.memory_space<hbm>> -> memref<1x1x2x80xi32, #tpu.memory_space<hbm>>
      %dma_start3A_648 = tpu.memref_squeeze %dma_start3A_647 : memref<1x1x2x80xi32, #tpu.memory_space<hbm>> -> memref<2x80xi32, #tpu.memory_space<hbm>>
      %dma_start3A_649 = arith.constant 0 : i32
      %dma_start3A_650 = arith.constant 0 : i32
      %dma_start3A_651 = tpu.memref_slice %arg3[%add3A, %min3A_644, %dma_start3A_649, %dma_start3A_650] : memref<32x125x2x80xi32, #tpu.memory_space<hbm>> -> memref<1x1x2x80xi32, #tpu.memory_space<hbm>>
      %dma_start3A_652 = tpu.memref_squeeze %dma_start3A_651 : memref<1x1x2x80xi32, #tpu.memory_space<hbm>> -> memref<2x80xi32, #tpu.memory_space<hbm>>
      tpu.enqueue_dma source(%dma_start3A_652 : memref<2x80xi32, #tpu.memory_space<hbm>>) target(%arg5 : memref<2x80xi32, #tpu.memory_space<vmem>>) target_semaphore(%arg14 : memref<!tpu.dma_semaphore, #tpu.memory_space<semaphore_mem>>)
      %dma_wait3A_653 = arith.constant 0 : i32
      %dma_wait3A_654 = arith.constant 0 : i32
      %dma_wait3A_655 = arith.constant 0 : i32
      %dma_wait3A_656 = tpu.memref_slice %arg3[%add3A, %dma_wait3A_653, %dma_wait3A_654, %dma_wait3A_655] : memref<32x125x2x80xi32, #tpu.memory_space<hbm>> -> memref<1x1x2x80xi32, #tpu.memory_space<hbm>>
      %dma_wait3A_657 = tpu.memref_squeeze %dma_wait3A_656 : memref<1x1x2x80xi32, #tpu.memory_space<hbm>> -> memref<2x80xi32, #tpu.memory_space<hbm>>
      %dma_wait3A_658 = arith.constant 0 : i32
      %dma_wait3A_659 = arith.constant 0 : i32
      %dma_wait3A_660 = tpu.memref_slice %arg3[%add3A, %dma_wait3A_653, %dma_wait3A_658, %dma_wait3A_659] : memref<32x125x2x80xi32, #tpu.memory_space<hbm>> -> memref<1x1x2x80xi32, #tpu.memory_space<hbm>>
      %dma_wait3A_661 = tpu.memref_squeeze %dma_wait3A_660 : memref<1x1x2x80xi32, #tpu.memory_space<hbm>> -> memref<2x80xi32, #tpu.memory_space<hbm>>
      tpu.wait_dma2 semaphore(%arg17 : memref<!tpu.dma_semaphore, #tpu.memory_space<semaphore_mem>>) src(%dma_wait3A_661 : memref<2x80xi32, #tpu.memory_space<hbm>>) dst(%arg8 : memref<2x80xi32, #tpu.memory_space<vmem>>)
      %dma_start3A_662 = arith.constant 0 : i32
      %dma_start3A_663 = arith.constant 0 : i32
      %dma_start3A_664 = tpu.memref_slice %arg8[%dma_start3A_662, %dma_start3A_663] : memref<2x80xi32, #tpu.memory_space<vmem>> -> memref<1x80xi32, #tpu.memory_space<vmem>>
      %dma_start3A_665 = tpu.memref_squeeze %dma_start3A_664 : memref<1x80xi32, #tpu.memory_space<vmem>> -> memref<80xi32, #tpu.memory_space<vmem>>
      %dma_start3A_666 = arith.constant 0 : i32
      %dma_start3A_667 = arith.constant 0 : i32
      %dma_start3A_668 = tpu.memref_slice %arg2[%dma_start3A_666, %dma_start3A_667] : memref<10000x128xf32, #tpu.memory_space<hbm>> -> memref<10000x128xf32, #tpu.memory_space<hbm>>
      tpu.enqueue_indirect_dma source(%dma_start3A_668 : memref<10000x128xf32, #tpu.memory_space<hbm>>) target(%arg12 : memref<80x128xf32, #tpu.memory_space<vmem>>) offsets(%dma_start3A_665 : memref<80xi32, #tpu.memory_space<vmem>>) semaphore(%arg21 : memref<!tpu.dma_semaphore, #tpu.memory_space<semaphore_mem>>)
      %mul3A_669 = arith.constant 4 : i32
      %mul3A_670 = arith.muli %mul3A_669, %scan3A_566 : i32
      %add3A_671 = arith.constant 2 : i32
      %add3A_672 = arith.addi %mul3A_670, %add3A_671 : i32
      %dma_wait3A_673 = arith.constant 0 : i32
      %dma_wait3A_674 = arith.constant 0 : i32
      %dma_wait3A_675 = tpu.memref_slice %arg7[%dma_wait3A_673, %dma_wait3A_674] : memref<2x80xi32, #tpu.memory_space<vmem>> -> memref<1x80xi32, #tpu.memory_space<vmem>>
      %dma_wait3A_676 = tpu.memref_squeeze %dma_wait3A_675 : memref<1x80xi32, #tpu.memory_space<vmem>> -> memref<80xi32, #tpu.memory_space<vmem>>
      %dma_wait3A_677 = arith.constant 0 : i32
      %dma_wait3A_678 = arith.constant 0 : i32
      %dma_wait3A_679 = tpu.memref_slice %arg2[%dma_wait3A_677, %dma_wait3A_678] : memref<10000x128xf32, #tpu.memory_space<hbm>> -> memref<10000x128xf32, #tpu.memory_space<hbm>>
      tpu.wait_indirect_dma semaphore(%arg20 : memref<!tpu.dma_semaphore, #tpu.memory_space<semaphore_mem>>) src(%dma_wait3A_679 : memref<10000x128xf32, #tpu.memory_space<hbm>>) dst(%arg11 : memref<80x128xf32, #tpu.memory_space<vmem>>)
      %dma_start3A_680 = arith.constant 1 : i32
      %dma_start3A_681 = arith.constant 0 : i32
      %dma_start3A_682 = tpu.memref_slice %arg7[%dma_start3A_680, %dma_start3A_681] : memref<2x80xi32, #tpu.memory_space<vmem>> -> memref<1x80xi32, #tpu.memory_space<vmem>>
      %dma_start3A_683 = tpu.memref_squeeze %dma_start3A_682 : memref<1x80xi32, #tpu.memory_space<vmem>> -> memref<80xi32, #tpu.memory_space<vmem>>
      %dma_start3A_684 = arith.constant 0 : i32
      %dma_start3A_685 = arith.constant 0 : i32
      %dma_start3A_686 = tpu.memref_slice %arg13[%dma_start3A_684, %dma_start3A_685] : memref<10240x128xf32, #tpu.memory_space<vmem_shared>> -> memref<10240x128xf32, #tpu.memory_space<vmem_shared>>
      tpu.enqueue_indirect_dma source(%arg11 : memref<80x128xf32, #tpu.memory_space<vmem>>) target(%dma_start3A_686 : memref<10240x128xf32, #tpu.memory_space<vmem_shared>>) offsets(%dma_start3A_683 : memref<80xi32, #tpu.memory_space<vmem>>) semaphore(%arg24 : memref<!tpu.dma_semaphore, #tpu.memory_space<semaphore_mem>>) {add = true}
      %dma_wait3A_687 = arith.constant 1 : i32
      %dma_wait3A_688 = arith.constant 0 : i32
      %dma_wait3A_689 = tpu.memref_slice %arg6[%dma_wait3A_687, %dma_wait3A_688] : memref<2x80xi32, #tpu.memory_space<vmem>> -> memref<1x80xi32, #tpu.memory_space<vmem>>
      %dma_wait3A_690 = tpu.memref_squeeze %dma_wait3A_689 : memref<1x80xi32, #tpu.memory_space<vmem>> -> memref<80xi32, #tpu.memory_space<vmem>>
      %dma_wait3A_691 = arith.constant 0 : i32
      %dma_wait3A_692 = arith.constant 0 : i32
      %dma_wait3A_693 = tpu.memref_slice %arg13[%dma_wait3A_691, %dma_wait3A_692] : memref<10240x128xf32, #tpu.memory_space<vmem_shared>> -> memref<10240x128xf32, #tpu.memory_space<vmem_shared>>
      tpu.wait_indirect_dma semaphore(%arg23 : memref<!tpu.dma_semaphore, #tpu.memory_space<semaphore_mem>>) src(%arg10 : memref<80x128xf32, #tpu.memory_space<vmem>>) dst(%dma_wait3A_693 : memref<10240x128xf32, #tpu.memory_space<vmem_shared>>)
      %add3A_694 = arith.constant 3 : i32
      %add3A_695 = arith.addi %add3A_672, %add3A_694 : i32
      %min3A_696 = arith.constant 124 : i32
      %min3A_697 = arith.minsi %add3A_695, %min3A_696 : i32
      %dma_start3A_698 = arith.constant 0 : i32
      %dma_start3A_699 = arith.constant 0 : i32
      %dma_start3A_700 = tpu.memref_slice %arg3[%add3A, %min3A_697, %dma_start3A_698, %dma_start3A_699] : memref<32x125x2x80xi32, #tpu.memory_space<hbm>> -> memref<1x1x2x80xi32, #tpu.memory_space<hbm>>
      %dma_start3A_701 = tpu.memref_squeeze %dma_start3A_700 : memref<1x1x2x80xi32, #tpu.memory_space<hbm>> -> memref<2x80xi32, #tpu.memory_space<hbm>>
      %dma_start3A_702 = arith.constant 0 : i32
      %dma_start3A_703 = arith.constant 0 : i32
      %dma_start3A_704 = tpu.memref_slice %arg3[%add3A, %min3A_697, %dma_start3A_702, %dma_start3A_703] : memref<32x125x2x80xi32, #tpu.memory_space<hbm>> -> memref<1x1x2x80xi32, #tpu.memory_space<hbm>>
      %dma_start3A_705 = tpu.memref_squeeze %dma_start3A_704 : memref<1x1x2x80xi32, #tpu.memory_space<hbm>> -> memref<2x80xi32, #tpu.memory_space<hbm>>
      tpu.enqueue_dma source(%dma_start3A_705 : memref<2x80xi32, #tpu.memory_space<hbm>>) target(%arg6 : memref<2x80xi32, #tpu.memory_space<vmem>>) target_semaphore(%arg15 : memref<!tpu.dma_semaphore, #tpu.memory_space<semaphore_mem>>)
      %dma_wait3A_706 = arith.constant 0 : i32
      %dma_wait3A_707 = arith.constant 0 : i32
      %dma_wait3A_708 = arith.constant 0 : i32
      %dma_wait3A_709 = tpu.memref_slice %arg3[%add3A, %dma_wait3A_706, %dma_wait3A_707, %dma_wait3A_708] : memref<32x125x2x80xi32, #tpu.memory_space<hbm>> -> memref<1x1x2x80xi32, #tpu.memory_space<hbm>>
      %dma_wait3A_710 = tpu.memref_squeeze %dma_wait3A_709 : memref<1x1x2x80xi32, #tpu.memory_space<hbm>> -> memref<2x80xi32, #tpu.memory_space<hbm>>
      %dma_wait3A_711 = arith.constant 0 : i32
      %dma_wait3A_712 = arith.constant 0 : i32
      %dma_wait3A_713 = tpu.memref_slice %arg3[%add3A, %dma_wait3A_706, %dma_wait3A_711, %dma_wait3A_712] : memref<32x125x2x80xi32, #tpu.memory_space<hbm>> -> memref<1x1x2x80xi32, #tpu.memory_space<hbm>>
      %dma_wait3A_714 = tpu.memref_squeeze %dma_wait3A_713 : memref<1x1x2x80xi32, #tpu.memory_space<hbm>> -> memref<2x80xi32, #tpu.memory_space<hbm>>
      tpu.wait_dma2 semaphore(%arg14 : memref<!tpu.dma_semaphore, #tpu.memory_space<semaphore_mem>>) src(%dma_wait3A_714 : memref<2x80xi32, #tpu.memory_space<hbm>>) dst(%arg5 : memref<2x80xi32, #tpu.memory_space<vmem>>)
      %dma_start3A_715 = arith.constant 0 : i32
      %dma_start3A_716 = arith.constant 0 : i32
      %dma_start3A_717 = tpu.memref_slice %arg5[%dma_start3A_715, %dma_start3A_716] : memref<2x80xi32, #tpu.memory_space<vmem>> -> memref<1x80xi32, #tpu.memory_space<vmem>>
      %dma_start3A_718 = tpu.memref_squeeze %dma_start3A_717 : memref<1x80xi32, #tpu.memory_space<vmem>> -> memref<80xi32, #tpu.memory_space<vmem>>
      %dma_start3A_719 = arith.constant 0 : i32
      %dma_start3A_720 = arith.constant 0 : i32
      %dma_start3A_721 = tpu.memref_slice %arg2[%dma_start3A_719, %dma_start3A_720] : memref<10000x128xf32, #tpu.memory_space<hbm>> -> memref<10000x128xf32, #tpu.memory_space<hbm>>
      tpu.enqueue_indirect_dma source(%dma_start3A_721 : memref<10000x128xf32, #tpu.memory_space<hbm>>) target(%arg9 : memref<80x128xf32, #tpu.memory_space<vmem>>) offsets(%dma_start3A_718 : memref<80xi32, #tpu.memory_space<vmem>>) semaphore(%arg18 : memref<!tpu.dma_semaphore, #tpu.memory_space<semaphore_mem>>)
      %mul3A_722 = arith.constant 4 : i32
      %mul3A_723 = arith.muli %mul3A_722, %scan3A_566 : i32
      %add3A_724 = arith.constant 3 : i32
      %add3A_725 = arith.addi %mul3A_723, %add3A_724 : i32
      %dma_wait3A_726 = arith.constant 0 : i32
      %dma_wait3A_727 = arith.constant 0 : i32
      %dma_wait3A_728 = tpu.memref_slice %arg8[%dma_wait3A_726, %dma_wait3A_727] : memref<2x80xi32, #tpu.memory_space<vmem>> -> memref<1x80xi32, #tpu.memory_space<vmem>>
      %dma_wait3A_729 = tpu.memref_squeeze %dma_wait3A_728 : memref<1x80xi32, #tpu.memory_space<vmem>> -> memref<80xi32, #tpu.memory_space<vmem>>
      %dma_wait3A_730 = arith.constant 0 : i32
      %dma_wait3A_731 = arith.constant 0 : i32
      %dma_wait3A_732 = tpu.memref_slice %arg2[%dma_wait3A_730, %dma_wait3A_731] : memref<10000x128xf32, #tpu.memory_space<hbm>> -> memref<10000x128xf32, #tpu.memory_space<hbm>>
      tpu.wait_indirect_dma semaphore(%arg21 : memref<!tpu.dma_semaphore, #tpu.memory_space<semaphore_mem>>) src(%dma_wait3A_732 : memref<10000x128xf32, #tpu.memory_space<hbm>>) dst(%arg12 : memref<80x128xf32, #tpu.memory_space<vmem>>)
      %dma_start3A_733 = arith.constant 1 : i32
      %dma_start3A_734 = arith.constant 0 : i32
      %dma_start3A_735 = tpu.memref_slice %arg8[%dma_start3A_733, %dma_start3A_734] : memref<2x80xi32, #tpu.memory_space<vmem>> -> memref<1x80xi32, #tpu.memory_space<vmem>>
      %dma_start3A_736 = tpu.memref_squeeze %dma_start3A_735 : memref<1x80xi32, #tpu.memory_space<vmem>> -> memref<80xi32, #tpu.memory_space<vmem>>
      %dma_start3A_737 = arith.constant 0 : i32
      %dma_start3A_738 = arith.constant 0 : i32
      %dma_start3A_739 = tpu.memref_slice %arg13[%dma_start3A_737, %dma_start3A_738] : memref<10240x128xf32, #tpu.memory_space<vmem_shared>> -> memref<10240x128xf32, #tpu.memory_space<vmem_shared>>
      tpu.enqueue_indirect_dma source(%arg12 : memref<80x128xf32, #tpu.memory_space<vmem>>) target(%dma_start3A_739 : memref<10240x128xf32, #tpu.memory_space<vmem_shared>>) offsets(%dma_start3A_736 : memref<80xi32, #tpu.memory_space<vmem>>) semaphore(%arg25 : memref<!tpu.dma_semaphore, #tpu.memory_space<semaphore_mem>>) {add = true}
      %dma_wait3A_740 = arith.constant 1 : i32
      %dma_wait3A_741 = arith.constant 0 : i32
      %dma_wait3A_742 = tpu.memref_slice %arg7[%dma_wait3A_740, %dma_wait3A_741] : memref<2x80xi32, #tpu.memory_space<vmem>> -> memref<1x80xi32, #tpu.memory_space<vmem>>
      %dma_wait3A_743 = tpu.memref_squeeze %dma_wait3A_742 : memref<1x80xi32, #tpu.memory_space<vmem>> -> memref<80xi32, #tpu.memory_space<vmem>>
      %dma_wait3A_744 = arith.constant 0 : i32
      %dma_wait3A_745 = arith.constant 0 : i32
      %dma_wait3A_746 = tpu.memref_slice %arg13[%dma_wait3A_744, %dma_wait3A_745] : memref<10240x128xf32, #tpu.memory_space<vmem_shared>> -> memref<10240x128xf32, #tpu.memory_space<vmem_shared>>
      tpu.wait_indirect_dma semaphore(%arg24 : memref<!tpu.dma_semaphore, #tpu.memory_space<semaphore_mem>>) src(%arg11 : memref<80x128xf32, #tpu.memory_space<vmem>>) dst(%dma_wait3A_746 : memref<10240x128xf32, #tpu.memory_space<vmem_shared>>)
      %add3A_747 = arith.constant 3 : i32
      %add3A_748 = arith.addi %add3A_725, %add3A_747 : i32
      %min3A_749 = arith.constant 124 : i32
      %min3A_750 = arith.minsi %add3A_748, %min3A_749 : i32
      %dma_start3A_751 = arith.constant 0 : i32
      %dma_start3A_752 = arith.constant 0 : i32
      %dma_start3A_753 = tpu.memref_slice %arg3[%add3A, %min3A_750, %dma_start3A_751, %dma_start3A_752] : memref<32x125x2x80xi32, #tpu.memory_space<hbm>> -> memref<1x1x2x80xi32, #tpu.memory_space<hbm>>
      %dma_start3A_754 = tpu.memref_squeeze %dma_start3A_753 : memref<1x1x2x80xi32, #tpu.memory_space<hbm>> -> memref<2x80xi32, #tpu.memory_space<hbm>>
      %dma_start3A_755 = arith.constant 0 : i32
      %dma_start3A_756 = arith.constant 0 : i32
      %dma_start3A_757 = tpu.memref_slice %arg3[%add3A, %min3A_750, %dma_start3A_755, %dma_start3A_756] : memref<32x125x2x80xi32, #tpu.memory_space<hbm>> -> memref<1x1x2x80xi32, #tpu.memory_space<hbm>>
      %dma_start3A_758 = tpu.memref_squeeze %dma_start3A_757 : memref<1x1x2x80xi32, #tpu.memory_space<hbm>> -> memref<2x80xi32, #tpu.memory_space<hbm>>
      tpu.enqueue_dma source(%dma_start3A_758 : memref<2x80xi32, #tpu.memory_space<hbm>>) target(%arg7 : memref<2x80xi32, #tpu.memory_space<vmem>>) target_semaphore(%arg16 : memref<!tpu.dma_semaphore, #tpu.memory_space<semaphore_mem>>)
      %dma_wait3A_759 = arith.constant 0 : i32
      %dma_wait3A_760 = arith.constant 0 : i32
      %dma_wait3A_761 = arith.constant 0 : i32
      %dma_wait3A_762 = tpu.memref_slice %arg3[%add3A, %dma_wait3A_759, %dma_wait3A_760, %dma_wait3A_761] : memref<32x125x2x80xi32, #tpu.memory_space<hbm>> -> memref<1x1x2x80xi32, #tpu.memory_space<hbm>>
      %dma_wait3A_763 = tpu.memref_squeeze %dma_wait3A_762 : memref<1x1x2x80xi32, #tpu.memory_space<hbm>> -> memref<2x80xi32, #tpu.memory_space<hbm>>
      %dma_wait3A_764 = arith.constant 0 : i32
      %dma_wait3A_765 = arith.constant 0 : i32
      %dma_wait3A_766 = tpu.memref_slice %arg3[%add3A, %dma_wait3A_759, %dma_wait3A_764, %dma_wait3A_765] : memref<32x125x2x80xi32, #tpu.memory_space<hbm>> -> memref<1x1x2x80xi32, #tpu.memory_space<hbm>>
      %dma_wait3A_767 = tpu.memref_squeeze %dma_wait3A_766 : memref<1x1x2x80xi32, #tpu.memory_space<hbm>> -> memref<2x80xi32, #tpu.memory_space<hbm>>
      tpu.wait_dma2 semaphore(%arg15 : memref<!tpu.dma_semaphore, #tpu.memory_space<semaphore_mem>>) src(%dma_wait3A_767 : memref<2x80xi32, #tpu.memory_space<hbm>>) dst(%arg6 : memref<2x80xi32, #tpu.memory_space<vmem>>)
      %dma_start3A_768 = arith.constant 0 : i32
      %dma_start3A_769 = arith.constant 0 : i32
      %dma_start3A_770 = tpu.memref_slice %arg6[%dma_start3A_768, %dma_start3A_769] : memref<2x80xi32, #tpu.memory_space<vmem>> -> memref<1x80xi32, #tpu.memory_space<vmem>>
      %dma_start3A_771 = tpu.memref_squeeze %dma_start3A_770 : memref<1x80xi32, #tpu.memory_space<vmem>> -> memref<80xi32, #tpu.memory_space<vmem>>
      %dma_start3A_772 = arith.constant 0 : i32
      %dma_start3A_773 = arith.constant 0 : i32
      %dma_start3A_774 = tpu.memref_slice %arg2[%dma_start3A_772, %dma_start3A_773] : memref<10000x128xf32, #tpu.memory_space<hbm>> -> memref<10000x128xf32, #tpu.memory_space<hbm>>
      tpu.enqueue_indirect_dma source(%dma_start3A_774 : memref<10000x128xf32, #tpu.memory_space<hbm>>) target(%arg10 : memref<80x128xf32, #tpu.memory_space<vmem>>) offsets(%dma_start3A_771 : memref<80xi32, #tpu.memory_space<vmem>>) semaphore(%arg19 : memref<!tpu.dma_semaphore, #tpu.memory_space<semaphore_mem>>)
      %scan3A_775 = arith.constant 0 : i32
      scf.yield %scan3A_775 : i32
    }
    %scan3A_199 = arith.constant 31 : i32
    %dma_wait3A_200 = arith.constant 0 : i32
    %dma_wait3A_201 = arith.constant 0 : i32
    %dma_wait3A_202 = tpu.memref_slice %arg5[%dma_wait3A_200, %dma_wait3A_201] : memref<2x80xi32, #tpu.memory_space<vmem>> -> memref<1x80xi32, #tpu.memory_space<vmem>>
    %dma_wait3A_203 = tpu.memref_squeeze %dma_wait3A_202 : memref<1x80xi32, #tpu.memory_space<vmem>> -> memref<80xi32, #tpu.memory_space<vmem>>
    %dma_wait3A_204 = arith.constant 0 : i32
    %dma_wait3A_205 = arith.constant 0 : i32
    %dma_wait3A_206 = tpu.memref_slice %arg2[%dma_wait3A_204, %dma_wait3A_205] : memref<10000x128xf32, #tpu.memory_space<hbm>> -> memref<10000x128xf32, #tpu.memory_space<hbm>>
    tpu.wait_indirect_dma semaphore(%arg18 : memref<!tpu.dma_semaphore, #tpu.memory_space<semaphore_mem>>) src(%dma_wait3A_206 : memref<10000x128xf32, #tpu.memory_space<hbm>>) dst(%arg9 : memref<80x128xf32, #tpu.memory_space<vmem>>)
    %dma_start3A_207 = arith.constant 1 : i32
    %dma_start3A_208 = arith.constant 0 : i32
    %dma_start3A_209 = tpu.memref_slice %arg5[%dma_start3A_207, %dma_start3A_208] : memref<2x80xi32, #tpu.memory_space<vmem>> -> memref<1x80xi32, #tpu.memory_space<vmem>>
    %dma_start3A_210 = tpu.memref_squeeze %dma_start3A_209 : memref<1x80xi32, #tpu.memory_space<vmem>> -> memref<80xi32, #tpu.memory_space<vmem>>
    %dma_start3A_211 = arith.constant 0 : i32
    %dma_start3A_212 = arith.constant 0 : i32
    %dma_start3A_213 = tpu.memref_slice %arg13[%dma_start3A_211, %dma_start3A_212] : memref<10240x128xf32, #tpu.memory_space<vmem_shared>> -> memref<10240x128xf32, #tpu.memory_space<vmem_shared>>
    tpu.enqueue_indirect_dma source(%arg9 : memref<80x128xf32, #tpu.memory_space<vmem>>) target(%dma_start3A_213 : memref<10240x128xf32, #tpu.memory_space<vmem_shared>>) offsets(%dma_start3A_210 : memref<80xi32, #tpu.memory_space<vmem>>) semaphore(%arg22 : memref<!tpu.dma_semaphore, #tpu.memory_space<semaphore_mem>>) {add = true}
    %dma_wait3A_214 = arith.constant 1 : i32
    %dma_wait3A_215 = arith.constant 0 : i32
    %dma_wait3A_216 = tpu.memref_slice %arg8[%dma_wait3A_214, %dma_wait3A_215] : memref<2x80xi32, #tpu.memory_space<vmem>> -> memref<1x80xi32, #tpu.memory_space<vmem>>
    %dma_wait3A_217 = tpu.memref_squeeze %dma_wait3A_216 : memref<1x80xi32, #tpu.memory_space<vmem>> -> memref<80xi32, #tpu.memory_space<vmem>>
    %dma_wait3A_218 = arith.constant 0 : i32
    %dma_wait3A_219 = arith.constant 0 : i32
    %dma_wait3A_220 = tpu.memref_slice %arg13[%dma_wait3A_218, %dma_wait3A_219] : memref<10240x128xf32, #tpu.memory_space<vmem_shared>> -> memref<10240x128xf32, #tpu.memory_space<vmem_shared>>
    tpu.wait_indirect_dma semaphore(%arg25 : memref<!tpu.dma_semaphore, #tpu.memory_space<semaphore_mem>>) src(%arg12 : memref<80x128xf32, #tpu.memory_space<vmem>>) dst(%dma_wait3A_220 : memref<10240x128xf32, #tpu.memory_space<vmem_shared>>)
    %min3A = arith.constant 127 : i32
    %min3A_221 = arith.constant 124 : i32
    %min3A_222 = arith.minsi %min3A, %min3A_221 : i32
    %dma_start3A_223 = arith.constant 0 : i32
    %dma_start3A_224 = arith.constant 0 : i32
    %dma_start3A_225 = tpu.memref_slice %arg3[%add3A, %min3A_222, %dma_start3A_223, %dma_start3A_224] : memref<32x125x2x80xi32, #tpu.memory_space<hbm>> -> memref<1x1x2x80xi32, #tpu.memory_space<hbm>>
    %dma_start3A_226 = tpu.memref_squeeze %dma_start3A_225 : memref<1x1x2x80xi32, #tpu.memory_space<hbm>> -> memref<2x80xi32, #tpu.memory_space<hbm>>
    %dma_start3A_227 = arith.constant 0 : i32
    %dma_start3A_228 = arith.constant 0 : i32
    %dma_start3A_229 = tpu.memref_slice %arg3[%add3A, %min3A_222, %dma_start3A_227, %dma_start3A_228] : memref<32x125x2x80xi32, #tpu.memory_space<hbm>> -> memref<1x1x2x80xi32, #tpu.memory_space<hbm>>
    %dma_start3A_230 = tpu.memref_squeeze %dma_start3A_229 : memref<1x1x2x80xi32, #tpu.memory_space<hbm>> -> memref<2x80xi32, #tpu.memory_space<hbm>>
    tpu.enqueue_dma source(%dma_start3A_230 : memref<2x80xi32, #tpu.memory_space<hbm>>) target(%arg8 : memref<2x80xi32, #tpu.memory_space<vmem>>) target_semaphore(%arg17 : memref<!tpu.dma_semaphore, #tpu.memory_space<semaphore_mem>>)
    %dma_wait3A_231 = arith.constant 0 : i32
    %dma_wait3A_232 = arith.constant 0 : i32
    %dma_wait3A_233 = arith.constant 0 : i32
    %dma_wait3A_234 = tpu.memref_slice %arg3[%add3A, %dma_wait3A_231, %dma_wait3A_232, %dma_wait3A_233] : memref<32x125x2x80xi32, #tpu.memory_space<hbm>> -> memref<1x1x2x80xi32, #tpu.memory_space<hbm>>
    %dma_wait3A_235 = tpu.memref_squeeze %dma_wait3A_234 : memref<1x1x2x80xi32, #tpu.memory_space<hbm>> -> memref<2x80xi32, #tpu.memory_space<hbm>>
    %dma_wait3A_236 = arith.constant 0 : i32
    %dma_wait3A_237 = arith.constant 0 : i32
    %dma_wait3A_238 = tpu.memref_slice %arg3[%add3A, %dma_wait3A_231, %dma_wait3A_236, %dma_wait3A_237] : memref<32x125x2x80xi32, #tpu.memory_space<hbm>> -> memref<1x1x2x80xi32, #tpu.memory_space<hbm>>
    %dma_wait3A_239 = tpu.memref_squeeze %dma_wait3A_238 : memref<1x1x2x80xi32, #tpu.memory_space<hbm>> -> memref<2x80xi32, #tpu.memory_space<hbm>>
    tpu.wait_dma2 semaphore(%arg16 : memref<!tpu.dma_semaphore, #tpu.memory_space<semaphore_mem>>) src(%dma_wait3A_239 : memref<2x80xi32, #tpu.memory_space<hbm>>) dst(%arg7 : memref<2x80xi32, #tpu.memory_space<vmem>>)
    %dma_start3A_240 = arith.constant 0 : i32
    %dma_start3A_241 = arith.constant 0 : i32
    %dma_start3A_242 = tpu.memref_slice %arg7[%dma_start3A_240, %dma_start3A_241] : memref<2x80xi32, #tpu.memory_space<vmem>> -> memref<1x80xi32, #tpu.memory_space<vmem>>
    %dma_start3A_243 = tpu.memref_squeeze %dma_start3A_242 : memref<1x80xi32, #tpu.memory_space<vmem>> -> memref<80xi32, #tpu.memory_space<vmem>>
    %dma_start3A_244 = arith.constant 0 : i32
    %dma_start3A_245 = arith.constant 0 : i32
    %dma_start3A_246 = tpu.memref_slice %arg2[%dma_start3A_244, %dma_start3A_245] : memref<10000x128xf32, #tpu.memory_space<hbm>> -> memref<10000x128xf32, #tpu.memory_space<hbm>>
    tpu.enqueue_indirect_dma source(%dma_start3A_246 : memref<10000x128xf32, #tpu.memory_space<hbm>>) target(%arg11 : memref<80x128xf32, #tpu.memory_space<vmem>>) offsets(%dma_start3A_243 : memref<80xi32, #tpu.memory_space<vmem>>) semaphore(%arg20 : memref<!tpu.dma_semaphore, #tpu.memory_space<semaphore_mem>>)
    %dma_wait3A_247 = arith.constant 1 : i32
    %dma_wait3A_248 = arith.constant 0 : i32
    %dma_wait3A_249 = tpu.memref_slice %arg5[%dma_wait3A_247, %dma_wait3A_248] : memref<2x80xi32, #tpu.memory_space<vmem>> -> memref<1x80xi32, #tpu.memory_space<vmem>>
    %dma_wait3A_250 = tpu.memref_squeeze %dma_wait3A_249 : memref<1x80xi32, #tpu.memory_space<vmem>> -> memref<80xi32, #tpu.memory_space<vmem>>
    %dma_wait3A_251 = arith.constant 0 : i32
    %dma_wait3A_252 = arith.constant 0 : i32
    %dma_wait3A_253 = tpu.memref_slice %arg13[%dma_wait3A_251, %dma_wait3A_252] : memref<10240x128xf32, #tpu.memory_space<vmem_shared>> -> memref<10240x128xf32, #tpu.memory_space<vmem_shared>>
    tpu.wait_indirect_dma semaphore(%arg22 : memref<!tpu.dma_semaphore, #tpu.memory_space<semaphore_mem>>) src(%arg9 : memref<80x128xf32, #tpu.memory_space<vmem>>) dst(%dma_wait3A_253 : memref<10240x128xf32, #tpu.memory_space<vmem_shared>>)
    %dma_wait3A_254 = arith.constant 0 : i32
    %dma_wait3A_255 = arith.constant 0 : i32
    %dma_wait3A_256 = tpu.memref_slice %arg6[%dma_wait3A_254, %dma_wait3A_255] : memref<2x80xi32, #tpu.memory_space<vmem>> -> memref<1x80xi32, #tpu.memory_space<vmem>>
    %dma_wait3A_257 = tpu.memref_squeeze %dma_wait3A_256 : memref<1x80xi32, #tpu.memory_space<vmem>> -> memref<80xi32, #tpu.memory_space<vmem>>
    %dma_wait3A_258 = arith.constant 0 : i32
    %dma_wait3A_259 = arith.constant 0 : i32
    %dma_wait3A_260 = tpu.memref_slice %arg2[%dma_wait3A_258, %dma_wait3A_259] : memref<10000x128xf32, #tpu.memory_space<hbm>> -> memref<10000x128xf32, #tpu.memory_space<hbm>>
    tpu.wait_indirect_dma semaphore(%arg19 : memref<!tpu.dma_semaphore, #tpu.memory_space<semaphore_mem>>) src(%dma_wait3A_260 : memref<10000x128xf32, #tpu.memory_space<hbm>>) dst(%arg10 : memref<80x128xf32, #tpu.memory_space<vmem>>)
    %dma_wait3A_261 = arith.constant 0 : i32
    %dma_wait3A_262 = arith.constant 0 : i32
    %dma_wait3A_263 = tpu.memref_slice %arg7[%dma_wait3A_261, %dma_wait3A_262] : memref<2x80xi32, #tpu.memory_space<vmem>> -> memref<1x80xi32, #tpu.memory_space<vmem>>
    %dma_wait3A_264 = tpu.memref_squeeze %dma_wait3A_263 : memref<1x80xi32, #tpu.memory_space<vmem>> -> memref<80xi32, #tpu.memory_space<vmem>>
    %dma_wait3A_265 = arith.constant 0 : i32
    %dma_wait3A_266 = arith.constant 0 : i32
    %dma_wait3A_267 = tpu.memref_slice %arg2[%dma_wait3A_265, %dma_wait3A_266] : memref<10000x128xf32, #tpu.memory_space<hbm>> -> memref<10000x128xf32, #tpu.memory_space<hbm>>
    tpu.wait_indirect_dma semaphore(%arg20 : memref<!tpu.dma_semaphore, #tpu.memory_space<semaphore_mem>>) src(%dma_wait3A_267 : memref<10000x128xf32, #tpu.memory_space<hbm>>) dst(%arg11 : memref<80x128xf32, #tpu.memory_space<vmem>>)
    %dma_wait3A_268 = arith.constant 0 : i32
    %dma_wait3A_269 = arith.constant 0 : i32
    %dma_wait3A_270 = arith.constant 0 : i32
    %dma_wait3A_271 = tpu.memref_slice %arg3[%add3A, %dma_wait3A_268, %dma_wait3A_269, %dma_wait3A_270] : memref<32x125x2x80xi32, #tpu.memory_space<hbm>> -> memref<1x1x2x80xi32, #tpu.memory_space<hbm>>
    %dma_wait3A_272 = tpu.memref_squeeze %dma_wait3A_271 : memref<1x1x2x80xi32, #tpu.memory_space<hbm>> -> memref<2x80xi32, #tpu.memory_space<hbm>>
    %dma_wait3A_273 = arith.constant 0 : i32
    %dma_wait3A_274 = arith.constant 0 : i32
    %dma_wait3A_275 = tpu.memref_slice %arg3[%add3A, %dma_wait3A_268, %dma_wait3A_273, %dma_wait3A_274] : memref<32x125x2x80xi32, #tpu.memory_space<hbm>> -> memref<1x1x2x80xi32, #tpu.memory_space<hbm>>
    %dma_wait3A_276 = tpu.memref_squeeze %dma_wait3A_275 : memref<1x1x2x80xi32, #tpu.memory_space<hbm>> -> memref<2x80xi32, #tpu.memory_space<hbm>>
    tpu.wait_dma2 semaphore(%arg17 : memref<!tpu.dma_semaphore, #tpu.memory_space<semaphore_mem>>) src(%dma_wait3A_276 : memref<2x80xi32, #tpu.memory_space<hbm>>) dst(%arg8 : memref<2x80xi32, #tpu.memory_space<vmem>>)
    %barrier3A_277 = arith.constant 0 : index
    tpu.barrier barrier_id(%barrier3A_277)
    %mul3A_278 = arith.constant 640 : i32
    %mul3A_279 = arith.muli %arg1, %mul3A_278 : i32
    %add3A_280 = arith.constant 0 : i32
    %add3A_281 = arith.addi %mul3A_279, %add3A_280 : i32
    %dma_start3A_282 = arith.constant 0 : i32
    %dma_start3A_283 = tpu.memref_slice %arg13[%add3A_281, %dma_start3A_282] : memref<10240x128xf32, #tpu.memory_space<vmem_shared>> -> memref<80x128xf32, #tpu.memory_space<vmem_shared>>
    %dma_start3A_284 = arith.constant 0 : i32
    %dma_start3A_285 = tpu.memref_slice %arg13[%add3A_281, %dma_start3A_284] : memref<10240x128xf32, #tpu.memory_space<vmem_shared>> -> memref<80x128xf32, #tpu.memory_space<vmem_shared>>
    tpu.enqueue_dma source(%dma_start3A_285 : memref<80x128xf32, #tpu.memory_space<vmem_shared>>) target(%arg9 : memref<80x128xf32, #tpu.memory_space<vmem>>) target_semaphore(%arg18 : memref<!tpu.dma_semaphore, #tpu.memory_space<semaphore_mem>>)
    %mul3A_286 = arith.constant 640 : i32
    %mul3A_287 = arith.muli %arg1, %mul3A_286 : i32
    %add3A_288 = arith.constant 0 : i32
    %add3A_289 = arith.addi %mul3A_287, %add3A_288 : i32
    %dma_wait3A_290 = arith.constant 0 : i32
    %dma_wait3A_291 = tpu.memref_slice %arg13[%add3A_289, %dma_wait3A_290] : memref<10240x128xf32, #tpu.memory_space<vmem_shared>> -> memref<80x128xf32, #tpu.memory_space<vmem_shared>>
    %dma_wait3A_292 = arith.constant 0 : i32
    %dma_wait3A_293 = tpu.memref_slice %arg13[%add3A_289, %dma_wait3A_292] : memref<10240x128xf32, #tpu.memory_space<vmem_shared>> -> memref<80x128xf32, #tpu.memory_space<vmem_shared>>
    tpu.wait_dma2 semaphore(%arg18 : memref<!tpu.dma_semaphore, #tpu.memory_space<semaphore_mem>>) src(%dma_wait3A_293 : memref<80x128xf32, #tpu.memory_space<vmem_shared>>) dst(%arg9 : memref<80x128xf32, #tpu.memory_space<vmem>>)
    %mul3A_294 = arith.constant 640 : i32
    %mul3A_295 = arith.muli %arg1, %mul3A_294 : i32
    %add3A_296 = arith.constant 0 : i32
    %add3A_297 = arith.addi %mul3A_295, %add3A_296 : i32
    %dma_start3A_298 = arith.constant 0 : i32
    %dma_start3A_299 = tpu.memref_slice %arg4[%arg0, %add3A_297, %dma_start3A_298] : memref<2x10240x128xf32, #tpu.memory_space<hbm>> -> memref<1x80x128xf32, #tpu.memory_space<hbm>>
    %dma_start3A_300 = tpu.memref_squeeze %dma_start3A_299 : memref<1x80x128xf32, #tpu.memory_space<hbm>> -> memref<80x128xf32, #tpu.memory_space<hbm>>
    %dma_start3A_301 = arith.constant 0 : i32
    %dma_start3A_302 = tpu.memref_slice %arg4[%arg0, %add3A_297, %dma_start3A_301] : memref<2x10240x128xf32, #tpu.memory_space<hbm>> -> memref<1x80x128xf32, #tpu.memory_space<hbm>>
    %dma_start3A_303 = tpu.memref_squeeze %dma_start3A_302 : memref<1x80x128xf32, #tpu.memory_space<hbm>> -> memref<80x128xf32, #tpu.memory_space<hbm>>
    tpu.enqueue_dma source(%arg9 : memref<80x128xf32, #tpu.memory_space<vmem>>) target(%dma_start3A_303 : memref<80x128xf32, #tpu.memory_space<hbm>>) target_semaphore(%arg22 : memref<!tpu.dma_semaphore, #tpu.memory_space<semaphore_mem>>)
    %mul3A_304 = arith.constant 640 : i32
    %mul3A_305 = arith.muli %arg1, %mul3A_304 : i32
    %add3A_306 = arith.constant 80 : i32
    %add3A_307 = arith.addi %mul3A_305, %add3A_306 : i32
    %dma_start3A_308 = arith.constant 0 : i32
    %dma_start3A_309 = tpu.memref_slice %arg13[%add3A_307, %dma_start3A_308] : memref<10240x128xf32, #tpu.memory_space<vmem_shared>> -> memref<80x128xf32, #tpu.memory_space<vmem_shared>>
    %dma_start3A_310 = arith.constant 0 : i32
    %dma_start3A_311 = tpu.memref_slice %arg13[%add3A_307, %dma_start3A_310] : memref<10240x128xf32, #tpu.memory_space<vmem_shared>> -> memref<80x128xf32, #tpu.memory_space<vmem_shared>>
    tpu.enqueue_dma source(%dma_start3A_311 : memref<80x128xf32, #tpu.memory_space<vmem_shared>>) target(%arg10 : memref<80x128xf32, #tpu.memory_space<vmem>>) target_semaphore(%arg19 : memref<!tpu.dma_semaphore, #tpu.memory_space<semaphore_mem>>)
    %mul3A_312 = arith.constant 640 : i32
    %mul3A_313 = arith.muli %arg1, %mul3A_312 : i32
    %add3A_314 = arith.constant 80 : i32
    %add3A_315 = arith.addi %mul3A_313, %add3A_314 : i32
    %dma_wait3A_316 = arith.constant 0 : i32
    %dma_wait3A_317 = tpu.memref_slice %arg13[%add3A_315, %dma_wait3A_316] : memref<10240x128xf32, #tpu.memory_space<vmem_shared>> -> memref<80x128xf32, #tpu.memory_space<vmem_shared>>
    %dma_wait3A_318 = arith.constant 0 : i32
    %dma_wait3A_319 = tpu.memref_slice %arg13[%add3A_315, %dma_wait3A_318] : memref<10240x128xf32, #tpu.memory_space<vmem_shared>> -> memref<80x128xf32, #tpu.memory_space<vmem_shared>>
    tpu.wait_dma2 semaphore(%arg19 : memref<!tpu.dma_semaphore, #tpu.memory_space<semaphore_mem>>) src(%dma_wait3A_319 : memref<80x128xf32, #tpu.memory_space<vmem_shared>>) dst(%arg10 : memref<80x128xf32, #tpu.memory_space<vmem>>)
    %mul3A_320 = arith.constant 640 : i32
    %mul3A_321 = arith.muli %arg1, %mul3A_320 : i32
    %add3A_322 = arith.constant 80 : i32
    %add3A_323 = arith.addi %mul3A_321, %add3A_322 : i32
    %dma_start3A_324 = arith.constant 0 : i32
    %dma_start3A_325 = tpu.memref_slice %arg4[%arg0, %add3A_323, %dma_start3A_324] : memref<2x10240x128xf32, #tpu.memory_space<hbm>> -> memref<1x80x128xf32, #tpu.memory_space<hbm>>
    %dma_start3A_326 = tpu.memref_squeeze %dma_start3A_325 : memref<1x80x128xf32, #tpu.memory_space<hbm>> -> memref<80x128xf32, #tpu.memory_space<hbm>>
    %dma_start3A_327 = arith.constant 0 : i32
    %dma_start3A_328 = tpu.memref_slice %arg4[%arg0, %add3A_323, %dma_start3A_327] : memref<2x10240x128xf32, #tpu.memory_space<hbm>> -> memref<1x80x128xf32, #tpu.memory_space<hbm>>
    %dma_start3A_329 = tpu.memref_squeeze %dma_start3A_328 : memref<1x80x128xf32, #tpu.memory_space<hbm>> -> memref<80x128xf32, #tpu.memory_space<hbm>>
    tpu.enqueue_dma source(%arg10 : memref<80x128xf32, #tpu.memory_space<vmem>>) target(%dma_start3A_329 : memref<80x128xf32, #tpu.memory_space<hbm>>) target_semaphore(%arg23 : memref<!tpu.dma_semaphore, #tpu.memory_space<semaphore_mem>>)
    %mul3A_330 = arith.constant 640 : i32
    %mul3A_331 = arith.muli %arg1, %mul3A_330 : i32
    %add3A_332 = arith.constant 0 : i32
    %add3A_333 = arith.addi %mul3A_331, %add3A_332 : i32
    %dma_wait3A_334 = arith.constant 0 : i32
    %dma_wait3A_335 = tpu.memref_slice %arg4[%arg0, %add3A_333, %dma_wait3A_334] : memref<2x10240x128xf32, #tpu.memory_space<hbm>> -> memref<1x80x128xf32, #tpu.memory_space<hbm>>
    %dma_wait3A_336 = tpu.memref_squeeze %dma_wait3A_335 : memref<1x80x128xf32, #tpu.memory_space<hbm>> -> memref<80x128xf32, #tpu.memory_space<hbm>>
    %dma_wait3A_337 = arith.constant 0 : i32
    %dma_wait3A_338 = tpu.memref_slice %arg4[%arg0, %add3A_333, %dma_wait3A_337] : memref<2x10240x128xf32, #tpu.memory_space<hbm>> -> memref<1x80x128xf32, #tpu.memory_space<hbm>>
    %dma_wait3A_339 = tpu.memref_squeeze %dma_wait3A_338 : memref<1x80x128xf32, #tpu.memory_space<hbm>> -> memref<80x128xf32, #tpu.memory_space<hbm>>
    tpu.wait_dma2 semaphore(%arg22 : memref<!tpu.dma_semaphore, #tpu.memory_space<semaphore_mem>>) src(%arg9 : memref<80x128xf32, #tpu.memory_space<vmem>>) dst(%dma_wait3A_339 : memref<80x128xf32, #tpu.memory_space<hbm>>)
    %mul3A_340 = arith.constant 640 : i32
    %mul3A_341 = arith.muli %arg1, %mul3A_340 : i32
    %add3A_342 = arith.constant 160 : i32
    %add3A_343 = arith.addi %mul3A_341, %add3A_342 : i32
    %dma_start3A_344 = arith.constant 0 : i32
    %dma_start3A_345 = tpu.memref_slice %arg13[%add3A_343, %dma_start3A_344] : memref<10240x128xf32, #tpu.memory_space<vmem_shared>> -> memref<80x128xf32, #tpu.memory_space<vmem_shared>>
    %dma_start3A_346 = arith.constant 0 : i32
    %dma_start3A_347 = tpu.memref_slice %arg13[%add3A_343, %dma_start3A_346] : memref<10240x128xf32, #tpu.memory_space<vmem_shared>> -> memref<80x128xf32, #tpu.memory_space<vmem_shared>>
    tpu.enqueue_dma source(%dma_start3A_347 : memref<80x128xf32, #tpu.memory_space<vmem_shared>>) target(%arg9 : memref<80x128xf32, #tpu.memory_space<vmem>>) target_semaphore(%arg18 : memref<!tpu.dma_semaphore, #tpu.memory_space<semaphore_mem>>)
    %mul3A_348 = arith.constant 640 : i32
    %mul3A_349 = arith.muli %arg1, %mul3A_348 : i32
    %add3A_350 = arith.constant 160 : i32
    %add3A_351 = arith.addi %mul3A_349, %add3A_350 : i32
    %dma_wait3A_352 = arith.constant 0 : i32
    %dma_wait3A_353 = tpu.memref_slice %arg13[%add3A_351, %dma_wait3A_352] : memref<10240x128xf32, #tpu.memory_space<vmem_shared>> -> memref<80x128xf32, #tpu.memory_space<vmem_shared>>
    %dma_wait3A_354 = arith.constant 0 : i32
    %dma_wait3A_355 = tpu.memref_slice %arg13[%add3A_351, %dma_wait3A_354] : memref<10240x128xf32, #tpu.memory_space<vmem_shared>> -> memref<80x128xf32, #tpu.memory_space<vmem_shared>>
    tpu.wait_dma2 semaphore(%arg18 : memref<!tpu.dma_semaphore, #tpu.memory_space<semaphore_mem>>) src(%dma_wait3A_355 : memref<80x128xf32, #tpu.memory_space<vmem_shared>>) dst(%arg9 : memref<80x128xf32, #tpu.memory_space<vmem>>)
    %mul3A_356 = arith.constant 640 : i32
    %mul3A_357 = arith.muli %arg1, %mul3A_356 : i32
    %add3A_358 = arith.constant 160 : i32
    %add3A_359 = arith.addi %mul3A_357, %add3A_358 : i32
    %dma_start3A_360 = arith.constant 0 : i32
    %dma_start3A_361 = tpu.memref_slice %arg4[%arg0, %add3A_359, %dma_start3A_360] : memref<2x10240x128xf32, #tpu.memory_space<hbm>> -> memref<1x80x128xf32, #tpu.memory_space<hbm>>
    %dma_start3A_362 = tpu.memref_squeeze %dma_start3A_361 : memref<1x80x128xf32, #tpu.memory_space<hbm>> -> memref<80x128xf32, #tpu.memory_space<hbm>>
    %dma_start3A_363 = arith.constant 0 : i32
    %dma_start3A_364 = tpu.memref_slice %arg4[%arg0, %add3A_359, %dma_start3A_363] : memref<2x10240x128xf32, #tpu.memory_space<hbm>> -> memref<1x80x128xf32, #tpu.memory_space<hbm>>
    %dma_start3A_365 = tpu.memref_squeeze %dma_start3A_364 : memref<1x80x128xf32, #tpu.memory_space<hbm>> -> memref<80x128xf32, #tpu.memory_space<hbm>>
    tpu.enqueue_dma source(%arg9 : memref<80x128xf32, #tpu.memory_space<vmem>>) target(%dma_start3A_365 : memref<80x128xf32, #tpu.memory_space<hbm>>) target_semaphore(%arg22 : memref<!tpu.dma_semaphore, #tpu.memory_space<semaphore_mem>>)
    %mul3A_366 = arith.constant 640 : i32
    %mul3A_367 = arith.muli %arg1, %mul3A_366 : i32
    %add3A_368 = arith.constant 80 : i32
    %add3A_369 = arith.addi %mul3A_367, %add3A_368 : i32
    %dma_wait3A_370 = arith.constant 0 : i32
    %dma_wait3A_371 = tpu.memref_slice %arg4[%arg0, %add3A_369, %dma_wait3A_370] : memref<2x10240x128xf32, #tpu.memory_space<hbm>> -> memref<1x80x128xf32, #tpu.memory_space<hbm>>
    %dma_wait3A_372 = tpu.memref_squeeze %dma_wait3A_371 : memref<1x80x128xf32, #tpu.memory_space<hbm>> -> memref<80x128xf32, #tpu.memory_space<hbm>>
    %dma_wait3A_373 = arith.constant 0 : i32
    %dma_wait3A_374 = tpu.memref_slice %arg4[%arg0, %add3A_369, %dma_wait3A_373] : memref<2x10240x128xf32, #tpu.memory_space<hbm>> -> memref<1x80x128xf32, #tpu.memory_space<hbm>>
    %dma_wait3A_375 = tpu.memref_squeeze %dma_wait3A_374 : memref<1x80x128xf32, #tpu.memory_space<hbm>> -> memref<80x128xf32, #tpu.memory_space<hbm>>
    tpu.wait_dma2 semaphore(%arg23 : memref<!tpu.dma_semaphore, #tpu.memory_space<semaphore_mem>>) src(%arg10 : memref<80x128xf32, #tpu.memory_space<vmem>>) dst(%dma_wait3A_375 : memref<80x128xf32, #tpu.memory_space<hbm>>)
    %mul3A_376 = arith.constant 640 : i32
    %mul3A_377 = arith.muli %arg1, %mul3A_376 : i32
    %add3A_378 = arith.constant 240 : i32
    %add3A_379 = arith.addi %mul3A_377, %add3A_378 : i32
    %dma_start3A_380 = arith.constant 0 : i32
    %dma_start3A_381 = tpu.memref_slice %arg13[%add3A_379, %dma_start3A_380] : memref<10240x128xf32, #tpu.memory_space<vmem_shared>> -> memref<80x128xf32, #tpu.memory_space<vmem_shared>>
    %dma_start3A_382 = arith.constant 0 : i32
    %dma_start3A_383 = tpu.memref_slice %arg13[%add3A_379, %dma_start3A_382] : memref<10240x128xf32, #tpu.memory_space<vmem_shared>> -> memref<80x128xf32, #tpu.memory_space<vmem_shared>>
    tpu.enqueue_dma source(%dma_start3A_383 : memref<80x128xf32, #tpu.memory_space<vmem_shared>>) target(%arg10 : memref<80x128xf32, #tpu.memory_space<vmem>>) target_semaphore(%arg19 : memref<!tpu.dma_semaphore, #tpu.memory_space<semaphore_mem>>)
    %mul3A_384 = arith.constant 640 : i32
    %mul3A_385 = arith.muli %arg1, %mul3A_384 : i32
    %add3A_386 = arith.constant 240 : i32
    %add3A_387 = arith.addi %mul3A_385, %add3A_386 : i32
    %dma_wait3A_388 = arith.constant 0 : i32
    %dma_wait3A_389 = tpu.memref_slice %arg13[%add3A_387, %dma_wait3A_388] : memref<10240x128xf32, #tpu.memory_space<vmem_shared>> -> memref<80x128xf32, #tpu.memory_space<vmem_shared>>
    %dma_wait3A_390 = arith.constant 0 : i32
    %dma_wait3A_391 = tpu.memref_slice %arg13[%add3A_387, %dma_wait3A_390] : memref<10240x128xf32, #tpu.memory_space<vmem_shared>> -> memref<80x128xf32, #tpu.memory_space<vmem_shared>>
    tpu.wait_dma2 semaphore(%arg19 : memref<!tpu.dma_semaphore, #tpu.memory_space<semaphore_mem>>) src(%dma_wait3A_391 : memref<80x128xf32, #tpu.memory_space<vmem_shared>>) dst(%arg10 : memref<80x128xf32, #tpu.memory_space<vmem>>)
    %mul3A_392 = arith.constant 640 : i32
    %mul3A_393 = arith.muli %arg1, %mul3A_392 : i32
    %add3A_394 = arith.constant 240 : i32
    %add3A_395 = arith.addi %mul3A_393, %add3A_394 : i32
    %dma_start3A_396 = arith.constant 0 : i32
    %dma_start3A_397 = tpu.memref_slice %arg4[%arg0, %add3A_395, %dma_start3A_396] : memref<2x10240x128xf32, #tpu.memory_space<hbm>> -> memref<1x80x128xf32, #tpu.memory_space<hbm>>
    %dma_start3A_398 = tpu.memref_squeeze %dma_start3A_397 : memref<1x80x128xf32, #tpu.memory_space<hbm>> -> memref<80x128xf32, #tpu.memory_space<hbm>>
    %dma_start3A_399 = arith.constant 0 : i32
    %dma_start3A_400 = tpu.memref_slice %arg4[%arg0, %add3A_395, %dma_start3A_399] : memref<2x10240x128xf32, #tpu.memory_space<hbm>> -> memref<1x80x128xf32, #tpu.memory_space<hbm>>
    %dma_start3A_401 = tpu.memref_squeeze %dma_start3A_400 : memref<1x80x128xf32, #tpu.memory_space<hbm>> -> memref<80x128xf32, #tpu.memory_space<hbm>>
    tpu.enqueue_dma source(%arg10 : memref<80x128xf32, #tpu.memory_space<vmem>>) target(%dma_start3A_401 : memref<80x128xf32, #tpu.memory_space<hbm>>) target_semaphore(%arg23 : memref<!tpu.dma_semaphore, #tpu.memory_space<semaphore_mem>>)
    %mul3A_402 = arith.constant 640 : i32
    %mul3A_403 = arith.muli %arg1, %mul3A_402 : i32
    %add3A_404 = arith.constant 160 : i32
    %add3A_405 = arith.addi %mul3A_403, %add3A_404 : i32
    %dma_wait3A_406 = arith.constant 0 : i32
    %dma_wait3A_407 = tpu.memref_slice %arg4[%arg0, %add3A_405, %dma_wait3A_406] : memref<2x10240x128xf32, #tpu.memory_space<hbm>> -> memref<1x80x128xf32, #tpu.memory_space<hbm>>
    %dma_wait3A_408 = tpu.memref_squeeze %dma_wait3A_407 : memref<1x80x128xf32, #tpu.memory_space<hbm>> -> memref<80x128xf32, #tpu.memory_space<hbm>>
    %dma_wait3A_409 = arith.constant 0 : i32
    %dma_wait3A_410 = tpu.memref_slice %arg4[%arg0, %add3A_405, %dma_wait3A_409] : memref<2x10240x128xf32, #tpu.memory_space<hbm>> -> memref<1x80x128xf32, #tpu.memory_space<hbm>>
    %dma_wait3A_411 = tpu.memref_squeeze %dma_wait3A_410 : memref<1x80x128xf32, #tpu.memory_space<hbm>> -> memref<80x128xf32, #tpu.memory_space<hbm>>
    tpu.wait_dma2 semaphore(%arg22 : memref<!tpu.dma_semaphore, #tpu.memory_space<semaphore_mem>>) src(%arg9 : memref<80x128xf32, #tpu.memory_space<vmem>>) dst(%dma_wait3A_411 : memref<80x128xf32, #tpu.memory_space<hbm>>)
    %mul3A_412 = arith.constant 640 : i32
    %mul3A_413 = arith.muli %arg1, %mul3A_412 : i32
    %add3A_414 = arith.constant 320 : i32
    %add3A_415 = arith.addi %mul3A_413, %add3A_414 : i32
    %dma_start3A_416 = arith.constant 0 : i32
    %dma_start3A_417 = tpu.memref_slice %arg13[%add3A_415, %dma_start3A_416] : memref<10240x128xf32, #tpu.memory_space<vmem_shared>> -> memref<80x128xf32, #tpu.memory_space<vmem_shared>>
    %dma_start3A_418 = arith.constant 0 : i32
    %dma_start3A_419 = tpu.memref_slice %arg13[%add3A_415, %dma_start3A_418] : memref<10240x128xf32, #tpu.memory_space<vmem_shared>> -> memref<80x128xf32, #tpu.memory_space<vmem_shared>>
    tpu.enqueue_dma source(%dma_start3A_419 : memref<80x128xf32, #tpu.memory_space<vmem_shared>>) target(%arg9 : memref<80x128xf32, #tpu.memory_space<vmem>>) target_semaphore(%arg18 : memref<!tpu.dma_semaphore, #tpu.memory_space<semaphore_mem>>)
    %mul3A_420 = arith.constant 640 : i32
    %mul3A_421 = arith.muli %arg1, %mul3A_420 : i32
    %add3A_422 = arith.constant 320 : i32
    %add3A_423 = arith.addi %mul3A_421, %add3A_422 : i32
    %dma_wait3A_424 = arith.constant 0 : i32
    %dma_wait3A_425 = tpu.memref_slice %arg13[%add3A_423, %dma_wait3A_424] : memref<10240x128xf32, #tpu.memory_space<vmem_shared>> -> memref<80x128xf32, #tpu.memory_space<vmem_shared>>
    %dma_wait3A_426 = arith.constant 0 : i32
    %dma_wait3A_427 = tpu.memref_slice %arg13[%add3A_423, %dma_wait3A_426] : memref<10240x128xf32, #tpu.memory_space<vmem_shared>> -> memref<80x128xf32, #tpu.memory_space<vmem_shared>>
    tpu.wait_dma2 semaphore(%arg18 : memref<!tpu.dma_semaphore, #tpu.memory_space<semaphore_mem>>) src(%dma_wait3A_427 : memref<80x128xf32, #tpu.memory_space<vmem_shared>>) dst(%arg9 : memref<80x128xf32, #tpu.memory_space<vmem>>)
    %mul3A_428 = arith.constant 640 : i32
    %mul3A_429 = arith.muli %arg1, %mul3A_428 : i32
    %add3A_430 = arith.constant 320 : i32
    %add3A_431 = arith.addi %mul3A_429, %add3A_430 : i32
    %dma_start3A_432 = arith.constant 0 : i32
    %dma_start3A_433 = tpu.memref_slice %arg4[%arg0, %add3A_431, %dma_start3A_432] : memref<2x10240x128xf32, #tpu.memory_space<hbm>> -> memref<1x80x128xf32, #tpu.memory_space<hbm>>
    %dma_start3A_434 = tpu.memref_squeeze %dma_start3A_433 : memref<1x80x128xf32, #tpu.memory_space<hbm>> -> memref<80x128xf32, #tpu.memory_space<hbm>>
    %dma_start3A_435 = arith.constant 0 : i32
    %dma_start3A_436 = tpu.memref_slice %arg4[%arg0, %add3A_431, %dma_start3A_435] : memref<2x10240x128xf32, #tpu.memory_space<hbm>> -> memref<1x80x128xf32, #tpu.memory_space<hbm>>
    %dma_start3A_437 = tpu.memref_squeeze %dma_start3A_436 : memref<1x80x128xf32, #tpu.memory_space<hbm>> -> memref<80x128xf32, #tpu.memory_space<hbm>>
    tpu.enqueue_dma source(%arg9 : memref<80x128xf32, #tpu.memory_space<vmem>>) target(%dma_start3A_437 : memref<80x128xf32, #tpu.memory_space<hbm>>) target_semaphore(%arg22 : memref<!tpu.dma_semaphore, #tpu.memory_space<semaphore_mem>>)
    %mul3A_438 = arith.constant 640 : i32
    %mul3A_439 = arith.muli %arg1, %mul3A_438 : i32
    %add3A_440 = arith.constant 240 : i32
    %add3A_441 = arith.addi %mul3A_439, %add3A_440 : i32
    %dma_wait3A_442 = arith.constant 0 : i32
    %dma_wait3A_443 = tpu.memref_slice %arg4[%arg0, %add3A_441, %dma_wait3A_442] : memref<2x10240x128xf32, #tpu.memory_space<hbm>> -> memref<1x80x128xf32, #tpu.memory_space<hbm>>
    %dma_wait3A_444 = tpu.memref_squeeze %dma_wait3A_443 : memref<1x80x128xf32, #tpu.memory_space<hbm>> -> memref<80x128xf32, #tpu.memory_space<hbm>>
    %dma_wait3A_445 = arith.constant 0 : i32
    %dma_wait3A_446 = tpu.memref_slice %arg4[%arg0, %add3A_441, %dma_wait3A_445] : memref<2x10240x128xf32, #tpu.memory_space<hbm>> -> memref<1x80x128xf32, #tpu.memory_space<hbm>>
    %dma_wait3A_447 = tpu.memref_squeeze %dma_wait3A_446 : memref<1x80x128xf32, #tpu.memory_space<hbm>> -> memref<80x128xf32, #tpu.memory_space<hbm>>
    tpu.wait_dma2 semaphore(%arg23 : memref<!tpu.dma_semaphore, #tpu.memory_space<semaphore_mem>>) src(%arg10 : memref<80x128xf32, #tpu.memory_space<vmem>>) dst(%dma_wait3A_447 : memref<80x128xf32, #tpu.memory_space<hbm>>)
    %mul3A_448 = arith.constant 640 : i32
    %mul3A_449 = arith.muli %arg1, %mul3A_448 : i32
    %add3A_450 = arith.constant 400 : i32
    %add3A_451 = arith.addi %mul3A_449, %add3A_450 : i32
    %dma_start3A_452 = arith.constant 0 : i32
    %dma_start3A_453 = tpu.memref_slice %arg13[%add3A_451, %dma_start3A_452] : memref<10240x128xf32, #tpu.memory_space<vmem_shared>> -> memref<80x128xf32, #tpu.memory_space<vmem_shared>>
    %dma_start3A_454 = arith.constant 0 : i32
    %dma_start3A_455 = tpu.memref_slice %arg13[%add3A_451, %dma_start3A_454] : memref<10240x128xf32, #tpu.memory_space<vmem_shared>> -> memref<80x128xf32, #tpu.memory_space<vmem_shared>>
    tpu.enqueue_dma source(%dma_start3A_455 : memref<80x128xf32, #tpu.memory_space<vmem_shared>>) target(%arg10 : memref<80x128xf32, #tpu.memory_space<vmem>>) target_semaphore(%arg19 : memref<!tpu.dma_semaphore, #tpu.memory_space<semaphore_mem>>)
    %mul3A_456 = arith.constant 640 : i32
    %mul3A_457 = arith.muli %arg1, %mul3A_456 : i32
    %add3A_458 = arith.constant 400 : i32
    %add3A_459 = arith.addi %mul3A_457, %add3A_458 : i32
    %dma_wait3A_460 = arith.constant 0 : i32
    %dma_wait3A_461 = tpu.memref_slice %arg13[%add3A_459, %dma_wait3A_460] : memref<10240x128xf32, #tpu.memory_space<vmem_shared>> -> memref<80x128xf32, #tpu.memory_space<vmem_shared>>
    %dma_wait3A_462 = arith.constant 0 : i32
    %dma_wait3A_463 = tpu.memref_slice %arg13[%add3A_459, %dma_wait3A_462] : memref<10240x128xf32, #tpu.memory_space<vmem_shared>> -> memref<80x128xf32, #tpu.memory_space<vmem_shared>>
    tpu.wait_dma2 semaphore(%arg19 : memref<!tpu.dma_semaphore, #tpu.memory_space<semaphore_mem>>) src(%dma_wait3A_463 : memref<80x128xf32, #tpu.memory_space<vmem_shared>>) dst(%arg10 : memref<80x128xf32, #tpu.memory_space<vmem>>)
    %mul3A_464 = arith.constant 640 : i32
    %mul3A_465 = arith.muli %arg1, %mul3A_464 : i32
    %add3A_466 = arith.constant 400 : i32
    %add3A_467 = arith.addi %mul3A_465, %add3A_466 : i32
    %dma_start3A_468 = arith.constant 0 : i32
    %dma_start3A_469 = tpu.memref_slice %arg4[%arg0, %add3A_467, %dma_start3A_468] : memref<2x10240x128xf32, #tpu.memory_space<hbm>> -> memref<1x80x128xf32, #tpu.memory_space<hbm>>
    %dma_start3A_470 = tpu.memref_squeeze %dma_start3A_469 : memref<1x80x128xf32, #tpu.memory_space<hbm>> -> memref<80x128xf32, #tpu.memory_space<hbm>>
    %dma_start3A_471 = arith.constant 0 : i32
    %dma_start3A_472 = tpu.memref_slice %arg4[%arg0, %add3A_467, %dma_start3A_471] : memref<2x10240x128xf32, #tpu.memory_space<hbm>> -> memref<1x80x128xf32, #tpu.memory_space<hbm>>
    %dma_start3A_473 = tpu.memref_squeeze %dma_start3A_472 : memref<1x80x128xf32, #tpu.memory_space<hbm>> -> memref<80x128xf32, #tpu.memory_space<hbm>>
    tpu.enqueue_dma source(%arg10 : memref<80x128xf32, #tpu.memory_space<vmem>>) target(%dma_start3A_473 : memref<80x128xf32, #tpu.memory_space<hbm>>) target_semaphore(%arg23 : memref<!tpu.dma_semaphore, #tpu.memory_space<semaphore_mem>>)
    %mul3A_474 = arith.constant 640 : i32
    %mul3A_475 = arith.muli %arg1, %mul3A_474 : i32
    %add3A_476 = arith.constant 320 : i32
    %add3A_477 = arith.addi %mul3A_475, %add3A_476 : i32
    %dma_wait3A_478 = arith.constant 0 : i32
    %dma_wait3A_479 = tpu.memref_slice %arg4[%arg0, %add3A_477, %dma_wait3A_478] : memref<2x10240x128xf32, #tpu.memory_space<hbm>> -> memref<1x80x128xf32, #tpu.memory_space<hbm>>
    %dma_wait3A_480 = tpu.memref_squeeze %dma_wait3A_479 : memref<1x80x128xf32, #tpu.memory_space<hbm>> -> memref<80x128xf32, #tpu.memory_space<hbm>>
    %dma_wait3A_481 = arith.constant 0 : i32
    %dma_wait3A_482 = tpu.memref_slice %arg4[%arg0, %add3A_477, %dma_wait3A_481] : memref<2x10240x128xf32, #tpu.memory_space<hbm>> -> memref<1x80x128xf32, #tpu.memory_space<hbm>>
    %dma_wait3A_483 = tpu.memref_squeeze %dma_wait3A_482 : memref<1x80x128xf32, #tpu.memory_space<hbm>> -> memref<80x128xf32, #tpu.memory_space<hbm>>
    tpu.wait_dma2 semaphore(%arg22 : memref<!tpu.dma_semaphore, #tpu.memory_space<semaphore_mem>>) src(%arg9 : memref<80x128xf32, #tpu.memory_space<vmem>>) dst(%dma_wait3A_483 : memref<80x128xf32, #tpu.memory_space<hbm>>)
    %mul3A_484 = arith.constant 640 : i32
    %mul3A_485 = arith.muli %arg1, %mul3A_484 : i32
    %add3A_486 = arith.constant 480 : i32
    %add3A_487 = arith.addi %mul3A_485, %add3A_486 : i32
    %dma_start3A_488 = arith.constant 0 : i32
    %dma_start3A_489 = tpu.memref_slice %arg13[%add3A_487, %dma_start3A_488] : memref<10240x128xf32, #tpu.memory_space<vmem_shared>> -> memref<80x128xf32, #tpu.memory_space<vmem_shared>>
    %dma_start3A_490 = arith.constant 0 : i32
    %dma_start3A_491 = tpu.memref_slice %arg13[%add3A_487, %dma_start3A_490] : memref<10240x128xf32, #tpu.memory_space<vmem_shared>> -> memref<80x128xf32, #tpu.memory_space<vmem_shared>>
    tpu.enqueue_dma source(%dma_start3A_491 : memref<80x128xf32, #tpu.memory_space<vmem_shared>>) target(%arg9 : memref<80x128xf32, #tpu.memory_space<vmem>>) target_semaphore(%arg18 : memref<!tpu.dma_semaphore, #tpu.memory_space<semaphore_mem>>)
    %mul3A_492 = arith.constant 640 : i32
    %mul3A_493 = arith.muli %arg1, %mul3A_492 : i32
    %add3A_494 = arith.constant 480 : i32
    %add3A_495 = arith.addi %mul3A_493, %add3A_494 : i32
    %dma_wait3A_496 = arith.constant 0 : i32
    %dma_wait3A_497 = tpu.memref_slice %arg13[%add3A_495, %dma_wait3A_496] : memref<10240x128xf32, #tpu.memory_space<vmem_shared>> -> memref<80x128xf32, #tpu.memory_space<vmem_shared>>
    %dma_wait3A_498 = arith.constant 0 : i32
    %dma_wait3A_499 = tpu.memref_slice %arg13[%add3A_495, %dma_wait3A_498] : memref<10240x128xf32, #tpu.memory_space<vmem_shared>> -> memref<80x128xf32, #tpu.memory_space<vmem_shared>>
    tpu.wait_dma2 semaphore(%arg18 : memref<!tpu.dma_semaphore, #tpu.memory_space<semaphore_mem>>) src(%dma_wait3A_499 : memref<80x128xf32, #tpu.memory_space<vmem_shared>>) dst(%arg9 : memref<80x128xf32, #tpu.memory_space<vmem>>)
    %mul3A_500 = arith.constant 640 : i32
    %mul3A_501 = arith.muli %arg1, %mul3A_500 : i32
    %add3A_502 = arith.constant 480 : i32
    %add3A_503 = arith.addi %mul3A_501, %add3A_502 : i32
    %dma_start3A_504 = arith.constant 0 : i32
    %dma_start3A_505 = tpu.memref_slice %arg4[%arg0, %add3A_503, %dma_start3A_504] : memref<2x10240x128xf32, #tpu.memory_space<hbm>> -> memref<1x80x128xf32, #tpu.memory_space<hbm>>
    %dma_start3A_506 = tpu.memref_squeeze %dma_start3A_505 : memref<1x80x128xf32, #tpu.memory_space<hbm>> -> memref<80x128xf32, #tpu.memory_space<hbm>>
    %dma_start3A_507 = arith.constant 0 : i32
    %dma_start3A_508 = tpu.memref_slice %arg4[%arg0, %add3A_503, %dma_start3A_507] : memref<2x10240x128xf32, #tpu.memory_space<hbm>> -> memref<1x80x128xf32, #tpu.memory_space<hbm>>
    %dma_start3A_509 = tpu.memref_squeeze %dma_start3A_508 : memref<1x80x128xf32, #tpu.memory_space<hbm>> -> memref<80x128xf32, #tpu.memory_space<hbm>>
    tpu.enqueue_dma source(%arg9 : memref<80x128xf32, #tpu.memory_space<vmem>>) target(%dma_start3A_509 : memref<80x128xf32, #tpu.memory_space<hbm>>) target_semaphore(%arg22 : memref<!tpu.dma_semaphore, #tpu.memory_space<semaphore_mem>>)
    %mul3A_510 = arith.constant 640 : i32
    %mul3A_511 = arith.muli %arg1, %mul3A_510 : i32
    %add3A_512 = arith.constant 400 : i32
    %add3A_513 = arith.addi %mul3A_511, %add3A_512 : i32
    %dma_wait3A_514 = arith.constant 0 : i32
    %dma_wait3A_515 = tpu.memref_slice %arg4[%arg0, %add3A_513, %dma_wait3A_514] : memref<2x10240x128xf32, #tpu.memory_space<hbm>> -> memref<1x80x128xf32, #tpu.memory_space<hbm>>
    %dma_wait3A_516 = tpu.memref_squeeze %dma_wait3A_515 : memref<1x80x128xf32, #tpu.memory_space<hbm>> -> memref<80x128xf32, #tpu.memory_space<hbm>>
    %dma_wait3A_517 = arith.constant 0 : i32
    %dma_wait3A_518 = tpu.memref_slice %arg4[%arg0, %add3A_513, %dma_wait3A_517] : memref<2x10240x128xf32, #tpu.memory_space<hbm>> -> memref<1x80x128xf32, #tpu.memory_space<hbm>>
    %dma_wait3A_519 = tpu.memref_squeeze %dma_wait3A_518 : memref<1x80x128xf32, #tpu.memory_space<hbm>> -> memref<80x128xf32, #tpu.memory_space<hbm>>
    tpu.wait_dma2 semaphore(%arg23 : memref<!tpu.dma_semaphore, #tpu.memory_space<semaphore_mem>>) src(%arg10 : memref<80x128xf32, #tpu.memory_space<vmem>>) dst(%dma_wait3A_519 : memref<80x128xf32, #tpu.memory_space<hbm>>)
    %mul3A_520 = arith.constant 640 : i32
    %mul3A_521 = arith.muli %arg1, %mul3A_520 : i32
    %add3A_522 = arith.constant 560 : i32
    %add3A_523 = arith.addi %mul3A_521, %add3A_522 : i32
    %dma_start3A_524 = arith.constant 0 : i32
    %dma_start3A_525 = tpu.memref_slice %arg13[%add3A_523, %dma_start3A_524] : memref<10240x128xf32, #tpu.memory_space<vmem_shared>> -> memref<80x128xf32, #tpu.memory_space<vmem_shared>>
    %dma_start3A_526 = arith.constant 0 : i32
    %dma_start3A_527 = tpu.memref_slice %arg13[%add3A_523, %dma_start3A_526] : memref<10240x128xf32, #tpu.memory_space<vmem_shared>> -> memref<80x128xf32, #tpu.memory_space<vmem_shared>>
    tpu.enqueue_dma source(%dma_start3A_527 : memref<80x128xf32, #tpu.memory_space<vmem_shared>>) target(%arg10 : memref<80x128xf32, #tpu.memory_space<vmem>>) target_semaphore(%arg19 : memref<!tpu.dma_semaphore, #tpu.memory_space<semaphore_mem>>)
    %mul3A_528 = arith.constant 640 : i32
    %mul3A_529 = arith.muli %arg1, %mul3A_528 : i32
    %add3A_530 = arith.constant 560 : i32
    %add3A_531 = arith.addi %mul3A_529, %add3A_530 : i32
    %dma_wait3A_532 = arith.constant 0 : i32
    %dma_wait3A_533 = tpu.memref_slice %arg13[%add3A_531, %dma_wait3A_532] : memref<10240x128xf32, #tpu.memory_space<vmem_shared>> -> memref<80x128xf32, #tpu.memory_space<vmem_shared>>
    %dma_wait3A_534 = arith.constant 0 : i32
    %dma_wait3A_535 = tpu.memref_slice %arg13[%add3A_531, %dma_wait3A_534] : memref<10240x128xf32, #tpu.memory_space<vmem_shared>> -> memref<80x128xf32, #tpu.memory_space<vmem_shared>>
    tpu.wait_dma2 semaphore(%arg19 : memref<!tpu.dma_semaphore, #tpu.memory_space<semaphore_mem>>) src(%dma_wait3A_535 : memref<80x128xf32, #tpu.memory_space<vmem_shared>>) dst(%arg10 : memref<80x128xf32, #tpu.memory_space<vmem>>)
    %mul3A_536 = arith.constant 640 : i32
    %mul3A_537 = arith.muli %arg1, %mul3A_536 : i32
    %add3A_538 = arith.constant 560 : i32
    %add3A_539 = arith.addi %mul3A_537, %add3A_538 : i32
    %dma_start3A_540 = arith.constant 0 : i32
    %dma_start3A_541 = tpu.memref_slice %arg4[%arg0, %add3A_539, %dma_start3A_540] : memref<2x10240x128xf32, #tpu.memory_space<hbm>> -> memref<1x80x128xf32, #tpu.memory_space<hbm>>
    %dma_start3A_542 = tpu.memref_squeeze %dma_start3A_541 : memref<1x80x128xf32, #tpu.memory_space<hbm>> -> memref<80x128xf32, #tpu.memory_space<hbm>>
    %dma_start3A_543 = arith.constant 0 : i32
    %dma_start3A_544 = tpu.memref_slice %arg4[%arg0, %add3A_539, %dma_start3A_543] : memref<2x10240x128xf32, #tpu.memory_space<hbm>> -> memref<1x80x128xf32, #tpu.memory_space<hbm>>
    %dma_start3A_545 = tpu.memref_squeeze %dma_start3A_544 : memref<1x80x128xf32, #tpu.memory_space<hbm>> -> memref<80x128xf32, #tpu.memory_space<hbm>>
    tpu.enqueue_dma source(%arg10 : memref<80x128xf32, #tpu.memory_space<vmem>>) target(%dma_start3A_545 : memref<80x128xf32, #tpu.memory_space<hbm>>) target_semaphore(%arg23 : memref<!tpu.dma_semaphore, #tpu.memory_space<semaphore_mem>>)
    %mul3A_546 = arith.constant 640 : i32
    %mul3A_547 = arith.muli %arg1, %mul3A_546 : i32
    %add3A_548 = arith.constant 480 : i32
    %add3A_549 = arith.addi %mul3A_547, %add3A_548 : i32
    %dma_wait3A_550 = arith.constant 0 : i32
    %dma_wait3A_551 = tpu.memref_slice %arg4[%arg0, %add3A_549, %dma_wait3A_550] : memref<2x10240x128xf32, #tpu.memory_space<hbm>> -> memref<1x80x128xf32, #tpu.memory_space<hbm>>
    %dma_wait3A_552 = tpu.memref_squeeze %dma_wait3A_551 : memref<1x80x128xf32, #tpu.memory_space<hbm>> -> memref<80x128xf32, #tpu.memory_space<hbm>>
    %dma_wait3A_553 = arith.constant 0 : i32
    %dma_wait3A_554 = tpu.memref_slice %arg4[%arg0, %add3A_549, %dma_wait3A_553] : memref<2x10240x128xf32, #tpu.memory_space<hbm>> -> memref<1x80x128xf32, #tpu.memory_space<hbm>>
    %dma_wait3A_555 = tpu.memref_squeeze %dma_wait3A_554 : memref<1x80x128xf32, #tpu.memory_space<hbm>> -> memref<80x128xf32, #tpu.memory_space<hbm>>
    tpu.wait_dma2 semaphore(%arg22 : memref<!tpu.dma_semaphore, #tpu.memory_space<semaphore_mem>>) src(%arg9 : memref<80x128xf32, #tpu.memory_space<vmem>>) dst(%dma_wait3A_555 : memref<80x128xf32, #tpu.memory_space<hbm>>)
    %mul3A_556 = arith.constant 640 : i32
    %mul3A_557 = arith.muli %arg1, %mul3A_556 : i32
    %add3A_558 = arith.constant 560 : i32
    %add3A_559 = arith.addi %mul3A_557, %add3A_558 : i32
    %dma_wait3A_560 = arith.constant 0 : i32
    %dma_wait3A_561 = tpu.memref_slice %arg4[%arg0, %add3A_559, %dma_wait3A_560] : memref<2x10240x128xf32, #tpu.memory_space<hbm>> -> memref<1x80x128xf32, #tpu.memory_space<hbm>>
    %dma_wait3A_562 = tpu.memref_squeeze %dma_wait3A_561 : memref<1x80x128xf32, #tpu.memory_space<hbm>> -> memref<80x128xf32, #tpu.memory_space<hbm>>
    %dma_wait3A_563 = arith.constant 0 : i32
    %dma_wait3A_564 = tpu.memref_slice %arg4[%arg0, %add3A_559, %dma_wait3A_563] : memref<2x10240x128xf32, #tpu.memory_space<hbm>> -> memref<1x80x128xf32, #tpu.memory_space<hbm>>
    %dma_wait3A_565 = tpu.memref_squeeze %dma_wait3A_564 : memref<1x80x128xf32, #tpu.memory_space<hbm>> -> memref<80x128xf32, #tpu.memory_space<hbm>>
    tpu.wait_dma2 semaphore(%arg23 : memref<!tpu.dma_semaphore, #tpu.memory_space<semaphore_mem>>) src(%arg10 : memref<80x128xf32, #tpu.memory_space<vmem>>) dst(%dma_wait3A_565 : memref<80x128xf32, #tpu.memory_space<hbm>>)
    return
  }
}

module attributes {stable_mosaic.version = 14 : i64} {
  func.func @_pre_wrap(%arg0: i32, %arg1: memref<2000x128xf32, #tpu.memory_space<vmem>>, %arg2: memref<128x128xf32, #tpu.memory_space<vmem>>, %arg3: memref<1x2000x1xf32, #tpu.memory_space<vmem>>, %arg4: memref<1x2000x1xf32, #tpu.memory_space<vmem>>, %arg5: memref<2000x128xf32, #tpu.memory_space<vmem>>, %arg6: memref<2000x1xf32, #tpu.memory_space<vmem>>) attributes {dimension_semantics = [#tpu.dimension_semantics<arbitrary>], iteration_bounds = array<i64: 5>, scalar_prefetch = 0 : i64, scratch_operands = 0 : i64, tpu.core_type = #tpu.core_type<tc>, window_params = [{transform_indices = @transform_0, window_bounds = array<i64: 2000, 128>}, {pipeline_mode = #tpu.pipeline_mode<synchronous>, transform_indices = @transform_1, window_bounds = array<i64: 128, 128>}, {transform_indices = @transform_2, window_bounds = array<i64: 1, 2000, 1>}, {transform_indices = @transform_3, window_bounds = array<i64: 1, 2000, 1>}, {transform_indices = @transform_4, window_bounds = array<i64: 2000, 128>}, {transform_indices = @transform_5, window_bounds = array<i64: 2000, 1>}]} {
    %get3A = arith.constant 0 : index
    %get3A_0 = arith.constant 0 : index
    %get3A_1 = arith.constant 0 : index
    %get3A_2 = vector.load %arg3[%get3A, %get3A_0, %get3A_1] : memref<1x2000x1xf32, #tpu.memory_space<vmem>>, vector<1x2000x1xf32>
    %get3A_3 = vector.shape_cast %get3A_2 : vector<1x2000x1xf32> to vector<2000x1xf32>
    %get3A_4 = arith.constant 0 : index
    %get3A_5 = arith.constant 0 : index
    %get3A_6 = arith.constant 0 : index
    %get3A_7 = vector.load %arg4[%get3A_4, %get3A_5, %get3A_6] : memref<1x2000x1xf32, #tpu.memory_space<vmem>>, vector<1x2000x1xf32>
    %get3A_8 = vector.shape_cast %get3A_7 : vector<1x2000x1xf32> to vector<2000x1xf32>
    %add3A = arith.addf %get3A_3, %get3A_8 : vector<2000x1xf32>
    %add3A_9 = arith.constant 1.000000e+00 : f32
    %add3A_10 = vector.broadcast %add3A_9 : f32 to vector<2000x1xf32>
    %add3A_11 = arith.addf %add3A, %add3A_10 : vector<2000x1xf32>
    %rsqrt3A = math.rsqrt %add3A_11 : vector<2000x1xf32>
    %get3A_12 = arith.constant 0 : index
    %get3A_13 = arith.constant 0 : index
    %get3A_14 = vector.load %arg1[%get3A_12, %get3A_13] : memref<2000x128xf32, #tpu.memory_space<vmem>>, vector<2000x128xf32>
    %get3A_15 = arith.constant 0 : index
    %get3A_16 = arith.constant 0 : index
    %get3A_17 = vector.load %arg2[%get3A_15, %get3A_16] : memref<128x128xf32, #tpu.memory_space<vmem>>, vector<128x128xf32>
    %dot_general3A = arith.constant dense<0.000000e+00> : vector<2000x128xf32>
    %dot_general3A_18 = tpu.matmul %get3A_14, %get3A_17, %dot_general3A {dimension_numbers = #tpu.dot_dimension_numbers<[1], [0], [0], [1], [0, 0, 1, 1], [], []>, transpose_lhs_hint = false} : vector<2000x128xf32>, vector<128x128xf32>, vector<2000x128xf32> -> vector<2000x128xf32>
    %mul3A = vector.broadcast %rsqrt3A : vector<2000x1xf32> to vector<2000x128xf32>
    %mul3A_19 = arith.mulf %dot_general3A_18, %mul3A : vector<2000x128xf32>
    %swap3A = arith.constant 0 : index
    %swap3A_20 = arith.constant 0 : index
    %swap3A_21 = vector.load %arg5[%swap3A, %swap3A_20] : memref<2000x128xf32, #tpu.memory_space<vmem>>, vector<2000x128xf32>
    tpu.vector_store %arg5[%swap3A, %swap3A_20], %mul3A_19 {strides = array<i32>} : memref<2000x128xf32, #tpu.memory_space<vmem>>, vector<2000x128xf32>,
    %swap3A_22 = arith.constant 0 : index
    %swap3A_23 = arith.constant 0 : index
    %swap3A_24 = vector.load %arg6[%swap3A_22, %swap3A_23] : memref<2000x1xf32, #tpu.memory_space<vmem>>, vector<2000x1xf32>
    tpu.vector_store %arg6[%swap3A_22, %swap3A_23], %rsqrt3A {strides = array<i32>} : memref<2000x1xf32, #tpu.memory_space<vmem>>, vector<2000x1xf32>,
    return
  }
  func.func @transform_0(%arg0: i32) -> (i32, i32) {
    %c0_i32 = arith.constant 0 : i32
    %c0_i32_0 = arith.constant 0 : i32
    return %arg0, %c0_i32 : i32, i32
  }
  func.func @transform_1(%arg0: i32) -> (i32, i32) {
    %c0_i32 = arith.constant 0 : i32
    %c0_i32_0 = arith.constant 0 : i32
    %c0_i32_1 = arith.constant 0 : i32
    return %c0_i32, %c0_i32_0 : i32, i32
  }
  func.func @transform_2(%arg0: i32) -> (i32, i32, i32) {
    %c0_i32 = arith.constant 0 : i32
    %c0_i32_0 = arith.constant 0 : i32
    %c0_i32_1 = arith.constant 0 : i32
    return %c0_i32, %arg0, %c0_i32_0 : i32, i32, i32
  }
  func.func @transform_3(%arg0: i32) -> (i32, i32, i32) {
    %c1_i32 = arith.constant 1 : i32
    %c0_i32 = arith.constant 0 : i32
    %c0_i32_0 = arith.constant 0 : i32
    return %c1_i32, %arg0, %c0_i32 : i32, i32, i32
  }
  func.func @transform_4(%arg0: i32) -> (i32, i32) {
    %c0_i32 = arith.constant 0 : i32
    %c0_i32_0 = arith.constant 0 : i32
    return %arg0, %c0_i32 : i32, i32
  }
  func.func @transform_5(%arg0: i32) -> (i32, i32) {
    %c0_i32 = arith.constant 0 : i32
    %c0_i32_0 = arith.constant 0 : i32
    return %arg0, %c0_i32 : i32, i32
  }
}

module attributes {stable_mosaic.version = 14 : i64} {
  func.func @_mid_wrap(%arg0: i32, %arg1: memref<1x2000x128xf32, #tpu.memory_space<vmem>>, %arg2: memref<1x2000x128xf32, #tpu.memory_space<vmem>>, %arg3: memref<2000x128xf32, #tpu.memory_space<vmem>>, %arg4: memref<2000x128xf32, #tpu.memory_space<vmem>>, %arg5: memref<128x128xf32, #tpu.memory_space<vmem>>, %arg6: memref<1x128xf32, #tpu.memory_space<vmem>>, %arg7: memref<2000x1xf32, #tpu.memory_space<vmem>>, %arg8: memref<1x128xf32, #tpu.memory_space<vmem>>, %arg9: memref<1x128xf32, #tpu.memory_space<vmem>>, %arg10: memref<1x128xf32, #tpu.memory_space<vmem>>, %arg11: memref<128x128xf32, #tpu.memory_space<vmem>>, %arg12: memref<2000x128xf32, #tpu.memory_space<vmem>>) attributes {dimension_semantics = [#tpu.dimension_semantics<arbitrary>], iteration_bounds = array<i64: 5>, scalar_prefetch = 0 : i64, scratch_operands = 0 : i64, tpu.core_type = #tpu.core_type<tc>, window_params = [{transform_indices = @transform_0, window_bounds = array<i64: 1, 2000, 128>}, {transform_indices = @transform_1, window_bounds = array<i64: 1, 2000, 128>}, {transform_indices = @transform_2, window_bounds = array<i64: 2000, 128>}, {transform_indices = @transform_3, window_bounds = array<i64: 2000, 128>}, {pipeline_mode = #tpu.pipeline_mode<synchronous>, transform_indices = @transform_4, window_bounds = array<i64: 128, 128>}, {pipeline_mode = #tpu.pipeline_mode<synchronous>, transform_indices = @transform_5, window_bounds = array<i64: 1, 128>}, {transform_indices = @transform_6, window_bounds = array<i64: 2000, 1>}, {pipeline_mode = #tpu.pipeline_mode<synchronous>, transform_indices = @transform_7, window_bounds = array<i64: 1, 128>}, {pipeline_mode = #tpu.pipeline_mode<synchronous>, transform_indices = @transform_8, window_bounds = array<i64: 1, 128>}, {pipeline_mode = #tpu.pipeline_mode<synchronous>, transform_indices = @transform_9, window_bounds = array<i64: 1, 128>}, {pipeline_mode = #tpu.pipeline_mode<synchronous>, transform_indices = @transform_10, window_bounds = array<i64: 128, 128>}, {transform_indices = @transform_11, window_bounds = array<i64: 2000, 128>}]} {
    %get3A = arith.constant 0 : index
    %get3A_0 = arith.constant 0 : index
    %get3A_1 = vector.load %arg7[%get3A, %get3A_0] : memref<2000x1xf32, #tpu.memory_space<vmem>>, vector<2000x1xf32>
    %get3A_2 = arith.constant 0 : index
    %get3A_3 = arith.constant 0 : index
    %get3A_4 = arith.constant 0 : index
    %get3A_5 = vector.load %arg1[%get3A_2, %get3A_3, %get3A_4] : memref<1x2000x128xf32, #tpu.memory_space<vmem>>, vector<1x2000x128xf32>
    %get3A_6 = vector.shape_cast %get3A_5 : vector<1x2000x128xf32> to vector<2000x128xf32>
    %get3A_7 = arith.constant 0 : index
    %get3A_8 = arith.constant 0 : index
    %get3A_9 = arith.constant 0 : index
    %get3A_10 = vector.load %arg2[%get3A_7, %get3A_8, %get3A_9] : memref<1x2000x128xf32, #tpu.memory_space<vmem>>, vector<1x2000x128xf32>
    %get3A_11 = vector.shape_cast %get3A_10 : vector<1x2000x128xf32> to vector<2000x128xf32>
    %add3A = arith.addf %get3A_6, %get3A_11 : vector<2000x128xf32>
    %get3A_12 = arith.constant 0 : index
    %get3A_13 = arith.constant 0 : index
    %get3A_14 = vector.load %arg3[%get3A_12, %get3A_13] : memref<2000x128xf32, #tpu.memory_space<vmem>>, vector<2000x128xf32>
    %add3A_15 = arith.addf %add3A, %get3A_14 : vector<2000x128xf32>
    %mul3A = vector.broadcast %get3A_1 : vector<2000x1xf32> to vector<2000x128xf32>
    %mul3A_16 = arith.mulf %add3A_15, %mul3A : vector<2000x128xf32>
    %get3A_17 = arith.constant 0 : index
    %get3A_18 = arith.constant 0 : index
    %get3A_19 = vector.load %arg8[%get3A_17, %get3A_18] : memref<1x128xf32, #tpu.memory_space<vmem>>, vector<1x128xf32>
    %add3A_20 = vector.broadcast %get3A_19 : vector<1x128xf32> to vector<2000x128xf32>
    %add3A_21 = arith.addf %mul3A_16, %add3A_20 : vector<2000x128xf32>
    %get3A_22 = arith.constant 0 : index
    %get3A_23 = arith.constant 0 : index
    %get3A_24 = vector.load %arg9[%get3A_22, %get3A_23] : memref<1x128xf32, #tpu.memory_space<vmem>>, vector<1x128xf32>
    %get3A_25 = arith.constant 0 : index
    %get3A_26 = arith.constant 0 : index
    %get3A_27 = vector.load %arg10[%get3A_25, %get3A_26] : memref<1x128xf32, #tpu.memory_space<vmem>>, vector<1x128xf32>
    %reduce_sum3A = arith.constant dense<0.000000e+00> : vector<2000xf32>
    %reduce_sum3A_28 = vector.multi_reduction <add>, %add3A_21, %reduce_sum3A [1] : vector<2000x128xf32> to vector<2000xf32>
    %broadcast_in_dim3A = vector.shape_cast %reduce_sum3A_28 : vector<2000xf32> to vector<2000x1xf32>
    %div3A = arith.constant 1.280000e+02 : f32
    %div3A_29 = vector.broadcast %div3A : f32 to vector<2000x1xf32>
    %div3A_30 = arith.divf %broadcast_in_dim3A, %div3A_29 : vector<2000x1xf32>
    %sub3A = vector.broadcast %div3A_30 : vector<2000x1xf32> to vector<2000x128xf32>
    %sub3A_31 = arith.subf %add3A_21, %sub3A : vector<2000x128xf32>
    %integer_pow3A = arith.mulf %sub3A_31, %sub3A_31 : vector<2000x128xf32>
    %reduce_sum3A_32 = arith.constant dense<0.000000e+00> : vector<2000xf32>
    %reduce_sum3A_33 = vector.multi_reduction <add>, %integer_pow3A, %reduce_sum3A_32 [1] : vector<2000x128xf32> to vector<2000xf32>
    %broadcast_in_dim3A_34 = vector.shape_cast %reduce_sum3A_33 : vector<2000xf32> to vector<2000x1xf32>
    %div3A_35 = arith.constant 1.280000e+02 : f32
    %div3A_36 = vector.broadcast %div3A_35 : f32 to vector<2000x1xf32>
    %div3A_37 = arith.divf %broadcast_in_dim3A_34, %div3A_36 : vector<2000x1xf32>
    %sub3A_38 = vector.broadcast %div3A_30 : vector<2000x1xf32> to vector<2000x128xf32>
    %sub3A_39 = arith.subf %add3A_21, %sub3A_38 : vector<2000x128xf32>
    %add3A_40 = arith.constant 9.99999974E-6 : f32
    %add3A_41 = vector.broadcast %add3A_40 : f32 to vector<2000x1xf32>
    %add3A_42 = arith.addf %div3A_37, %add3A_41 : vector<2000x1xf32>
    %rsqrt3A = math.rsqrt %add3A_42 : vector<2000x1xf32>
    %mul3A_43 = vector.broadcast %rsqrt3A : vector<2000x1xf32> to vector<2000x128xf32>
    %mul3A_44 = arith.mulf %sub3A_39, %mul3A_43 : vector<2000x128xf32>
    %mul3A_45 = vector.broadcast %get3A_24 : vector<1x128xf32> to vector<2000x128xf32>
    %mul3A_46 = arith.mulf %mul3A_44, %mul3A_45 : vector<2000x128xf32>
    %add3A_47 = vector.broadcast %get3A_27 : vector<1x128xf32> to vector<2000x128xf32>
    %add3A_48 = arith.addf %mul3A_46, %add3A_47 : vector<2000x128xf32>
    %max3A = arith.constant 0.000000e+00 : f32
    %max3A_49 = vector.broadcast %max3A : f32 to vector<2000x128xf32>
    %max3A_50 = arith.maximumf %add3A_48, %max3A_49 : vector<2000x128xf32>
    %get3A_51 = arith.constant 0 : index
    %get3A_52 = arith.constant 0 : index
    %get3A_53 = vector.load %arg4[%get3A_51, %get3A_52] : memref<2000x128xf32, #tpu.memory_space<vmem>>, vector<2000x128xf32>
    %get3A_54 = arith.constant 0 : index
    %get3A_55 = arith.constant 0 : index
    %get3A_56 = vector.load %arg5[%get3A_54, %get3A_55] : memref<128x128xf32, #tpu.memory_space<vmem>>, vector<128x128xf32>
    %dot_general3A = arith.constant dense<0.000000e+00> : vector<2000x128xf32>
    %dot_general3A_57 = tpu.matmul %get3A_53, %get3A_56, %dot_general3A {dimension_numbers = #tpu.dot_dimension_numbers<[1], [0], [0], [1], [0, 0, 1, 1], [], []>, transpose_lhs_hint = false} : vector<2000x128xf32>, vector<128x128xf32>, vector<2000x128xf32> -> vector<2000x128xf32>
    %get3A_58 = arith.constant 0 : index
    %get3A_59 = arith.constant 0 : index
    %get3A_60 = vector.load %arg6[%get3A_58, %get3A_59] : memref<1x128xf32, #tpu.memory_space<vmem>>, vector<1x128xf32>
    %add3A_61 = vector.broadcast %get3A_60 : vector<1x128xf32> to vector<2000x128xf32>
    %add3A_62 = arith.addf %dot_general3A_57, %add3A_61 : vector<2000x128xf32>
    %add3A_63 = arith.addf %add3A_62, %max3A_50 : vector<2000x128xf32>
    %get3A_64 = arith.constant 0 : index
    %get3A_65 = arith.constant 0 : index
    %get3A_66 = vector.load %arg11[%get3A_64, %get3A_65] : memref<128x128xf32, #tpu.memory_space<vmem>>, vector<128x128xf32>
    %dot_general3A_67 = arith.constant dense<0.000000e+00> : vector<2000x128xf32>
    %dot_general3A_68 = tpu.matmul %add3A_63, %get3A_66, %dot_general3A_67 {dimension_numbers = #tpu.dot_dimension_numbers<[1], [0], [0], [1], [0, 0, 1, 1], [], []>, transpose_lhs_hint = false} : vector<2000x128xf32>, vector<128x128xf32>, vector<2000x128xf32> -> vector<2000x128xf32>
    %mul3A_69 = vector.broadcast %get3A_1 : vector<2000x1xf32> to vector<2000x128xf32>
    %mul3A_70 = arith.mulf %dot_general3A_68, %mul3A_69 : vector<2000x128xf32>
    %swap3A = arith.constant 0 : index
    %swap3A_71 = arith.constant 0 : index
    %swap3A_72 = vector.load %arg12[%swap3A, %swap3A_71] : memref<2000x128xf32, #tpu.memory_space<vmem>>, vector<2000x128xf32>
    tpu.vector_store %arg12[%swap3A, %swap3A_71], %mul3A_70 {strides = array<i32>} : memref<2000x128xf32, #tpu.memory_space<vmem>>, vector<2000x128xf32>,
    return
  }
  func.func @transform_0(%arg0: i32) -> (i32, i32, i32) {
    %c0_i32 = arith.constant 0 : i32
    %c0_i32_0 = arith.constant 0 : i32
    %c0_i32_1 = arith.constant 0 : i32
    return %c0_i32, %arg0, %c0_i32_0 : i32, i32, i32
  }
  func.func @transform_1(%arg0: i32) -> (i32, i32, i32) {
    %c1_i32 = arith.constant 1 : i32
    %c0_i32 = arith.constant 0 : i32
    %c0_i32_0 = arith.constant 0 : i32
    return %c1_i32, %arg0, %c0_i32 : i32, i32, i32
  }
  func.func @transform_2(%arg0: i32) -> (i32, i32) {
    %c0_i32 = arith.constant 0 : i32
    %c0_i32_0 = arith.constant 0 : i32
    return %arg0, %c0_i32 : i32, i32
  }
  func.func @transform_3(%arg0: i32) -> (i32, i32) {
    %c0_i32 = arith.constant 0 : i32
    %c0_i32_0 = arith.constant 0 : i32
    return %arg0, %c0_i32 : i32, i32
  }
  func.func @transform_4(%arg0: i32) -> (i32, i32) {
    %c0_i32 = arith.constant 0 : i32
    %c0_i32_0 = arith.constant 0 : i32
    %c0_i32_1 = arith.constant 0 : i32
    return %c0_i32, %c0_i32_0 : i32, i32
  }
  func.func @transform_5(%arg0: i32) -> (i32, i32) {
    %c0_i32 = arith.constant 0 : i32
    %c0_i32_0 = arith.constant 0 : i32
    %c0_i32_1 = arith.constant 0 : i32
    return %c0_i32, %c0_i32_0 : i32, i32
  }
  func.func @transform_6(%arg0: i32) -> (i32, i32) {
    %c0_i32 = arith.constant 0 : i32
    %c0_i32_0 = arith.constant 0 : i32
    return %arg0, %c0_i32 : i32, i32
  }
  func.func @transform_7(%arg0: i32) -> (i32, i32) {
    %c0_i32 = arith.constant 0 : i32
    %c0_i32_0 = arith.constant 0 : i32
    %c0_i32_1 = arith.constant 0 : i32
    return %c0_i32, %c0_i32_0 : i32, i32
  }
  func.func @transform_8(%arg0: i32) -> (i32, i32) {
    %c0_i32 = arith.constant 0 : i32
    %c0_i32_0 = arith.constant 0 : i32
    %c0_i32_1 = arith.constant 0 : i32
    return %c0_i32, %c0_i32_0 : i32, i32
  }
  func.func @transform_9(%arg0: i32) -> (i32, i32) {
    %c0_i32 = arith.constant 0 : i32
    %c0_i32_0 = arith.constant 0 : i32
    %c0_i32_1 = arith.constant 0 : i32
    return %c0_i32, %c0_i32_0 : i32, i32
  }
  func.func @transform_10(%arg0: i32) -> (i32, i32) {
    %c0_i32 = arith.constant 0 : i32
    %c0_i32_0 = arith.constant 0 : i32
    %c0_i32_1 = arith.constant 0 : i32
    return %c0_i32, %c0_i32_0 : i32, i32
  }
  func.func @transform_11(%arg0: i32) -> (i32, i32) {
    %c0_i32 = arith.constant 0 : i32
    %c0_i32_0 = arith.constant 0 : i32
    return %arg0, %c0_i32 : i32, i32
  }
}

module attributes {stable_mosaic.version = 14 : i64} {
  func.func @_post_wrap(%arg0: i32, %arg1: memref<1x2000x128xf32, #tpu.memory_space<vmem>>, %arg2: memref<1x2000x128xf32, #tpu.memory_space<vmem>>, %arg3: memref<2000x128xf32, #tpu.memory_space<vmem>>, %arg4: memref<2000x1xf32, #tpu.memory_space<vmem>>, %arg5: memref<1x128xf32, #tpu.memory_space<vmem>>, %arg6: memref<1x128xf32, #tpu.memory_space<vmem>>, %arg7: memref<1x128xf32, #tpu.memory_space<vmem>>, %arg8: memref<1x32xf32, #tpu.memory_space<vmem>>, %arg9: memref<1x32xf32, #tpu.memory_space<vmem>>, %arg10: memref<32x1xf32, #tpu.memory_space<vmem>>, %arg11: memref<32x1xf32, #tpu.memory_space<vmem>>, %arg12: memref<2000x128xf32, #tpu.memory_space<vmem>>, %arg13: memref<32x128xf32, #tpu.memory_space<vmem>>, %arg14: memref<32x128xf32, #tpu.memory_space<vmem>>) attributes {dimension_semantics = [#tpu.dimension_semantics<arbitrary>], iteration_bounds = array<i64: 5>, scalar_prefetch = 0 : i64, scratch_operands = 1 : i64, tpu.core_type = #tpu.core_type<tc>, window_params = [{transform_indices = @transform_0, window_bounds = array<i64: 1, 2000, 128>}, {transform_indices = @transform_1, window_bounds = array<i64: 1, 2000, 128>}, {transform_indices = @transform_2, window_bounds = array<i64: 2000, 128>}, {transform_indices = @transform_3, window_bounds = array<i64: 2000, 1>}, {pipeline_mode = #tpu.pipeline_mode<synchronous>, transform_indices = @transform_4, window_bounds = array<i64: 1, 128>}, {pipeline_mode = #tpu.pipeline_mode<synchronous>, transform_indices = @transform_5, window_bounds = array<i64: 1, 128>}, {pipeline_mode = #tpu.pipeline_mode<synchronous>, transform_indices = @transform_6, window_bounds = array<i64: 1, 128>}, {pipeline_mode = #tpu.pipeline_mode<synchronous>, transform_indices = @transform_7, window_bounds = array<i64: 1, 32>}, {pipeline_mode = #tpu.pipeline_mode<synchronous>, transform_indices = @transform_8, window_bounds = array<i64: 1, 32>}, {pipeline_mode = #tpu.pipeline_mode<synchronous>, transform_indices = @transform_9, window_bounds = array<i64: 32, 1>}, {pipeline_mode = #tpu.pipeline_mode<synchronous>, transform_indices = @transform_10, window_bounds = array<i64: 32, 1>}, {transform_indices = @transform_11, window_bounds = array<i64: 2000, 128>}, {pipeline_mode = #tpu.pipeline_mode<synchronous>, transform_indices = @transform_12, window_bounds = array<i64: 32, 128>}]} {
    %get3A = arith.constant 0 : index
    %get3A_0 = arith.constant 0 : index
    %get3A_1 = arith.constant 0 : index
    %get3A_2 = vector.load %arg1[%get3A, %get3A_0, %get3A_1] : memref<1x2000x128xf32, #tpu.memory_space<vmem>>, vector<1x2000x128xf32>
    %get3A_3 = vector.shape_cast %get3A_2 : vector<1x2000x128xf32> to vector<2000x128xf32>
    %get3A_4 = arith.constant 0 : index
    %get3A_5 = arith.constant 0 : index
    %get3A_6 = arith.constant 0 : index
    %get3A_7 = vector.load %arg2[%get3A_4, %get3A_5, %get3A_6] : memref<1x2000x128xf32, #tpu.memory_space<vmem>>, vector<1x2000x128xf32>
    %get3A_8 = vector.shape_cast %get3A_7 : vector<1x2000x128xf32> to vector<2000x128xf32>
    %add3A = arith.addf %get3A_3, %get3A_8 : vector<2000x128xf32>
    %get3A_9 = arith.constant 0 : index
    %get3A_10 = arith.constant 0 : index
    %get3A_11 = vector.load %arg3[%get3A_9, %get3A_10] : memref<2000x128xf32, #tpu.memory_space<vmem>>, vector<2000x128xf32>
    %add3A_12 = arith.addf %add3A, %get3A_11 : vector<2000x128xf32>
    %get3A_13 = arith.constant 0 : index
    %get3A_14 = arith.constant 0 : index
    %get3A_15 = vector.load %arg4[%get3A_13, %get3A_14] : memref<2000x1xf32, #tpu.memory_space<vmem>>, vector<2000x1xf32>
    %mul3A = vector.broadcast %get3A_15 : vector<2000x1xf32> to vector<2000x128xf32>
    %mul3A_16 = arith.mulf %add3A_12, %mul3A : vector<2000x128xf32>
    %get3A_17 = arith.constant 0 : index
    %get3A_18 = arith.constant 0 : index
    %get3A_19 = vector.load %arg5[%get3A_17, %get3A_18] : memref<1x128xf32, #tpu.memory_space<vmem>>, vector<1x128xf32>
    %add3A_20 = vector.broadcast %get3A_19 : vector<1x128xf32> to vector<2000x128xf32>
    %add3A_21 = arith.addf %mul3A_16, %add3A_20 : vector<2000x128xf32>
    %get3A_22 = arith.constant 0 : index
    %get3A_23 = arith.constant 0 : index
    %get3A_24 = vector.load %arg6[%get3A_22, %get3A_23] : memref<1x128xf32, #tpu.memory_space<vmem>>, vector<1x128xf32>
    %get3A_25 = arith.constant 0 : index
    %get3A_26 = arith.constant 0 : index
    %get3A_27 = vector.load %arg7[%get3A_25, %get3A_26] : memref<1x128xf32, #tpu.memory_space<vmem>>, vector<1x128xf32>
    %reduce_sum3A = arith.constant dense<0.000000e+00> : vector<2000xf32>
    %reduce_sum3A_28 = vector.multi_reduction <add>, %add3A_21, %reduce_sum3A [1] : vector<2000x128xf32> to vector<2000xf32>
    %broadcast_in_dim3A = vector.shape_cast %reduce_sum3A_28 : vector<2000xf32> to vector<2000x1xf32>
    %div3A = arith.constant 1.280000e+02 : f32
    %div3A_29 = vector.broadcast %div3A : f32 to vector<2000x1xf32>
    %div3A_30 = arith.divf %broadcast_in_dim3A, %div3A_29 : vector<2000x1xf32>
    %sub3A = vector.broadcast %div3A_30 : vector<2000x1xf32> to vector<2000x128xf32>
    %sub3A_31 = arith.subf %add3A_21, %sub3A : vector<2000x128xf32>
    %integer_pow3A = arith.mulf %sub3A_31, %sub3A_31 : vector<2000x128xf32>
    %reduce_sum3A_32 = arith.constant dense<0.000000e+00> : vector<2000xf32>
    %reduce_sum3A_33 = vector.multi_reduction <add>, %integer_pow3A, %reduce_sum3A_32 [1] : vector<2000x128xf32> to vector<2000xf32>
    %broadcast_in_dim3A_34 = vector.shape_cast %reduce_sum3A_33 : vector<2000xf32> to vector<2000x1xf32>
    %div3A_35 = arith.constant 1.280000e+02 : f32
    %div3A_36 = vector.broadcast %div3A_35 : f32 to vector<2000x1xf32>
    %div3A_37 = arith.divf %broadcast_in_dim3A_34, %div3A_36 : vector<2000x1xf32>
    %sub3A_38 = vector.broadcast %div3A_30 : vector<2000x1xf32> to vector<2000x128xf32>
    %sub3A_39 = arith.subf %add3A_21, %sub3A_38 : vector<2000x128xf32>
    %add3A_40 = arith.constant 9.99999974E-6 : f32
    %add3A_41 = vector.broadcast %add3A_40 : f32 to vector<2000x1xf32>
    %add3A_42 = arith.addf %div3A_37, %add3A_41 : vector<2000x1xf32>
    %rsqrt3A = math.rsqrt %add3A_42 : vector<2000x1xf32>
    %mul3A_43 = vector.broadcast %rsqrt3A : vector<2000x1xf32> to vector<2000x128xf32>
    %mul3A_44 = arith.mulf %sub3A_39, %mul3A_43 : vector<2000x128xf32>
    %mul3A_45 = vector.broadcast %get3A_24 : vector<1x128xf32> to vector<2000x128xf32>
    %mul3A_46 = arith.mulf %mul3A_44, %mul3A_45 : vector<2000x128xf32>
    %add3A_47 = vector.broadcast %get3A_27 : vector<1x128xf32> to vector<2000x128xf32>
    %add3A_48 = arith.addf %mul3A_46, %add3A_47 : vector<2000x128xf32>
    %max3A = arith.constant 0.000000e+00 : f32
    %max3A_49 = vector.broadcast %max3A : f32 to vector<2000x128xf32>
    %max3A_50 = arith.maximumf %add3A_48, %max3A_49 : vector<2000x128xf32>
    %swap3A = arith.constant 0 : index
    %swap3A_51 = arith.constant 0 : index
    %swap3A_52 = vector.load %arg12[%swap3A, %swap3A_51] : memref<2000x128xf32, #tpu.memory_space<vmem>>, vector<2000x128xf32>
    tpu.vector_store %arg12[%swap3A, %swap3A_51], %max3A_50 {strides = array<i32>} : memref<2000x128xf32, #tpu.memory_space<vmem>>, vector<2000x128xf32>,
    %iota3A = tpu.iota {dimensions = array<i32: 0>} : vector<2000x1xi32>
    %mul3A_53 = arith.constant 2000 : i32
    %mul3A_54 = arith.muli %mul3A_53, %arg0 : i32
    %add3A_55 = vector.broadcast %mul3A_54 : i32 to vector<2000x1xi32>
    %add3A_56 = arith.addi %iota3A, %add3A_55 : vector<2000x1xi32>
    %convert_element_type3A = arith.sitofp %add3A_56 : vector<2000x1xi32> to vector<2000x1xf32>
    %get3A_57 = arith.constant 0 : index
    %get3A_58 = arith.constant 0 : index
    %get3A_59 = vector.load %arg8[%get3A_57, %get3A_58] : memref<1x32xf32, #tpu.memory_space<vmem>>, vector<1x32xf32>
    %ge3A = vector.broadcast %convert_element_type3A : vector<2000x1xf32> to vector<2000x32xf32>
    %ge3A_60 = vector.broadcast %get3A_59 : vector<1x32xf32> to vector<2000x32xf32>
    %ge3A_61 = arith.cmpf oge, %ge3A, %ge3A_60 : vector<2000x32xf32>
    %get3A_62 = arith.constant 0 : index
    %get3A_63 = arith.constant 0 : index
    %get3A_64 = vector.load %arg9[%get3A_62, %get3A_63] : memref<1x32xf32, #tpu.memory_space<vmem>>, vector<1x32xf32>
    %lt3A = vector.broadcast %convert_element_type3A : vector<2000x1xf32> to vector<2000x32xf32>
    %lt3A_65 = vector.broadcast %get3A_64 : vector<1x32xf32> to vector<2000x32xf32>
    %lt3A_66 = arith.cmpf olt, %lt3A, %lt3A_65 : vector<2000x32xf32>
    %and3A = arith.andi %ge3A_61, %lt3A_66 : vector<2000x32xi1>
    %convert_element_type3A_67 = arith.extui %and3A : vector<2000x32xi1> to vector<2000x32xi32>
    %convert_element_type3A_68 = arith.sitofp %convert_element_type3A_67 : vector<2000x32xi32> to vector<2000x32xf32>
    %dot_general3A = arith.constant dense<0.000000e+00> : vector<32x128xf32>
    %dot_general3A_69 = tpu.matmul %convert_element_type3A_68, %max3A_50, %dot_general3A {dimension_numbers = #tpu.dot_dimension_numbers<[0], [0], [1], [1], [0, 1, 1, 1], [], []>, transpose_lhs_hint = false} : vector<2000x32xf32>, vector<2000x128xf32>, vector<32x128xf32> -> vector<32x128xf32>
    %eq3A = arith.constant 0 : i32
    %eq3A_70 = arith.cmpi eq, %arg0, %eq3A : i32
    %convert_element_type3A_71 = arith.extui %eq3A_70 : i1 to i32
    %cond3A = arith.constant 0 : i32
    %cond3A_72 = arith.cmpi ne, %convert_element_type3A_71, %cond3A : i32
    scf.if %cond3A_72 {
      %broadcast_in_dim3A_85 = arith.constant 0.000000e+00 : f32
      %broadcast_in_dim3A_86 = vector.broadcast %broadcast_in_dim3A_85 : f32 to vector<32x128xf32>
      %swap3A_87 = arith.constant 0 : index
      %swap3A_88 = arith.constant 0 : index
      %swap3A_89 = vector.load %arg14[%swap3A_87, %swap3A_88] : memref<32x128xf32, #tpu.memory_space<vmem>>, vector<32x128xf32>
      tpu.vector_store %arg14[%swap3A_87, %swap3A_88], %broadcast_in_dim3A_86 {strides = array<i32>} : memref<32x128xf32, #tpu.memory_space<vmem>>, vector<32x128xf32>,
    } else {
    }
    %get3A_73 = arith.constant 0 : index
    %get3A_74 = arith.constant 0 : index
    %get3A_75 = vector.load %arg14[%get3A_73, %get3A_74] : memref<32x128xf32, #tpu.memory_space<vmem>>, vector<32x128xf32>
    %add3A_76 = arith.addf %get3A_75, %dot_general3A_69 : vector<32x128xf32>
    %swap3A_77 = arith.constant 0 : index
    %swap3A_78 = arith.constant 0 : index
    %swap3A_79 = vector.load %arg14[%swap3A_77, %swap3A_78] : memref<32x128xf32, #tpu.memory_space<vmem>>, vector<32x128xf32>
    tpu.vector_store %arg14[%swap3A_77, %swap3A_78], %add3A_76 {strides = array<i32>} : memref<32x128xf32, #tpu.memory_space<vmem>>, vector<32x128xf32>,
    %eq3A_80 = arith.constant 4 : i32
    %eq3A_81 = arith.cmpi eq, %arg0, %eq3A_80 : i32
    %convert_element_type3A_82 = arith.extui %eq3A_81 : i1 to i32
    %cond3A_83 = arith.constant 0 : i32
    %cond3A_84 = arith.cmpi ne, %convert_element_type3A_82, %cond3A_83 : i32
    scf.if %cond3A_84 {
      %get3A_85 = arith.constant 0 : index
      %get3A_86 = arith.constant 0 : index
      %get3A_87 = vector.load %arg11[%get3A_85, %get3A_86] : memref<32x1xf32, #tpu.memory_space<vmem>>, vector<32x1xf32>
      %get3A_88 = arith.constant 0 : index
      %get3A_89 = arith.constant 0 : index
      %get3A_90 = vector.load %arg10[%get3A_88, %get3A_89] : memref<32x1xf32, #tpu.memory_space<vmem>>, vector<32x1xf32>
      %sub3A_91 = arith.subf %get3A_87, %get3A_90 : vector<32x1xf32>
      %max3A_92 = arith.constant 1.000000e+00 : f32
      %max3A_93 = vector.broadcast %max3A_92 : f32 to vector<32x1xf32>
      %max3A_94 = arith.maximumf %sub3A_91, %max3A_93 : vector<32x1xf32>
      %get3A_95 = arith.constant 0 : index
      %get3A_96 = arith.constant 0 : index
      %get3A_97 = vector.load %arg14[%get3A_95, %get3A_96] : memref<32x128xf32, #tpu.memory_space<vmem>>, vector<32x128xf32>
      %div3A_98 = vector.broadcast %max3A_94 : vector<32x1xf32> to vector<32x128xf32>
      %div3A_99 = arith.divf %get3A_97, %div3A_98 : vector<32x128xf32>
      %swap3A_100 = arith.constant 0 : index
      %swap3A_101 = arith.constant 0 : index
      %swap3A_102 = vector.load %arg13[%swap3A_100, %swap3A_101] : memref<32x128xf32, #tpu.memory_space<vmem>>, vector<32x128xf32>
      tpu.vector_store %arg13[%swap3A_100, %swap3A_101], %div3A_99 {strides = array<i32>} : memref<32x128xf32, #tpu.memory_space<vmem>>, vector<32x128xf32>,
    } else {
    }
    return
  }
  func.func @transform_0(%arg0: i32) -> (i32, i32, i32) {
    %c0_i32 = arith.constant 0 : i32
    %c0_i32_0 = arith.constant 0 : i32
    %c0_i32_1 = arith.constant 0 : i32
    return %c0_i32, %arg0, %c0_i32_0 : i32, i32, i32
  }
  func.func @transform_1(%arg0: i32) -> (i32, i32, i32) {
    %c1_i32 = arith.constant 1 : i32
    %c0_i32 = arith.constant 0 : i32
    %c0_i32_0 = arith.constant 0 : i32
    return %c1_i32, %arg0, %c0_i32 : i32, i32, i32
  }
  func.func @transform_2(%arg0: i32) -> (i32, i32) {
    %c0_i32 = arith.constant 0 : i32
    %c0_i32_0 = arith.constant 0 : i32
    return %arg0, %c0_i32 : i32, i32
  }
  func.func @transform_3(%arg0: i32) -> (i32, i32) {
    %c0_i32 = arith.constant 0 : i32
    %c0_i32_0 = arith.constant 0 : i32
    return %arg0, %c0_i32 : i32, i32
  }
  func.func @transform_4(%arg0: i32) -> (i32, i32) {
    %c0_i32 = arith.constant 0 : i32
    %c0_i32_0 = arith.constant 0 : i32
    %c0_i32_1 = arith.constant 0 : i32
    return %c0_i32, %c0_i32_0 : i32, i32
  }
  func.func @transform_5(%arg0: i32) -> (i32, i32) {
    %c0_i32 = arith.constant 0 : i32
    %c0_i32_0 = arith.constant 0 : i32
    %c0_i32_1 = arith.constant 0 : i32
    return %c0_i32, %c0_i32_0 : i32, i32
  }
  func.func @transform_6(%arg0: i32) -> (i32, i32) {
    %c0_i32 = arith.constant 0 : i32
    %c0_i32_0 = arith.constant 0 : i32
    %c0_i32_1 = arith.constant 0 : i32
    return %c0_i32, %c0_i32_0 : i32, i32
  }
  func.func @transform_7(%arg0: i32) -> (i32, i32) {
    %c0_i32 = arith.constant 0 : i32
    %c0_i32_0 = arith.constant 0 : i32
    %c0_i32_1 = arith.constant 0 : i32
    return %c0_i32, %c0_i32_0 : i32, i32
  }
  func.func @transform_8(%arg0: i32) -> (i32, i32) {
    %c0_i32 = arith.constant 0 : i32
    %c0_i32_0 = arith.constant 0 : i32
    %c0_i32_1 = arith.constant 0 : i32
    return %c0_i32, %c0_i32_0 : i32, i32
  }
  func.func @transform_9(%arg0: i32) -> (i32, i32) {
    %c0_i32 = arith.constant 0 : i32
    %c0_i32_0 = arith.constant 0 : i32
    %c0_i32_1 = arith.constant 0 : i32
    return %c0_i32, %c0_i32_0 : i32, i32
  }
  func.func @transform_10(%arg0: i32) -> (i32, i32) {
    %c0_i32 = arith.constant 0 : i32
    %c0_i32_0 = arith.constant 0 : i32
    %c0_i32_1 = arith.constant 0 : i32
    return %c0_i32, %c0_i32_0 : i32, i32
  }
  func.func @transform_11(%arg0: i32) -> (i32, i32) {
    %c0_i32 = arith.constant 0 : i32
    %c0_i32_0 = arith.constant 0 : i32
    return %arg0, %c0_i32 : i32, i32
  }
  func.func @transform_12(%arg0: i32) -> (i32, i32) {
    %c0_i32 = arith.constant 0 : i32
    %c0_i32_0 = arith.constant 0 : i32
    %c0_i32_1 = arith.constant 0 : i32
    return %c0_i32, %c0_i32_0 : i32, i32
  }
}

</mosaic_0001>

<sc_bundles>
// kernel: kernel.11.cloned.1.call-start
scs
__scs_entry_jumppad:
0x0: {  	(pc) =	sbr.rel $0x88, $3  }
0x1: {  	(tag) =	ssettag $0x0;
	lr =	simm.s32 $0x1  }
0x2: {  	[smem:$0x3F94] =	sst lr;
	_ =	strace $0xD0000000  }
0x3: {  	_ = 	snop  }
0x4: {  	_ = 	snop  }
0x5: {  	_ = 	snop  }
0x6: {  	_ = 	snop  }
0x7: {  	_ = 	snop  }
__scs_overlays_trampoline_lowered:
0x8: {  	[smem:$0x3FA3] =	sst s0  }
0x9: {  	[smem:$0x3FA4] =	sst s1  }
0xa: {  	[smem:$0x3FA5] =	sst s2  }
0xb: {  	[smem:$0x3FA6] =	sst s3  }
0xc: {  	[smem:$0x3FA7] =	sst s4  }
0xd: {  	[smem:$0x3FA8] =	sst s5  }
0xe: {  	[smem:$0x3FA9] =	sst s6  }
0xf: {  	[smem:$0x3FAA] =	sst s7  }
0x10: {  	[smem:$0x3FAB] =	sst s8  }
0x11: {  	[smem:$0x3FAC] =	sst s9;
	s0 =	simm.s32 @!p0 $0x0  }
0x12: {  	s1 =	sld [smem:$0x3F92];
	s0 =	simm.s32 @p0 $0x1  }
0x13: {  	[smem:$0x3FAD] =	sst s0;
	s0 =	simm.s32 @!p1 $0x0  }
0x14: {  	s2 =	sld [smem:$0x3F91];
	s0 =	simm.s32 @p1 $0x1  }
0x15: {  	[smem:$0x3FAE] =	sst s0;
	s0 =	simm.s32 @!p2 $0x0  }
0x16: {  	s3 =	sld [smem:$0x3FDB];
	s0 =	simm.s32 @p2 $0x1  }
0x17: {  	s4 =	simm.s32 $0x1BF5;
	[smem:$0x3FB0] =	sst s0  }
0x18: {  	s0 =	sld [smem:$0x3F93];
	_ =	swait.ge [sflag:s4], $0x0  }
0x19: {  	s7 =	sld [smem:$0x3F94]  }
0x1a: {  	s8 =	sadd.s32 $0xFFFFE003, lr  }
0x1b: {  	s9 =	sadd.s32 $0xFFFFFEF7, lr;
	s5 =	simm.s32 $0xFFFFFFFF;
	p2 =	slt.u32 s8, $0xFFFFF086  }
0x1c: {  	p1 =	slt.u32 s9, $0xF7A;
	s5 =	simm.s32 @!p2 $0x0  }
0x1d: {  	s5 =	simm.s32 @p1 $0x1;
	p0 =	seq.s32 s7, s2  }
0x1e: {  	s7 =	smul.u32 @!p0 $0xF7A, s2;
	p2 =	seq.s32 @!p0 s5, $0x0  }
0x1f: {  	s9 =	smul.u32 $0xF7A, s1;
	s8 =	simm.s32 @!p0 $0x1BF5;
	p2 =	por !p2, p0  }
0x20: {  	[sflag:s8] =	ssyncset.s32 @!p0 $0xFFFFF086;
	s6 =	sadd.s32 @!p0 s3, s7;
	s7 =	simm.s32 @!p0 $0x108  }
0x21: {  	s3 =	sadd.s32 s3, s9;
	s6 =	sadd.s32 @!p0 $0x88, s6;
	s7 =	simm.s32 @p2 $0x1082  }
0x22: {  	[simem:s7], [sflag:s8] =	dma.local @!p0 [hbm:s6], $0xF7A  }
0x23: {  	s9 =	sor.u32 $0xD0000000, s2;
	s6 =	simm.s32 $0x108;
	_ =	swait.ge @!p0 [sflag:s8], $0x0  }
0x24: {  	s3 =	sadd.s32 $0x88, s3;
	s6 =	simm.s32 @!p1 $0x1082;
	[sflag:s4] =	ssyncset.s32 $0xFFFFF086  }
0x25: {  	[simem:s6], [sflag:s4] =	dma.local [hbm:s3], $0xF7A  }
0x26: {  	[smem:$0x3F94] =	sst s1;
	(tag) =	ssettag s2;
	_ =	strace s9  }
0x27: {  	s1 =	sld [smem:$0x3FA4]  }
0x28: {  	s2 =	sld [smem:$0x3FA5]  }
0x29: {  	s4 =	sld [smem:$0x3FA7]  }
0x2a: {  	p0 =	seq.s32 s5, $0x0;
	s5 =	sld [smem:$0x3FA8]  }
0x2b: {  	s6 =	sld [smem:$0x3FA9]  }
0x2c: {  	s7 =	sld [smem:$0x3FAA]  }
0x2d: {  	s3 =	simm.s32 $0x108;
	s8 =	sld [smem:$0x3FAB]  }
0x2e: {  	s3 =	simm.s32 @!p0 $0x1082;
	s9 =	sld [smem:$0x3FAC]  }
0x2f: {  	lr =	sadd.s32 s0, s3;
	s0 =	sld [smem:$0x3FA3]  }
0x30: {  	s3 =	sld [smem:$0x3FA6]  }
0x31: {  	[smem:$0x3FAF] =	sst s10  }
0x32: {  	s10 =	sld [smem:$0x3FAD];
	_ =	sdelay $0x3  }
0x33: {  	p0 =	seq.s32 s10, $0x1;
	s10 =	sld [smem:$0x3FAF];
	_ =	sdelay $0x3  }
0x34: {  	[smem:$0x3FAF] =	sst s10  }
0x35: {  	s10 =	sld [smem:$0x3FAE];
	_ =	sdelay $0x3  }
0x36: {  	p1 =	seq.s32 s10, $0x1;
	s10 =	sld [smem:$0x3FAF];
	_ =	sdelay $0x3  }
0x37: {  	[smem:$0x3FAF] =	sst s10  }
0x38: {  	s10 =	sld [smem:$0x3FB0]  }
0x39: {  	_ = 	snop;
	(pc) =	sbr.ind lr, $3  }
0x3a: {  	_ = 	snop  }
0x3b: {  	_ = 	snop  }
0x3c: {  	p2 =	seq.s32 s10, $0x1;
	s10 =	sld [smem:$0x3FAF]  }
0x3d: {  	_ =	shalt  }
0x3e: {  	_ =	shalt  }
0x3f: {  	_ =	shalt  }
0x40: {  	_ =	shalt  }
0x41: {  	_ =	shalt  }
0x42: {  	_ =	shalt  }
0x43: {  	_ =	shalt  }
0x44: {  	_ =	shalt  }
0x45: {  	_ =	shalt  }
0x46: {  	_ =	shalt  }
0x47: {  	_ =	shalt  }
0x48: {  	_ =	shalt  }
0x49: {  	_ =	shalt  }
0x4a: {  	_ =	shalt  }
0x4b: {  	_ =	shalt  }
0x4c: {  	_ =	shalt  }
0x4d: {  	_ =	shalt  }
0x4e: {  	_ =	shalt  }
0x4f: {  	_ =	shalt  }
0x50: {  	_ =	shalt  }
0x51: {  	_ =	shalt  }
0x52: {  	_ =	shalt  }
0x53: {  	_ =	shalt  }
0x54: {  	_ =	shalt  }
0x55: {  	_ =	shalt  }
0x56: {  	_ =	shalt  }
0x57: {  	_ =	shalt  }
0x58: {  	_ =	shalt  }
0x59: {  	_ =	shalt  }
0x5a: {  	_ =	shalt  }
0x5b: {  	_ =	shalt  }
0x5c: {  	_ =	shalt  }
0x5d: {  	_ =	shalt  }
0x5e: {  	_ =	shalt  }
0x5f: {  	_ =	shalt  }
0x60: {  	_ =	shalt  }
0x61: {  	_ =	shalt  }
0x62: {  	_ =	shalt  }
0x63: {  	_ =	shalt  }
0x64: {  	_ =	shalt  }
0x65: {  	_ =	shalt  }
0x66: {  	_ =	shalt  }
0x67: {  	_ =	shalt  }
0x68: {  	_ =	shalt  }
0x69: {  	_ =	shalt  }
0x6a: {  	_ =	shalt  }
0x6b: {  	_ =	shalt  }
0x6c: {  	_ =	shalt  }
0x6d: {  	_ =	shalt  }
0x6e: {  	_ =	shalt  }
0x6f: {  	_ =	shalt  }
0x70: {  	_ =	shalt  }
0x71: {  	_ =	shalt  }
0x72: {  	_ =	shalt  }
0x73: {  	_ =	shalt  }
0x74: {  	_ =	shalt  }
0x75: {  	_ =	shalt  }
0x76: {  	_ =	shalt  }
0x77: {  	_ =	shalt  }
0x78: {  	_ =	shalt  }
0x79: {  	_ =	shalt  }
0x7a: {  	_ =	shalt  }
0x7b: {  	_ =	shalt  }
0x7c: {  	_ =	shalt  }
0x7d: {  	_ =	shalt  }
0x7e: {  	_ =	shalt  }
0x7f: {  	_ =	shalt  }
0x80: {  	_ =	shalt  }
0x81: {  	_ =	shalt  }
0x82: {  	_ =	shalt  }
0x83: {  	_ =	shalt  }
0x84: {  	_ =	shalt  }
0x85: {  	_ =	shalt  }
0x86: {  	_ =	shalt  }
0x87: {  	_ =	shalt  }
.Lfunc_end0:
.L_simem_size_0:
called_computation.1_lowered:
.L_overlay_start_0:
0x88: {  	s2 =	sld [smem:$0x3FD9]  }
0x89: {  	s3 =	sld [smem:$0x3FFE];
	_ =	sdelay $0x1  }
0x8a: {  	s1 =	srdreg.scid  }
0x8b: {  	s0 =	sand.u32 $0x1, s1  }
0x8c: {  	s14 =	sshll.u32 s0, $0xA;
	s2 =	sadd.s32 s3, s2  }
0x8d: {  	s2 =	sadd.s32 s2, s14  }
0x8e: {  	[smem:$0x3FBB] =	sst s2  }
0x8f: {  	_ = 	snop  }
0x90: {  	s2 =	sld [smem:$0x3FD0];
	_ =	sdelay $0x2  }
0x91: {  	s15 =	simm.s32 $0xA;
	s4 =	simm.s32 $0x10  }
0x92: {  	[smem:s4], [sflag:s15] =	dma.local [hbm:s2], $0x1  }
0x93: {  	_ =	swait.eq [sflag:s15], $0x1  }
0x94: {  	[sflag:s15] =	ssyncset.done $0x0  }
0x95: {  	[sflag:s15] =	ssyncadd.s32 $0xFFFFFFFF  }
0x96: {  	s16 =	sld [smem:$0x10];
	(tm) =	ssettm $0x1  }
0x97: {  	s17 =	sld [smem:$0x3FFB];
	_ =	sdelay $0x3  }
0x98: {  	_ =	strace s17  }
0x99: {  	s3 =	sld [smem:$0x3FFC];
	_ =	sdelay $0x3  }
0x9a: {  	_ =	strace s3  }
0x9b: {  	s3 =	sld [smem:$0x3FFD];
	_ =	sdelay $0x3  }
0x9c: {  	_ =	strace s3  }
0x9d: {  	_ =	strace $0x8FFFFFFF  }
0x9e: {  	s18 =	sld [smem:$0x3FDB];
	_ =	sdelay $0x1  }
0x9f: {  	s19 =	simm.s32 $_scs_section_size  }
0xa0: {  	s5 =	simm.s32 $_size__tile_overlayer_lowered;
	s6 =	simm.s32 $_tile_overlayer_lowered  }
0xa1: {  	s22 =	simm.s32 $0x1BFF;
	s21 =	sshll.u32 s6, $0x1;
	s3 =	sadd.s32 s19, s18  }
0xa2: {  	s7 =	simm.s32 $0x0;
	s20 =	sshll.u32 s5, $0x1;
	s5 =	sadd.s32 s21, s3  }
0xa3: {  	[timem:s7], [sflag:s22] =	dma.local [hbm:s5], s20  }
0xa4: {  	_ =	swait.ge [sflag:s22], s20  }
0xa5: {  	s4 =	ssub.s32 $0x0, s20;
	[sflag:s22] =	ssyncset.done $0x0  }
0xa6: {  	[sflag:s22] =	ssyncadd.s32 s4;
	_ =	sdelay $0x1  }
0xa7: {  	s23 =	simm.s32 $0x1B8B  }
0xa8: {  	_ =	swait.ge [sflag:s23], $0x1  }
0xa9: {  	[sflag:s23] =	ssyncset.done $0x0  }
0xaa: {  	s25 =	simm.s32 $0x1B8E;
	s24 =	sld [smem:$0x3FFE];
	[sflag:s23] =	ssyncadd.s32 $0xFFFFFFFF  }
0xab: {  	s26 =	simm.s32 $execute0_lowered;
	[smem:$0x3FD2] =	sst s25  }
0xac: {  	s5 =	sshll.u32 s26, $0x1;
	_ =	strace $0x80000049;
	[dreg:$0x1] =	wrdreg $0xFFFFFFFF  }
0xad: {  	s28 =	simm.s32 $_size_execute0_lowered;
	s3 =	sadd.s32 s3, s5;
	[dreg:$0x0] =	wrdreg $0x0  }
0xae: {  	s5 =	sshll.u32 s28, $0x1;
	[dreg:$0x2] =	wrdreg s3  }
0xaf: {  	[dreg:$0x3] =	wrdreg s5  }
0xb0: {  	[dreg:$0x4] =	wrdreg $0xC0  }
0xb1: {  	_ =	task [dreg:s7], $0x5FFFF  }
0xb2: {  	[dreg:$0x1] =	wrdreg $0xFFFFFFFF  }
0xb3: {  	[dreg:$0x0] =	wrdreg $0x60  }
0xb4: {  	[dreg:$0x2] =	wrdreg s16  }
0xb5: {  	[dreg:$0x3] =	wrdreg s24  }
0xb6: {  	[dreg:$0x4] =	wrdreg $0xA4000  }
0xb7: {  	[dreg:$0x5] =	wrdreg $0x9  }
0xb8: {  	_ =	task.clear_ibuf [dreg:s7], $0x6FFFF;
	_ =	strace $0x90000049  }
0xb9: {  	s29 =	simm.s32 $0x9;
	_ =	strace $0x8000004B  }
0xba: {  	_ =	swait.ge [sflag:s29], $0x1  }
0xbb: {  	[sflag:s29] =	ssyncadd.s32 $0xFFFFFFFF  }
0xbc: {  	_ =	strace $0x9000004B  }
0xbd: {  	_ =	sfence  }
0xbe: {  	s30 =	sld [smem:$0x0];
	_ =	sdelay $0x2  }
0xbf: {  	s31 =	sshll.u32 s1, $0xD;
	s1 =	sshrl.u32 s1, $0x2  }
0xc0: {  	s3 =	sand.u32 $0x4000, s31;
	s1 =	sadd.s32 s1, s30  }
0xc1: {  	s0 =	sor.u32 s3, s0;
	s1 =	sshll.u32 s1, $0x11  }
0xc2: {  	s0 =	sor.u32 s1, s0  }
0xc3: {  	s0 =	sadd.s32 $0x8F2B, s0  }
0xc4: {  	[sflag:s0] =	ssyncadd.remote.s32 $0x1  }
0xc5: {  	_ =	sfence.sel $0xFFFF  }
0xc6: {  	[dreg:$0x0] =	wrdreg $0xFFFFFFFF;
	(pc) =	sbr.abs _section_cstart, $3  }
0xc7: {  	[dreg:$0x1] =	wrdreg $0xFFFFFFFF  }
0xc8: {  	_ =	task.clear_ibuf [dreg:s7], $0x2FFFF;
	_ =	strace $0x9FFFFFFF  }
0xc9: {  	(tm) =	ssettm $0x7FFFFFFF  }
tec
execute0_lowered:
.L_overlay_start_1:
0x0: {  	(tag) =	ssettag $0x1  }
0x1: {  	s1 =	rddreg [dreg:$0x0]  }
0x2: {  	s0 =	rddreg [dreg:$0x1]  }
0x3: {  	s2 =	rddreg [dreg:$0x2];
	s3 =	srdreg.scid;
	s4 =	simm.s32 $0x0  }
0x4: {  	s19 =	stileid.u32;
	s30 =	simm.s32 $0x100;
	s31 =	simm.s32 $0x200  }
0x5: {  	s28 =	simm.s32 $0x9;
	s29 =	simm.s32 $0x4;
	s8 =	smul.u32 $0x50000, s19  }
0x6: {  	s3 =	sand.u32 $0x1, s3;
	[smem:$0x7FF] =	sst s4;
	s11 =	smul.u32 $0x14000, s19  }
0x7: {  	s5 =	sshll.u32 s3, $0x4;
	_ =	strace $0x8000004A;
	s17 =	smul.u32 $0x140000, s3  }
0x8: {  	s7 =	ssub.s32 $0x2, s3;
	s3 =	smul.u32 $0x7D000, s3;
	s5 =	sor.u32 s19, s5  }
0x9: {  	s9 =	sshrl.u32 s7, $0x1;
	s8 =	sshrl.u32 s8, $0x2;
	s12 =	sadd.s32 $0x7800, s11  }
0xa: {  	s13 =	sadd.s32 $0xA000, s11;
	s14 =	sadd.s32 $0xC800, s11;
	s15 =	sadd.s32 $0xF000, s11  }
0xb: {  	s18 =	sadd.s32 $0x11800, s11;
	s6 =	smul.u32 $0x7D00, s5;
	s5 =	sadd.s32 $0x3800, s0  }
0xc: {  	s0 =	sadd.s32 $0x22C00, s0;
	s7 =	ssub.s32 s7, s9;
	s9 =	sor.u32 $0x2800, s11  }
0xd: {  	s25 =	sadd.s32 s17, s13;
	s10 =	sshrl.u32 s6, $0x3;
	s16 =	sadd.s32 $0x500, s6  }
0xe: {  	s6 =	sadd.s32 $0x600, s6;
	s20 =	sadd.s32 s5, s10;
	s10 =	sadd.s32 $0x5000, s11  }
0xf: {  	[dreg:$0x4] =	wrdreg s16;
	s11 =	sadd.s32 s11, s17;
	s16 =	sadd.s32 s17, s9  }
0x10: {  	[dreg:$0x5] =	wrdreg s6;
	s6 =	sshrl.u32 s11, $0x3;
	s11 =	sshrl.u32 s16, $0x3  }
0x11: {  	s21 =	sadd.s32 s17, s10;
	s16 =	sadd.s32 s15, s2;
	[dreg:$0x9] =	wrdreg s20  }
0x12: {  	s6 =	sadd.s32 s0, s6;
	s22 =	sadd.s32 s0, s11;
	[dreg:$0x18] =	wrdreg s16  }
0x13: {  	s23 =	sshrl.u32 s21, $0x3;
	s11 =	sshrl.u32 s25, $0x3;
	[dreg:$0xa] =	wrdreg s6  }
0x14: {  	s25 =	smul.u32 $0x7D00, s19;
	s19 =	sadd.s32 s18, s2;
	[dreg:$0xb] =	wrdreg s22  }
0x15: {  	s24 =	sadd.s32 s17, s12;
	s6 =	sadd.s32 s0, s23;
	[dreg:$0x19] =	wrdreg s19  }
0x16: {  	s26 =	sadd.s32 s17, s14;
	s21 =	sadd.s32 s0, s11;
	[dreg:$0xc] =	wrdreg s6  }
0x17: {  	s22 =	sshrl.u32 s26, $0x3;
	s26 =	sadd.s32 s9, s2;
	[dreg:$0xe] =	wrdreg s21  }
0x18: {  	s16 =	simm.s32 $0xA;
	s9 =	sadd.s32 s12, s2;
	[dreg:$0x13] =	wrdreg s26  }
0x19: {  	s23 =	sadd.s32 s17, s15;
	s12 =	simm.s32 $0x280;
	[dreg:$0x15] =	wrdreg s9  }
0x1a: {  	s15 =	simm.s32 $0x7;
	[dreg:$0x7] =	wrdreg s12;
	s21 =	smax.u32 s7, $0x1  }
0x1b: {  	s6 =	sshrl.u32 s24, $0x3;
	s26 =	sadd.s32 $0xF80, s20;
	[dreg:$0x1a] =	wrdreg s21  }
0x1c: {  	s24 =	sadd.s32 s17, s18;
	s6 =	sadd.s32 s0, s6;
	[dreg:$0x1f] =	wrdreg s26  }
0x1d: {  	s11 =	sshrl.u32 s24, $0x3;
	s24 =	sadd.s32 $0x20, s20;
	[dreg:$0xd] =	wrdreg s6  }
0x1e: {  	s7 =	simm.s32 $0x50;
	s6 =	sadd.s32 s0, s22;
	[dreg:$0x1d] =	wrdreg s24  }
0x1f: {  	s22 =	sadd.s32 s8, s2;
	s8 =	sadd.s32 s10, s2;
	[dreg:$0xf] =	wrdreg s6  }
0x20: {  	s9 =	simm.s32 $0x2;
	s10 =	simm.s32 $0x180;
	[dreg:$0x14] =	wrdreg s8  }
0x21: {  	s12 =	simm.s32 $0x5;
	s6 =	sshrl.u32 s23, $0x3;
	[dreg:$0x6] =	wrdreg s10  }
0x22: {  	s18 =	simm.s32 $0xB;
	[dreg:$0x12] =	wrdreg s22;
	s6 =	sadd.s32 s0, s6  }
0x23: {  	s26 =	simm.s32 $0x6;
	s0 =	sadd.s32 s0, s11;
	[dreg:$0x10] =	wrdreg s6  }
0x24: {  	s8 =	simm.s32 $0x400;
	s11 =	sadd.s32 s13, s2;
	[dreg:$0x11] =	wrdreg s0  }
0x25: {  	s10 =	simm.s32 $0x2C00;
	s13 =	sadd.s32 s14, s2;
	[dreg:$0x16] =	wrdreg s11  }
0x26: {  	s14 =	simm.s32 $0x380;
	s0 =	sadd.s32 s25, s3;
	[dreg:$0x17] =	wrdreg s13  }
0x27: {  	[dreg:$0x8] =	wrdreg s14;
	s25 =	sadd.s32 $0x40, s20;
	s11 =	simm.s32 $0xC  }
0x28: {  	s13 =	simm.s32 $0x80;
	s14 =	simm.s32 $0x300;
	s6 =	simm.s32 $0x3  }
0x29: {  	s17 =	sadd.s32 $0x300, s0;
	s0 =	sadd.s32 $0x400, s0;
	[dreg:$0x1e] =	wrdreg s25  }
0x2a: {  	s20 =	simm.s32 $0x0;
	s3 =	sshrl.u32 s17, $0x3;
	[dreg:$0x1b] =	wrdreg s0  }
0x2b: {  	s0 =	simm.s32 $0x7C00;
	s17 =	simm.s32 $0x8;
	s23 =	sadd.s32 s3, s5  }
0x2c: {  	v0 =	vimm.f32 $0.0e+00;
	s3 =	simm.s32 $0x1;
	[dreg:$0x1c] =	wrdreg s23;
	s23 =	simm.s32 $0x5400  }
.LBB2_1:
0x2d: {  	s19 =	rddreg [dreg:$0x9]  }
0x2e: {  	[tilespmem:s4], [sflag:$0x1] =	stream.linear.gather [hbm4b:s19+s4], $0x100, $0x38;
	[tilespmem:$0x1E400] =	vst v63  }
0x2f: {  	s21 =	rddreg [dreg:$0x1d]  }
0x30: {  	[tilespmem:s30], [sflag:$0x2] =	stream.linear.gather [hbm4b:s21+s4], $0x100, $0x38;
	[tilespmem:$0x1E400] =	vst v63  }
0x31: {  	s24 =	rddreg [dreg:$0x1e];
	s25 =	sand.u32 $0xFE00, s4  }
0x32: {  	[tilespmem:s31], [sflag:$0x3] =	stream.linear.gather [hbm4b:s24+s4], $0x100, $0x38;
	[tilespmem:$0x1E400] =	vst v63  }
0x33: {  	[smem:$0x7FD] =	sst s20;
	s21 =	sand.u32 $0x70, s4;
	s24 =	sshrl.u32 s25, $0x2  }
0x34: {  	s20 =	simm.s32 $0x40;
	s24 =	sor.u32 s21, s24;
	s21 =	simm.s32 $0x0  }
.LBB2_2:
0x35: {  	p0 =	sne.s32 s20, $0x9FC0  }
0x36: {  	[tilespmem:s24+$0x7C00] =	vst v0;
	s21 =	sadd.s32 $0x10, s21;
	s24 =	smov.u32 s20;
	s20 =	sadd.s32 $0x40, s20  }
.Ltmp0:
0x37: {  	(pc) =	sbr.rel @p0 .LBB2_2-.Ltmp0, $4  }
0x38: {  	_ = 	snop  }
0x39: {  	s24 =	sand.u32 $0xFE00, s24  }
0x3a: {  	s25 =	sand.u32 $0x70, s21;
	s24 =	sshrl.u32 s24, $0x2  }
0x3b: {  	s24 =	sor.u32 s25, s24  }
0x3c: {  	[tilespmem:s24+$0x7C00] =	vst v0  }
0x3d: {  	[spmem:s22] =	stream.linear.scatter [tilespmem:s0], [sflag:$0xC], $0x2800, $0x38;
	[tilespmem:$0x1E400] =	vst v63  }
0x3e: {  	s19 =	rddreg [dreg:$0x13]  }
0x3f: {  	[spmem:s19] =	stream.linear.scatter [tilespmem:s0], [sflag:$0xC], $0x2800, $0x38;
	[tilespmem:$0x1E400] =	vst v63  }
0x40: {  	s22 =	rddreg [dreg:$0x14]  }
0x41: {  	[spmem:s22] =	stream.linear.scatter [tilespmem:s0], [sflag:$0xC], $0x2800, $0x38;
	[tilespmem:$0x1E400] =	vst v63  }
0x42: {  	s24 =	rddreg [dreg:$0x15]  }
0x43: {  	[spmem:s24] =	stream.linear.scatter [tilespmem:s0], [sflag:$0xC], $0x2800, $0x38;
	[tilespmem:$0x1E400] =	vst v63  }
0x44: {  	s25 =	rddreg [dreg:$0x16]  }
0x45: {  	[spmem:s25] =	stream.linear.scatter [tilespmem:s0], [sflag:$0xC], $0x2800, $0x38;
	[tilespmem:$0x1E400] =	vst v63  }
0x46: {  	s20 =	rddreg [dreg:$0x17]  }
0x47: {  	[spmem:s20] =	stream.linear.scatter [tilespmem:s0], [sflag:$0xC], $0x2800, $0x38;
	[tilespmem:$0x1E400] =	vst v63  }
0x48: {  	s21 =	rddreg [dreg:$0x18]  }
0x49: {  	[spmem:s21] =	stream.linear.scatter [tilespmem:s0], [sflag:$0xC], $0x2800, $0x38;
	[tilespmem:$0x1E400] =	vst v63  }
0x4a: {  	s22 =	rddreg [dreg:$0x19]  }
0x4b: {  	[spmem:s22] =	stream.linear.scatter [tilespmem:s0], [sflag:$0xC], $0x2800, $0x38;
	[tilespmem:$0x1E400] =	vst v63  }
0x4c: {  	_ =	swait.ge [sflag:s3], $0x100  }
0x4d: {  	[sflag:s3] =	ssyncset.done $0x0  }
0x4e: {  	s20 =	simm.s32 $0x0;
	[sflag:s3] =	ssyncadd.s32 $0xFFFFFF00  }
0x4f: {  	[tilespmem:s8], [sflag:$0x5] =	stream.indirect.gather [hbm4b:s1+s7], $0x80, s20, s7, $0xb8;
	[tilespmem:$0x1E400] =	vst v63  }
0x50: {  	_ =	swait.ge [sflag:s9], $0x100  }
0x51: {  	[sflag:s9] =	ssyncset.done $0x0  }
0x52: {  	[sflag:s9] =	ssyncadd.s32 $0xFFFFFF00  }
0x53: {  	[tilespmem:s10], [sflag:$0x6] =	stream.indirect.gather [hbm4b:s1+s7], $0x80, s30, s7, $0xb8;
	[tilespmem:$0x1E400] =	vst v63  }
0x54: {  	_ =	swait.ge [sflag:s11], $0x2800  }
0x55: {  	[sflag:s11] =	ssyncset.done $0x0  }
0x56: {  	[sflag:s11] =	ssyncadd.s32 $0xFFFFD800  }
0x57: {  	_ =	swait.ge [sflag:s11], $0x2800  }
0x58: {  	[sflag:s11] =	ssyncset.done $0x0  }
0x59: {  	[sflag:s11] =	ssyncadd.s32 $0xFFFFD800  }
0x5a: {  	_ =	swait.ge [sflag:s11], $0x2800  }
0x5b: {  	[sflag:s11] =	ssyncset.done $0x0  }
0x5c: {  	[sflag:s11] =	ssyncadd.s32 $0xFFFFD800  }
0x5d: {  	_ =	swait.ge [sflag:s11], $0x2800  }
0x5e: {  	[sflag:s11] =	ssyncset.done $0x0  }
0x5f: {  	[sflag:s11] =	ssyncadd.s32 $0xFFFFD800  }
0x60: {  	_ =	swait.ge [sflag:s11], $0x2800  }
0x61: {  	[sflag:s11] =	ssyncset.done $0x0  }
0x62: {  	[sflag:s11] =	ssyncadd.s32 $0xFFFFD800  }
0x63: {  	_ =	swait.ge [sflag:s11], $0x2800  }
0x64: {  	[sflag:s11] =	ssyncset.done $0x0  }
0x65: {  	[sflag:s11] =	ssyncadd.s32 $0xFFFFD800  }
0x66: {  	_ =	swait.ge [sflag:s11], $0x2800  }
0x67: {  	[sflag:s11] =	ssyncset.done $0x0  }
0x68: {  	[sflag:s11] =	ssyncadd.s32 $0xFFFFD800  }
0x69: {  	_ =	swait.ge [sflag:s11], $0x2800  }
0x6a: {  	[sflag:s11] =	ssyncset.done $0x0  }
0x6b: {  	[sflag:s11] =	ssyncadd.s32 $0xFFFFD800  }
0x6c: {  	[bflag:$0x0] =	sbarrier.arrive $0xFFFF  }
0x6d: {  	_ =	swait.ge [sflag:s12], $0x2800  }
0x6e: {  	p0 =	por $0x1, $0x1;
	[sflag:s12] =	ssyncset.done $0x0  }
0x6f: {  	s21 =	simm.s32 @!p0 $0xC;
	[sflag:s12] =	ssyncadd.s32 $0xFFFFD800  }
0x70: {  	[spmem:s2] =	stream.indirect.scatter.add.f32 [tilespmem:s8], [sflag:$0x9], $0x80, s13, s7, $0xb8;
	[tilespmem:$0x1E400] =	vst v63  }
0x71: {  	_ =	swait.ge @!p0 [sflag:s21], $0x2800  }
0x72: {  	[sflag:s21] =	ssyncset.done @!p0 $0x0  }
0x73: {  	s22 =	rddreg [dreg:$0x1c];
	[sflag:s21] =	ssyncadd.s32 @!p0 $0xFFFFD800  }
0x74: {  	[tilespmem:s14], [sflag:$0x4] =	stream.linear.gather [hbm4b:s22+s4], $0x100, $0x38;
	[tilespmem:$0x1E400] =	vst v63  }
0x75: {  	_ =	swait.ge [sflag:s6], $0x100  }
0x76: {  	[sflag:s6] =	ssyncset.done $0x0  }
0x77: {  	[sflag:s6] =	ssyncadd.s32 $0xFFFFFF00  }
0x78: {  	[tilespmem:s23], [sflag:$0x7] =	stream.indirect.gather [hbm4b:s1+s7], $0x80, s31, s7, $0xb8;
	[tilespmem:$0x1E400] =	vst v63  }
0x79: {  	_ =	swait.ge [sflag:s26], $0x2800  }
0x7a: {  	[sflag:s26] =	ssyncset.done $0x0  }
0x7b: {  	s24 =	rddreg [dreg:$0x6];
	[sflag:s26] =	ssyncadd.s32 $0xFFFFD800  }
0x7c: {  	[spmem:s2] =	stream.indirect.scatter.add.f32 [tilespmem:s10], [sflag:$0xA], $0x80, s24, s7, $0xb8;
	[tilespmem:$0x1E400] =	vst v63  }
0x7d: {  	_ =	swait.ge [sflag:s28], $0x2800  }
0x7e: {  	s19 =	rddreg [dreg:$0x1b]  }
0x7f: {  	[sflag:s28] =	ssyncset.done $0x0;
	s25 =	sshrl.u32 s19, $0x3  }
0x80: {  	[sflag:s28] =	ssyncadd.s32 $0xFFFFD800;
	s21 =	sadd.s32 s5, s25  }
0x81: {  	[tilespmem:s4], [sflag:$0x1] =	stream.linear.gather [hbm4b:s21+s4], $0x100, $0x38;
	[tilespmem:$0x1E400] =	vst v63  }
0x82: {  	_ =	swait.ge [sflag:s29], $0x100  }
0x83: {  	[sflag:s29] =	ssyncset.done $0x0  }
0x84: {  	[sflag:s29] =	ssyncadd.s32 $0xFFFFFF00  }
0x85: {  	[tilespmem:s0], [sflag:$0x8] =	stream.indirect.gather [hbm4b:s1+s7], $0x80, s14, s7, $0xb8;
	[tilespmem:$0x1E400] =	vst v63  }
0x86: {  	_ =	swait.ge [sflag:s15], $0x2800  }
0x87: {  	[sflag:s15] =	ssyncset.done $0x0  }
0x88: {  	s24 =	rddreg [dreg:$0x7];
	[sflag:s15] =	ssyncadd.s32 $0xFFFFD800  }
0x89: {  	[spmem:s2] =	stream.indirect.scatter.add.f32 [tilespmem:s23], [sflag:$0xB], $0x80, s24, s7, $0xb8;
	[tilespmem:$0x1E400] =	vst v63  }
0x8a: {  	s25 =	smin.u32 s20, $0x77;
	_ =	swait.ge [sflag:s16], $0x2800  }
0x8b: {  	s24 =	sshll.u32 s25, $0x8;
	s21 =	rddreg [dreg:$0x4]  }
0x8c: {  	s21 =	sadd.s32 s24, s21  }
0x8d: {  	[sflag:s16] =	ssyncset.done $0x0;
	s21 =	sshrl.u32 s21, $0x3  }
0x8e: {  	[sflag:s16] =	ssyncadd.s32 $0xFFFFD800;
	s21 =	sadd.s32 s5, s21  }
0x8f: {  	[tilespmem:s30], [sflag:$0x2] =	stream.linear.gather [hbm4b:s21+s4], $0x100, $0x38;
	[tilespmem:$0x1E400] =	vst v63  }
0x90: {  	_ =	swait.ge [sflag:s3], $0x100  }
0x91: {  	[sflag:s3] =	ssyncset.done $0x0  }
0x92: {  	[sflag:s3] =	ssyncadd.s32 $0xFFFFFF00  }
0x93: {  	[tilespmem:s8], [sflag:$0x5] =	stream.indirect.gather [hbm4b:s1+s7], $0x80, s4, s7, $0xb8;
	[tilespmem:$0x1E400] =	vst v63  }
0x94: {  	_ =	swait.ge [sflag:s17], $0x2800  }
0x95: {  	[sflag:s17] =	ssyncset.done $0x0  }
0x96: {  	s24 =	rddreg [dreg:$0x8];
	[sflag:s17] =	ssyncadd.s32 $0xFFFFD800  }
0x97: {  	[spmem:s2] =	stream.indirect.scatter.add.f32 [tilespmem:s0], [sflag:$0xC], $0x80, s24, s7, $0xb8;
	[tilespmem:$0x1E400] =	vst v63  }
0x98: {  	s20 =	smin.u32 s20, $0x76;
	_ =	swait.ge [sflag:s18], $0x2800  }
0x99: {  	s20 =	sshll.u32 s20, $0x8;
	s25 =	rddreg [dreg:$0x5]  }
0x9a: {  	s20 =	sadd.s32 s20, s25  }
0x9b: {  	[sflag:s18] =	ssyncset.done $0x0;
	s20 =	sshrl.u32 s20, $0x3  }
0x9c: {  	[sflag:s18] =	ssyncadd.s32 $0xFFFFD800;
	s20 =	sadd.s32 s5, s20  }
0x9d: {  	[tilespmem:s31], [sflag:$0x3] =	stream.linear.gather [hbm4b:s20+s4], $0x100, $0x38;
	[tilespmem:$0x1E400] =	vst v63  }
0x9e: {  	s21 =	sadd.s32 $0x80, s22;
	_ =	swait.ge [sflag:s9], $0x100  }
0x9f: {  	s24 =	smov.u32 s19;
	s20 =	simm.s32 $0x4;
	[sflag:s9] =	ssyncset.done $0x0  }
.LBB2_4:
0xa0: {  	[sflag:s9] =	ssyncadd.s32 $0xFFFFFF00  }
0xa1: {  	[tilespmem:s10], [sflag:$0x6] =	stream.indirect.gather [hbm4b:s1+s7], $0x80, s30, s7, $0xb8;
	[tilespmem:$0x1E400] =	vst v63  }
0xa2: {  	s25 =	smov.u32 s20;
	_ =	swait.ge [sflag:s12], $0x2800  }
0xa3: {  	p1 =	seq.s32 s25, $0x0;
	[sflag:s12] =	ssyncset.done $0x0  }
0xa4: {  	s22 =	simm.s32 @!p1 $0xC;
	[sflag:s12] =	ssyncadd.s32 $0xFFFFD800  }
0xa5: {  	[spmem:s2] =	stream.indirect.scatter.add.f32 [tilespmem:s8], [sflag:$0x9], $0x80, s13, s7, $0xb8;
	[tilespmem:$0x1E400] =	vst v63  }
0xa6: {  	_ =	swait.ge @!p1 [sflag:s22], $0x2800  }
0xa7: {  	[sflag:s22] =	ssyncset.done @!p1 $0x0  }
0xa8: {  	[sflag:s22] =	ssyncadd.s32 @!p1 $0xFFFFD800  }
0xa9: {  	[tilespmem:s14], [sflag:$0x4] =	stream.linear.gather [hbm4b:s21+s4], $0x100, $0x38;
	[tilespmem:$0x1E400] =	vst v63  }
0xaa: {  	_ =	swait.ge [sflag:s6], $0x100  }
0xab: {  	[sflag:s6] =	ssyncset.done $0x0  }
0xac: {  	[sflag:s6] =	ssyncadd.s32 $0xFFFFFF00  }
0xad: {  	[tilespmem:s23], [sflag:$0x7] =	stream.indirect.gather [hbm4b:s1+s7], $0x80, s31, s7, $0xb8;
	[tilespmem:$0x1E400] =	vst v63  }
0xae: {  	_ =	swait.ge [sflag:s26], $0x2800  }
0xaf: {  	[sflag:s26] =	ssyncset.done $0x0  }
0xb0: {  	s19 =	rddreg [dreg:$0x6];
	[sflag:s26] =	ssyncadd.s32 $0xFFFFD800  }
0xb1: {  	[spmem:s2] =	stream.indirect.scatter.add.f32 [tilespmem:s10], [sflag:$0xA], $0x80, s19, s7, $0xb8;
	[tilespmem:$0x1E400] =	vst v63  }
0xb2: {  	s24 =	sadd.s32 $0x400, s24;
	_ =	swait.ge [sflag:s28], $0x2800  }
0xb3: {  	s19 =	sshrl.u32 s24, $0x3;
	[sflag:s28] =	ssyncset.done $0x0  }
0xb4: {  	s22 =	sadd.s32 s5, s19;
	[sflag:s28] =	ssyncadd.s32 $0xFFFFD800  }
0xb5: {  	[tilespmem:s4], [sflag:$0x1] =	stream.linear.gather [hbm4b:s22+s4], $0x100, $0x38;
	[tilespmem:$0x1E400] =	vst v63  }
0xb6: {  	_ =	swait.ge [sflag:s29], $0x100  }
0xb7: {  	[sflag:s29] =	ssyncset.done $0x0  }
0xb8: {  	[sflag:s29] =	ssyncadd.s32 $0xFFFFFF00  }
0xb9: {  	[tilespmem:s0], [sflag:$0x8] =	stream.indirect.gather [hbm4b:s1+s7], $0x80, s14, s7, $0xb8;
	[tilespmem:$0x1E400] =	vst v63  }
0xba: {  	_ =	swait.ge [sflag:s15], $0x2800  }
0xbb: {  	[sflag:s15] =	ssyncset.done $0x0  }
0xbc: {  	s19 =	rddreg [dreg:$0x7];
	[sflag:s15] =	ssyncadd.s32 $0xFFFFD800  }
0xbd: {  	[spmem:s2] =	stream.indirect.scatter.add.f32 [tilespmem:s23], [sflag:$0xB], $0x80, s19, s7, $0xb8;
	[tilespmem:$0x1E400] =	vst v63  }
0xbe: {  	s22 =	smin.u32 s25, $0x77;
	_ =	swait.ge [sflag:s16], $0x2800  }
0xbf: {  	s22 =	sshll.u32 s22, $0x8;
	s19 =	rddreg [dreg:$0x4]  }
0xc0: {  	s19 =	sadd.s32 s22, s19  }
0xc1: {  	[sflag:s16] =	ssyncset.done $0x0;
	s19 =	sshrl.u32 s19, $0x3  }
0xc2: {  	[sflag:s16] =	ssyncadd.s32 $0xFFFFD800;
	s19 =	sadd.s32 s5, s19  }
0xc3: {  	[tilespmem:s30], [sflag:$0x2] =	stream.linear.gather [hbm4b:s19+s4], $0x100, $0x38;
	[tilespmem:$0x1E400] =	vst v63  }
0xc4: {  	_ =	swait.ge [sflag:s3], $0x100  }
0xc5: {  	[sflag:s3] =	ssyncset.done $0x0  }
0xc6: {  	[sflag:s3] =	ssyncadd.s32 $0xFFFFFF00  }
0xc7: {  	[tilespmem:s8], [sflag:$0x5] =	stream.indirect.gather [hbm4b:s1+s7], $0x80, s4, s7, $0xb8;
	[tilespmem:$0x1E400] =	vst v63  }
0xc8: {  	_ =	swait.ge [sflag:s17], $0x2800  }
0xc9: {  	[sflag:s17] =	ssyncset.done $0x0  }
0xca: {  	s22 =	rddreg [dreg:$0x8];
	[sflag:s17] =	ssyncadd.s32 $0xFFFFD800  }
0xcb: {  	[spmem:s2] =	stream.indirect.scatter.add.f32 [tilespmem:s0], [sflag:$0xC], $0x80, s22, s7, $0xb8;
	[tilespmem:$0x1E400] =	vst v63  }
0xcc: {  	s22 =	smin.u32 s25, $0x76;
	_ =	swait.ge [sflag:s18], $0x2800  }
0xcd: {  	s20 =	sadd.s32 $0x4, s20;
	s19 =	sshll.u32 s22, $0x8;
	s25 =	rddreg [dreg:$0x5]  }
0xce: {  	p0 =	sne.s32 s20, $0x7C;
	s19 =	sadd.s32 s19, s25  }
.Ltmp1:
0xcf: {  	[sflag:s18] =	ssyncset.done $0x0;
	s19 =	sshrl.u32 s19, $0x3;
	(pc) =	sbr.rel @p0 .LBB2_4-.Ltmp1, $4  }
0xd0: {  	[sflag:s18] =	ssyncadd.s32 $0xFFFFD800;
	s19 =	sadd.s32 s5, s19  }
0xd1: {  	[tilespmem:s31], [sflag:$0x3] =	stream.linear.gather [hbm4b:s19+s4], $0x100, $0x38;
	[tilespmem:$0x1E400] =	vst v63  }
0xd2: {  	_ =	swait.ge [sflag:s9], $0x100  }
0xd3: {  	s21 =	sadd.s32 $0x80, s21;
	[sflag:s9] =	ssyncset.done $0x0  }
0xd4: {  	[sflag:s9] =	ssyncadd.s32 $0xFFFFFF00  }
0xd5: {  	[tilespmem:s10], [sflag:$0x6] =	stream.indirect.gather [hbm4b:s1+s7], $0x80, s30, s7, $0xb8;
	[tilespmem:$0x1E400] =	vst v63  }
0xd6: {  	_ =	swait.ge [sflag:s12], $0x2800  }
0xd7: {  	[sflag:s12] =	ssyncset.done $0x0  }
0xd8: {  	[sflag:s12] =	ssyncadd.s32 $0xFFFFD800  }
0xd9: {  	[spmem:s2] =	stream.indirect.scatter.add.f32 [tilespmem:s8], [sflag:$0x9], $0x80, s13, s7, $0xb8;
	[tilespmem:$0x1E400] =	vst v63  }
0xda: {  	_ =	swait.ge [sflag:s11], $0x2800  }
0xdb: {  	[sflag:s11] =	ssyncset.done $0x0  }
0xdc: {  	s19 =	rddreg [dreg:$0x1f];
	[sflag:s11] =	ssyncadd.s32 $0xFFFFD800  }
0xdd: {  	[tilespmem:s14], [sflag:$0x4] =	stream.linear.gather [hbm4b:s19+s4], $0x100, $0x38;
	[tilespmem:$0x1E400] =	vst v63  }
0xde: {  	_ =	swait.ge [sflag:s6], $0x100  }
0xdf: {  	[sflag:s6] =	ssyncset.done $0x0  }
0xe0: {  	[sflag:s6] =	ssyncadd.s32 $0xFFFFFF00  }
0xe1: {  	[tilespmem:s23], [sflag:$0x7] =	stream.indirect.gather [hbm4b:s1+s7], $0x80, s31, s7, $0xb8;
	[tilespmem:$0x1E400] =	vst v63  }
0xe2: {  	_ =	swait.ge [sflag:s28], $0x2800  }
0xe3: {  	[sflag:s28] =	ssyncset.done $0x0  }
0xe4: {  	[sflag:s28] =	ssyncadd.s32 $0xFFFFD800  }
0xe5: {  	_ =	swait.ge [sflag:s26], $0x2800  }
0xe6: {  	[sflag:s26] =	ssyncset.done $0x0  }
0xe7: {  	[sflag:s26] =	ssyncadd.s32 $0xFFFFD800  }
0xe8: {  	_ =	swait.ge [sflag:s15], $0x2800  }
0xe9: {  	[sflag:s15] =	ssyncset.done $0x0  }
0xea: {  	[sflag:s15] =	ssyncadd.s32 $0xFFFFD800  }
0xeb: {  	_ =	swait.ge [sflag:s29], $0x100  }
0xec: {  	[sflag:s29] =	ssyncset.done $0x0  }
0xed: {  	[sflag:s29] =	ssyncadd.s32 $0xFFFFFF00  }
0xee: {  	[bflag:$0x0] =	sbarrier.arrive $0xFFFF  }
0xef: {  	s22 =	rddreg [dreg:$0x12]  }
0xf0: {  	[tilespmem:s8], [sflag:$0x5] =	stream.linear.gather [spmem:s22], $0x2800, $0x38;
	[tilespmem:$0x1E400] =	vst v63  }
0xf1: {  	_ =	swait.ge [sflag:s12], $0x2800  }
0xf2: {  	[sflag:s12] =	ssyncset.done $0x0  }
0xf3: {  	s20 =	rddreg [dreg:$0xa];
	[sflag:s12] =	ssyncadd.s32 $0xFFFFD800  }
0xf4: {  	[hbm4b:s20+s4] =	stream.linear.scatter [tilespmem:s8], [sflag:$0x9], $0x2800, $0x38;
	[tilespmem:$0x1E400] =	vst v63  }
0xf5: {  	s21 =	rddreg [dreg:$0x13]  }
0xf6: {  	[tilespmem:s10], [sflag:$0x6] =	stream.linear.gather [spmem:s21], $0x2800, $0x38;
	[tilespmem:$0x1E400] =	vst v63  }
0xf7: {  	_ =	swait.ge [sflag:s26], $0x2800  }
0xf8: {  	[sflag:s26] =	ssyncset.done $0x0  }
0xf9: {  	s24 =	rddreg [dreg:$0xb];
	[sflag:s26] =	ssyncadd.s32 $0xFFFFD800  }
0xfa: {  	[hbm4b:s24+s4] =	stream.linear.scatter [tilespmem:s10], [sflag:$0xA], $0x2800, $0x38;
	[tilespmem:$0x1E400] =	vst v63  }
0xfb: {  	_ =	swait.ge [sflag:s28], $0x2800  }
0xfc: {  	[sflag:s28] =	ssyncset.done $0x0  }
0xfd: {  	s25 =	rddreg [dreg:$0x14];
	[sflag:s28] =	ssyncadd.s32 $0xFFFFD800  }
0xfe: {  	[tilespmem:s8], [sflag:$0x5] =	stream.linear.gather [spmem:s25], $0x2800, $0x38;
	[tilespmem:$0x1E400] =	vst v63  }
0xff: {  	_ =	swait.ge [sflag:s12], $0x2800  }
0x100: {  	[sflag:s12] =	ssyncset.done $0x0  }
0x101: {  	s20 =	rddreg [dreg:$0xc];
	[sflag:s12] =	ssyncadd.s32 $0xFFFFD800  }
0x102: {  	[hbm4b:s20+s4] =	stream.linear.scatter [tilespmem:s8], [sflag:$0x9], $0x2800, $0x38;
	[tilespmem:$0x1E400] =	vst v63  }
0x103: {  	_ =	swait.ge [sflag:s16], $0x2800  }
0x104: {  	[sflag:s16] =	ssyncset.done $0x0  }
0x105: {  	s21 =	rddreg [dreg:$0x15];
	[sflag:s16] =	ssyncadd.s32 $0xFFFFD800  }
0x106: {  	[tilespmem:s10], [sflag:$0x6] =	stream.linear.gather [spmem:s21], $0x2800, $0x38;
	[tilespmem:$0x1E400] =	vst v63  }
0x107: {  	_ =	swait.ge [sflag:s26], $0x2800  }
0x108: {  	[sflag:s26] =	ssyncset.done $0x0  }
0x109: {  	s24 =	rddreg [dreg:$0xd];
	[sflag:s26] =	ssyncadd.s32 $0xFFFFD800  }
0x10a: {  	[hbm4b:s24+s4] =	stream.linear.scatter [tilespmem:s10], [sflag:$0xA], $0x2800, $0x38;
	[tilespmem:$0x1E400] =	vst v63  }
0x10b: {  	_ =	swait.ge [sflag:s28], $0x2800  }
0x10c: {  	[sflag:s28] =	ssyncset.done $0x0  }
0x10d: {  	s25 =	rddreg [dreg:$0x16];
	[sflag:s28] =	ssyncadd.s32 $0xFFFFD800  }
0x10e: {  	[tilespmem:s8], [sflag:$0x5] =	stream.linear.gather [spmem:s25], $0x2800, $0x38;
	[tilespmem:$0x1E400] =	vst v63  }
0x10f: {  	_ =	swait.ge [sflag:s12], $0x2800  }
0x110: {  	[sflag:s12] =	ssyncset.done $0x0  }
0x111: {  	s20 =	rddreg [dreg:$0xe];
	[sflag:s12] =	ssyncadd.s32 $0xFFFFD800  }
0x112: {  	[hbm4b:s20+s4] =	stream.linear.scatter [tilespmem:s8], [sflag:$0x9], $0x2800, $0x38;
	[tilespmem:$0x1E400] =	vst v63  }
0x113: {  	_ =	swait.ge [sflag:s16], $0x2800  }
0x114: {  	[sflag:s16] =	ssyncset.done $0x0  }
0x115: {  	s21 =	rddreg [dreg:$0x17];
	[sflag:s16] =	ssyncadd.s32 $0xFFFFD800  }
0x116: {  	[tilespmem:s10], [sflag:$0x6] =	stream.linear.gather [spmem:s21], $0x2800, $0x38;
	[tilespmem:$0x1E400] =	vst v63  }
0x117: {  	_ =	swait.ge [sflag:s26], $0x2800  }
0x118: {  	[sflag:s26] =	ssyncset.done $0x0  }
0x119: {  	s24 =	rddreg [dreg:$0xf];
	[sflag:s26] =	ssyncadd.s32 $0xFFFFD800  }
0x11a: {  	[hbm4b:s24+s4] =	stream.linear.scatter [tilespmem:s10], [sflag:$0xA], $0x2800, $0x38;
	[tilespmem:$0x1E400] =	vst v63  }
0x11b: {  	_ =	swait.ge [sflag:s28], $0x2800  }
0x11c: {  	[sflag:s28] =	ssyncset.done $0x0  }
0x11d: {  	s25 =	rddreg [dreg:$0x18];
	[sflag:s28] =	ssyncadd.s32 $0xFFFFD800  }
0x11e: {  	[tilespmem:s8], [sflag:$0x5] =	stream.linear.gather [spmem:s25], $0x2800, $0x38;
	[tilespmem:$0x1E400] =	vst v63  }
0x11f: {  	_ =	swait.ge [sflag:s12], $0x2800  }
0x120: {  	[sflag:s12] =	ssyncset.done $0x0  }
0x121: {  	s20 =	rddreg [dreg:$0x10];
	[sflag:s12] =	ssyncadd.s32 $0xFFFFD800  }
0x122: {  	[hbm4b:s20+s4] =	stream.linear.scatter [tilespmem:s8], [sflag:$0x9], $0x2800, $0x38;
	[tilespmem:$0x1E400] =	vst v63  }
0x123: {  	_ =	swait.ge [sflag:s16], $0x2800  }
0x124: {  	[sflag:s16] =	ssyncset.done $0x0  }
0x125: {  	s21 =	rddreg [dreg:$0x19];
	[sflag:s16] =	ssyncadd.s32 $0xFFFFD800  }
0x126: {  	[tilespmem:s10], [sflag:$0x6] =	stream.linear.gather [spmem:s21], $0x2800, $0x38;
	[tilespmem:$0x1E400] =	vst v63  }
0x127: {  	_ =	swait.ge [sflag:s26], $0x2800  }
0x128: {  	[sflag:s26] =	ssyncset.done $0x0  }
0x129: {  	s24 =	rddreg [dreg:$0x11];
	[sflag:s26] =	ssyncadd.s32 $0xFFFFD800  }
0x12a: {  	[hbm4b:s24+s4] =	stream.linear.scatter [tilespmem:s10], [sflag:$0xA], $0x2800, $0x38;
	[tilespmem:$0x1E400] =	vst v63  }
0x12b: {  	_ =	swait.ge [sflag:s28], $0x2800  }
0x12c: {  	[sflag:s28] =	ssyncset.done $0x0  }
0x12d: {  	[sflag:s28] =	ssyncadd.s32 $0xFFFFD800  }
0x12e: {  	_ =	swait.ge [sflag:s16], $0x2800  }
0x12f: {  	s20 =	sld [smem:$0x7FD];
	_ =	sdelay $0x2  }
0x130: {  	s25 =	rddreg [dreg:$0x1a];
	s20 =	sadd.s32 $0x1, s20  }
0x131: {  	p0 =	sne.s32 s20, s25  }
.Ltmp2:
0x132: {  	_ = 	snop;
	(pc) =	sbr.rel @p0 .LBB2_1-.Ltmp2, $3  }
0x133: {  	_ =	sdelay $0x1  }
0x134: {  	[sflag:s16] =	ssyncset.done $0x0  }
0x135: {  	[sflag:s16] =	ssyncadd.s32 $0xFFFFD800  }
0x136: {  	_ =	sfence.sel $0x180000  }
0x137: {  	[bflag:$0x0] =	sbarrier.arrive $0xFFFF  }
0x138: {  	_ =	strace $0x9000004A  }
0x139: {  	s0 =	stileid.u32;
	[bflag:$0x2] =	sbarrier.arrive $0xFFFF  }
0x13a: {  	p0 =	sne.s32 s0, $0x0;
	s0 =	rddreg [dreg:$0x3]  }
0x13b: {  	s0 =	sadd.s32 @!p0 $0x100000, s0  }
0x13c: {  	[sflag:s0] =	ssyncadd.tile.s32 @!p0 $0x1;
	_ =	shalt  }
.Lfunc_end2:
_tile_overlayer_lowered:
.L_overlay_start_2:
0x13d: {  	(tag) =	ssettag $0x2  }
0x13e: {  	s0 =	rddreg [dreg:$0x0];
	s2 =	stileid.u32  }
0x13f: {  	s1 =	rddreg [dreg:$0x1];
	p0 =	sne.s32 s2, $0x0  }
0x140: {  	s3 =	rddreg [dreg:$0x2];
	[bflag:$0x3] =	sbarrier.arrive $0xFFFF;
	s2 =	simm.s32 @!p0 $0x1C0D  }
0x141: {  	[timem:s3], [sflag:s2] =	dma.local @!p0 [hbm:s0], s1  }
0x142: {  	s0 =	simm.s32 @!p0 $0xD  }
0x143: {  	_ =	swait.ge @!p0 [sflag:s0], s1  }
0x144: {  	s1 =	ssub.s32 @!p0 $0x0, s1;
	[sflag:s0] =	ssyncset.done @!p0 $0x0  }
0x145: {  	[sflag:s0] =	ssyncadd.s32 @!p0 s1  }
0x146: {  	[bflag:$0x3] =	sbarrier.arrive $0xFFFF  }
0x147: {  	_ =	shalt  }

// kernel: kernel.14.cloned.1.call-start
scs
__scs_entry_jumppad:
0x0: {  	(pc) =	sbr.rel $0x88, $3  }
0x1: {  	(tag) =	ssettag $0x0;
	lr =	simm.s32 $0x1  }
0x2: {  	[smem:$0x3F94] =	sst lr;
	_ =	strace $0xD0000000  }
0x3: {  	_ = 	snop  }
0x4: {  	_ = 	snop  }
0x5: {  	_ = 	snop  }
0x6: {  	_ = 	snop  }
0x7: {  	_ = 	snop  }
__scs_overlays_trampoline_lowered:
0x8: {  	[smem:$0x3FA3] =	sst s0  }
0x9: {  	[smem:$0x3FA4] =	sst s1  }
0xa: {  	[smem:$0x3FA5] =	sst s2  }
0xb: {  	[smem:$0x3FA6] =	sst s3  }
0xc: {  	[smem:$0x3FA7] =	sst s4  }
0xd: {  	[smem:$0x3FA8] =	sst s5  }
0xe: {  	[smem:$0x3FA9] =	sst s6  }
0xf: {  	[smem:$0x3FAA] =	sst s7  }
0x10: {  	[smem:$0x3FAB] =	sst s8  }
0x11: {  	[smem:$0x3FAC] =	sst s9;
	s0 =	simm.s32 @!p0 $0x0  }
0x12: {  	s1 =	sld [smem:$0x3F92];
	s0 =	simm.s32 @p0 $0x1  }
0x13: {  	[smem:$0x3FAD] =	sst s0;
	s0 =	simm.s32 @!p1 $0x0  }
0x14: {  	s2 =	sld [smem:$0x3F91];
	s0 =	simm.s32 @p1 $0x1  }
0x15: {  	[smem:$0x3FAE] =	sst s0;
	s0 =	simm.s32 @!p2 $0x0  }
0x16: {  	s3 =	sld [smem:$0x3FDB];
	s0 =	simm.s32 @p2 $0x1  }
0x17: {  	s4 =	simm.s32 $0x1BF5;
	[smem:$0x3FB0] =	sst s0  }
0x18: {  	s0 =	sld [smem:$0x3F93];
	_ =	swait.ge [sflag:s4], $0x0  }
0x19: {  	s7 =	sld [smem:$0x3F94]  }
0x1a: {  	s8 =	sadd.s32 $0xFFFFE003, lr  }
0x1b: {  	s9 =	sadd.s32 $0xFFFFFEF7, lr;
	s5 =	simm.s32 $0xFFFFFFFF;
	p2 =	slt.u32 s8, $0xFFFFF086  }
0x1c: {  	p1 =	slt.u32 s9, $0xF7A;
	s5 =	simm.s32 @!p2 $0x0  }
0x1d: {  	s5 =	simm.s32 @p1 $0x1;
	p0 =	seq.s32 s7, s2  }
0x1e: {  	s7 =	smul.u32 @!p0 $0xF7A, s2;
	p2 =	seq.s32 @!p0 s5, $0x0  }
0x1f: {  	s9 =	smul.u32 $0xF7A, s1;
	s8 =	simm.s32 @!p0 $0x1BF5;
	p2 =	por !p2, p0  }
0x20: {  	[sflag:s8] =	ssyncset.s32 @!p0 $0xFFFFF086;
	s6 =	sadd.s32 @!p0 s3, s7;
	s7 =	simm.s32 @!p0 $0x108  }
0x21: {  	s3 =	sadd.s32 s3, s9;
	s6 =	sadd.s32 @!p0 $0x88, s6;
	s7 =	simm.s32 @p2 $0x1082  }
0x22: {  	[simem:s7], [sflag:s8] =	dma.local @!p0 [hbm:s6], $0xF7A  }
0x23: {  	s9 =	sor.u32 $0xD0000000, s2;
	s6 =	simm.s32 $0x108;
	_ =	swait.ge @!p0 [sflag:s8], $0x0  }
0x24: {  	s3 =	sadd.s32 $0x88, s3;
	s6 =	simm.s32 @!p1 $0x1082;
	[sflag:s4] =	ssyncset.s32 $0xFFFFF086  }
0x25: {  	[simem:s6], [sflag:s4] =	dma.local [hbm:s3], $0xF7A  }
0x26: {  	[smem:$0x3F94] =	sst s1;
	(tag) =	ssettag s2;
	_ =	strace s9  }
0x27: {  	s1 =	sld [smem:$0x3FA4]  }
0x28: {  	s2 =	sld [smem:$0x3FA5]  }
0x29: {  	s4 =	sld [smem:$0x3FA7]  }
0x2a: {  	p0 =	seq.s32 s5, $0x0;
	s5 =	sld [smem:$0x3FA8]  }
0x2b: {  	s6 =	sld [smem:$0x3FA9]  }
0x2c: {  	s7 =	sld [smem:$0x3FAA]  }
0x2d: {  	s3 =	simm.s32 $0x108;
	s8 =	sld [smem:$0x3FAB]  }
0x2e: {  	s3 =	simm.s32 @!p0 $0x1082;
	s9 =	sld [smem:$0x3FAC]  }
0x2f: {  	lr =	sadd.s32 s0, s3;
	s0 =	sld [smem:$0x3FA3]  }
0x30: {  	s3 =	sld [smem:$0x3FA6]  }
0x31: {  	[smem:$0x3FAF] =	sst s10  }
0x32: {  	s10 =	sld [smem:$0x3FAD];
	_ =	sdelay $0x3  }
0x33: {  	p0 =	seq.s32 s10, $0x1;
	s10 =	sld [smem:$0x3FAF];
	_ =	sdelay $0x3  }
0x34: {  	[smem:$0x3FAF] =	sst s10  }
0x35: {  	s10 =	sld [smem:$0x3FAE];
	_ =	sdelay $0x3  }
0x36: {  	p1 =	seq.s32 s10, $0x1;
	s10 =	sld [smem:$0x3FAF];
	_ =	sdelay $0x3  }
0x37: {  	[smem:$0x3FAF] =	sst s10  }
0x38: {  	s10 =	sld [smem:$0x3FB0]  }
0x39: {  	_ = 	snop;
	(pc) =	sbr.ind lr, $3  }
0x3a: {  	_ = 	snop  }
0x3b: {  	_ = 	snop  }
0x3c: {  	p2 =	seq.s32 s10, $0x1;
	s10 =	sld [smem:$0x3FAF]  }
0x3d: {  	_ =	shalt  }
0x3e: {  	_ =	shalt  }
0x3f: {  	_ =	shalt  }
0x40: {  	_ =	shalt  }
0x41: {  	_ =	shalt  }
0x42: {  	_ =	shalt  }
0x43: {  	_ =	shalt  }
0x44: {  	_ =	shalt  }
0x45: {  	_ =	shalt  }
0x46: {  	_ =	shalt  }
0x47: {  	_ =	shalt  }
0x48: {  	_ =	shalt  }
0x49: {  	_ =	shalt  }
0x4a: {  	_ =	shalt  }
0x4b: {  	_ =	shalt  }
0x4c: {  	_ =	shalt  }
0x4d: {  	_ =	shalt  }
0x4e: {  	_ =	shalt  }
0x4f: {  	_ =	shalt  }
0x50: {  	_ =	shalt  }
0x51: {  	_ =	shalt  }
0x52: {  	_ =	shalt  }
0x53: {  	_ =	shalt  }
0x54: {  	_ =	shalt  }
0x55: {  	_ =	shalt  }
0x56: {  	_ =	shalt  }
0x57: {  	_ =	shalt  }
0x58: {  	_ =	shalt  }
0x59: {  	_ =	shalt  }
0x5a: {  	_ =	shalt  }
0x5b: {  	_ =	shalt  }
0x5c: {  	_ =	shalt  }
0x5d: {  	_ =	shalt  }
0x5e: {  	_ =	shalt  }
0x5f: {  	_ =	shalt  }
0x60: {  	_ =	shalt  }
0x61: {  	_ =	shalt  }
0x62: {  	_ =	shalt  }
0x63: {  	_ =	shalt  }
0x64: {  	_ =	shalt  }
0x65: {  	_ =	shalt  }
0x66: {  	_ =	shalt  }
0x67: {  	_ =	shalt  }
0x68: {  	_ =	shalt  }
0x69: {  	_ =	shalt  }
0x6a: {  	_ =	shalt  }
0x6b: {  	_ =	shalt  }
0x6c: {  	_ =	shalt  }
0x6d: {  	_ =	shalt  }
0x6e: {  	_ =	shalt  }
0x6f: {  	_ =	shalt  }
0x70: {  	_ =	shalt  }
0x71: {  	_ =	shalt  }
0x72: {  	_ =	shalt  }
0x73: {  	_ =	shalt  }
0x74: {  	_ =	shalt  }
0x75: {  	_ =	shalt  }
0x76: {  	_ =	shalt  }
0x77: {  	_ =	shalt  }
0x78: {  	_ =	shalt  }
0x79: {  	_ =	shalt  }
0x7a: {  	_ =	shalt  }
0x7b: {  	_ =	shalt  }
0x7c: {  	_ =	shalt  }
0x7d: {  	_ =	shalt  }
0x7e: {  	_ =	shalt  }
0x7f: {  	_ =	shalt  }
0x80: {  	_ =	shalt  }
0x81: {  	_ =	shalt  }
0x82: {  	_ =	shalt  }
0x83: {  	_ =	shalt  }
0x84: {  	_ =	shalt  }
0x85: {  	_ =	shalt  }
0x86: {  	_ =	shalt  }
0x87: {  	_ =	shalt  }
.Lfunc_end0:
.L_simem_size_0:
called_computation.2_lowered:
.L_overlay_start_0:
0x88: {  	s2 =	sld [smem:$0x3FD9]  }
0x89: {  	s3 =	sld [smem:$0x3FFE];
	_ =	sdelay $0x1  }
0x8a: {  	s1 =	srdreg.scid  }
0x8b: {  	s0 =	sand.u32 $0x1, s1  }
0x8c: {  	s14 =	sshll.u32 s0, $0xA;
	s2 =	sadd.s32 s3, s2  }
0x8d: {  	s2 =	sadd.s32 s2, s14  }
0x8e: {  	[smem:$0x3FBB] =	sst s2  }
0x8f: {  	_ = 	snop  }
0x90: {  	s2 =	sld [smem:$0x3FD0];
	_ =	sdelay $0x2  }
0x91: {  	s15 =	simm.s32 $0xA;
	s4 =	simm.s32 $0x10  }
0x92: {  	[smem:s4], [sflag:s15] =	dma.local [hbm:s2], $0x1  }
0x93: {  	_ =	swait.eq [sflag:s15], $0x1  }
0x94: {  	[sflag:s15] =	ssyncset.done $0x0  }
0x95: {  	[sflag:s15] =	ssyncadd.s32 $0xFFFFFFFF  }
0x96: {  	s16 =	sld [smem:$0x10];
	(tm) =	ssettm $0x1  }
0x97: {  	s17 =	sld [smem:$0x3FFB];
	_ =	sdelay $0x3  }
0x98: {  	_ =	strace s17  }
0x99: {  	s3 =	sld [smem:$0x3FFC];
	_ =	sdelay $0x3  }
0x9a: {  	_ =	strace s3  }
0x9b: {  	s3 =	sld [smem:$0x3FFD];
	_ =	sdelay $0x3  }
0x9c: {  	_ =	strace s3  }
0x9d: {  	_ =	strace $0x8FFFFFFF  }
0x9e: {  	s18 =	sld [smem:$0x3FDB];
	_ =	sdelay $0x1  }
0x9f: {  	s19 =	simm.s32 $_scs_section_size  }
0xa0: {  	s5 =	simm.s32 $_size__tile_overlayer_lowered;
	s6 =	simm.s32 $_tile_overlayer_lowered  }
0xa1: {  	s22 =	simm.s32 $0x1BFF;
	s21 =	sshll.u32 s6, $0x1;
	s3 =	sadd.s32 s19, s18  }
0xa2: {  	s7 =	simm.s32 $0x0;
	s20 =	sshll.u32 s5, $0x1;
	s5 =	sadd.s32 s21, s3  }
0xa3: {  	[timem:s7], [sflag:s22] =	dma.local [hbm:s5], s20  }
0xa4: {  	_ =	swait.ge [sflag:s22], s20  }
0xa5: {  	s4 =	ssub.s32 $0x0, s20;
	[sflag:s22] =	ssyncset.done $0x0  }
0xa6: {  	[sflag:s22] =	ssyncadd.s32 s4;
	_ =	sdelay $0x1  }
0xa7: {  	s23 =	simm.s32 $0x1B8B  }
0xa8: {  	_ =	swait.ge [sflag:s23], $0x1  }
0xa9: {  	[sflag:s23] =	ssyncset.done $0x0  }
0xaa: {  	s25 =	simm.s32 $0x1B8E;
	s24 =	sld [smem:$0x3FFE];
	[sflag:s23] =	ssyncadd.s32 $0xFFFFFFFF  }
0xab: {  	s26 =	simm.s32 $execute0_lowered;
	[smem:$0x3FD2] =	sst s25  }
0xac: {  	s5 =	sshll.u32 s26, $0x1;
	_ =	strace $0x8000004C;
	[dreg:$0x1] =	wrdreg $0xFFFFFFFF  }
0xad: {  	s28 =	simm.s32 $_size_execute0_lowered;
	s3 =	sadd.s32 s3, s5;
	[dreg:$0x0] =	wrdreg $0x0  }
0xae: {  	s5 =	sshll.u32 s28, $0x1;
	[dreg:$0x2] =	wrdreg s3  }
0xaf: {  	[dreg:$0x3] =	wrdreg s5  }
0xb0: {  	[dreg:$0x4] =	wrdreg $0xC0  }
0xb1: {  	_ =	task [dreg:s7], $0x5FFFF  }
0xb2: {  	[dreg:$0x1] =	wrdreg $0xFFFFFFFF  }
0xb3: {  	[dreg:$0x0] =	wrdreg $0x60  }
0xb4: {  	[dreg:$0x2] =	wrdreg s16  }
0xb5: {  	[dreg:$0x3] =	wrdreg s24  }
0xb6: {  	[dreg:$0x4] =	wrdreg $0xA4000  }
0xb7: {  	[dreg:$0x5] =	wrdreg $0x9  }
0xb8: {  	_ =	task.clear_ibuf [dreg:s7], $0x6FFFF;
	_ =	strace $0x9000004C  }
0xb9: {  	s29 =	simm.s32 $0x9;
	_ =	strace $0x8000004E  }
0xba: {  	_ =	swait.ge [sflag:s29], $0x1  }
0xbb: {  	[sflag:s29] =	ssyncadd.s32 $0xFFFFFFFF  }
0xbc: {  	_ =	strace $0x9000004E  }
0xbd: {  	_ =	sfence  }
0xbe: {  	s30 =	sld [smem:$0x0];
	_ =	sdelay $0x2  }
0xbf: {  	s31 =	sshll.u32 s1, $0xD;
	s1 =	sshrl.u32 s1, $0x2  }
0xc0: {  	s3 =	sand.u32 $0x4000, s31;
	s1 =	sadd.s32 s1, s30  }
0xc1: {  	s0 =	sor.u32 s3, s0;
	s1 =	sshll.u32 s1, $0x11  }
0xc2: {  	s0 =	sor.u32 s1, s0  }
0xc3: {  	s0 =	sadd.s32 $0x8F2B, s0  }
0xc4: {  	[sflag:s0] =	ssyncadd.remote.s32 $0x1  }
0xc5: {  	_ =	sfence.sel $0xFFFF  }
0xc6: {  	[dreg:$0x0] =	wrdreg $0xFFFFFFFF;
	(pc) =	sbr.abs _section_cstart, $3  }
0xc7: {  	[dreg:$0x1] =	wrdreg $0xFFFFFFFF  }
0xc8: {  	_ =	task.clear_ibuf [dreg:s7], $0x2FFFF;
	_ =	strace $0x9FFFFFFF  }
0xc9: {  	(tm) =	ssettm $0x7FFFFFFF  }
tec
execute0_lowered:
.L_overlay_start_1:
0x0: {  	(tag) =	ssettag $0x1  }
0x1: {  	s1 =	rddreg [dreg:$0x0]  }
0x2: {  	s0 =	rddreg [dreg:$0x1]  }
0x3: {  	s2 =	rddreg [dreg:$0x2];
	s3 =	srdreg.scid;
	s4 =	simm.s32 $0x0  }
0x4: {  	s19 =	stileid.u32;
	s30 =	simm.s32 $0x100;
	s31 =	simm.s32 $0x200  }
0x5: {  	s28 =	simm.s32 $0x9;
	s29 =	simm.s32 $0x4;
	s8 =	smul.u32 $0x50000, s19  }
0x6: {  	s3 =	sand.u32 $0x1, s3;
	[smem:$0x7FF] =	sst s4;
	s11 =	smul.u32 $0x14000, s19  }
0x7: {  	s5 =	sshll.u32 s3, $0x4;
	_ =	strace $0x8000004D;
	s17 =	smul.u32 $0x140000, s3  }
0x8: {  	s7 =	ssub.s32 $0x2, s3;
	s3 =	smul.u32 $0x7D000, s3;
	s5 =	sor.u32 s19, s5  }
0x9: {  	s9 =	sshrl.u32 s7, $0x1;
	s8 =	sshrl.u32 s8, $0x2;
	s12 =	sadd.s32 $0x7800, s11  }
0xa: {  	s13 =	sadd.s32 $0xA000, s11;
	s14 =	sadd.s32 $0xC800, s11;
	s15 =	sadd.s32 $0xF000, s11  }
0xb: {  	s18 =	sadd.s32 $0x11800, s11;
	s6 =	smul.u32 $0x7D00, s5;
	s5 =	sadd.s32 $0x3800, s0  }
0xc: {  	s0 =	sadd.s32 $0x22C00, s0;
	s7 =	ssub.s32 s7, s9;
	s9 =	sor.u32 $0x2800, s11  }
0xd: {  	s25 =	sadd.s32 s17, s13;
	s10 =	sshrl.u32 s6, $0x3;
	s16 =	sadd.s32 $0x500, s6  }
0xe: {  	s6 =	sadd.s32 $0x600, s6;
	s20 =	sadd.s32 s5, s10;
	s10 =	sadd.s32 $0x5000, s11  }
0xf: {  	[dreg:$0x4] =	wrdreg s16;
	s11 =	sadd.s32 s11, s17;
	s16 =	sadd.s32 s17, s9  }
0x10: {  	[dreg:$0x5] =	wrdreg s6;
	s6 =	sshrl.u32 s11, $0x3;
	s11 =	sshrl.u32 s16, $0x3  }
0x11: {  	s21 =	sadd.s32 s17, s10;
	s16 =	sadd.s32 s15, s2;
	[dreg:$0x9] =	wrdreg s20  }
0x12: {  	s6 =	sadd.s32 s0, s6;
	s22 =	sadd.s32 s0, s11;
	[dreg:$0x18] =	wrdreg s16  }
0x13: {  	s23 =	sshrl.u32 s21, $0x3;
	s11 =	sshrl.u32 s25, $0x3;
	[dreg:$0xa] =	wrdreg s6  }
0x14: {  	s25 =	smul.u32 $0x7D00, s19;
	s19 =	sadd.s32 s18, s2;
	[dreg:$0xb] =	wrdreg s22  }
0x15: {  	s24 =	sadd.s32 s17, s12;
	s6 =	sadd.s32 s0, s23;
	[dreg:$0x19] =	wrdreg s19  }
0x16: {  	s26 =	sadd.s32 s17, s14;
	s21 =	sadd.s32 s0, s11;
	[dreg:$0xc] =	wrdreg s6  }
0x17: {  	s22 =	sshrl.u32 s26, $0x3;
	s26 =	sadd.s32 s9, s2;
	[dreg:$0xe] =	wrdreg s21  }
0x18: {  	s16 =	simm.s32 $0xA;
	s9 =	sadd.s32 s12, s2;
	[dreg:$0x13] =	wrdreg s26  }
0x19: {  	s23 =	sadd.s32 s17, s15;
	s12 =	simm.s32 $0x280;
	[dreg:$0x15] =	wrdreg s9  }
0x1a: {  	s15 =	simm.s32 $0x7;
	[dreg:$0x7] =	wrdreg s12;
	s21 =	smax.u32 s7, $0x1  }
0x1b: {  	s6 =	sshrl.u32 s24, $0x3;
	s26 =	sadd.s32 $0xF80, s20;
	[dreg:$0x1a] =	wrdreg s21  }
0x1c: {  	s24 =	sadd.s32 s17, s18;
	s6 =	sadd.s32 s0, s6;
	[dreg:$0x1f] =	wrdreg s26  }
0x1d: {  	s11 =	sshrl.u32 s24, $0x3;
	s24 =	sadd.s32 $0x20, s20;
	[dreg:$0xd] =	wrdreg s6  }
0x1e: {  	s7 =	simm.s32 $0x50;
	s6 =	sadd.s32 s0, s22;
	[dreg:$0x1d] =	wrdreg s24  }
0x1f: {  	s22 =	sadd.s32 s8, s2;
	s8 =	sadd.s32 s10, s2;
	[dreg:$0xf] =	wrdreg s6  }
0x20: {  	s9 =	simm.s32 $0x2;
	s10 =	simm.s32 $0x180;
	[dreg:$0x14] =	wrdreg s8  }
0x21: {  	s12 =	simm.s32 $0x5;
	s6 =	sshrl.u32 s23, $0x3;
	[dreg:$0x6] =	wrdreg s10  }
0x22: {  	s18 =	simm.s32 $0xB;
	[dreg:$0x12] =	wrdreg s22;
	s6 =	sadd.s32 s0, s6  }
0x23: {  	s26 =	simm.s32 $0x6;
	s0 =	sadd.s32 s0, s11;
	[dreg:$0x10] =	wrdreg s6  }
0x24: {  	s8 =	simm.s32 $0x400;
	s11 =	sadd.s32 s13, s2;
	[dreg:$0x11] =	wrdreg s0  }
0x25: {  	s10 =	simm.s32 $0x2C00;
	s13 =	sadd.s32 s14, s2;
	[dreg:$0x16] =	wrdreg s11  }
0x26: {  	s14 =	simm.s32 $0x380;
	s0 =	sadd.s32 s25, s3;
	[dreg:$0x17] =	wrdreg s13  }
0x27: {  	[dreg:$0x8] =	wrdreg s14;
	s25 =	sadd.s32 $0x40, s20;
	s11 =	simm.s32 $0xC  }
0x28: {  	s13 =	simm.s32 $0x80;
	s14 =	simm.s32 $0x300;
	s6 =	simm.s32 $0x3  }
0x29: {  	s17 =	sadd.s32 $0x300, s0;
	s0 =	sadd.s32 $0x400, s0;
	[dreg:$0x1e] =	wrdreg s25  }
0x2a: {  	s20 =	simm.s32 $0x0;
	s3 =	sshrl.u32 s17, $0x3;
	[dreg:$0x1b] =	wrdreg s0  }
0x2b: {  	s0 =	simm.s32 $0x7C00;
	s17 =	simm.s32 $0x8;
	s23 =	sadd.s32 s3, s5  }
0x2c: {  	v0 =	vimm.f32 $0.0e+00;
	s3 =	simm.s32 $0x1;
	[dreg:$0x1c] =	wrdreg s23;
	s23 =	simm.s32 $0x5400  }
.LBB2_1:
0x2d: {  	s19 =	rddreg [dreg:$0x9]  }
0x2e: {  	[tilespmem:s4], [sflag:$0x1] =	stream.linear.gather [hbm4b:s19+s4], $0x100, $0x38;
	[tilespmem:$0x1E400] =	vst v63  }
0x2f: {  	s21 =	rddreg [dreg:$0x1d]  }
0x30: {  	[tilespmem:s30], [sflag:$0x2] =	stream.linear.gather [hbm4b:s21+s4], $0x100, $0x38;
	[tilespmem:$0x1E400] =	vst v63  }
0x31: {  	s24 =	rddreg [dreg:$0x1e];
	s25 =	sand.u32 $0xFE00, s4  }
0x32: {  	[tilespmem:s31], [sflag:$0x3] =	stream.linear.gather [hbm4b:s24+s4], $0x100, $0x38;
	[tilespmem:$0x1E400] =	vst v63  }
0x33: {  	[smem:$0x7FD] =	sst s20;
	s21 =	sand.u32 $0x70, s4;
	s24 =	sshrl.u32 s25, $0x2  }
0x34: {  	s20 =	simm.s32 $0x40;
	s24 =	sor.u32 s21, s24;
	s21 =	simm.s32 $0x0  }
.LBB2_2:
0x35: {  	p0 =	sne.s32 s20, $0x9FC0  }
0x36: {  	[tilespmem:s24+$0x7C00] =	vst v0;
	s21 =	sadd.s32 $0x10, s21;
	s24 =	smov.u32 s20;
	s20 =	sadd.s32 $0x40, s20  }
.Ltmp0:
0x37: {  	(pc) =	sbr.rel @p0 .LBB2_2-.Ltmp0, $4  }
0x38: {  	_ = 	snop  }
0x39: {  	s24 =	sand.u32 $0xFE00, s24  }
0x3a: {  	s25 =	sand.u32 $0x70, s21;
	s24 =	sshrl.u32 s24, $0x2  }
0x3b: {  	s24 =	sor.u32 s25, s24  }
0x3c: {  	[tilespmem:s24+$0x7C00] =	vst v0  }
0x3d: {  	[spmem:s22] =	stream.linear.scatter [tilespmem:s0], [sflag:$0xC], $0x2800, $0x38;
	[tilespmem:$0x1E400] =	vst v63  }
0x3e: {  	s19 =	rddreg [dreg:$0x13]  }
0x3f: {  	[spmem:s19] =	stream.linear.scatter [tilespmem:s0], [sflag:$0xC], $0x2800, $0x38;
	[tilespmem:$0x1E400] =	vst v63  }
0x40: {  	s22 =	rddreg [dreg:$0x14]  }
0x41: {  	[spmem:s22] =	stream.linear.scatter [tilespmem:s0], [sflag:$0xC], $0x2800, $0x38;
	[tilespmem:$0x1E400] =	vst v63  }
0x42: {  	s24 =	rddreg [dreg:$0x15]  }
0x43: {  	[spmem:s24] =	stream.linear.scatter [tilespmem:s0], [sflag:$0xC], $0x2800, $0x38;
	[tilespmem:$0x1E400] =	vst v63  }
0x44: {  	s25 =	rddreg [dreg:$0x16]  }
0x45: {  	[spmem:s25] =	stream.linear.scatter [tilespmem:s0], [sflag:$0xC], $0x2800, $0x38;
	[tilespmem:$0x1E400] =	vst v63  }
0x46: {  	s20 =	rddreg [dreg:$0x17]  }
0x47: {  	[spmem:s20] =	stream.linear.scatter [tilespmem:s0], [sflag:$0xC], $0x2800, $0x38;
	[tilespmem:$0x1E400] =	vst v63  }
0x48: {  	s21 =	rddreg [dreg:$0x18]  }
0x49: {  	[spmem:s21] =	stream.linear.scatter [tilespmem:s0], [sflag:$0xC], $0x2800, $0x38;
	[tilespmem:$0x1E400] =	vst v63  }
0x4a: {  	s22 =	rddreg [dreg:$0x19]  }
0x4b: {  	[spmem:s22] =	stream.linear.scatter [tilespmem:s0], [sflag:$0xC], $0x2800, $0x38;
	[tilespmem:$0x1E400] =	vst v63  }
0x4c: {  	_ =	swait.ge [sflag:s3], $0x100  }
0x4d: {  	[sflag:s3] =	ssyncset.done $0x0  }
0x4e: {  	s20 =	simm.s32 $0x0;
	[sflag:s3] =	ssyncadd.s32 $0xFFFFFF00  }
0x4f: {  	[tilespmem:s8], [sflag:$0x5] =	stream.indirect.gather [hbm4b:s1+s7], $0x80, s20, s7, $0xb8;
	[tilespmem:$0x1E400] =	vst v63  }
0x50: {  	_ =	swait.ge [sflag:s9], $0x100  }
0x51: {  	[sflag:s9] =	ssyncset.done $0x0  }
0x52: {  	[sflag:s9] =	ssyncadd.s32 $0xFFFFFF00  }
0x53: {  	[tilespmem:s10], [sflag:$0x6] =	stream.indirect.gather [hbm4b:s1+s7], $0x80, s30, s7, $0xb8;
	[tilespmem:$0x1E400] =	vst v63  }
0x54: {  	_ =	swait.ge [sflag:s11], $0x2800  }
0x55: {  	[sflag:s11] =	ssyncset.done $0x0  }
0x56: {  	[sflag:s11] =	ssyncadd.s32 $0xFFFFD800  }
0x57: {  	_ =	swait.ge [sflag:s11], $0x2800  }
0x58: {  	[sflag:s11] =	ssyncset.done $0x0  }
0x59: {  	[sflag:s11] =	ssyncadd.s32 $0xFFFFD800  }
0x5a: {  	_ =	swait.ge [sflag:s11], $0x2800  }
0x5b: {  	[sflag:s11] =	ssyncset.done $0x0  }
0x5c: {  	[sflag:s11] =	ssyncadd.s32 $0xFFFFD800  }
0x5d: {  	_ =	swait.ge [sflag:s11], $0x2800  }
0x5e: {  	[sflag:s11] =	ssyncset.done $0x0  }
0x5f: {  	[sflag:s11] =	ssyncadd.s32 $0xFFFFD800  }
0x60: {  	_ =	swait.ge [sflag:s11], $0x2800  }
0x61: {  	[sflag:s11] =	ssyncset.done $0x0  }
0x62: {  	[sflag:s11] =	ssyncadd.s32 $0xFFFFD800  }
0x63: {  	_ =	swait.ge [sflag:s11], $0x2800  }
0x64: {  	[sflag:s11] =	ssyncset.done $0x0  }
0x65: {  	[sflag:s11] =	ssyncadd.s32 $0xFFFFD800  }
0x66: {  	_ =	swait.ge [sflag:s11], $0x2800  }
0x67: {  	[sflag:s11] =	ssyncset.done $0x0  }
0x68: {  	[sflag:s11] =	ssyncadd.s32 $0xFFFFD800  }
0x69: {  	_ =	swait.ge [sflag:s11], $0x2800  }
0x6a: {  	[sflag:s11] =	ssyncset.done $0x0  }
0x6b: {  	[sflag:s11] =	ssyncadd.s32 $0xFFFFD800  }
0x6c: {  	[bflag:$0x0] =	sbarrier.arrive $0xFFFF  }
0x6d: {  	_ =	swait.ge [sflag:s12], $0x2800  }
0x6e: {  	p0 =	por $0x1, $0x1;
	[sflag:s12] =	ssyncset.done $0x0  }
0x6f: {  	s21 =	simm.s32 @!p0 $0xC;
	[sflag:s12] =	ssyncadd.s32 $0xFFFFD800  }
0x70: {  	[spmem:s2] =	stream.indirect.scatter.add.f32 [tilespmem:s8], [sflag:$0x9], $0x80, s13, s7, $0xb8;
	[tilespmem:$0x1E400] =	vst v63  }
0x71: {  	_ =	swait.ge @!p0 [sflag:s21], $0x2800  }
0x72: {  	[sflag:s21] =	ssyncset.done @!p0 $0x0  }
0x73: {  	s22 =	rddreg [dreg:$0x1c];
	[sflag:s21] =	ssyncadd.s32 @!p0 $0xFFFFD800  }
0x74: {  	[tilespmem:s14], [sflag:$0x4] =	stream.linear.gather [hbm4b:s22+s4], $0x100, $0x38;
	[tilespmem:$0x1E400] =	vst v63  }
0x75: {  	_ =	swait.ge [sflag:s6], $0x100  }
0x76: {  	[sflag:s6] =	ssyncset.done $0x0  }
0x77: {  	[sflag:s6] =	ssyncadd.s32 $0xFFFFFF00  }
0x78: {  	[tilespmem:s23], [sflag:$0x7] =	stream.indirect.gather [hbm4b:s1+s7], $0x80, s31, s7, $0xb8;
	[tilespmem:$0x1E400] =	vst v63  }
0x79: {  	_ =	swait.ge [sflag:s26], $0x2800  }
0x7a: {  	[sflag:s26] =	ssyncset.done $0x0  }
0x7b: {  	s24 =	rddreg [dreg:$0x6];
	[sflag:s26] =	ssyncadd.s32 $0xFFFFD800  }
0x7c: {  	[spmem:s2] =	stream.indirect.scatter.add.f32 [tilespmem:s10], [sflag:$0xA], $0x80, s24, s7, $0xb8;
	[tilespmem:$0x1E400] =	vst v63  }
0x7d: {  	_ =	swait.ge [sflag:s28], $0x2800  }
0x7e: {  	s19 =	rddreg [dreg:$0x1b]  }
0x7f: {  	[sflag:s28] =	ssyncset.done $0x0;
	s25 =	sshrl.u32 s19, $0x3  }
0x80: {  	[sflag:s28] =	ssyncadd.s32 $0xFFFFD800;
	s21 =	sadd.s32 s5, s25  }
0x81: {  	[tilespmem:s4], [sflag:$0x1] =	stream.linear.gather [hbm4b:s21+s4], $0x100, $0x38;
	[tilespmem:$0x1E400] =	vst v63  }
0x82: {  	_ =	swait.ge [sflag:s29], $0x100  }
0x83: {  	[sflag:s29] =	ssyncset.done $0x0  }
0x84: {  	[sflag:s29] =	ssyncadd.s32 $0xFFFFFF00  }
0x85: {  	[tilespmem:s0], [sflag:$0x8] =	stream.indirect.gather [hbm4b:s1+s7], $0x80, s14, s7, $0xb8;
	[tilespmem:$0x1E400] =	vst v63  }
0x86: {  	_ =	swait.ge [sflag:s15], $0x2800  }
0x87: {  	[sflag:s15] =	ssyncset.done $0x0  }
0x88: {  	s24 =	rddreg [dreg:$0x7];
	[sflag:s15] =	ssyncadd.s32 $0xFFFFD800  }
0x89: {  	[spmem:s2] =	stream.indirect.scatter.add.f32 [tilespmem:s23], [sflag:$0xB], $0x80, s24, s7, $0xb8;
	[tilespmem:$0x1E400] =	vst v63  }
0x8a: {  	s25 =	smin.u32 s20, $0x77;
	_ =	swait.ge [sflag:s16], $0x2800  }
0x8b: {  	s24 =	sshll.u32 s25, $0x8;
	s21 =	rddreg [dreg:$0x4]  }
0x8c: {  	s21 =	sadd.s32 s24, s21  }
0x8d: {  	[sflag:s16] =	ssyncset.done $0x0;
	s21 =	sshrl.u32 s21, $0x3  }
0x8e: {  	[sflag:s16] =	ssyncadd.s32 $0xFFFFD800;
	s21 =	sadd.s32 s5, s21  }
0x8f: {  	[tilespmem:s30], [sflag:$0x2] =	stream.linear.gather [hbm4b:s21+s4], $0x100, $0x38;
	[tilespmem:$0x1E400] =	vst v63  }
0x90: {  	_ =	swait.ge [sflag:s3], $0x100  }
0x91: {  	[sflag:s3] =	ssyncset.done $0x0  }
0x92: {  	[sflag:s3] =	ssyncadd.s32 $0xFFFFFF00  }
0x93: {  	[tilespmem:s8], [sflag:$0x5] =	stream.indirect.gather [hbm4b:s1+s7], $0x80, s4, s7, $0xb8;
	[tilespmem:$0x1E400] =	vst v63  }
0x94: {  	_ =	swait.ge [sflag:s17], $0x2800  }
0x95: {  	[sflag:s17] =	ssyncset.done $0x0  }
0x96: {  	s24 =	rddreg [dreg:$0x8];
	[sflag:s17] =	ssyncadd.s32 $0xFFFFD800  }
0x97: {  	[spmem:s2] =	stream.indirect.scatter.add.f32 [tilespmem:s0], [sflag:$0xC], $0x80, s24, s7, $0xb8;
	[tilespmem:$0x1E400] =	vst v63  }
0x98: {  	s20 =	smin.u32 s20, $0x76;
	_ =	swait.ge [sflag:s18], $0x2800  }
0x99: {  	s20 =	sshll.u32 s20, $0x8;
	s25 =	rddreg [dreg:$0x5]  }
0x9a: {  	s20 =	sadd.s32 s20, s25  }
0x9b: {  	[sflag:s18] =	ssyncset.done $0x0;
	s20 =	sshrl.u32 s20, $0x3  }
0x9c: {  	[sflag:s18] =	ssyncadd.s32 $0xFFFFD800;
	s20 =	sadd.s32 s5, s20  }
0x9d: {  	[tilespmem:s31], [sflag:$0x3] =	stream.linear.gather [hbm4b:s20+s4], $0x100, $0x38;
	[tilespmem:$0x1E400] =	vst v63  }
0x9e: {  	s21 =	sadd.s32 $0x80, s22;
	_ =	swait.ge [sflag:s9], $0x100  }
0x9f: {  	s24 =	smov.u32 s19;
	s20 =	simm.s32 $0x4;
	[sflag:s9] =	ssyncset.done $0x0  }
.LBB2_4:
0xa0: {  	[sflag:s9] =	ssyncadd.s32 $0xFFFFFF00  }
0xa1: {  	[tilespmem:s10], [sflag:$0x6] =	stream.indirect.gather [hbm4b:s1+s7], $0x80, s30, s7, $0xb8;
	[tilespmem:$0x1E400] =	vst v63  }
0xa2: {  	s25 =	smov.u32 s20;
	_ =	swait.ge [sflag:s12], $0x2800  }
0xa3: {  	p1 =	seq.s32 s25, $0x0;
	[sflag:s12] =	ssyncset.done $0x0  }
0xa4: {  	s22 =	simm.s32 @!p1 $0xC;
	[sflag:s12] =	ssyncadd.s32 $0xFFFFD800  }
0xa5: {  	[spmem:s2] =	stream.indirect.scatter.add.f32 [tilespmem:s8], [sflag:$0x9], $0x80, s13, s7, $0xb8;
	[tilespmem:$0x1E400] =	vst v63  }
0xa6: {  	_ =	swait.ge @!p1 [sflag:s22], $0x2800  }
0xa7: {  	[sflag:s22] =	ssyncset.done @!p1 $0x0  }
0xa8: {  	[sflag:s22] =	ssyncadd.s32 @!p1 $0xFFFFD800  }
0xa9: {  	[tilespmem:s14], [sflag:$0x4] =	stream.linear.gather [hbm4b:s21+s4], $0x100, $0x38;
	[tilespmem:$0x1E400] =	vst v63  }
0xaa: {  	_ =	swait.ge [sflag:s6], $0x100  }
0xab: {  	[sflag:s6] =	ssyncset.done $0x0  }
0xac: {  	[sflag:s6] =	ssyncadd.s32 $0xFFFFFF00  }
0xad: {  	[tilespmem:s23], [sflag:$0x7] =	stream.indirect.gather [hbm4b:s1+s7], $0x80, s31, s7, $0xb8;
	[tilespmem:$0x1E400] =	vst v63  }
0xae: {  	_ =	swait.ge [sflag:s26], $0x2800  }
0xaf: {  	[sflag:s26] =	ssyncset.done $0x0  }
0xb0: {  	s19 =	rddreg [dreg:$0x6];
	[sflag:s26] =	ssyncadd.s32 $0xFFFFD800  }
0xb1: {  	[spmem:s2] =	stream.indirect.scatter.add.f32 [tilespmem:s10], [sflag:$0xA], $0x80, s19, s7, $0xb8;
	[tilespmem:$0x1E400] =	vst v63  }
0xb2: {  	s24 =	sadd.s32 $0x400, s24;
	_ =	swait.ge [sflag:s28], $0x2800  }
0xb3: {  	s19 =	sshrl.u32 s24, $0x3;
	[sflag:s28] =	ssyncset.done $0x0  }
0xb4: {  	s22 =	sadd.s32 s5, s19;
	[sflag:s28] =	ssyncadd.s32 $0xFFFFD800  }
0xb5: {  	[tilespmem:s4], [sflag:$0x1] =	stream.linear.gather [hbm4b:s22+s4], $0x100, $0x38;
	[tilespmem:$0x1E400] =	vst v63  }
0xb6: {  	_ =	swait.ge [sflag:s29], $0x100  }
0xb7: {  	[sflag:s29] =	ssyncset.done $0x0  }
0xb8: {  	[sflag:s29] =	ssyncadd.s32 $0xFFFFFF00  }
0xb9: {  	[tilespmem:s0], [sflag:$0x8] =	stream.indirect.gather [hbm4b:s1+s7], $0x80, s14, s7, $0xb8;
	[tilespmem:$0x1E400] =	vst v63  }
0xba: {  	_ =	swait.ge [sflag:s15], $0x2800  }
0xbb: {  	[sflag:s15] =	ssyncset.done $0x0  }
0xbc: {  	s19 =	rddreg [dreg:$0x7];
	[sflag:s15] =	ssyncadd.s32 $0xFFFFD800  }
0xbd: {  	[spmem:s2] =	stream.indirect.scatter.add.f32 [tilespmem:s23], [sflag:$0xB], $0x80, s19, s7, $0xb8;
	[tilespmem:$0x1E400] =	vst v63  }
0xbe: {  	s22 =	smin.u32 s25, $0x77;
	_ =	swait.ge [sflag:s16], $0x2800  }
0xbf: {  	s22 =	sshll.u32 s22, $0x8;
	s19 =	rddreg [dreg:$0x4]  }
0xc0: {  	s19 =	sadd.s32 s22, s19  }
0xc1: {  	[sflag:s16] =	ssyncset.done $0x0;
	s19 =	sshrl.u32 s19, $0x3  }
0xc2: {  	[sflag:s16] =	ssyncadd.s32 $0xFFFFD800;
	s19 =	sadd.s32 s5, s19  }
0xc3: {  	[tilespmem:s30], [sflag:$0x2] =	stream.linear.gather [hbm4b:s19+s4], $0x100, $0x38;
	[tilespmem:$0x1E400] =	vst v63  }
0xc4: {  	_ =	swait.ge [sflag:s3], $0x100  }
0xc5: {  	[sflag:s3] =	ssyncset.done $0x0  }
0xc6: {  	[sflag:s3] =	ssyncadd.s32 $0xFFFFFF00  }
0xc7: {  	[tilespmem:s8], [sflag:$0x5] =	stream.indirect.gather [hbm4b:s1+s7], $0x80, s4, s7, $0xb8;
	[tilespmem:$0x1E400] =	vst v63  }
0xc8: {  	_ =	swait.ge [sflag:s17], $0x2800  }
0xc9: {  	[sflag:s17] =	ssyncset.done $0x0  }
0xca: {  	s22 =	rddreg [dreg:$0x8];
	[sflag:s17] =	ssyncadd.s32 $0xFFFFD800  }
0xcb: {  	[spmem:s2] =	stream.indirect.scatter.add.f32 [tilespmem:s0], [sflag:$0xC], $0x80, s22, s7, $0xb8;
	[tilespmem:$0x1E400] =	vst v63  }
0xcc: {  	s22 =	smin.u32 s25, $0x76;
	_ =	swait.ge [sflag:s18], $0x2800  }
0xcd: {  	s20 =	sadd.s32 $0x4, s20;
	s19 =	sshll.u32 s22, $0x8;
	s25 =	rddreg [dreg:$0x5]  }
0xce: {  	p0 =	sne.s32 s20, $0x7C;
	s19 =	sadd.s32 s19, s25  }
.Ltmp1:
0xcf: {  	[sflag:s18] =	ssyncset.done $0x0;
	s19 =	sshrl.u32 s19, $0x3;
	(pc) =	sbr.rel @p0 .LBB2_4-.Ltmp1, $4  }
0xd0: {  	[sflag:s18] =	ssyncadd.s32 $0xFFFFD800;
	s19 =	sadd.s32 s5, s19  }
0xd1: {  	[tilespmem:s31], [sflag:$0x3] =	stream.linear.gather [hbm4b:s19+s4], $0x100, $0x38;
	[tilespmem:$0x1E400] =	vst v63  }
0xd2: {  	_ =	swait.ge [sflag:s9], $0x100  }
0xd3: {  	s21 =	sadd.s32 $0x80, s21;
	[sflag:s9] =	ssyncset.done $0x0  }
0xd4: {  	[sflag:s9] =	ssyncadd.s32 $0xFFFFFF00  }
0xd5: {  	[tilespmem:s10], [sflag:$0x6] =	stream.indirect.gather [hbm4b:s1+s7], $0x80, s30, s7, $0xb8;
	[tilespmem:$0x1E400] =	vst v63  }
0xd6: {  	_ =	swait.ge [sflag:s12], $0x2800  }
0xd7: {  	[sflag:s12] =	ssyncset.done $0x0  }
0xd8: {  	[sflag:s12] =	ssyncadd.s32 $0xFFFFD800  }
0xd9: {  	[spmem:s2] =	stream.indirect.scatter.add.f32 [tilespmem:s8], [sflag:$0x9], $0x80, s13, s7, $0xb8;
	[tilespmem:$0x1E400] =	vst v63  }
0xda: {  	_ =	swait.ge [sflag:s11], $0x2800  }
0xdb: {  	[sflag:s11] =	ssyncset.done $0x0  }
0xdc: {  	s19 =	rddreg [dreg:$0x1f];
	[sflag:s11] =	ssyncadd.s32 $0xFFFFD800  }
0xdd: {  	[tilespmem:s14], [sflag:$0x4] =	stream.linear.gather [hbm4b:s19+s4], $0x100, $0x38;
	[tilespmem:$0x1E400] =	vst v63  }
0xde: {  	_ =	swait.ge [sflag:s6], $0x100  }
0xdf: {  	[sflag:s6] =	ssyncset.done $0x0  }
0xe0: {  	[sflag:s6] =	ssyncadd.s32 $0xFFFFFF00  }
0xe1: {  	[tilespmem:s23], [sflag:$0x7] =	stream.indirect.gather [hbm4b:s1+s7], $0x80, s31, s7, $0xb8;
	[tilespmem:$0x1E400] =	vst v63  }
0xe2: {  	_ =	swait.ge [sflag:s28], $0x2800  }
0xe3: {  	[sflag:s28] =	ssyncset.done $0x0  }
0xe4: {  	[sflag:s28] =	ssyncadd.s32 $0xFFFFD800  }
0xe5: {  	_ =	swait.ge [sflag:s26], $0x2800  }
0xe6: {  	[sflag:s26] =	ssyncset.done $0x0  }
0xe7: {  	[sflag:s26] =	ssyncadd.s32 $0xFFFFD800  }
0xe8: {  	_ =	swait.ge [sflag:s15], $0x2800  }
0xe9: {  	[sflag:s15] =	ssyncset.done $0x0  }
0xea: {  	[sflag:s15] =	ssyncadd.s32 $0xFFFFD800  }
0xeb: {  	_ =	swait.ge [sflag:s29], $0x100  }
0xec: {  	[sflag:s29] =	ssyncset.done $0x0  }
0xed: {  	[sflag:s29] =	ssyncadd.s32 $0xFFFFFF00  }
0xee: {  	[bflag:$0x0] =	sbarrier.arrive $0xFFFF  }
0xef: {  	s22 =	rddreg [dreg:$0x12]  }
0xf0: {  	[tilespmem:s8], [sflag:$0x5] =	stream.linear.gather [spmem:s22], $0x2800, $0x38;
	[tilespmem:$0x1E400] =	vst v63  }
0xf1: {  	_ =	swait.ge [sflag:s12], $0x2800  }
0xf2: {  	[sflag:s12] =	ssyncset.done $0x0  }
0xf3: {  	s20 =	rddreg [dreg:$0xa];
	[sflag:s12] =	ssyncadd.s32 $0xFFFFD800  }
0xf4: {  	[hbm4b:s20+s4] =	stream.linear.scatter [tilespmem:s8], [sflag:$0x9], $0x2800, $0x38;
	[tilespmem:$0x1E400] =	vst v63  }
0xf5: {  	s21 =	rddreg [dreg:$0x13]  }
0xf6: {  	[tilespmem:s10], [sflag:$0x6] =	stream.linear.gather [spmem:s21], $0x2800, $0x38;
	[tilespmem:$0x1E400] =	vst v63  }
0xf7: {  	_ =	swait.ge [sflag:s26], $0x2800  }
0xf8: {  	[sflag:s26] =	ssyncset.done $0x0  }
0xf9: {  	s24 =	rddreg [dreg:$0xb];
	[sflag:s26] =	ssyncadd.s32 $0xFFFFD800  }
0xfa: {  	[hbm4b:s24+s4] =	stream.linear.scatter [tilespmem:s10], [sflag:$0xA], $0x2800, $0x38;
	[tilespmem:$0x1E400] =	vst v63  }
0xfb: {  	_ =	swait.ge [sflag:s28], $0x2800  }
0xfc: {  	[sflag:s28] =	ssyncset.done $0x0  }
0xfd: {  	s25 =	rddreg [dreg:$0x14];
	[sflag:s28] =	ssyncadd.s32 $0xFFFFD800  }
0xfe: {  	[tilespmem:s8], [sflag:$0x5] =	stream.linear.gather [spmem:s25], $0x2800, $0x38;
	[tilespmem:$0x1E400] =	vst v63  }
0xff: {  	_ =	swait.ge [sflag:s12], $0x2800  }
0x100: {  	[sflag:s12] =	ssyncset.done $0x0  }
0x101: {  	s20 =	rddreg [dreg:$0xc];
	[sflag:s12] =	ssyncadd.s32 $0xFFFFD800  }
0x102: {  	[hbm4b:s20+s4] =	stream.linear.scatter [tilespmem:s8], [sflag:$0x9], $0x2800, $0x38;
	[tilespmem:$0x1E400] =	vst v63  }
0x103: {  	_ =	swait.ge [sflag:s16], $0x2800  }
0x104: {  	[sflag:s16] =	ssyncset.done $0x0  }
0x105: {  	s21 =	rddreg [dreg:$0x15];
	[sflag:s16] =	ssyncadd.s32 $0xFFFFD800  }
0x106: {  	[tilespmem:s10], [sflag:$0x6] =	stream.linear.gather [spmem:s21], $0x2800, $0x38;
	[tilespmem:$0x1E400] =	vst v63  }
0x107: {  	_ =	swait.ge [sflag:s26], $0x2800  }
0x108: {  	[sflag:s26] =	ssyncset.done $0x0  }
0x109: {  	s24 =	rddreg [dreg:$0xd];
	[sflag:s26] =	ssyncadd.s32 $0xFFFFD800  }
0x10a: {  	[hbm4b:s24+s4] =	stream.linear.scatter [tilespmem:s10], [sflag:$0xA], $0x2800, $0x38;
	[tilespmem:$0x1E400] =	vst v63  }
0x10b: {  	_ =	swait.ge [sflag:s28], $0x2800  }
0x10c: {  	[sflag:s28] =	ssyncset.done $0x0  }
0x10d: {  	s25 =	rddreg [dreg:$0x16];
	[sflag:s28] =	ssyncadd.s32 $0xFFFFD800  }
0x10e: {  	[tilespmem:s8], [sflag:$0x5] =	stream.linear.gather [spmem:s25], $0x2800, $0x38;
	[tilespmem:$0x1E400] =	vst v63  }
0x10f: {  	_ =	swait.ge [sflag:s12], $0x2800  }
0x110: {  	[sflag:s12] =	ssyncset.done $0x0  }
0x111: {  	s20 =	rddreg [dreg:$0xe];
	[sflag:s12] =	ssyncadd.s32 $0xFFFFD800  }
0x112: {  	[hbm4b:s20+s4] =	stream.linear.scatter [tilespmem:s8], [sflag:$0x9], $0x2800, $0x38;
	[tilespmem:$0x1E400] =	vst v63  }
0x113: {  	_ =	swait.ge [sflag:s16], $0x2800  }
0x114: {  	[sflag:s16] =	ssyncset.done $0x0  }
0x115: {  	s21 =	rddreg [dreg:$0x17];
	[sflag:s16] =	ssyncadd.s32 $0xFFFFD800  }
0x116: {  	[tilespmem:s10], [sflag:$0x6] =	stream.linear.gather [spmem:s21], $0x2800, $0x38;
	[tilespmem:$0x1E400] =	vst v63  }
0x117: {  	_ =	swait.ge [sflag:s26], $0x2800  }
0x118: {  	[sflag:s26] =	ssyncset.done $0x0  }
0x119: {  	s24 =	rddreg [dreg:$0xf];
	[sflag:s26] =	ssyncadd.s32 $0xFFFFD800  }
0x11a: {  	[hbm4b:s24+s4] =	stream.linear.scatter [tilespmem:s10], [sflag:$0xA], $0x2800, $0x38;
	[tilespmem:$0x1E400] =	vst v63  }
0x11b: {  	_ =	swait.ge [sflag:s28], $0x2800  }
0x11c: {  	[sflag:s28] =	ssyncset.done $0x0  }
0x11d: {  	s25 =	rddreg [dreg:$0x18];
	[sflag:s28] =	ssyncadd.s32 $0xFFFFD800  }
0x11e: {  	[tilespmem:s8], [sflag:$0x5] =	stream.linear.gather [spmem:s25], $0x2800, $0x38;
	[tilespmem:$0x1E400] =	vst v63  }
0x11f: {  	_ =	swait.ge [sflag:s12], $0x2800  }
0x120: {  	[sflag:s12] =	ssyncset.done $0x0  }
0x121: {  	s20 =	rddreg [dreg:$0x10];
	[sflag:s12] =	ssyncadd.s32 $0xFFFFD800  }
0x122: {  	[hbm4b:s20+s4] =	stream.linear.scatter [tilespmem:s8], [sflag:$0x9], $0x2800, $0x38;
	[tilespmem:$0x1E400] =	vst v63  }
0x123: {  	_ =	swait.ge [sflag:s16], $0x2800  }
0x124: {  	[sflag:s16] =	ssyncset.done $0x0  }
0x125: {  	s21 =	rddreg [dreg:$0x19];
	[sflag:s16] =	ssyncadd.s32 $0xFFFFD800  }
0x126: {  	[tilespmem:s10], [sflag:$0x6] =	stream.linear.gather [spmem:s21], $0x2800, $0x38;
	[tilespmem:$0x1E400] =	vst v63  }
0x127: {  	_ =	swait.ge [sflag:s26], $0x2800  }
0x128: {  	[sflag:s26] =	ssyncset.done $0x0  }
0x129: {  	s24 =	rddreg [dreg:$0x11];
	[sflag:s26] =	ssyncadd.s32 $0xFFFFD800  }
0x12a: {  	[hbm4b:s24+s4] =	stream.linear.scatter [tilespmem:s10], [sflag:$0xA], $0x2800, $0x38;
	[tilespmem:$0x1E400] =	vst v63  }
0x12b: {  	_ =	swait.ge [sflag:s28], $0x2800  }
0x12c: {  	[sflag:s28] =	ssyncset.done $0x0  }
0x12d: {  	[sflag:s28] =	ssyncadd.s32 $0xFFFFD800  }
0x12e: {  	_ =	swait.ge [sflag:s16], $0x2800  }
0x12f: {  	s20 =	sld [smem:$0x7FD];
	_ =	sdelay $0x2  }
0x130: {  	s25 =	rddreg [dreg:$0x1a];
	s20 =	sadd.s32 $0x1, s20  }
0x131: {  	p0 =	sne.s32 s20, s25  }
.Ltmp2:
0x132: {  	_ = 	snop;
	(pc) =	sbr.rel @p0 .LBB2_1-.Ltmp2, $3  }
0x133: {  	_ =	sdelay $0x1  }
0x134: {  	[sflag:s16] =	ssyncset.done $0x0  }
0x135: {  	[sflag:s16] =	ssyncadd.s32 $0xFFFFD800  }
0x136: {  	_ =	sfence.sel $0x180000  }
0x137: {  	[bflag:$0x0] =	sbarrier.arrive $0xFFFF  }
0x138: {  	_ =	strace $0x9000004D  }
0x139: {  	s0 =	stileid.u32;
	[bflag:$0x2] =	sbarrier.arrive $0xFFFF  }
0x13a: {  	p0 =	sne.s32 s0, $0x0;
	s0 =	rddreg [dreg:$0x3]  }
0x13b: {  	s0 =	sadd.s32 @!p0 $0x100000, s0  }
0x13c: {  	[sflag:s0] =	ssyncadd.tile.s32 @!p0 $0x1;
	_ =	shalt  }
.Lfunc_end2:
_tile_overlayer_lowered:
.L_overlay_start_2:
0x13d: {  	(tag) =	ssettag $0x2  }
0x13e: {  	s0 =	rddreg [dreg:$0x0];
	s2 =	stileid.u32  }
0x13f: {  	s1 =	rddreg [dreg:$0x1];
	p0 =	sne.s32 s2, $0x0  }
0x140: {  	s3 =	rddreg [dreg:$0x2];
	[bflag:$0x3] =	sbarrier.arrive $0xFFFF;
	s2 =	simm.s32 @!p0 $0x1C0D  }
0x141: {  	[timem:s3], [sflag:s2] =	dma.local @!p0 [hbm:s0], s1  }
0x142: {  	s0 =	simm.s32 @!p0 $0xD  }
0x143: {  	_ =	swait.ge @!p0 [sflag:s0], s1  }
0x144: {  	s1 =	ssub.s32 @!p0 $0x0, s1;
	[sflag:s0] =	ssyncset.done @!p0 $0x0  }
0x145: {  	[sflag:s0] =	ssyncadd.s32 @!p0 s1  }
0x146: {  	[bflag:$0x3] =	sbarrier.arrive $0xFFFF  }
0x147: {  	_ =	shalt  }

// kernel: kernel.8.cloned.1.call-start
scs
__scs_entry_jumppad:
0x0: {  	(pc) =	sbr.rel $0x88, $3  }
0x1: {  	(tag) =	ssettag $0x0;
	lr =	simm.s32 $0x1  }
0x2: {  	[smem:$0x3F94] =	sst lr;
	_ =	strace $0xD0000000  }
0x3: {  	_ = 	snop  }
0x4: {  	_ = 	snop  }
0x5: {  	_ = 	snop  }
0x6: {  	_ = 	snop  }
0x7: {  	_ = 	snop  }
__scs_overlays_trampoline_lowered:
0x8: {  	[smem:$0x3FA3] =	sst s0  }
0x9: {  	[smem:$0x3FA4] =	sst s1  }
0xa: {  	[smem:$0x3FA5] =	sst s2  }
0xb: {  	[smem:$0x3FA6] =	sst s3  }
0xc: {  	[smem:$0x3FA7] =	sst s4  }
0xd: {  	[smem:$0x3FA8] =	sst s5  }
0xe: {  	[smem:$0x3FA9] =	sst s6  }
0xf: {  	[smem:$0x3FAA] =	sst s7  }
0x10: {  	[smem:$0x3FAB] =	sst s8  }
0x11: {  	[smem:$0x3FAC] =	sst s9;
	s0 =	simm.s32 @!p0 $0x0  }
0x12: {  	s1 =	sld [smem:$0x3F92];
	s0 =	simm.s32 @p0 $0x1  }
0x13: {  	[smem:$0x3FAD] =	sst s0;
	s0 =	simm.s32 @!p1 $0x0  }
0x14: {  	s2 =	sld [smem:$0x3F91];
	s0 =	simm.s32 @p1 $0x1  }
0x15: {  	[smem:$0x3FAE] =	sst s0;
	s0 =	simm.s32 @!p2 $0x0  }
0x16: {  	s3 =	sld [smem:$0x3FDB];
	s0 =	simm.s32 @p2 $0x1  }
0x17: {  	s4 =	simm.s32 $0x1BF5;
	[smem:$0x3FB0] =	sst s0  }
0x18: {  	s0 =	sld [smem:$0x3F93];
	_ =	swait.ge [sflag:s4], $0x0  }
0x19: {  	s7 =	sld [smem:$0x3F94]  }
0x1a: {  	s8 =	sadd.s32 $0xFFFFE003, lr  }
0x1b: {  	s9 =	sadd.s32 $0xFFFFFEF7, lr;
	s5 =	simm.s32 $0xFFFFFFFF;
	p2 =	slt.u32 s8, $0xFFFFF086  }
0x1c: {  	p1 =	slt.u32 s9, $0xF7A;
	s5 =	simm.s32 @!p2 $0x0  }
0x1d: {  	s5 =	simm.s32 @p1 $0x1;
	p0 =	seq.s32 s7, s2  }
0x1e: {  	s7 =	smul.u32 @!p0 $0xF7A, s2;
	p2 =	seq.s32 @!p0 s5, $0x0  }
0x1f: {  	s9 =	smul.u32 $0xF7A, s1;
	s8 =	simm.s32 @!p0 $0x1BF5;
	p2 =	por !p2, p0  }
0x20: {  	[sflag:s8] =	ssyncset.s32 @!p0 $0xFFFFF086;
	s6 =	sadd.s32 @!p0 s3, s7;
	s7 =	simm.s32 @!p0 $0x108  }
0x21: {  	s3 =	sadd.s32 s3, s9;
	s6 =	sadd.s32 @!p0 $0x88, s6;
	s7 =	simm.s32 @p2 $0x1082  }
0x22: {  	[simem:s7], [sflag:s8] =	dma.local @!p0 [hbm:s6], $0xF7A  }
0x23: {  	s9 =	sor.u32 $0xD0000000, s2;
	s6 =	simm.s32 $0x108;
	_ =	swait.ge @!p0 [sflag:s8], $0x0  }
0x24: {  	s3 =	sadd.s32 $0x88, s3;
	s6 =	simm.s32 @!p1 $0x1082;
	[sflag:s4] =	ssyncset.s32 $0xFFFFF086  }
0x25: {  	[simem:s6], [sflag:s4] =	dma.local [hbm:s3], $0xF7A  }
0x26: {  	[smem:$0x3F94] =	sst s1;
	(tag) =	ssettag s2;
	_ =	strace s9  }
0x27: {  	s1 =	sld [smem:$0x3FA4]  }
0x28: {  	s2 =	sld [smem:$0x3FA5]  }
0x29: {  	s4 =	sld [smem:$0x3FA7]  }
0x2a: {  	p0 =	seq.s32 s5, $0x0;
	s5 =	sld [smem:$0x3FA8]  }
0x2b: {  	s6 =	sld [smem:$0x3FA9]  }
0x2c: {  	s7 =	sld [smem:$0x3FAA]  }
0x2d: {  	s3 =	simm.s32 $0x108;
	s8 =	sld [smem:$0x3FAB]  }
0x2e: {  	s3 =	simm.s32 @!p0 $0x1082;
	s9 =	sld [smem:$0x3FAC]  }
0x2f: {  	lr =	sadd.s32 s0, s3;
	s0 =	sld [smem:$0x3FA3]  }
0x30: {  	s3 =	sld [smem:$0x3FA6]  }
0x31: {  	[smem:$0x3FAF] =	sst s10  }
0x32: {  	s10 =	sld [smem:$0x3FAD];
	_ =	sdelay $0x3  }
0x33: {  	p0 =	seq.s32 s10, $0x1;
	s10 =	sld [smem:$0x3FAF];
	_ =	sdelay $0x3  }
0x34: {  	[smem:$0x3FAF] =	sst s10  }
0x35: {  	s10 =	sld [smem:$0x3FAE];
	_ =	sdelay $0x3  }
0x36: {  	p1 =	seq.s32 s10, $0x1;
	s10 =	sld [smem:$0x3FAF];
	_ =	sdelay $0x3  }
0x37: {  	[smem:$0x3FAF] =	sst s10  }
0x38: {  	s10 =	sld [smem:$0x3FB0]  }
0x39: {  	_ = 	snop;
	(pc) =	sbr.ind lr, $3  }
0x3a: {  	_ = 	snop  }
0x3b: {  	_ = 	snop  }
0x3c: {  	p2 =	seq.s32 s10, $0x1;
	s10 =	sld [smem:$0x3FAF]  }
0x3d: {  	_ =	shalt  }
0x3e: {  	_ =	shalt  }
0x3f: {  	_ =	shalt  }
0x40: {  	_ =	shalt  }
0x41: {  	_ =	shalt  }
0x42: {  	_ =	shalt  }
0x43: {  	_ =	shalt  }
0x44: {  	_ =	shalt  }
0x45: {  	_ =	shalt  }
0x46: {  	_ =	shalt  }
0x47: {  	_ =	shalt  }
0x48: {  	_ =	shalt  }
0x49: {  	_ =	shalt  }
0x4a: {  	_ =	shalt  }
0x4b: {  	_ =	shalt  }
0x4c: {  	_ =	shalt  }
0x4d: {  	_ =	shalt  }
0x4e: {  	_ =	shalt  }
0x4f: {  	_ =	shalt  }
0x50: {  	_ =	shalt  }
0x51: {  	_ =	shalt  }
0x52: {  	_ =	shalt  }
0x53: {  	_ =	shalt  }
0x54: {  	_ =	shalt  }
0x55: {  	_ =	shalt  }
0x56: {  	_ =	shalt  }
0x57: {  	_ =	shalt  }
0x58: {  	_ =	shalt  }
0x59: {  	_ =	shalt  }
0x5a: {  	_ =	shalt  }
0x5b: {  	_ =	shalt  }
0x5c: {  	_ =	shalt  }
0x5d: {  	_ =	shalt  }
0x5e: {  	_ =	shalt  }
0x5f: {  	_ =	shalt  }
0x60: {  	_ =	shalt  }
0x61: {  	_ =	shalt  }
0x62: {  	_ =	shalt  }
0x63: {  	_ =	shalt  }
0x64: {  	_ =	shalt  }
0x65: {  	_ =	shalt  }
0x66: {  	_ =	shalt  }
0x67: {  	_ =	shalt  }
0x68: {  	_ =	shalt  }
0x69: {  	_ =	shalt  }
0x6a: {  	_ =	shalt  }
0x6b: {  	_ =	shalt  }
0x6c: {  	_ =	shalt  }
0x6d: {  	_ =	shalt  }
0x6e: {  	_ =	shalt  }
0x6f: {  	_ =	shalt  }
0x70: {  	_ =	shalt  }
0x71: {  	_ =	shalt  }
0x72: {  	_ =	shalt  }
0x73: {  	_ =	shalt  }
0x74: {  	_ =	shalt  }
0x75: {  	_ =	shalt  }
0x76: {  	_ =	shalt  }
0x77: {  	_ =	shalt  }
0x78: {  	_ =	shalt  }
0x79: {  	_ =	shalt  }
0x7a: {  	_ =	shalt  }
0x7b: {  	_ =	shalt  }
0x7c: {  	_ =	shalt  }
0x7d: {  	_ =	shalt  }
0x7e: {  	_ =	shalt  }
0x7f: {  	_ =	shalt  }
0x80: {  	_ =	shalt  }
0x81: {  	_ =	shalt  }
0x82: {  	_ =	shalt  }
0x83: {  	_ =	shalt  }
0x84: {  	_ =	shalt  }
0x85: {  	_ =	shalt  }
0x86: {  	_ =	shalt  }
0x87: {  	_ =	shalt  }
.Lfunc_end0:
.L_simem_size_0:
called_computation_lowered:
.L_overlay_start_0:
0x88: {  	s2 =	sld [smem:$0x3FD9]  }
0x89: {  	s3 =	sld [smem:$0x3FFE];
	_ =	sdelay $0x1  }
0x8a: {  	s1 =	srdreg.scid  }
0x8b: {  	s0 =	sand.u32 $0x1, s1  }
0x8c: {  	s14 =	sshll.u32 s0, $0xA;
	s2 =	sadd.s32 s3, s2  }
0x8d: {  	s2 =	sadd.s32 s2, s14  }
0x8e: {  	[smem:$0x3FBB] =	sst s2  }
0x8f: {  	_ = 	snop  }
0x90: {  	s2 =	sld [smem:$0x3FD0];
	_ =	sdelay $0x2  }
0x91: {  	s15 =	simm.s32 $0xA;
	s4 =	simm.s32 $0x10  }
0x92: {  	[smem:s4], [sflag:s15] =	dma.local [hbm:s2], $0x1  }
0x93: {  	_ =	swait.eq [sflag:s15], $0x1  }
0x94: {  	[sflag:s15] =	ssyncset.done $0x0  }
0x95: {  	[sflag:s15] =	ssyncadd.s32 $0xFFFFFFFF  }
0x96: {  	s16 =	sld [smem:$0x10];
	(tm) =	ssettm $0x1  }
0x97: {  	s17 =	sld [smem:$0x3FFB];
	_ =	sdelay $0x3  }
0x98: {  	_ =	strace s17  }
0x99: {  	s3 =	sld [smem:$0x3FFC];
	_ =	sdelay $0x3  }
0x9a: {  	_ =	strace s3  }
0x9b: {  	s3 =	sld [smem:$0x3FFD];
	_ =	sdelay $0x3  }
0x9c: {  	_ =	strace s3  }
0x9d: {  	_ =	strace $0x8FFFFFFF  }
0x9e: {  	s18 =	sld [smem:$0x3FDB];
	_ =	sdelay $0x1  }
0x9f: {  	s19 =	simm.s32 $_scs_section_size  }
0xa0: {  	s5 =	simm.s32 $_size__tile_overlayer_lowered;
	s6 =	simm.s32 $_tile_overlayer_lowered  }
0xa1: {  	s22 =	simm.s32 $0x1BFF;
	s21 =	sshll.u32 s6, $0x1;
	s3 =	sadd.s32 s19, s18  }
0xa2: {  	s7 =	simm.s32 $0x0;
	s20 =	sshll.u32 s5, $0x1;
	s5 =	sadd.s32 s21, s3  }
0xa3: {  	[timem:s7], [sflag:s22] =	dma.local [hbm:s5], s20  }
0xa4: {  	_ =	swait.ge [sflag:s22], s20  }
0xa5: {  	s4 =	ssub.s32 $0x0, s20;
	[sflag:s22] =	ssyncset.done $0x0  }
0xa6: {  	[sflag:s22] =	ssyncadd.s32 s4;
	_ =	sdelay $0x1  }
0xa7: {  	s23 =	simm.s32 $0x1B8B  }
0xa8: {  	_ =	swait.ge [sflag:s23], $0x1  }
0xa9: {  	[sflag:s23] =	ssyncset.done $0x0  }
0xaa: {  	s25 =	simm.s32 $0x1B8E;
	s24 =	sld [smem:$0x3FFE];
	[sflag:s23] =	ssyncadd.s32 $0xFFFFFFFF  }
0xab: {  	s26 =	simm.s32 $execute0_lowered;
	[smem:$0x3FD2] =	sst s25  }
0xac: {  	s5 =	sshll.u32 s26, $0x1;
	_ =	strace $0x80000046;
	[dreg:$0x1] =	wrdreg $0xFFFFFFFF  }
0xad: {  	s28 =	simm.s32 $_size_execute0_lowered;
	s3 =	sadd.s32 s3, s5;
	[dreg:$0x0] =	wrdreg $0x0  }
0xae: {  	s5 =	sshll.u32 s28, $0x1;
	[dreg:$0x2] =	wrdreg s3  }
0xaf: {  	[dreg:$0x3] =	wrdreg s5  }
0xb0: {  	[dreg:$0x4] =	wrdreg $0xC0  }
0xb1: {  	_ =	task [dreg:s7], $0x5FFFF  }
0xb2: {  	[dreg:$0x1] =	wrdreg $0xFFFFFFFF  }
0xb3: {  	[dreg:$0x0] =	wrdreg $0x60  }
0xb4: {  	[dreg:$0x2] =	wrdreg s24  }
0xb5: {  	[dreg:$0x3] =	wrdreg s16  }
0xb6: {  	[dreg:$0x4] =	wrdreg $0x80000  }
0xb7: {  	[dreg:$0x5] =	wrdreg $0x9  }
0xb8: {  	_ =	task.clear_ibuf [dreg:s7], $0x6FFFF;
	_ =	strace $0x90000046  }
0xb9: {  	s29 =	simm.s32 $0x9;
	_ =	strace $0x80000048  }
0xba: {  	_ =	swait.ge [sflag:s29], $0x1  }
0xbb: {  	[sflag:s29] =	ssyncadd.s32 $0xFFFFFFFF  }
0xbc: {  	_ =	strace $0x90000048  }
0xbd: {  	_ =	sfence  }
0xbe: {  	s30 =	sld [smem:$0x0];
	_ =	sdelay $0x2  }
0xbf: {  	s31 =	sshll.u32 s1, $0xD;
	s1 =	sshrl.u32 s1, $0x2  }
0xc0: {  	s3 =	sand.u32 $0x4000, s31;
	s1 =	sadd.s32 s1, s30  }
0xc1: {  	s0 =	sor.u32 s3, s0;
	s1 =	sshll.u32 s1, $0x11  }
0xc2: {  	s0 =	sor.u32 s1, s0  }
0xc3: {  	s0 =	sadd.s32 $0x8F2B, s0  }
0xc4: {  	[sflag:s0] =	ssyncadd.remote.s32 $0x1  }
0xc5: {  	_ =	sfence.sel $0xFFFF  }
0xc6: {  	[dreg:$0x0] =	wrdreg $0xFFFFFFFF;
	(pc) =	sbr.abs _section_cstart, $3  }
0xc7: {  	[dreg:$0x1] =	wrdreg $0xFFFFFFFF  }
0xc8: {  	_ =	task.clear_ibuf [dreg:s7], $0x2FFFF;
	_ =	strace $0x9FFFFFFF  }
0xc9: {  	(tm) =	ssettm $0x7FFFFFFF  }
tec
execute0_lowered:
.L_overlay_start_1:
0x0: {  	(tag) =	ssettag $0x1  }
0x1: {  	s4 =	rddreg [dreg:$0x0]  }
0x2: {  	s0 =	srdreg.scid;
	s6 =	rddreg [dreg:$0x1]  }
0x3: {  	s2 =	rddreg [dreg:$0x2];
	s1 =	stileid.u32  }
0x4: {  	s3 =	simm.s32 $0x0;
	s11 =	simm.s32 $0x80;
	s12 =	simm.s32 $0x7D00  }
0x5: {  	s13 =	simm.s32 $0x180;
	s14 =	simm.s32 $0x1;
	s15 =	simm.s32 $0x2  }
0x6: {  	s16 =	simm.s32 $0x7C80;
	s17 =	simm.s32 $0x100;
	s18 =	simm.s32 $0x0  }
0x7: {  	s5 =	sand.u32 $0x1, s0;
	s0 =	rddreg [dreg:$0x3];
	s8 =	smul.u32 $0x500, s1  }
0x8: {  	[smem:$0x7FF] =	sst s3;
	s10 =	smul.u32 $0xA00, s1;
	s7 =	sshll.u32 s5, $0x4  }
0x9: {  	_ =	strace $0x80000047;
	s9 =	ssub.s32 $0x2, s5;
	s5 =	sshll.u32 s5, $0x7  }
0xa: {  	s7 =	sor.u32 s1, s7;
	s29 =	sshrl.u32 s9, $0x1;
	s5 =	sor.u32 s5, s8  }
0xb: {  	s30 =	sshrl.u32 s10, $0x2;
	s8 =	simm.s32 $0x3;
	s7 =	smul.u32 $0xFA0, s7  }
0xc: {  	s10 =	simm.s32 $0x50;
	s31 =	sshrl.u32 s5, $0x3;
	s5 =	sadd.s32 s30, s2  }
0xd: {  	s6 =	sadd.s32 s6, s31;
	s4 =	sadd.s32 s7, s4;
	s7 =	ssub.s32 s9, s29  }
0xe: {  	v0 =	vimm.f32 $0.0e+00;
	v1 =	vimm.f32 $1.000000000e+00;
	s9 =	simm.s32 $0x7D80;
	s4 =	sadd.s32 $0x3800, s4;
	s7 =	smax.u32 s7, $0x1  }
.LBB2_1:
0xf: {  	[tilespmem:s3], [sflag:$0x3] =	stream.linear.gather [hbm4b:s4+s3], $0x7D00, $0x38;
	[tilespmem:$0x8280] =	vst v63  }
0x10: {  	_ =	swait.ge [sflag:s8], $0x7D00  }
0x11: {  	[sflag:s8] =	ssyncset.done $0x0  }
0x12: {  	[sflag:s8] =	ssyncadd.s32 $0xFFFF8300  }
0x13: {  	[tilespmem:$0x7D80] =	vst v0  }
0x14: {  	[tilespmem:$0x7D90] =	vst v0  }
0x15: {  	[tilespmem:$0x7DA0] =	vst v0  }
0x16: {  	[tilespmem:$0x7DB0] =	vst v0  }
0x17: {  	[tilespmem:$0x7DC0] =	vst v0  }
0x18: {  	[tilespmem:$0x7DD0] =	vst v0  }
0x19: {  	[tilespmem:$0x7DE0] =	vst v0  }
0x1a: {  	[tilespmem:$0x7DF0] =	vst v0  }
0x1b: {  	[tilespmem:$0x7E00] =	vst v0  }
0x1c: {  	[tilespmem:$0x7E10] =	vst v0  }
0x1d: {  	[tilespmem:$0x7E20] =	vst v0  }
0x1e: {  	[tilespmem:$0x7E30] =	vst v0  }
0x1f: {  	[tilespmem:$0x7E40] =	vst v0  }
0x20: {  	[tilespmem:$0x7E50] =	vst v0  }
0x21: {  	[tilespmem:$0x7E60] =	vst v0  }
0x22: {  	[tilespmem:$0x7E70] =	vst v0  }
0x23: {  	[tilespmem:$0x7E80] =	vst v0  }
0x24: {  	[tilespmem:$0x7E90] =	vst v0  }
0x25: {  	[tilespmem:$0x7EA0] =	vst v0  }
0x26: {  	[tilespmem:$0x7EB0] =	vst v0  }
0x27: {  	[tilespmem:$0x7EC0] =	vst v0  }
0x28: {  	[tilespmem:$0x7ED0] =	vst v0  }
0x29: {  	[tilespmem:$0x7EE0] =	vst v0  }
0x2a: {  	[tilespmem:$0x7EF0] =	vst v0  }
0x2b: {  	[tilespmem:$0x7F00] =	vst v0  }
0x2c: {  	[tilespmem:$0x7F10] =	vst v0  }
0x2d: {  	[tilespmem:$0x7F20] =	vst v0  }
0x2e: {  	[tilespmem:$0x7F30] =	vst v0  }
0x2f: {  	[tilespmem:$0x7F40] =	vst v0  }
0x30: {  	[tilespmem:$0x7F50] =	vst v0  }
0x31: {  	[tilespmem:$0x7F60] =	vst v0  }
0x32: {  	[tilespmem:$0x7F70] =	vst v0  }
0x33: {  	[tilespmem:$0x7F80] =	vst v0  }
0x34: {  	[tilespmem:$0x7F90] =	vst v0  }
0x35: {  	[tilespmem:$0x7FA0] =	vst v0  }
0x36: {  	[tilespmem:$0x7FB0] =	vst v0  }
0x37: {  	[tilespmem:$0x7FC0] =	vst v0  }
0x38: {  	[tilespmem:$0x7FD0] =	vst v0  }
0x39: {  	[tilespmem:$0x7FE0] =	vst v0  }
0x3a: {  	[tilespmem:$0x7FF0] =	vst v0  }
0x3b: {  	[tilespmem:$0x7D00] =	vst v1  }
0x3c: {  	[tilespmem:$0x7D10] =	vst v1  }
0x3d: {  	[tilespmem:$0x7D20] =	vst v1  }
0x3e: {  	[tilespmem:$0x7D30] =	vst v1  }
0x3f: {  	[tilespmem:$0x7D40] =	vst v1  }
0x40: {  	[spmem:s5] =	stream.linear.scatter [tilespmem:s9], [sflag:$0x3], $0x280, $0x38;
	[tilespmem:$0x8280] =	vst v63  }
0x41: {  	_ =	swait.ge [sflag:s8], $0x280  }
0x42: {  	[sflag:s8] =	ssyncset.done $0x0  }
0x43: {  	[sflag:s8] =	ssyncadd.s32 $0xFFFFFD80  }
0x44: {  	[bflag:$0x0] =	sbarrier.arrive $0xFFFF  }
0x45: {  	[spmem:s2] =	stream.indirect.scatter.add.f32 [tilespmem:s12], [sflag:$0x1], $0x1, s11, s10, $0xb8;
	[tilespmem:$0x8280] =	vst v63  }
0x46: {  	_ = 	snop  }
0x47: {  	[spmem:s2] =	stream.indirect.scatter.add.f32 [tilespmem:s12], [sflag:$0x2], $0x1, s13, s10, $0xb8;
	[tilespmem:$0x8280] =	vst v63  }
0x48: {  	_ =	swait.ge [sflag:s14], $0x50  }
0x49: {  	[sflag:s14] =	ssyncset.done $0x0  }
0x4a: {  	s19 =	simm.s32 $0x280;
	[sflag:s14] =	ssyncadd.s32 $0xFFFFFFB0  }
0x4b: {  	[spmem:s2] =	stream.indirect.scatter.add.f32 [tilespmem:s12], [sflag:$0x1], $0x1, s19, s10, $0xb8;
	[tilespmem:$0x8280] =	vst v63  }
0x4c: {  	_ =	swait.ge [sflag:s15], $0x50  }
0x4d: {  	[sflag:s15] =	ssyncset.done $0x0  }
0x4e: {  	s31 =	simm.s32 $0x380;
	[sflag:s15] =	ssyncadd.s32 $0xFFFFFFB0  }
0x4f: {  	[spmem:s2] =	stream.indirect.scatter.add.f32 [tilespmem:s12], [sflag:$0x2], $0x1, s31, s10, $0xb8;
	[tilespmem:$0x8280] =	vst v63  }
0x50: {  	_ =	swait.ge [sflag:s14], $0x50  }
0x51: {  	s20 =	simm.s32 $0xFFFE2800;
	s19 =	simm.s32 $0xFFFF8800;
	[sflag:s14] =	ssyncset.done $0x0  }
.LBB2_2:
0x52: {  	s21 =	sadd.s32 $0x7C80, s19  }
0x53: {  	[sflag:s14] =	ssyncadd.s32 $0xFFFFFFB0;
	s22 =	smov.u32 s20;
	s23 =	sadd.s32 $0x800, s20  }
0x54: {  	[spmem:s2] =	stream.indirect.scatter.add.f32 [tilespmem:s12], [sflag:$0x1], $0x1, s21, s10, $0xb8;
	[tilespmem:$0x8280] =	vst v63  }
0x55: {  	p0 =	sne.s32 s20, $0xFFFFF800;
	_ =	swait.ge [sflag:s15], $0x50  }
.Ltmp0:
0x56: {  	[sflag:s15] =	ssyncset.done $0x0;
	(pc) =	sbr.rel @p0 .LBB2_2-.Ltmp0, $4  }
0x57: {  	s19 =	sadd.s32 $0x7D80, s19;
	[sflag:s15] =	ssyncadd.s32 $0xFFFFFFB0  }
0x58: {  	[spmem:s2] =	stream.indirect.scatter.add.f32 [tilespmem:s12], [sflag:$0x2], $0x1, s19, s10, $0xb8;
	[tilespmem:$0x8280] =	vst v63  }
0x59: {  	_ =	swait.ge [sflag:s14], $0x50  }
0x5a: {  	s20 =	smov.u32 s23;
	s19 =	sshra.s32 s22, $0x2;
	[sflag:s14] =	ssyncset.done $0x0  }
0x5b: {  	s20 =	sadd.s32 $0x7C80, s19;
	[sflag:s14] =	ssyncadd.s32 $0xFFFFFFB0  }
0x5c: {  	[spmem:s2] =	stream.indirect.scatter.add.f32 [tilespmem:s12], [sflag:$0x1], $0x1, s20, s10, $0xb8;
	[tilespmem:$0x8280] =	vst v63  }
0x5d: {  	_ =	swait.ge [sflag:s15], $0x50  }
0x5e: {  	[sflag:s15] =	ssyncset.done $0x0  }
0x5f: {  	s31 =	sadd.s32 $0x7D80, s19;
	[sflag:s15] =	ssyncadd.s32 $0xFFFFFFB0  }
0x60: {  	[spmem:s2] =	stream.indirect.scatter.add.f32 [tilespmem:s12], [sflag:$0x2], $0x1, s31, s10, $0xb8;
	[tilespmem:$0x8280] =	vst v63  }
0x61: {  	_ =	swait.ge [sflag:s14], $0x50  }
0x62: {  	[sflag:s14] =	ssyncset.done $0x0  }
0x63: {  	[sflag:s14] =	ssyncadd.s32 $0xFFFFFFB0  }
0x64: {  	[spmem:s2] =	stream.indirect.scatter.add.f32 [tilespmem:s12], [sflag:$0x1], $0x1, s16, s10, $0xb8;
	[tilespmem:$0x8280] =	vst v63  }
0x65: {  	_ =	swait.ge [sflag:s15], $0x50  }
0x66: {  	[sflag:s15] =	ssyncset.done $0x0  }
0x67: {  	[sflag:s15] =	ssyncadd.s32 $0xFFFFFFB0  }
0x68: {  	_ =	swait.ge [sflag:s14], $0x50  }
0x69: {  	[sflag:s14] =	ssyncset.done $0x0  }
0x6a: {  	[sflag:s14] =	ssyncadd.s32 $0xFFFFFFB0  }
0x6b: {  	[bflag:$0x0] =	sbarrier.arrive $0xFFFF  }
0x6c: {  	[tilespmem:s9], [sflag:$0x3] =	stream.linear.gather [spmem:s5], $0x280, $0x38;
	[tilespmem:$0x8280] =	vst v63  }
0x6d: {  	s18 =	sadd.s32 $0x1, s18;
	_ =	swait.ge [sflag:s8], $0x280  }
0x6e: {  	p0 =	sne.s32 s18, s7;
	[sflag:s8] =	ssyncset.done $0x0  }
.Ltmp1:
0x6f: {  	[sflag:s8] =	ssyncadd.s32 $0xFFFFFD80;
	(pc) =	sbr.rel @p0 .LBB2_1-.Ltmp1, $4  }
0x70: {  	[hbm4b:s6+s11] =	stream.strided.scatter [tilespmem:s9], [sflag:$0x3], $0x280, s17, s11, $0x38;
	[tilespmem:$0x8280] =	vst v63  }
0x71: {  	_ =	swait.ge [sflag:s8], $0x280  }
0x72: {  	[sflag:s8] =	ssyncset.done $0x0  }
0x73: {  	[sflag:s8] =	ssyncadd.s32 $0xFFFFFD80  }
0x74: {  	_ =	sfence.sel $0x180000  }
0x75: {  	[bflag:$0x0] =	sbarrier.arrive $0xFFFF  }
0x76: {  	p0 =	sne.s32 s1, $0x0;
	_ =	strace $0x90000047  }
0x77: {  	s0 =	sadd.s32 @!p0 $0x100000, s0;
	[bflag:$0x2] =	sbarrier.arrive $0xFFFF  }
0x78: {  	[sflag:s0] =	ssyncadd.tile.s32 @!p0 $0x1;
	_ =	shalt  }
.Lfunc_end2:
_tile_overlayer_lowered:
.L_overlay_start_2:
0x79: {  	(tag) =	ssettag $0x2  }
0x7a: {  	s0 =	rddreg [dreg:$0x0];
	s2 =	stileid.u32  }
0x7b: {  	s1 =	rddreg [dreg:$0x1];
	p0 =	sne.s32 s2, $0x0  }
0x7c: {  	s3 =	rddreg [dreg:$0x2];
	[bflag:$0x3] =	sbarrier.arrive $0xFFFF;
	s2 =	simm.s32 @!p0 $0x1C03  }
0x7d: {  	[timem:s3], [sflag:s2] =	dma.local @!p0 [hbm:s0], s1  }
0x7e: {  	s0 =	simm.s32 @!p0 $0x3  }
0x7f: {  	_ =	swait.ge @!p0 [sflag:s0], s1  }
0x80: {  	s1 =	ssub.s32 @!p0 $0x0, s1;
	[sflag:s0] =	ssyncset.done @!p0 $0x0  }
0x81: {  	[sflag:s0] =	ssyncadd.s32 @!p0 s1  }
0x82: {  	[bflag:$0x3] =	sbarrier.arrive $0xFFFF  }
0x83: {  	_ =	shalt  }

</sc_bundles>
